<compile_context>
chip_gen: v7x
topology: tpu7x:2x2x1
jax: 0.10.2.dev20260603
libtpu: 0.0.44.dev20260713+nightly
codegen_flags: <defaults>
</compile_context>

<pallas_src>
import jax
import jax.numpy as jnp
from jax import lax
from jax.experimental import pallas as pl
from jax.experimental.pallas import tpu as pltpu
from jax.experimental.pallas import tpu_sc as plsc

NB = 16
L = 4098
D = 256
NOPS = 4
DOP = 64
T = 32768
HALF = L // 2
C = 104
CZ = 64
NV = D // 16


def _sc_body(e_hbm, wrow_hbm, starts_hbm, lens_hbm, out_hbm,
             in0, in1, ob0, ob1, zbuf, wrow_v, starts_v, lens_v,
             sin0, sin1, sout0, sout1, sz):
    cid = lax.axis_index("c")
    sid = lax.axis_index("s")
    b = sid
    half = (cid + sid) % 2
    p0 = half * HALF
    bhi = b // 8
    blo = b % 8

    pltpu.sync_copy(wrow_hbm, wrow_v)
    pltpu.sync_copy(starts_hbm, starts_v)
    pltpu.sync_copy(lens_hbm, lens_v)

    lane = lax.broadcasted_iota(jnp.int32, (16,), 0)
    sel = (lane == b).astype(jnp.int32)
    st_b = jnp.sum(starts_v[...] * sel)
    len_b = jnp.sum(lens_v[...] * sel)

    wregs = [wrow_v[pl.ds(v * 16, 16)] for v in range(NV)]
    zv = jnp.zeros((16,), jnp.float32)
    ones_v = zv + 1.0
    twos_v = zv + 2.0

    zend = p0 + HALF
    bend = jnp.clip(len_b + 2, p0, zend)
    nz = jnp.maximum(zend - bend, 0) // CZ
    b_end = zend - nz * CZ
    nt = (jnp.maximum(b_end - p0, 0) + C - 1) // C

    inbufs = (in0, in1)
    obufs = (ob0, ob1)
    sins = (sin0, sin1)
    souts = (sout0, sout1)

    def chunk_start(j):
        return jnp.maximum(jnp.minimum(p0 + j * C, b_end - C), p0)

    def window_start(s_j):
        return jnp.clip(st_b + s_j - 1, 0, T - C)

    def fire_in(j, slot):
        s_j = chunk_start(j)
        t0c = window_start(s_j)
        pltpu.async_copy(e_hbm.at[:, pl.ds(t0c, C), :], inbufs[slot],
                         sins[slot])

    @pl.when(nt >= 1)
    def _():
        fire_in(0, 0)

    @pl.when(nt >= 2)
    def _():
        fire_in(1, 1)

    @plsc.parallel_loop(0, CZ, unroll=4)
    def _(i):
        for v in range(NV):
            zbuf[i, v // 8, pl.ds((v % 8) * 16, 16)] = zv

    def zfire(j, carry):
        s = zend - (j + 1) * CZ
        pltpu.async_copy(zbuf, out_hbm.at[pl.ds(s, CZ), bhi, :, blo, :], sz)
        return carry
    lax.fori_loop(0, nz, zfire, 0)

    def do_chunk(j, slot):
        ib = inbufs[slot]
        ob = obufs[slot]
        s_j = chunk_start(j)
        t0c = window_start(s_j)
        delta = st_b + s_j - 1 - t0c
        pltpu.make_async_copy(e_hbm.at[:, pl.ds(t0c, C), :], ib,
                              sins[slot]).wait()

        @pl.when(j >= 2)
        def _():
            pltpu.make_async_copy(
                ob, out_hbm.at[pl.ds(s_j, C), bhi, :, blo, :],
                souts[slot]).wait()

        @pl.when(delta == 0)
        def _():
            @plsc.parallel_loop(0, C, unroll=4)
            def _(i):
                for v in range(NV):
                    x = ib[v // 4, i, pl.ds((v % 4) * 16, 16)]
                    ob[i, v // 8, pl.ds((v % 8) * 16, 16)] = x * wregs[v]

        @pl.when(delta != 0)
        def _():
            @plsc.parallel_loop(0, C, unroll=4)
            def _(i):
                rp = jnp.clip(i + delta, 0, C - 1)
                for v in range(NV):
                    x = ib[v // 4, rp, pl.ds((v % 4) * 16, 16)]
                    ob[i, v // 8, pl.ds((v % 8) * 16, 16)] = x * wregs[v]

        zs = jnp.clip(len_b + 2 - s_j, 0, C)

        @plsc.parallel_loop(0, C - zs, unroll=2)
        def _(k):
            i = zs + k
            for v in range(NV):
                ob[i, v // 8, pl.ds((v % 8) * 16, 16)] = zv

        @pl.when((len_b + 1 >= s_j) & (len_b + 1 < s_j + C))
        def _():
            i = len_b + 1 - s_j
            for v in range(NV):
                ob[i, v // 8, pl.ds((v % 8) * 16, 16)] = twos_v

        @pl.when(s_j == 0)
        def _():
            for v in range(NV):
                ob[0, v // 8, pl.ds((v % 8) * 16, 16)] = ones_v

        pltpu.async_copy(ob, out_hbm.at[pl.ds(s_j, C), bhi, :, blo, :],
                         souts[slot])

        @pl.when(j + 2 < nt)
        def _():
            fire_in(j + 2, slot)

    def pair(jj, carry):
        j0 = 2 * jj

        @pl.when(j0 < nt)
        def _():
            do_chunk(j0, 0)

        @pl.when(j0 + 1 < nt)
        def _():
            do_chunk(j0 + 1, 1)
        return carry

    lax.fori_loop(0, (nt + 1) // 2, pair, 0)

    def zdrain(j, carry):
        pltpu.make_async_copy(zbuf, out_hbm.at[pl.ds(p0, CZ), bhi, :, blo, :],
                              sz).wait()
        return carry
    lax.fori_loop(0, nz, zdrain, 0)

    @pl.when(nt >= 1)
    def _():
        s_last = chunk_start(nt - 1)

        @pl.when((nt - 1) % 2 == 0)
        def _():
            pltpu.make_async_copy(
                ob0, out_hbm.at[pl.ds(s_last, C), bhi, :, blo, :],
                sout0).wait()

        @pl.when((nt - 1) % 2 == 1)
        def _():
            pltpu.make_async_copy(
                ob1, out_hbm.at[pl.ds(s_last, C), bhi, :, blo, :],
                sout1).wait()

    @pl.when(nt >= 2)
    def _():
        s_prev = chunk_start(nt - 2)

        @pl.when((nt - 2) % 2 == 0)
        def _():
            pltpu.make_async_copy(
                ob0, out_hbm.at[pl.ds(s_prev, C), bhi, :, blo, :],
                sout0).wait()

        @pl.when((nt - 2) % 2 == 1)
        def _():
            pltpu.make_async_copy(
                ob1, out_hbm.at[pl.ds(s_prev, C), bhi, :, blo, :],
                sout1).wait()


def kernel(token_embeds, weights, cu_seqlens):
    w = jax.nn.softmax(weights, axis=-1)
    wrow = jnp.repeat(w, DOP)
    starts = cu_seqlens[:NB]
    lens = cu_seqlens[1:] - cu_seqlens[:-1]
    mesh = plsc.VectorSubcoreMesh(core_axis_name="c", subcore_axis_name="s")
    run = pl.kernel(
        _sc_body,
        mesh=mesh,
        compiler_params=pltpu.CompilerParams(
            use_tc_tiling_on_sc=False, needs_layout_passes=False),
        out_type=jax.ShapeDtypeStruct((L, 2, 2, 8, 128), jnp.float32),
        scratch_types=[
            pltpu.VMEM((NOPS, C, DOP), jnp.float32),
            pltpu.VMEM((NOPS, C, DOP), jnp.float32),
            pltpu.VMEM((C, 2, 128), jnp.float32),
            pltpu.VMEM((C, 2, 128), jnp.float32),
            pltpu.VMEM((CZ, 2, 128), jnp.float32),
            pltpu.VMEM((D,), jnp.float32),
            pltpu.VMEM((16,), jnp.int32),
            pltpu.VMEM((16,), jnp.int32),
            pltpu.SemaphoreType.DMA,
            pltpu.SemaphoreType.DMA,
            pltpu.SemaphoreType.DMA,
            pltpu.SemaphoreType.DMA,
            pltpu.SemaphoreType.DMA,
        ],
    )
    out = run(token_embeds, wrow, starts, lens)
    return out.transpose(1, 3, 0, 2, 4).reshape(NB, L, D)

# --- scband reference (transcript-rebuilt; emitter-appended) ---
"""Pipeline reference for scband-mixed-op-35098472743519 (READ-ONLY COPY).

The authoritative reference and input builder live on the scoring server;
editing this copy changes nothing except your own understanding.
"""

import jax, jax.numpy as jnp
import numpy as np

B = 16
MAX_SEQLEN = 4096
TOTAL_TOK = B * MAX_SEQLEN // 2
N_OPS = 4
D_OP = 64


def setup_inputs(seed: int = 0) -> dict:
    key = jax.random.key(seed)
    k1, k2, k3 = jax.random.split(key, 3)
    # per-op token embeddings for every (ragged) token in the batch, flattened
    token_embeds = jax.random.normal(k1, (N_OPS, TOTAL_TOK, D_OP), dtype=jnp.float32)
    # architecture mixing logits (one per primitive op), softmaxed in forward
    weights = jax.random.normal(k2, (N_OPS,), dtype=jnp.float32)
    # ragged sentence boundaries: cu_seqlens[0]=0, cu_seqlens[-1]=TOTAL_TOK
    inner = jnp.sort(jax.random.randint(k3, (B - 1,), 0, TOTAL_TOK, dtype=jnp.int32))
    cu_seqlens = jnp.concatenate([
        jnp.zeros((1,), jnp.int32), inner, jnp.full((1,), TOTAL_TOK, jnp.int32)
    ])
    return {"token_embeds": token_embeds, "weights": weights, "cu_seqlens": cu_seqlens}


def reference(token_embeds, weights, cu_seqlens):
    n_ops, total_tok, d_op = token_embeds.shape
    nb = cu_seqlens.shape[0] - 1
    D = n_ops * d_op
    L = MAX_SEQLEN + 2  # +2 for CLS and SEP, static padded length

    # weights = F.softmax(weights, dim=-1)
    w = jax.nn.softmax(weights, axis=-1)

    # token._embeddings[op] * weights[i], concatenated across ops per token
    weighted = token_embeds * w[:, None, None]            # [n_ops, T, d_op]
    tok = jnp.transpose(weighted, (1, 0, 2)).reshape(total_tok, D)  # torch.cat over ops

    lengths = cu_seqlens[1:] - cu_seqlens[:-1]            # [B]
    t_idx = jnp.arange(total_tok)
    # sentence id for each flat token, and its position (offset by 1 for CLS)
    seg_ids = jnp.searchsorted(cu_seqlens[1:], t_idx, side='right').astype(jnp.int32)
    pos = t_idx - cu_seqlens[seg_ids] + 1

    # _make_padded_tensor_for_batch: zeros pre-allocation, scatter tokens,
    # CLS = ones, SEP = 2 * ones, zero padding after SEP
    out = jnp.zeros((nb, L, D), dtype=jnp.float32)
    out = out.at[seg_ids, pos].set(tok)
    cls_emb = jnp.ones((D,), dtype=jnp.float32)
    out = out.at[jnp.arange(nb), 0].set(cls_emb)
    out = out.at[jnp.arange(nb), lengths + 1].set(cls_emb * 2.0)
    return out

if __name__ == "__main__":
    import jax
    _d = setup_inputs()
    print(jax.jit(kernel)(*tuple(_d.values())))

</pallas_src>

<mosaic_0001>
#map = affine_map<(d0, d1) -> (0, 0, 0)>
#map1 = affine_map<(d0, d1) -> (0)>
#map2 = affine_map<(d0, d1) -> (0, 0, 0, 0, 0)>
module attributes {stable_mosaic.version = 14 : i64} {
  func.func @_sc_body(%arg0: i32, %arg1: i32, %arg2: memref<4x32768x64xf32, #tpu.memory_space<hbm>>, %arg3: memref<256xf32, #tpu.memory_space<hbm>>, %arg4: memref<16xi32, #tpu.memory_space<hbm>>, %arg5: memref<16xi32, #tpu.memory_space<hbm>>, %arg6: memref<4098x2x2x8x128xf32, #tpu.memory_space<hbm>>, %arg7: memref<4x104x64xf32, #tpu.memory_space<vmem>>, %arg8: memref<4x104x64xf32, #tpu.memory_space<vmem>>, %arg9: memref<104x2x128xf32, #tpu.memory_space<vmem>>, %arg10: memref<104x2x128xf32, #tpu.memory_space<vmem>>, %arg11: memref<64x2x128xf32, #tpu.memory_space<vmem>>, %arg12: memref<256xf32, #tpu.memory_space<vmem>>, %arg13: memref<16xi32, #tpu.memory_space<vmem>>, %arg14: memref<16xi32, #tpu.memory_space<vmem>>, %arg15: memref<!tpu.dma_semaphore, #tpu.memory_space<semaphore_mem>>, %arg16: memref<!tpu.dma_semaphore, #tpu.memory_space<semaphore_mem>>, %arg17: memref<!tpu.dma_semaphore, #tpu.memory_space<semaphore_mem>>, %arg18: memref<!tpu.dma_semaphore, #tpu.memory_space<semaphore_mem>>, %arg19: memref<!tpu.dma_semaphore, #tpu.memory_space<semaphore_mem>>) attributes {dimension_semantics = [#tpu.dimension_semantics<core_parallel>, #tpu.dimension_semantics<subcore_parallel>], iteration_bounds = array<i64: 2, 16>, scalar_prefetch = 0 : i64, scratch_operands = 13 : i64, tpu.core_type = #tpu.core_type<sc_vector_subcore>, window_params = [{transform_indices = #map}, {transform_indices = #map1}, {transform_indices = #map1}, {transform_indices = #map1}, {transform_indices = #map2}]} {
    %add3A = arith.addi %arg0, %arg1 : i32
    %jit3A = arith.constant 2 : i32
    %eq3A = arith.constant 0 : i32
    %eq3A_0 = arith.cmpi eq, %jit3A, %eq3A : i32
    %jit3A_1 = arith.constant 1 : i32
    %select_n3A = arith.select %eq3A_0, %jit3A_1, %jit3A : i32
    %rem3A = arith.remsi %add3A, %select_n3A : i32
    %ne3A = arith.constant 0 : i32
    %ne3A_2 = arith.cmpi ne, %rem3A, %ne3A : i32
    %lt3A = arith.constant 0 : i32
    %lt3A_3 = arith.cmpi slt, %rem3A, %lt3A : i32
    %lt3A_4 = arith.constant 0 : i32
    %lt3A_5 = arith.cmpi slt, %select_n3A, %lt3A_4 : i32
    %ne3A_6 = arith.xori %lt3A_3, %lt3A_5 : i1
    %and3A = arith.andi %ne3A_6, %ne3A_2 : i1
    %add3A_7 = arith.addi %rem3A, %select_n3A : i32
    %select_n3A_8 = arith.select %and3A, %add3A_7, %rem3A : i32
    %mul3A = arith.constant 2049 : i32
    %mul3A_9 = arith.muli %select_n3A_8, %mul3A : i32
    %jit3A_10 = arith.constant 8 : i32
    %div3A = arith.divsi %arg1, %jit3A_10 : i32
    %sign3A = arith.constant 0 : i32
    %sign3A_11 = arith.cmpi sgt, %arg1, %sign3A : i32
    %sign3A_12 = arith.extui %sign3A_11 : i1 to i32
    %sign3A_13 = arith.constant 0 : i32
    %sign3A_14 = arith.cmpi slt, %arg1, %sign3A_13 : i32
    %sign3A_15 = arith.extui %sign3A_14 : i1 to i32
    %sign3A_16 = arith.subi %sign3A_12, %sign3A_15 : i32
    %sign3A_17 = arith.constant 0 : i32
    %sign3A_18 = arith.cmpi sgt, %jit3A_10, %sign3A_17 : i32
    %sign3A_19 = arith.extui %sign3A_18 : i1 to i32
    %sign3A_20 = arith.constant 0 : i32
    %sign3A_21 = arith.cmpi slt, %jit3A_10, %sign3A_20 : i32
    %sign3A_22 = arith.extui %sign3A_21 : i1 to i32
    %sign3A_23 = arith.subi %sign3A_19, %sign3A_22 : i32
    %ne3A_24 = arith.cmpi ne, %sign3A_16, %sign3A_23 : i32
    %rem3A_25 = arith.remsi %arg1, %jit3A_10 : i32
    %ne3A_26 = arith.constant 0 : i32
    %ne3A_27 = arith.cmpi ne, %rem3A_25, %ne3A_26 : i32
    %and3A_28 = arith.andi %ne3A_24, %ne3A_27 : i1
    %sub3A = arith.constant 1 : i32
    %sub3A_29 = arith.subi %div3A, %sub3A : i32
    %select_n3A_30 = arith.select %and3A_28, %sub3A_29, %div3A : i32
    %jit3A_31 = arith.constant 8 : i32
    %eq3A_32 = arith.constant 0 : i32
    %eq3A_33 = arith.cmpi eq, %jit3A_31, %eq3A_32 : i32
    %jit3A_34 = arith.constant 1 : i32
    %select_n3A_35 = arith.select %eq3A_33, %jit3A_34, %jit3A_31 : i32
    %rem3A_36 = arith.remsi %arg1, %select_n3A_35 : i32
    %ne3A_37 = arith.constant 0 : i32
    %ne3A_38 = arith.cmpi ne, %rem3A_36, %ne3A_37 : i32
    %lt3A_39 = arith.constant 0 : i32
    %lt3A_40 = arith.cmpi slt, %rem3A_36, %lt3A_39 : i32
    %lt3A_41 = arith.constant 0 : i32
    %lt3A_42 = arith.cmpi slt, %select_n3A_35, %lt3A_41 : i32
    %ne3A_43 = arith.xori %lt3A_40, %lt3A_42 : i1
    %and3A_44 = arith.andi %ne3A_43, %ne3A_38 : i1
    %add3A_45 = arith.addi %rem3A_36, %select_n3A_35 : i32
    %select_n3A_46 = arith.select %and3A_44, %add3A_45, %rem3A_36 : i32
    "tpu.region"() ({
      %run_scoped3A = tpu.sem_alloc : memref<!tpu.dma_semaphore, #tpu.memory_space<semaphore_mem>>
      tpu.enqueue_dma source(%arg3 : memref<256xf32, #tpu.memory_space<hbm>>) target(%arg12 : memref<256xf32, #tpu.memory_space<vmem>>) target_semaphore(%run_scoped3A : memref<!tpu.dma_semaphore, #tpu.memory_space<semaphore_mem>>)
      tpu.wait_dma2 semaphore(%run_scoped3A : memref<!tpu.dma_semaphore, #tpu.memory_space<semaphore_mem>>) src(%arg3 : memref<256xf32, #tpu.memory_space<hbm>>) dst(%arg12 : memref<256xf32, #tpu.memory_space<vmem>>)
      tpu.yield
    }) : () -> ()
    "tpu.region"() ({
      %run_scoped3A = tpu.sem_alloc : memref<!tpu.dma_semaphore, #tpu.memory_space<semaphore_mem>>
      tpu.enqueue_dma source(%arg4 : memref<16xi32, #tpu.memory_space<hbm>>) target(%arg13 : memref<16xi32, #tpu.memory_space<vmem>>) target_semaphore(%run_scoped3A : memref<!tpu.dma_semaphore, #tpu.memory_space<semaphore_mem>>)
      tpu.wait_dma2 semaphore(%run_scoped3A : memref<!tpu.dma_semaphore, #tpu.memory_space<semaphore_mem>>) src(%arg4 : memref<16xi32, #tpu.memory_space<hbm>>) dst(%arg13 : memref<16xi32, #tpu.memory_space<vmem>>)
      tpu.yield
    }) : () -> ()
    "tpu.region"() ({
      %run_scoped3A = tpu.sem_alloc : memref<!tpu.dma_semaphore, #tpu.memory_space<semaphore_mem>>
      tpu.enqueue_dma source(%arg5 : memref<16xi32, #tpu.memory_space<hbm>>) target(%arg14 : memref<16xi32, #tpu.memory_space<vmem>>) target_semaphore(%run_scoped3A : memref<!tpu.dma_semaphore, #tpu.memory_space<semaphore_mem>>)
      tpu.wait_dma2 semaphore(%run_scoped3A : memref<!tpu.dma_semaphore, #tpu.memory_space<semaphore_mem>>) src(%arg5 : memref<16xi32, #tpu.memory_space<hbm>>) dst(%arg14 : memref<16xi32, #tpu.memory_space<vmem>>)
      tpu.yield
    }) : () -> ()
    %iota3A = tpu.iota {dimensions = array<i32: 0>} : vector<16xi32>
    %eq3A_47 = vector.broadcast %arg1 : i32 to vector<16xi32>
    %eq3A_48 = arith.cmpi eq, %iota3A, %eq3A_47 : vector<16xi32>
    %convert_element_type3A = arith.extui %eq3A_48 : vector<16xi1> to vector<16xi32>
    %get3A = arith.constant 0 : index
    %get3A_49 = tpu.vector_load %arg13[%get3A] {strides = array<i32>} : memref<16xi32, #tpu.memory_space<vmem>>, vector<16xi32>,
    %mul3A_50 = arith.muli %get3A_49, %convert_element_type3A : vector<16xi32>
    %reduce_sum3A = arith.constant true
    %reduce_sum3A_51 = vector.broadcast %reduce_sum3A : i1 to vector<16xi1>
    %reduce_sum3A_52 = tpu.scan <sum>, %mul3A_50 masked %reduce_sum3A_51 : vector<16xi32>, vector<16xi1> -> vector<16xi32>
    %reduce_sum3A_53 = vector.extract %reduce_sum3A_52[15] : i32 from vector<16xi32>
    %get3A_54 = arith.constant 0 : index
    %get3A_55 = tpu.vector_load %arg14[%get3A_54] {strides = array<i32>} : memref<16xi32, #tpu.memory_space<vmem>>, vector<16xi32>,
    %mul3A_56 = arith.muli %get3A_55, %convert_element_type3A : vector<16xi32>
    %reduce_sum3A_57 = arith.constant true
    %reduce_sum3A_58 = vector.broadcast %reduce_sum3A_57 : i1 to vector<16xi1>
    %reduce_sum3A_59 = tpu.scan <sum>, %mul3A_56 masked %reduce_sum3A_58 : vector<16xi32>, vector<16xi1> -> vector<16xi32>
    %reduce_sum3A_60 = vector.extract %reduce_sum3A_59[15] : i32 from vector<16xi32>
    %get3A_61 = arith.constant 0 : index
    %get3A_62 = tpu.vector_load %arg12[%get3A_61] {strides = array<i32>} : memref<256xf32, #tpu.memory_space<vmem>>, vector<16xf32>,
    %get3A_63 = arith.constant 16 : index
    %get3A_64 = tpu.vector_load %arg12[%get3A_63] {strides = array<i32>} : memref<256xf32, #tpu.memory_space<vmem>>, vector<16xf32>,
    %get3A_65 = arith.constant 32 : index
    %get3A_66 = tpu.vector_load %arg12[%get3A_65] {strides = array<i32>} : memref<256xf32, #tpu.memory_space<vmem>>, vector<16xf32>,
    %get3A_67 = arith.constant 48 : index
    %get3A_68 = tpu.vector_load %arg12[%get3A_67] {strides = array<i32>} : memref<256xf32, #tpu.memory_space<vmem>>, vector<16xf32>,
    %get3A_69 = arith.constant 64 : index
    %get3A_70 = tpu.vector_load %arg12[%get3A_69] {strides = array<i32>} : memref<256xf32, #tpu.memory_space<vmem>>, vector<16xf32>,
    %get3A_71 = arith.constant 80 : index
    %get3A_72 = tpu.vector_load %arg12[%get3A_71] {strides = array<i32>} : memref<256xf32, #tpu.memory_space<vmem>>, vector<16xf32>,
    %get3A_73 = arith.constant 96 : index
    %get3A_74 = tpu.vector_load %arg12[%get3A_73] {strides = array<i32>} : memref<256xf32, #tpu.memory_space<vmem>>, vector<16xf32>,
    %get3A_75 = arith.constant 112 : index
    %get3A_76 = tpu.vector_load %arg12[%get3A_75] {strides = array<i32>} : memref<256xf32, #tpu.memory_space<vmem>>, vector<16xf32>,
    %get3A_77 = arith.constant 128 : index
    %get3A_78 = tpu.vector_load %arg12[%get3A_77] {strides = array<i32>} : memref<256xf32, #tpu.memory_space<vmem>>, vector<16xf32>,
    %get3A_79 = arith.constant 144 : index
    %get3A_80 = tpu.vector_load %arg12[%get3A_79] {strides = array<i32>} : memref<256xf32, #tpu.memory_space<vmem>>, vector<16xf32>,
    %get3A_81 = arith.constant 160 : index
    %get3A_82 = tpu.vector_load %arg12[%get3A_81] {strides = array<i32>} : memref<256xf32, #tpu.memory_space<vmem>>, vector<16xf32>,
    %get3A_83 = arith.constant 176 : index
    %get3A_84 = tpu.vector_load %arg12[%get3A_83] {strides = array<i32>} : memref<256xf32, #tpu.memory_space<vmem>>, vector<16xf32>,
    %get3A_85 = arith.constant 192 : index
    %get3A_86 = tpu.vector_load %arg12[%get3A_85] {strides = array<i32>} : memref<256xf32, #tpu.memory_space<vmem>>, vector<16xf32>,
    %get3A_87 = arith.constant 208 : index
    %get3A_88 = tpu.vector_load %arg12[%get3A_87] {strides = array<i32>} : memref<256xf32, #tpu.memory_space<vmem>>, vector<16xf32>,
    %get3A_89 = arith.constant 224 : index
    %get3A_90 = tpu.vector_load %arg12[%get3A_89] {strides = array<i32>} : memref<256xf32, #tpu.memory_space<vmem>>, vector<16xf32>,
    %get3A_91 = arith.constant 240 : index
    %get3A_92 = tpu.vector_load %arg12[%get3A_91] {strides = array<i32>} : memref<256xf32, #tpu.memory_space<vmem>>, vector<16xf32>,
    %broadcast_in_dim3A = arith.constant 0.000000e+00 : f32
    %broadcast_in_dim3A_93 = vector.broadcast %broadcast_in_dim3A : f32 to vector<16xf32>
    %add3A_94 = arith.constant 1.000000e+00 : f32
    %add3A_95 = vector.broadcast %add3A_94 : f32 to vector<16xf32>
    %add3A_96 = arith.addf %broadcast_in_dim3A_93, %add3A_95 : vector<16xf32>
    %add3A_97 = arith.constant 2.000000e+00 : f32
    %add3A_98 = vector.broadcast %add3A_97 : f32 to vector<16xf32>
    %add3A_99 = arith.addf %broadcast_in_dim3A_93, %add3A_98 : vector<16xf32>
    %add3A_100 = arith.constant 2049 : i32
    %add3A_101 = arith.addi %mul3A_9, %add3A_100 : i32
    %add3A_102 = arith.constant 2 : i32
    %add3A_103 = arith.addi %reduce_sum3A_60, %add3A_102 : i32
    %max3A = arith.maxsi %mul3A_9, %add3A_103 : i32
    %min3A = arith.minsi %add3A_101, %max3A : i32
    %sub3A_104 = arith.subi %add3A_101, %min3A : i32
    %max3A_105 = arith.constant 0 : i32
    %max3A_106 = arith.maxsi %sub3A_104, %max3A_105 : i32
    %jit3A_107 = arith.constant 64 : i32
    %div3A_108 = arith.divsi %max3A_106, %jit3A_107 : i32
    %sign3A_109 = arith.constant 0 : i32
    %sign3A_110 = arith.cmpi sgt, %max3A_106, %sign3A_109 : i32
    %sign3A_111 = arith.extui %sign3A_110 : i1 to i32
    %sign3A_112 = arith.constant 0 : i32
    %sign3A_113 = arith.cmpi slt, %max3A_106, %sign3A_112 : i32
    %sign3A_114 = arith.extui %sign3A_113 : i1 to i32
    %sign3A_115 = arith.subi %sign3A_111, %sign3A_114 : i32
    %sign3A_116 = arith.constant 0 : i32
    %sign3A_117 = arith.cmpi sgt, %jit3A_107, %sign3A_116 : i32
    %sign3A_118 = arith.extui %sign3A_117 : i1 to i32
    %sign3A_119 = arith.constant 0 : i32
    %sign3A_120 = arith.cmpi slt, %jit3A_107, %sign3A_119 : i32
    %sign3A_121 = arith.extui %sign3A_120 : i1 to i32
    %sign3A_122 = arith.subi %sign3A_118, %sign3A_121 : i32
    %ne3A_123 = arith.cmpi ne, %sign3A_115, %sign3A_122 : i32
    %rem3A_124 = arith.remsi %max3A_106, %jit3A_107 : i32
    %ne3A_125 = arith.constant 0 : i32
    %ne3A_126 = arith.cmpi ne, %rem3A_124, %ne3A_125 : i32
    %and3A_127 = arith.andi %ne3A_123, %ne3A_126 : i1
    %sub3A_128 = arith.constant 1 : i32
    %sub3A_129 = arith.subi %div3A_108, %sub3A_128 : i32
    %select_n3A_130 = arith.select %and3A_127, %sub3A_129, %div3A_108 : i32
    %mul3A_131 = arith.constant 64 : i32
    %mul3A_132 = arith.muli %select_n3A_130, %mul3A_131 : i32
    %sub3A_133 = arith.subi %add3A_101, %mul3A_132 : i32
    %sub3A_134 = arith.subi %sub3A_133, %mul3A_9 : i32
    %max3A_135 = arith.constant 0 : i32
    %max3A_136 = arith.maxsi %sub3A_134, %max3A_135 : i32
    %add3A_137 = arith.constant 104 : i32
    %add3A_138 = arith.addi %max3A_136, %add3A_137 : i32
    %sub3A_139 = arith.constant 1 : i32
    %sub3A_140 = arith.subi %add3A_138, %sub3A_139 : i32
    %jit3A_141 = arith.constant 104 : i32
    %div3A_142 = arith.divsi %sub3A_140, %jit3A_141 : i32
    %sign3A_143 = arith.constant 0 : i32
    %sign3A_144 = arith.cmpi sgt, %sub3A_140, %sign3A_143 : i32
    %sign3A_145 = arith.extui %sign3A_144 : i1 to i32
    %sign3A_146 = arith.constant 0 : i32
    %sign3A_147 = arith.cmpi slt, %sub3A_140, %sign3A_146 : i32
    %sign3A_148 = arith.extui %sign3A_147 : i1 to i32
    %sign3A_149 = arith.subi %sign3A_145, %sign3A_148 : i32
    %sign3A_150 = arith.constant 0 : i32
    %sign3A_151 = arith.cmpi sgt, %jit3A_141, %sign3A_150 : i32
    %sign3A_152 = arith.extui %sign3A_151 : i1 to i32
    %sign3A_153 = arith.constant 0 : i32
    %sign3A_154 = arith.cmpi slt, %jit3A_141, %sign3A_153 : i32
    %sign3A_155 = arith.extui %sign3A_154 : i1 to i32
    %sign3A_156 = arith.subi %sign3A_152, %sign3A_155 : i32
    %ne3A_157 = arith.cmpi ne, %sign3A_149, %sign3A_156 : i32
    %rem3A_158 = arith.remsi %sub3A_140, %jit3A_141 : i32
    %ne3A_159 = arith.constant 0 : i32
    %ne3A_160 = arith.cmpi ne, %rem3A_158, %ne3A_159 : i32
    %and3A_161 = arith.andi %ne3A_157, %ne3A_160 : i1
    %sub3A_162 = arith.constant 1 : i32
    %sub3A_163 = arith.subi %div3A_142, %sub3A_162 : i32
    %select_n3A_164 = arith.select %and3A_161, %sub3A_163, %div3A_142 : i32
    %ge3A = arith.constant 1 : i32
    %ge3A_165 = arith.cmpi sge, %select_n3A_164, %ge3A : i32
    %convert_element_type3A_166 = arith.extui %ge3A_165 : i1 to i32
    %cond3A = arith.constant 0 : i32
    %cond3A_167 = arith.cmpi ne, %convert_element_type3A_166, %cond3A : i32
    scf.if %cond3A_167 {
      %add3A_240 = arith.constant 0 : i32
      %add3A_241 = arith.addi %mul3A_9, %add3A_240 : i32
      %sub3A_242 = arith.constant 104 : i32
      %sub3A_243 = arith.subi %sub3A_133, %sub3A_242 : i32
      %min3A_244 = arith.minsi %add3A_241, %sub3A_243 : i32
      %max3A_245 = arith.maxsi %min3A_244, %mul3A_9 : i32
      %add3A_246 = arith.addi %reduce_sum3A_53, %max3A_245 : i32
      %sub3A_247 = arith.constant 1 : i32
      %sub3A_248 = arith.subi %add3A_246, %sub3A_247 : i32
      %jit3A_249 = arith.constant 0 : i32
      %jit3A_250 = arith.constant 32664 : i32
      %max3A_251 = arith.maxsi %jit3A_249, %sub3A_248 : i32
      %min3A_252 = arith.minsi %jit3A_250, %max3A_251 : i32
      %dma_start3A = arith.constant 0 : i32
      %dma_start3A_253 = arith.constant 0 : i32
      %dma_start3A_254 = tpu.memref_slice %arg2[%dma_start3A, %min3A_252, %dma_start3A_253] : memref<4x32768x64xf32, #tpu.memory_space<hbm>> -> memref<4x104x64xf32, #tpu.memory_space<hbm>>
      %dma_start3A_255 = arith.constant 0 : i32
      %dma_start3A_256 = arith.constant 0 : i32
      %dma_start3A_257 = tpu.memref_slice %arg2[%dma_start3A_255, %min3A_252, %dma_start3A_256] : memref<4x32768x64xf32, #tpu.memory_space<hbm>> -> memref<4x104x64xf32, #tpu.memory_space<hbm>>
      tpu.enqueue_dma source(%dma_start3A_257 : memref<4x104x64xf32, #tpu.memory_space<hbm>>) target(%arg7 : memref<4x104x64xf32, #tpu.memory_space<vmem>>) target_semaphore(%arg15 : memref<!tpu.dma_semaphore, #tpu.memory_space<semaphore_mem>>)
    } else {
    }
    %ge3A_168 = arith.constant 2 : i32
    %ge3A_169 = arith.cmpi sge, %select_n3A_164, %ge3A_168 : i32
    %convert_element_type3A_170 = arith.extui %ge3A_169 : i1 to i32
    %cond3A_171 = arith.constant 0 : i32
    %cond3A_172 = arith.cmpi ne, %convert_element_type3A_170, %cond3A_171 : i32
    scf.if %cond3A_172 {
      %add3A_240 = arith.constant 104 : i32
      %add3A_241 = arith.addi %mul3A_9, %add3A_240 : i32
      %sub3A_242 = arith.constant 104 : i32
      %sub3A_243 = arith.subi %sub3A_133, %sub3A_242 : i32
      %min3A_244 = arith.minsi %add3A_241, %sub3A_243 : i32
      %max3A_245 = arith.maxsi %min3A_244, %mul3A_9 : i32
      %add3A_246 = arith.addi %reduce_sum3A_53, %max3A_245 : i32
      %sub3A_247 = arith.constant 1 : i32
      %sub3A_248 = arith.subi %add3A_246, %sub3A_247 : i32
      %jit3A_249 = arith.constant 0 : i32
      %jit3A_250 = arith.constant 32664 : i32
      %max3A_251 = arith.maxsi %jit3A_249, %sub3A_248 : i32
      %min3A_252 = arith.minsi %jit3A_250, %max3A_251 : i32
      %dma_start3A = arith.constant 0 : i32
      %dma_start3A_253 = arith.constant 0 : i32
      %dma_start3A_254 = tpu.memref_slice %arg2[%dma_start3A, %min3A_252, %dma_start3A_253] : memref<4x32768x64xf32, #tpu.memory_space<hbm>> -> memref<4x104x64xf32, #tpu.memory_space<hbm>>
      %dma_start3A_255 = arith.constant 0 : i32
      %dma_start3A_256 = arith.constant 0 : i32
      %dma_start3A_257 = tpu.memref_slice %arg2[%dma_start3A_255, %min3A_252, %dma_start3A_256] : memref<4x32768x64xf32, #tpu.memory_space<hbm>> -> memref<4x104x64xf32, #tpu.memory_space<hbm>>
      tpu.enqueue_dma source(%dma_start3A_257 : memref<4x104x64xf32, #tpu.memory_space<hbm>>) target(%arg8 : memref<4x104x64xf32, #tpu.memory_space<vmem>>) target_semaphore(%arg16 : memref<!tpu.dma_semaphore, #tpu.memory_space<semaphore_mem>>)
    } else {
    }
    %parallel_loop3A = arith.constant 0 : i32
    %parallel_loop3A_173 = arith.constant 64 : i32
    %parallel_loop3A_174 = arith.constant 1 : i32
    scf.for %parallel_loop3A_240 = %parallel_loop3A to %parallel_loop3A_173 step %parallel_loop3A_174  : i32 {
      %parallel_loop3A_241 = arith.constant 0 : i32
      %parallel_loop3A_242 = arith.index_cast %parallel_loop3A_240 : i32 to index
      %parallel_loop3A_243 = arith.index_cast %parallel_loop3A_241 : i32 to index
      %parallel_loop3A_244 = arith.constant 0 : index
      %parallel_loop3A_245 = tpu.vector_load %arg11[%parallel_loop3A_242, %parallel_loop3A_243, %parallel_loop3A_244] {strides = array<i32>} : memref<64x2x128xf32, #tpu.memory_space<vmem>>, vector<16xf32>,
      tpu.vector_store %arg11[%parallel_loop3A_242, %parallel_loop3A_243, %parallel_loop3A_244], %broadcast_in_dim3A_93 {strides = array<i32>} : memref<64x2x128xf32, #tpu.memory_space<vmem>>, vector<16xf32>,
      %parallel_loop3A_246 = arith.constant 0 : i32
      %parallel_loop3A_247 = arith.index_cast %parallel_loop3A_240 : i32 to index
      %parallel_loop3A_248 = arith.index_cast %parallel_loop3A_246 : i32 to index
      %parallel_loop3A_249 = arith.constant 16 : index
      %parallel_loop3A_250 = tpu.vector_load %arg11[%parallel_loop3A_247, %parallel_loop3A_248, %parallel_loop3A_249] {strides = array<i32>} : memref<64x2x128xf32, #tpu.memory_space<vmem>>, vector<16xf32>,
      tpu.vector_store %arg11[%parallel_loop3A_247, %parallel_loop3A_248, %parallel_loop3A_249], %broadcast_in_dim3A_93 {strides = array<i32>} : memref<64x2x128xf32, #tpu.memory_space<vmem>>, vector<16xf32>,
      %parallel_loop3A_251 = arith.constant 0 : i32
      %parallel_loop3A_252 = arith.index_cast %parallel_loop3A_240 : i32 to index
      %parallel_loop3A_253 = arith.index_cast %parallel_loop3A_251 : i32 to index
      %parallel_loop3A_254 = arith.constant 32 : index
      %parallel_loop3A_255 = tpu.vector_load %arg11[%parallel_loop3A_252, %parallel_loop3A_253, %parallel_loop3A_254] {strides = array<i32>} : memref<64x2x128xf32, #tpu.memory_space<vmem>>, vector<16xf32>,
      tpu.vector_store %arg11[%parallel_loop3A_252, %parallel_loop3A_253, %parallel_loop3A_254], %broadcast_in_dim3A_93 {strides = array<i32>} : memref<64x2x128xf32, #tpu.memory_space<vmem>>, vector<16xf32>,
      %parallel_loop3A_256 = arith.constant 0 : i32
      %parallel_loop3A_257 = arith.index_cast %parallel_loop3A_240 : i32 to index
      %parallel_loop3A_258 = arith.index_cast %parallel_loop3A_256 : i32 to index
      %parallel_loop3A_259 = arith.constant 48 : index
      %parallel_loop3A_260 = tpu.vector_load %arg11[%parallel_loop3A_257, %parallel_loop3A_258, %parallel_loop3A_259] {strides = array<i32>} : memref<64x2x128xf32, #tpu.memory_space<vmem>>, vector<16xf32>,
      tpu.vector_store %arg11[%parallel_loop3A_257, %parallel_loop3A_258, %parallel_loop3A_259], %broadcast_in_dim3A_93 {strides = array<i32>} : memref<64x2x128xf32, #tpu.memory_space<vmem>>, vector<16xf32>,
      %parallel_loop3A_261 = arith.constant 0 : i32
      %parallel_loop3A_262 = arith.index_cast %parallel_loop3A_240 : i32 to index
      %parallel_loop3A_263 = arith.index_cast %parallel_loop3A_261 : i32 to index
      %parallel_loop3A_264 = arith.constant 64 : index
      %parallel_loop3A_265 = tpu.vector_load %arg11[%parallel_loop3A_262, %parallel_loop3A_263, %parallel_loop3A_264] {strides = array<i32>} : memref<64x2x128xf32, #tpu.memory_space<vmem>>, vector<16xf32>,
      tpu.vector_store %arg11[%parallel_loop3A_262, %parallel_loop3A_263, %parallel_loop3A_264], %broadcast_in_dim3A_93 {strides = array<i32>} : memref<64x2x128xf32, #tpu.memory_space<vmem>>, vector<16xf32>,
      %parallel_loop3A_266 = arith.constant 0 : i32
      %parallel_loop3A_267 = arith.index_cast %parallel_loop3A_240 : i32 to index
      %parallel_loop3A_268 = arith.index_cast %parallel_loop3A_266 : i32 to index
      %parallel_loop3A_269 = arith.constant 80 : index
      %parallel_loop3A_270 = tpu.vector_load %arg11[%parallel_loop3A_267, %parallel_loop3A_268, %parallel_loop3A_269] {strides = array<i32>} : memref<64x2x128xf32, #tpu.memory_space<vmem>>, vector<16xf32>,
      tpu.vector_store %arg11[%parallel_loop3A_267, %parallel_loop3A_268, %parallel_loop3A_269], %broadcast_in_dim3A_93 {strides = array<i32>} : memref<64x2x128xf32, #tpu.memory_space<vmem>>, vector<16xf32>,
      %parallel_loop3A_271 = arith.constant 0 : i32
      %parallel_loop3A_272 = arith.index_cast %parallel_loop3A_240 : i32 to index
      %parallel_loop3A_273 = arith.index_cast %parallel_loop3A_271 : i32 to index
      %parallel_loop3A_274 = arith.constant 96 : index
      %parallel_loop3A_275 = tpu.vector_load %arg11[%parallel_loop3A_272, %parallel_loop3A_273, %parallel_loop3A_274] {strides = array<i32>} : memref<64x2x128xf32, #tpu.memory_space<vmem>>, vector<16xf32>,
      tpu.vector_store %arg11[%parallel_loop3A_272, %parallel_loop3A_273, %parallel_loop3A_274], %broadcast_in_dim3A_93 {strides = array<i32>} : memref<64x2x128xf32, #tpu.memory_space<vmem>>, vector<16xf32>,
      %parallel_loop3A_276 = arith.constant 0 : i32
      %parallel_loop3A_277 = arith.index_cast %parallel_loop3A_240 : i32 to index
      %parallel_loop3A_278 = arith.index_cast %parallel_loop3A_276 : i32 to index
      %parallel_loop3A_279 = arith.constant 112 : index
      %parallel_loop3A_280 = tpu.vector_load %arg11[%parallel_loop3A_277, %parallel_loop3A_278, %parallel_loop3A_279] {strides = array<i32>} : memref<64x2x128xf32, #tpu.memory_space<vmem>>, vector<16xf32>,
      tpu.vector_store %arg11[%parallel_loop3A_277, %parallel_loop3A_278, %parallel_loop3A_279], %broadcast_in_dim3A_93 {strides = array<i32>} : memref<64x2x128xf32, #tpu.memory_space<vmem>>, vector<16xf32>,
      %parallel_loop3A_281 = arith.constant 1 : i32
      %parallel_loop3A_282 = arith.index_cast %parallel_loop3A_240 : i32 to index
      %parallel_loop3A_283 = arith.index_cast %parallel_loop3A_281 : i32 to index
      %parallel_loop3A_284 = arith.constant 0 : index
      %parallel_loop3A_285 = tpu.vector_load %arg11[%parallel_loop3A_282, %parallel_loop3A_283, %parallel_loop3A_284] {strides = array<i32>} : memref<64x2x128xf32, #tpu.memory_space<vmem>>, vector<16xf32>,
      tpu.vector_store %arg11[%parallel_loop3A_282, %parallel_loop3A_283, %parallel_loop3A_284], %broadcast_in_dim3A_93 {strides = array<i32>} : memref<64x2x128xf32, #tpu.memory_space<vmem>>, vector<16xf32>,
      %parallel_loop3A_286 = arith.constant 1 : i32
      %parallel_loop3A_287 = arith.index_cast %parallel_loop3A_240 : i32 to index
      %parallel_loop3A_288 = arith.index_cast %parallel_loop3A_286 : i32 to index
      %parallel_loop3A_289 = arith.constant 16 : index
      %parallel_loop3A_290 = tpu.vector_load %arg11[%parallel_loop3A_287, %parallel_loop3A_288, %parallel_loop3A_289] {strides = array<i32>} : memref<64x2x128xf32, #tpu.memory_space<vmem>>, vector<16xf32>,
      tpu.vector_store %arg11[%parallel_loop3A_287, %parallel_loop3A_288, %parallel_loop3A_289], %broadcast_in_dim3A_93 {strides = array<i32>} : memref<64x2x128xf32, #tpu.memory_space<vmem>>, vector<16xf32>,
      %parallel_loop3A_291 = arith.constant 1 : i32
      %parallel_loop3A_292 = arith.index_cast %parallel_loop3A_240 : i32 to index
      %parallel_loop3A_293 = arith.index_cast %parallel_loop3A_291 : i32 to index
      %parallel_loop3A_294 = arith.constant 32 : index
      %parallel_loop3A_295 = tpu.vector_load %arg11[%parallel_loop3A_292, %parallel_loop3A_293, %parallel_loop3A_294] {strides = array<i32>} : memref<64x2x128xf32, #tpu.memory_space<vmem>>, vector<16xf32>,
      tpu.vector_store %arg11[%parallel_loop3A_292, %parallel_loop3A_293, %parallel_loop3A_294], %broadcast_in_dim3A_93 {strides = array<i32>} : memref<64x2x128xf32, #tpu.memory_space<vmem>>, vector<16xf32>,
      %parallel_loop3A_296 = arith.constant 1 : i32
      %parallel_loop3A_297 = arith.index_cast %parallel_loop3A_240 : i32 to index
      %parallel_loop3A_298 = arith.index_cast %parallel_loop3A_296 : i32 to index
      %parallel_loop3A_299 = arith.constant 48 : index
      %parallel_loop3A_300 = tpu.vector_load %arg11[%parallel_loop3A_297, %parallel_loop3A_298, %parallel_loop3A_299] {strides = array<i32>} : memref<64x2x128xf32, #tpu.memory_space<vmem>>, vector<16xf32>,
      tpu.vector_store %arg11[%parallel_loop3A_297, %parallel_loop3A_298, %parallel_loop3A_299], %broadcast_in_dim3A_93 {strides = array<i32>} : memref<64x2x128xf32, #tpu.memory_space<vmem>>, vector<16xf32>,
      %parallel_loop3A_301 = arith.constant 1 : i32
      %parallel_loop3A_302 = arith.index_cast %parallel_loop3A_240 : i32 to index
      %parallel_loop3A_303 = arith.index_cast %parallel_loop3A_301 : i32 to index
      %parallel_loop3A_304 = arith.constant 64 : index
      %parallel_loop3A_305 = tpu.vector_load %arg11[%parallel_loop3A_302, %parallel_loop3A_303, %parallel_loop3A_304] {strides = array<i32>} : memref<64x2x128xf32, #tpu.memory_space<vmem>>, vector<16xf32>,
      tpu.vector_store %arg11[%parallel_loop3A_302, %parallel_loop3A_303, %parallel_loop3A_304], %broadcast_in_dim3A_93 {strides = array<i32>} : memref<64x2x128xf32, #tpu.memory_space<vmem>>, vector<16xf32>,
      %parallel_loop3A_306 = arith.constant 1 : i32
      %parallel_loop3A_307 = arith.index_cast %parallel_loop3A_240 : i32 to index
      %parallel_loop3A_308 = arith.index_cast %parallel_loop3A_306 : i32 to index
      %parallel_loop3A_309 = arith.constant 80 : index
      %parallel_loop3A_310 = tpu.vector_load %arg11[%parallel_loop3A_307, %parallel_loop3A_308, %parallel_loop3A_309] {strides = array<i32>} : memref<64x2x128xf32, #tpu.memory_space<vmem>>, vector<16xf32>,
      tpu.vector_store %arg11[%parallel_loop3A_307, %parallel_loop3A_308, %parallel_loop3A_309], %broadcast_in_dim3A_93 {strides = array<i32>} : memref<64x2x128xf32, #tpu.memory_space<vmem>>, vector<16xf32>,
      %parallel_loop3A_311 = arith.constant 1 : i32
      %parallel_loop3A_312 = arith.index_cast %parallel_loop3A_240 : i32 to index
      %parallel_loop3A_313 = arith.index_cast %parallel_loop3A_311 : i32 to index
      %parallel_loop3A_314 = arith.constant 96 : index
      %parallel_loop3A_315 = tpu.vector_load %arg11[%parallel_loop3A_312, %parallel_loop3A_313, %parallel_loop3A_314] {strides = array<i32>} : memref<64x2x128xf32, #tpu.memory_space<vmem>>, vector<16xf32>,
      tpu.vector_store %arg11[%parallel_loop3A_312, %parallel_loop3A_313, %parallel_loop3A_314], %broadcast_in_dim3A_93 {strides = array<i32>} : memref<64x2x128xf32, #tpu.memory_space<vmem>>, vector<16xf32>,
      %parallel_loop3A_316 = arith.constant 1 : i32
      %parallel_loop3A_317 = arith.index_cast %parallel_loop3A_240 : i32 to index
      %parallel_loop3A_318 = arith.index_cast %parallel_loop3A_316 : i32 to index
      %parallel_loop3A_319 = arith.constant 112 : index
      %parallel_loop3A_320 = tpu.vector_load %arg11[%parallel_loop3A_317, %parallel_loop3A_318, %parallel_loop3A_319] {strides = array<i32>} : memref<64x2x128xf32, #tpu.memory_space<vmem>>, vector<16xf32>,
      tpu.vector_store %arg11[%parallel_loop3A_317, %parallel_loop3A_318, %parallel_loop3A_319], %broadcast_in_dim3A_93 {strides = array<i32>} : memref<64x2x128xf32, #tpu.memory_space<vmem>>, vector<16xf32>,
    } {sc.loop_unroll_factor = 4 : i64, sc.parallel_access}
    %while3A = arith.constant 0 : i32
    %while3A_175 = arith.constant 0 : i32
    %while3A_176 = arith.subi %select_n3A_130, %while3A_175 : i32
    %while3A_177 = arith.addi %while3A_175, %while3A_176 : i32
    %while3A_178 = arith.constant 1 : i32
    %while3A_179 = arith.divsi %while3A_176, %while3A_178 : i32
    %while3A_180 = arith.muli %while3A_179, %while3A_178 : i32
    %while3A_181 = arith.addi %while3A_175, %while3A_180 : i32
    %while3A_182 = arith.constant 1 : i32
    scf.for %while3A_240 = %while3A_175 to %while3A_181 step %while3A_182  : i32 {
      %add3A_241 = arith.constant 1 : i32
      %add3A_242 = arith.addi %while3A_240, %add3A_241 : i32
      %mul3A_243 = arith.constant 64 : i32
      %mul3A_244 = arith.muli %add3A_242, %mul3A_243 : i32
      %sub3A_245 = arith.subi %add3A_101, %mul3A_244 : i32
      %dma_start3A = arith.constant 0 : i32
      %dma_start3A_246 = arith.constant 0 : i32
      %dma_start3A_247 = tpu.memref_slice %arg6[%sub3A_245, %select_n3A_30, %dma_start3A, %select_n3A_46, %dma_start3A_246] : memref<4098x2x2x8x128xf32, #tpu.memory_space<hbm>> -> memref<64x1x2x1x128xf32, #tpu.memory_space<hbm>>
      %dma_start3A_248 = tpu.memref_squeeze %dma_start3A_247 : memref<64x1x2x1x128xf32, #tpu.memory_space<hbm>> -> memref<64x2x128xf32, #tpu.memory_space<hbm>>
      %dma_start3A_249 = arith.constant 0 : i32
      %dma_start3A_250 = arith.constant 0 : i32
      %dma_start3A_251 = tpu.memref_slice %arg6[%sub3A_245, %select_n3A_30, %dma_start3A_249, %select_n3A_46, %dma_start3A_250] : memref<4098x2x2x8x128xf32, #tpu.memory_space<hbm>> -> memref<64x1x2x1x128xf32, #tpu.memory_space<hbm>>
      %dma_start3A_252 = tpu.memref_squeeze %dma_start3A_251 : memref<64x1x2x1x128xf32, #tpu.memory_space<hbm>> -> memref<64x2x128xf32, #tpu.memory_space<hbm>>
      tpu.enqueue_dma source(%arg11 : memref<64x2x128xf32, #tpu.memory_space<vmem>>) target(%dma_start3A_252 : memref<64x2x128xf32, #tpu.memory_space<hbm>>) target_semaphore(%arg19 : memref<!tpu.dma_semaphore, #tpu.memory_space<semaphore_mem>>)
    }
    %while3A_183 = arith.constant 1 : i32
    scf.for %while3A_240 = %while3A_181 to %while3A_177 step %while3A_183  : i32 {
      %add3A_241 = arith.constant 1 : i32
      %add3A_242 = arith.addi %while3A_240, %add3A_241 : i32
      %mul3A_243 = arith.constant 64 : i32
      %mul3A_244 = arith.muli %add3A_242, %mul3A_243 : i32
      %sub3A_245 = arith.subi %add3A_101, %mul3A_244 : i32
      %dma_start3A = arith.constant 0 : i32
      %dma_start3A_246 = arith.constant 0 : i32
      %dma_start3A_247 = tpu.memref_slice %arg6[%sub3A_245, %select_n3A_30, %dma_start3A, %select_n3A_46, %dma_start3A_246] : memref<4098x2x2x8x128xf32, #tpu.memory_space<hbm>> -> memref<64x1x2x1x128xf32, #tpu.memory_space<hbm>>
      %dma_start3A_248 = tpu.memref_squeeze %dma_start3A_247 : memref<64x1x2x1x128xf32, #tpu.memory_space<hbm>> -> memref<64x2x128xf32, #tpu.memory_space<hbm>>
      %dma_start3A_249 = arith.constant 0 : i32
      %dma_start3A_250 = arith.constant 0 : i32
      %dma_start3A_251 = tpu.memref_slice %arg6[%sub3A_245, %select_n3A_30, %dma_start3A_249, %select_n3A_46, %dma_start3A_250] : memref<4098x2x2x8x128xf32, #tpu.memory_space<hbm>> -> memref<64x1x2x1x128xf32, #tpu.memory_space<hbm>>
      %dma_start3A_252 = tpu.memref_squeeze %dma_start3A_251 : memref<64x1x2x1x128xf32, #tpu.memory_space<hbm>> -> memref<64x2x128xf32, #tpu.memory_space<hbm>>
      tpu.enqueue_dma source(%arg11 : memref<64x2x128xf32, #tpu.memory_space<vmem>>) target(%dma_start3A_252 : memref<64x2x128xf32, #tpu.memory_space<hbm>>) target_semaphore(%arg19 : memref<!tpu.dma_semaphore, #tpu.memory_space<semaphore_mem>>)
    }
    %add3A_184 = arith.constant 1 : i32
    %add3A_185 = arith.addi %select_n3A_164, %add3A_184 : i32
    %jit3A_186 = arith.constant 2 : i32
    %div3A_187 = arith.divsi %add3A_185, %jit3A_186 : i32
    %sign3A_188 = arith.constant 0 : i32
    %sign3A_189 = arith.cmpi sgt, %add3A_185, %sign3A_188 : i32
    %sign3A_190 = arith.extui %sign3A_189 : i1 to i32
    %sign3A_191 = arith.constant 0 : i32
    %sign3A_192 = arith.cmpi slt, %add3A_185, %sign3A_191 : i32
    %sign3A_193 = arith.extui %sign3A_192 : i1 to i32
    %sign3A_194 = arith.subi %sign3A_190, %sign3A_193 : i32
    %sign3A_195 = arith.constant 0 : i32
    %sign3A_196 = arith.cmpi sgt, %jit3A_186, %sign3A_195 : i32
    %sign3A_197 = arith.extui %sign3A_196 : i1 to i32
    %sign3A_198 = arith.constant 0 : i32
    %sign3A_199 = arith.cmpi slt, %jit3A_186, %sign3A_198 : i32
    %sign3A_200 = arith.extui %sign3A_199 : i1 to i32
    %sign3A_201 = arith.subi %sign3A_197, %sign3A_200 : i32
    %ne3A_202 = arith.cmpi ne, %sign3A_194, %sign3A_201 : i32
    %rem3A_203 = arith.remsi %add3A_185, %jit3A_186 : i32
    %ne3A_204 = arith.constant 0 : i32
    %ne3A_205 = arith.cmpi ne, %rem3A_203, %ne3A_204 : i32
    %and3A_206 = arith.andi %ne3A_202, %ne3A_205 : i1
    %sub3A_207 = arith.constant 1 : i32
    %sub3A_208 = arith.subi %div3A_187, %sub3A_207 : i32
    %select_n3A_209 = arith.select %and3A_206, %sub3A_208, %div3A_187 : i32
    %while3A_210 = arith.constant 0 : i32
    %while3A_211 = arith.constant 0 : i32
    %while3A_212 = arith.subi %select_n3A_209, %while3A_211 : i32
    %while3A_213 = arith.addi %while3A_211, %while3A_212 : i32
    %while3A_214 = arith.constant 1 : i32
    %while3A_215 = arith.divsi %while3A_212, %while3A_214 : i32
    %while3A_216 = arith.muli %while3A_215, %while3A_214 : i32
    %while3A_217 = arith.addi %while3A_211, %while3A_216 : i32
    %while3A_218 = arith.constant 1 : i32
    scf.for %while3A_240 = %while3A_211 to %while3A_217 step %while3A_218  : i32 {
      %mul3A_241 = arith.constant 2 : i32
      %mul3A_242 = arith.muli %mul3A_241, %while3A_240 : i32
      %lt3A_243 = arith.cmpi slt, %mul3A_242, %select_n3A_164 : i32
      %convert_element_type3A_244 = arith.extui %lt3A_243 : i1 to i32
      %cond3A_245 = arith.constant 0 : i32
      %cond3A_246 = arith.cmpi ne, %convert_element_type3A_244, %cond3A_245 : i32
      scf.if %cond3A_246 {
        %mul3A_253 = arith.constant 104 : i32
        %mul3A_254 = arith.muli %mul3A_242, %mul3A_253 : i32
        %add3A_255 = arith.addi %mul3A_9, %mul3A_254 : i32
        %sub3A_256 = arith.constant 104 : i32
        %sub3A_257 = arith.subi %sub3A_133, %sub3A_256 : i32
        %min3A_258 = arith.minsi %add3A_255, %sub3A_257 : i32
        %max3A_259 = arith.maxsi %min3A_258, %mul3A_9 : i32
        %add3A_260 = arith.addi %reduce_sum3A_53, %max3A_259 : i32
        %sub3A_261 = arith.constant 1 : i32
        %sub3A_262 = arith.subi %add3A_260, %sub3A_261 : i32
        %jit3A_263 = arith.constant 0 : i32
        %jit3A_264 = arith.constant 32664 : i32
        %max3A_265 = arith.maxsi %jit3A_263, %sub3A_262 : i32
        %min3A_266 = arith.minsi %jit3A_264, %max3A_265 : i32
        %add3A_267 = arith.addi %reduce_sum3A_53, %max3A_259 : i32
        %sub3A_268 = arith.constant 1 : i32
        %sub3A_269 = arith.subi %add3A_267, %sub3A_268 : i32
        %sub3A_270 = arith.subi %sub3A_269, %min3A_266 : i32
        %dma_wait3A = arith.constant 0 : i32
        %dma_wait3A_271 = arith.constant 0 : i32
        %dma_wait3A_272 = tpu.memref_slice %arg2[%dma_wait3A, %min3A_266, %dma_wait3A_271] : memref<4x32768x64xf32, #tpu.memory_space<hbm>> -> memref<4x104x64xf32, #tpu.memory_space<hbm>>
        %dma_wait3A_273 = arith.constant 0 : i32
        %dma_wait3A_274 = arith.constant 0 : i32
        %dma_wait3A_275 = tpu.memref_slice %arg2[%dma_wait3A_273, %min3A_266, %dma_wait3A_274] : memref<4x32768x64xf32, #tpu.memory_space<hbm>> -> memref<4x104x64xf32, #tpu.memory_space<hbm>>
        tpu.wait_dma2 semaphore(%arg15 : memref<!tpu.dma_semaphore, #tpu.memory_space<semaphore_mem>>) src(%dma_wait3A_275 : memref<4x104x64xf32, #tpu.memory_space<hbm>>) dst(%arg7 : memref<4x104x64xf32, #tpu.memory_space<vmem>>)
        %ge3A_276 = arith.constant 2 : i32
        %ge3A_277 = arith.cmpi sge, %mul3A_242, %ge3A_276 : i32
        %convert_element_type3A_278 = arith.extui %ge3A_277 : i1 to i32
        %cond3A_279 = arith.constant 0 : i32
        %cond3A_280 = arith.cmpi ne, %convert_element_type3A_278, %cond3A_279 : i32
        scf.if %cond3A_280 {
          %dma_wait3A_332 = arith.constant 0 : i32
          %dma_wait3A_333 = arith.constant 0 : i32
          %dma_wait3A_334 = tpu.memref_slice %arg6[%max3A_259, %select_n3A_30, %dma_wait3A_332, %select_n3A_46, %dma_wait3A_333] : memref<4098x2x2x8x128xf32, #tpu.memory_space<hbm>> -> memref<104x1x2x1x128xf32, #tpu.memory_space<hbm>>
          %dma_wait3A_335 = tpu.memref_squeeze %dma_wait3A_334 : memref<104x1x2x1x128xf32, #tpu.memory_space<hbm>> -> memref<104x2x128xf32, #tpu.memory_space<hbm>>
          %dma_wait3A_336 = arith.constant 0 : i32
          %dma_wait3A_337 = arith.constant 0 : i32
          %dma_wait3A_338 = tpu.memref_slice %arg6[%max3A_259, %select_n3A_30, %dma_wait3A_336, %select_n3A_46, %dma_wait3A_337] : memref<4098x2x2x8x128xf32, #tpu.memory_space<hbm>> -> memref<104x1x2x1x128xf32, #tpu.memory_space<hbm>>
          %dma_wait3A_339 = tpu.memref_squeeze %dma_wait3A_338 : memref<104x1x2x1x128xf32, #tpu.memory_space<hbm>> -> memref<104x2x128xf32, #tpu.memory_space<hbm>>
          tpu.wait_dma2 semaphore(%arg17 : memref<!tpu.dma_semaphore, #tpu.memory_space<semaphore_mem>>) src(%arg9 : memref<104x2x128xf32, #tpu.memory_space<vmem>>) dst(%dma_wait3A_339 : memref<104x2x128xf32, #tpu.memory_space<hbm>>)
        } else {
        }
        %eq3A_281 = arith.constant 0 : i32
        %eq3A_282 = arith.cmpi eq, %sub3A_270, %eq3A_281 : i32
        %convert_element_type3A_283 = arith.extui %eq3A_282 : i1 to i32
        %cond3A_284 = arith.constant 0 : i32
        %cond3A_285 = arith.cmpi ne, %convert_element_type3A_283, %cond3A_284 : i32
        scf.if %cond3A_285 {
          %parallel_loop3A_332 = arith.constant 0 : i32
          %parallel_loop3A_333 = arith.constant 104 : i32
          %parallel_loop3A_334 = arith.constant 1 : i32
          scf.for %parallel_loop3A_335 = %parallel_loop3A_332 to %parallel_loop3A_333 step %parallel_loop3A_334  : i32 {
            %parallel_loop3A_336 = arith.constant 0 : i32
            %parallel_loop3A_337 = arith.index_cast %parallel_loop3A_336 : i32 to index
            %parallel_loop3A_338 = arith.index_cast %parallel_loop3A_335 : i32 to index
            %parallel_loop3A_339 = arith.constant 0 : index
            %parallel_loop3A_340 = tpu.vector_load %arg7[%parallel_loop3A_337, %parallel_loop3A_338, %parallel_loop3A_339] {strides = array<i32>} : memref<4x104x64xf32, #tpu.memory_space<vmem>>, vector<16xf32>,
            %parallel_loop3A_341 = arith.mulf %parallel_loop3A_340, %get3A_62 : vector<16xf32>
            %parallel_loop3A_342 = arith.constant 0 : i32
            %parallel_loop3A_343 = arith.index_cast %parallel_loop3A_335 : i32 to index
            %parallel_loop3A_344 = arith.index_cast %parallel_loop3A_342 : i32 to index
            %parallel_loop3A_345 = arith.constant 0 : index
            %parallel_loop3A_346 = tpu.vector_load %arg9[%parallel_loop3A_343, %parallel_loop3A_344, %parallel_loop3A_345] {strides = array<i32>} : memref<104x2x128xf32, #tpu.memory_space<vmem>>, vector<16xf32>,
            tpu.vector_store %arg9[%parallel_loop3A_343, %parallel_loop3A_344, %parallel_loop3A_345], %parallel_loop3A_341 {strides = array<i32>} : memref<104x2x128xf32, #tpu.memory_space<vmem>>, vector<16xf32>,
            %parallel_loop3A_347 = arith.constant 0 : i32
            %parallel_loop3A_348 = arith.index_cast %parallel_loop3A_347 : i32 to index
            %parallel_loop3A_349 = arith.index_cast %parallel_loop3A_335 : i32 to index
            %parallel_loop3A_350 = arith.constant 16 : index
            %parallel_loop3A_351 = tpu.vector_load %arg7[%parallel_loop3A_348, %parallel_loop3A_349, %parallel_loop3A_350] {strides = array<i32>} : memref<4x104x64xf32, #tpu.memory_space<vmem>>, vector<16xf32>,
            %parallel_loop3A_352 = arith.mulf %parallel_loop3A_351, %get3A_64 : vector<16xf32>
            %parallel_loop3A_353 = arith.constant 0 : i32
            %parallel_loop3A_354 = arith.index_cast %parallel_loop3A_335 : i32 to index
            %parallel_loop3A_355 = arith.index_cast %parallel_loop3A_353 : i32 to index
            %parallel_loop3A_356 = arith.constant 16 : index
            %parallel_loop3A_357 = tpu.vector_load %arg9[%parallel_loop3A_354, %parallel_loop3A_355, %parallel_loop3A_356] {strides = array<i32>} : memref<104x2x128xf32, #tpu.memory_space<vmem>>, vector<16xf32>,
            tpu.vector_store %arg9[%parallel_loop3A_354, %parallel_loop3A_355, %parallel_loop3A_356], %parallel_loop3A_352 {strides = array<i32>} : memref<104x2x128xf32, #tpu.memory_space<vmem>>, vector<16xf32>,
            %parallel_loop3A_358 = arith.constant 0 : i32
            %parallel_loop3A_359 = arith.index_cast %parallel_loop3A_358 : i32 to index
            %parallel_loop3A_360 = arith.index_cast %parallel_loop3A_335 : i32 to index
            %parallel_loop3A_361 = arith.constant 32 : index
            %parallel_loop3A_362 = tpu.vector_load %arg7[%parallel_loop3A_359, %parallel_loop3A_360, %parallel_loop3A_361] {strides = array<i32>} : memref<4x104x64xf32, #tpu.memory_space<vmem>>, vector<16xf32>,
            %parallel_loop3A_363 = arith.mulf %parallel_loop3A_362, %get3A_66 : vector<16xf32>
            %parallel_loop3A_364 = arith.constant 0 : i32
            %parallel_loop3A_365 = arith.index_cast %parallel_loop3A_335 : i32 to index
            %parallel_loop3A_366 = arith.index_cast %parallel_loop3A_364 : i32 to index
            %parallel_loop3A_367 = arith.constant 32 : index
            %parallel_loop3A_368 = tpu.vector_load %arg9[%parallel_loop3A_365, %parallel_loop3A_366, %parallel_loop3A_367] {strides = array<i32>} : memref<104x2x128xf32, #tpu.memory_space<vmem>>, vector<16xf32>,
            tpu.vector_store %arg9[%parallel_loop3A_365, %parallel_loop3A_366, %parallel_loop3A_367], %parallel_loop3A_363 {strides = array<i32>} : memref<104x2x128xf32, #tpu.memory_space<vmem>>, vector<16xf32>,
            %parallel_loop3A_369 = arith.constant 0 : i32
            %parallel_loop3A_370 = arith.index_cast %parallel_loop3A_369 : i32 to index
            %parallel_loop3A_371 = arith.index_cast %parallel_loop3A_335 : i32 to index
            %parallel_loop3A_372 = arith.constant 48 : index
            %parallel_loop3A_373 = tpu.vector_load %arg7[%parallel_loop3A_370, %parallel_loop3A_371, %parallel_loop3A_372] {strides = array<i32>} : memref<4x104x64xf32, #tpu.memory_space<vmem>>, vector<16xf32>,
            %parallel_loop3A_374 = arith.mulf %parallel_loop3A_373, %get3A_68 : vector<16xf32>
            %parallel_loop3A_375 = arith.constant 0 : i32
            %parallel_loop3A_376 = arith.index_cast %parallel_loop3A_335 : i32 to index
            %parallel_loop3A_377 = arith.index_cast %parallel_loop3A_375 : i32 to index
            %parallel_loop3A_378 = arith.constant 48 : index
            %parallel_loop3A_379 = tpu.vector_load %arg9[%parallel_loop3A_376, %parallel_loop3A_377, %parallel_loop3A_378] {strides = array<i32>} : memref<104x2x128xf32, #tpu.memory_space<vmem>>, vector<16xf32>,
            tpu.vector_store %arg9[%parallel_loop3A_376, %parallel_loop3A_377, %parallel_loop3A_378], %parallel_loop3A_374 {strides = array<i32>} : memref<104x2x128xf32, #tpu.memory_space<vmem>>, vector<16xf32>,
            %parallel_loop3A_380 = arith.constant 1 : i32
            %parallel_loop3A_381 = arith.index_cast %parallel_loop3A_380 : i32 to index
            %parallel_loop3A_382 = arith.index_cast %parallel_loop3A_335 : i32 to index
            %parallel_loop3A_383 = arith.constant 0 : index
            %parallel_loop3A_384 = tpu.vector_load %arg7[%parallel_loop3A_381, %parallel_loop3A_382, %parallel_loop3A_383] {strides = array<i32>} : memref<4x104x64xf32, #tpu.memory_space<vmem>>, vector<16xf32>,
            %parallel_loop3A_385 = arith.mulf %parallel_loop3A_384, %get3A_70 : vector<16xf32>
            %parallel_loop3A_386 = arith.constant 0 : i32
            %parallel_loop3A_387 = arith.index_cast %parallel_loop3A_335 : i32 to index
            %parallel_loop3A_388 = arith.index_cast %parallel_loop3A_386 : i32 to index
            %parallel_loop3A_389 = arith.constant 64 : index
            %parallel_loop3A_390 = tpu.vector_load %arg9[%parallel_loop3A_387, %parallel_loop3A_388, %parallel_loop3A_389] {strides = array<i32>} : memref<104x2x128xf32, #tpu.memory_space<vmem>>, vector<16xf32>,
            tpu.vector_store %arg9[%parallel_loop3A_387, %parallel_loop3A_388, %parallel_loop3A_389], %parallel_loop3A_385 {strides = array<i32>} : memref<104x2x128xf32, #tpu.memory_space<vmem>>, vector<16xf32>,
            %parallel_loop3A_391 = arith.constant 1 : i32
            %parallel_loop3A_392 = arith.index_cast %parallel_loop3A_391 : i32 to index
            %parallel_loop3A_393 = arith.index_cast %parallel_loop3A_335 : i32 to index
            %parallel_loop3A_394 = arith.constant 16 : index
            %parallel_loop3A_395 = tpu.vector_load %arg7[%parallel_loop3A_392, %parallel_loop3A_393, %parallel_loop3A_394] {strides = array<i32>} : memref<4x104x64xf32, #tpu.memory_space<vmem>>, vector<16xf32>,
            %parallel_loop3A_396 = arith.mulf %parallel_loop3A_395, %get3A_72 : vector<16xf32>
            %parallel_loop3A_397 = arith.constant 0 : i32
            %parallel_loop3A_398 = arith.index_cast %parallel_loop3A_335 : i32 to index
            %parallel_loop3A_399 = arith.index_cast %parallel_loop3A_397 : i32 to index
            %parallel_loop3A_400 = arith.constant 80 : index
            %parallel_loop3A_401 = tpu.vector_load %arg9[%parallel_loop3A_398, %parallel_loop3A_399, %parallel_loop3A_400] {strides = array<i32>} : memref<104x2x128xf32, #tpu.memory_space<vmem>>, vector<16xf32>,
            tpu.vector_store %arg9[%parallel_loop3A_398, %parallel_loop3A_399, %parallel_loop3A_400], %parallel_loop3A_396 {strides = array<i32>} : memref<104x2x128xf32, #tpu.memory_space<vmem>>, vector<16xf32>,
            %parallel_loop3A_402 = arith.constant 1 : i32
            %parallel_loop3A_403 = arith.index_cast %parallel_loop3A_402 : i32 to index
            %parallel_loop3A_404 = arith.index_cast %parallel_loop3A_335 : i32 to index
            %parallel_loop3A_405 = arith.constant 32 : index
            %parallel_loop3A_406 = tpu.vector_load %arg7[%parallel_loop3A_403, %parallel_loop3A_404, %parallel_loop3A_405] {strides = array<i32>} : memref<4x104x64xf32, #tpu.memory_space<vmem>>, vector<16xf32>,
            %parallel_loop3A_407 = arith.mulf %parallel_loop3A_406, %get3A_74 : vector<16xf32>
            %parallel_loop3A_408 = arith.constant 0 : i32
            %parallel_loop3A_409 = arith.index_cast %parallel_loop3A_335 : i32 to index
            %parallel_loop3A_410 = arith.index_cast %parallel_loop3A_408 : i32 to index
            %parallel_loop3A_411 = arith.constant 96 : index
            %parallel_loop3A_412 = tpu.vector_load %arg9[%parallel_loop3A_409, %parallel_loop3A_410, %parallel_loop3A_411] {strides = array<i32>} : memref<104x2x128xf32, #tpu.memory_space<vmem>>, vector<16xf32>,
            tpu.vector_store %arg9[%parallel_loop3A_409, %parallel_loop3A_410, %parallel_loop3A_411], %parallel_loop3A_407 {strides = array<i32>} : memref<104x2x128xf32, #tpu.memory_space<vmem>>, vector<16xf32>,
            %parallel_loop3A_413 = arith.constant 1 : i32
            %parallel_loop3A_414 = arith.index_cast %parallel_loop3A_413 : i32 to index
            %parallel_loop3A_415 = arith.index_cast %parallel_loop3A_335 : i32 to index
            %parallel_loop3A_416 = arith.constant 48 : index
            %parallel_loop3A_417 = tpu.vector_load %arg7[%parallel_loop3A_414, %parallel_loop3A_415, %parallel_loop3A_416] {strides = array<i32>} : memref<4x104x64xf32, #tpu.memory_space<vmem>>, vector<16xf32>,
            %parallel_loop3A_418 = arith.mulf %parallel_loop3A_417, %get3A_76 : vector<16xf32>
            %parallel_loop3A_419 = arith.constant 0 : i32
            %parallel_loop3A_420 = arith.index_cast %parallel_loop3A_335 : i32 to index
            %parallel_loop3A_421 = arith.index_cast %parallel_loop3A_419 : i32 to index
            %parallel_loop3A_422 = arith.constant 112 : index
            %parallel_loop3A_423 = tpu.vector_load %arg9[%parallel_loop3A_420, %parallel_loop3A_421, %parallel_loop3A_422] {strides = array<i32>} : memref<104x2x128xf32, #tpu.memory_space<vmem>>, vector<16xf32>,
            tpu.vector_store %arg9[%parallel_loop3A_420, %parallel_loop3A_421, %parallel_loop3A_422], %parallel_loop3A_418 {strides = array<i32>} : memref<104x2x128xf32, #tpu.memory_space<vmem>>, vector<16xf32>,
            %parallel_loop3A_424 = arith.constant 2 : i32
            %parallel_loop3A_425 = arith.index_cast %parallel_loop3A_424 : i32 to index
            %parallel_loop3A_426 = arith.index_cast %parallel_loop3A_335 : i32 to index
            %parallel_loop3A_427 = arith.constant 0 : index
            %parallel_loop3A_428 = tpu.vector_load %arg7[%parallel_loop3A_425, %parallel_loop3A_426, %parallel_loop3A_427] {strides = array<i32>} : memref<4x104x64xf32, #tpu.memory_space<vmem>>, vector<16xf32>,
            %parallel_loop3A_429 = arith.mulf %parallel_loop3A_428, %get3A_78 : vector<16xf32>
            %parallel_loop3A_430 = arith.constant 1 : i32
            %parallel_loop3A_431 = arith.index_cast %parallel_loop3A_335 : i32 to index
            %parallel_loop3A_432 = arith.index_cast %parallel_loop3A_430 : i32 to index
            %parallel_loop3A_433 = arith.constant 0 : index
            %parallel_loop3A_434 = tpu.vector_load %arg9[%parallel_loop3A_431, %parallel_loop3A_432, %parallel_loop3A_433] {strides = array<i32>} : memref<104x2x128xf32, #tpu.memory_space<vmem>>, vector<16xf32>,
            tpu.vector_store %arg9[%parallel_loop3A_431, %parallel_loop3A_432, %parallel_loop3A_433], %parallel_loop3A_429 {strides = array<i32>} : memref<104x2x128xf32, #tpu.memory_space<vmem>>, vector<16xf32>,
            %parallel_loop3A_435 = arith.constant 2 : i32
            %parallel_loop3A_436 = arith.index_cast %parallel_loop3A_435 : i32 to index
            %parallel_loop3A_437 = arith.index_cast %parallel_loop3A_335 : i32 to index
            %parallel_loop3A_438 = arith.constant 16 : index
            %parallel_loop3A_439 = tpu.vector_load %arg7[%parallel_loop3A_436, %parallel_loop3A_437, %parallel_loop3A_438] {strides = array<i32>} : memref<4x104x64xf32, #tpu.memory_space<vmem>>, vector<16xf32>,
            %parallel_loop3A_440 = arith.mulf %parallel_loop3A_439, %get3A_80 : vector<16xf32>
            %parallel_loop3A_441 = arith.constant 1 : i32
            %parallel_loop3A_442 = arith.index_cast %parallel_loop3A_335 : i32 to index
            %parallel_loop3A_443 = arith.index_cast %parallel_loop3A_441 : i32 to index
            %parallel_loop3A_444 = arith.constant 16 : index
            %parallel_loop3A_445 = tpu.vector_load %arg9[%parallel_loop3A_442, %parallel_loop3A_443, %parallel_loop3A_444] {strides = array<i32>} : memref<104x2x128xf32, #tpu.memory_space<vmem>>, vector<16xf32>,
            tpu.vector_store %arg9[%parallel_loop3A_442, %parallel_loop3A_443, %parallel_loop3A_444], %parallel_loop3A_440 {strides = array<i32>} : memref<104x2x128xf32, #tpu.memory_space<vmem>>, vector<16xf32>,
            %parallel_loop3A_446 = arith.constant 2 : i32
            %parallel_loop3A_447 = arith.index_cast %parallel_loop3A_446 : i32 to index
            %parallel_loop3A_448 = arith.index_cast %parallel_loop3A_335 : i32 to index
            %parallel_loop3A_449 = arith.constant 32 : index
            %parallel_loop3A_450 = tpu.vector_load %arg7[%parallel_loop3A_447, %parallel_loop3A_448, %parallel_loop3A_449] {strides = array<i32>} : memref<4x104x64xf32, #tpu.memory_space<vmem>>, vector<16xf32>,
            %parallel_loop3A_451 = arith.mulf %parallel_loop3A_450, %get3A_82 : vector<16xf32>
            %parallel_loop3A_452 = arith.constant 1 : i32
            %parallel_loop3A_453 = arith.index_cast %parallel_loop3A_335 : i32 to index
            %parallel_loop3A_454 = arith.index_cast %parallel_loop3A_452 : i32 to index
            %parallel_loop3A_455 = arith.constant 32 : index
            %parallel_loop3A_456 = tpu.vector_load %arg9[%parallel_loop3A_453, %parallel_loop3A_454, %parallel_loop3A_455] {strides = array<i32>} : memref<104x2x128xf32, #tpu.memory_space<vmem>>, vector<16xf32>,
            tpu.vector_store %arg9[%parallel_loop3A_453, %parallel_loop3A_454, %parallel_loop3A_455], %parallel_loop3A_451 {strides = array<i32>} : memref<104x2x128xf32, #tpu.memory_space<vmem>>, vector<16xf32>,
            %parallel_loop3A_457 = arith.constant 2 : i32
            %parallel_loop3A_458 = arith.index_cast %parallel_loop3A_457 : i32 to index
            %parallel_loop3A_459 = arith.index_cast %parallel_loop3A_335 : i32 to index
            %parallel_loop3A_460 = arith.constant 48 : index
            %parallel_loop3A_461 = tpu.vector_load %arg7[%parallel_loop3A_458, %parallel_loop3A_459, %parallel_loop3A_460] {strides = array<i32>} : memref<4x104x64xf32, #tpu.memory_space<vmem>>, vector<16xf32>,
            %parallel_loop3A_462 = arith.mulf %parallel_loop3A_461, %get3A_84 : vector<16xf32>
            %parallel_loop3A_463 = arith.constant 1 : i32
            %parallel_loop3A_464 = arith.index_cast %parallel_loop3A_335 : i32 to index
            %parallel_loop3A_465 = arith.index_cast %parallel_loop3A_463 : i32 to index
            %parallel_loop3A_466 = arith.constant 48 : index
            %parallel_loop3A_467 = tpu.vector_load %arg9[%parallel_loop3A_464, %parallel_loop3A_465, %parallel_loop3A_466] {strides = array<i32>} : memref<104x2x128xf32, #tpu.memory_space<vmem>>, vector<16xf32>,
            tpu.vector_store %arg9[%parallel_loop3A_464, %parallel_loop3A_465, %parallel_loop3A_466], %parallel_loop3A_462 {strides = array<i32>} : memref<104x2x128xf32, #tpu.memory_space<vmem>>, vector<16xf32>,
            %parallel_loop3A_468 = arith.constant 3 : i32
            %parallel_loop3A_469 = arith.index_cast %parallel_loop3A_468 : i32 to index
            %parallel_loop3A_470 = arith.index_cast %parallel_loop3A_335 : i32 to index
            %parallel_loop3A_471 = arith.constant 0 : index
            %parallel_loop3A_472 = tpu.vector_load %arg7[%parallel_loop3A_469, %parallel_loop3A_470, %parallel_loop3A_471] {strides = array<i32>} : memref<4x104x64xf32, #tpu.memory_space<vmem>>, vector<16xf32>,
            %parallel_loop3A_473 = arith.mulf %parallel_loop3A_472, %get3A_86 : vector<16xf32>
            %parallel_loop3A_474 = arith.constant 1 : i32
            %parallel_loop3A_475 = arith.index_cast %parallel_loop3A_335 : i32 to index
            %parallel_loop3A_476 = arith.index_cast %parallel_loop3A_474 : i32 to index
            %parallel_loop3A_477 = arith.constant 64 : index
            %parallel_loop3A_478 = tpu.vector_load %arg9[%parallel_loop3A_475, %parallel_loop3A_476, %parallel_loop3A_477] {strides = array<i32>} : memref<104x2x128xf32, #tpu.memory_space<vmem>>, vector<16xf32>,
            tpu.vector_store %arg9[%parallel_loop3A_475, %parallel_loop3A_476, %parallel_loop3A_477], %parallel_loop3A_473 {strides = array<i32>} : memref<104x2x128xf32, #tpu.memory_space<vmem>>, vector<16xf32>,
            %parallel_loop3A_479 = arith.constant 3 : i32
            %parallel_loop3A_480 = arith.index_cast %parallel_loop3A_479 : i32 to index
            %parallel_loop3A_481 = arith.index_cast %parallel_loop3A_335 : i32 to index
            %parallel_loop3A_482 = arith.constant 16 : index
            %parallel_loop3A_483 = tpu.vector_load %arg7[%parallel_loop3A_480, %parallel_loop3A_481, %parallel_loop3A_482] {strides = array<i32>} : memref<4x104x64xf32, #tpu.memory_space<vmem>>, vector<16xf32>,
            %parallel_loop3A_484 = arith.mulf %parallel_loop3A_483, %get3A_88 : vector<16xf32>
            %parallel_loop3A_485 = arith.constant 1 : i32
            %parallel_loop3A_486 = arith.index_cast %parallel_loop3A_335 : i32 to index
            %parallel_loop3A_487 = arith.index_cast %parallel_loop3A_485 : i32 to index
            %parallel_loop3A_488 = arith.constant 80 : index
            %parallel_loop3A_489 = tpu.vector_load %arg9[%parallel_loop3A_486, %parallel_loop3A_487, %parallel_loop3A_488] {strides = array<i32>} : memref<104x2x128xf32, #tpu.memory_space<vmem>>, vector<16xf32>,
            tpu.vector_store %arg9[%parallel_loop3A_486, %parallel_loop3A_487, %parallel_loop3A_488], %parallel_loop3A_484 {strides = array<i32>} : memref<104x2x128xf32, #tpu.memory_space<vmem>>, vector<16xf32>,
            %parallel_loop3A_490 = arith.constant 3 : i32
            %parallel_loop3A_491 = arith.index_cast %parallel_loop3A_490 : i32 to index
            %parallel_loop3A_492 = arith.index_cast %parallel_loop3A_335 : i32 to index
            %parallel_loop3A_493 = arith.constant 32 : index
            %parallel_loop3A_494 = tpu.vector_load %arg7[%parallel_loop3A_491, %parallel_loop3A_492, %parallel_loop3A_493] {strides = array<i32>} : memref<4x104x64xf32, #tpu.memory_space<vmem>>, vector<16xf32>,
            %parallel_loop3A_495 = arith.mulf %parallel_loop3A_494, %get3A_90 : vector<16xf32>
            %parallel_loop3A_496 = arith.constant 1 : i32
            %parallel_loop3A_497 = arith.index_cast %parallel_loop3A_335 : i32 to index
            %parallel_loop3A_498 = arith.index_cast %parallel_loop3A_496 : i32 to index
            %parallel_loop3A_499 = arith.constant 96 : index
            %parallel_loop3A_500 = tpu.vector_load %arg9[%parallel_loop3A_497, %parallel_loop3A_498, %parallel_loop3A_499] {strides = array<i32>} : memref<104x2x128xf32, #tpu.memory_space<vmem>>, vector<16xf32>,
            tpu.vector_store %arg9[%parallel_loop3A_497, %parallel_loop3A_498, %parallel_loop3A_499], %parallel_loop3A_495 {strides = array<i32>} : memref<104x2x128xf32, #tpu.memory_space<vmem>>, vector<16xf32>,
            %parallel_loop3A_501 = arith.constant 3 : i32
            %parallel_loop3A_502 = arith.index_cast %parallel_loop3A_501 : i32 to index
            %parallel_loop3A_503 = arith.index_cast %parallel_loop3A_335 : i32 to index
            %parallel_loop3A_504 = arith.constant 48 : index
            %parallel_loop3A_505 = tpu.vector_load %arg7[%parallel_loop3A_502, %parallel_loop3A_503, %parallel_loop3A_504] {strides = array<i32>} : memref<4x104x64xf32, #tpu.memory_space<vmem>>, vector<16xf32>,
            %parallel_loop3A_506 = arith.mulf %parallel_loop3A_505, %get3A_92 : vector<16xf32>
            %parallel_loop3A_507 = arith.constant 1 : i32
            %parallel_loop3A_508 = arith.index_cast %parallel_loop3A_335 : i32 to index
            %parallel_loop3A_509 = arith.index_cast %parallel_loop3A_507 : i32 to index
            %parallel_loop3A_510 = arith.constant 112 : index
            %parallel_loop3A_511 = tpu.vector_load %arg9[%parallel_loop3A_508, %parallel_loop3A_509, %parallel_loop3A_510] {strides = array<i32>} : memref<104x2x128xf32, #tpu.memory_space<vmem>>, vector<16xf32>,
            tpu.vector_store %arg9[%parallel_loop3A_508, %parallel_loop3A_509, %parallel_loop3A_510], %parallel_loop3A_506 {strides = array<i32>} : memref<104x2x128xf32, #tpu.memory_space<vmem>>, vector<16xf32>,
          } {sc.loop_unroll_factor = 4 : i64, sc.parallel_access}
        } else {
        }
        %ne3A_286 = arith.constant 0 : i32
        %ne3A_287 = arith.cmpi ne, %sub3A_270, %ne3A_286 : i32
        %convert_element_type3A_288 = arith.extui %ne3A_287 : i1 to i32
        %cond3A_289 = arith.constant 0 : i32
        %cond3A_290 = arith.cmpi ne, %convert_element_type3A_288, %cond3A_289 : i32
        scf.if %cond3A_290 {
          %parallel_loop3A_332 = arith.constant 0 : i32
          %parallel_loop3A_333 = arith.constant 104 : i32
          %parallel_loop3A_334 = arith.constant 1 : i32
          scf.for %parallel_loop3A_335 = %parallel_loop3A_332 to %parallel_loop3A_333 step %parallel_loop3A_334  : i32 {
            %parallel_loop3A_336 = arith.addi %parallel_loop3A_335, %sub3A_270 : i32
            %parallel_loop3A_337 = arith.constant 0 : i32
            %parallel_loop3A_338 = arith.constant 103 : i32
            %parallel_loop3A_339 = arith.maxsi %parallel_loop3A_337, %parallel_loop3A_336 : i32
            %parallel_loop3A_340 = arith.minsi %parallel_loop3A_338, %parallel_loop3A_339 : i32
            %parallel_loop3A_341 = arith.constant 0 : i32
            %parallel_loop3A_342 = arith.index_cast %parallel_loop3A_341 : i32 to index
            %parallel_loop3A_343 = arith.index_cast %parallel_loop3A_340 : i32 to index
            %parallel_loop3A_344 = arith.constant 0 : index
            %parallel_loop3A_345 = tpu.vector_load %arg7[%parallel_loop3A_342, %parallel_loop3A_343, %parallel_loop3A_344] {strides = array<i32>} : memref<4x104x64xf32, #tpu.memory_space<vmem>>, vector<16xf32>,
            %parallel_loop3A_346 = arith.mulf %parallel_loop3A_345, %get3A_62 : vector<16xf32>
            %parallel_loop3A_347 = arith.constant 0 : i32
            %parallel_loop3A_348 = arith.index_cast %parallel_loop3A_335 : i32 to index
            %parallel_loop3A_349 = arith.index_cast %parallel_loop3A_347 : i32 to index
            %parallel_loop3A_350 = arith.constant 0 : index
            %parallel_loop3A_351 = tpu.vector_load %arg9[%parallel_loop3A_348, %parallel_loop3A_349, %parallel_loop3A_350] {strides = array<i32>} : memref<104x2x128xf32, #tpu.memory_space<vmem>>, vector<16xf32>,
            tpu.vector_store %arg9[%parallel_loop3A_348, %parallel_loop3A_349, %parallel_loop3A_350], %parallel_loop3A_346 {strides = array<i32>} : memref<104x2x128xf32, #tpu.memory_space<vmem>>, vector<16xf32>,
            %parallel_loop3A_352 = arith.constant 0 : i32
            %parallel_loop3A_353 = arith.index_cast %parallel_loop3A_352 : i32 to index
            %parallel_loop3A_354 = arith.index_cast %parallel_loop3A_340 : i32 to index
            %parallel_loop3A_355 = arith.constant 16 : index
            %parallel_loop3A_356 = tpu.vector_load %arg7[%parallel_loop3A_353, %parallel_loop3A_354, %parallel_loop3A_355] {strides = array<i32>} : memref<4x104x64xf32, #tpu.memory_space<vmem>>, vector<16xf32>,
            %parallel_loop3A_357 = arith.mulf %parallel_loop3A_356, %get3A_64 : vector<16xf32>
            %parallel_loop3A_358 = arith.constant 0 : i32
            %parallel_loop3A_359 = arith.index_cast %parallel_loop3A_335 : i32 to index
            %parallel_loop3A_360 = arith.index_cast %parallel_loop3A_358 : i32 to index
            %parallel_loop3A_361 = arith.constant 16 : index
            %parallel_loop3A_362 = tpu.vector_load %arg9[%parallel_loop3A_359, %parallel_loop3A_360, %parallel_loop3A_361] {strides = array<i32>} : memref<104x2x128xf32, #tpu.memory_space<vmem>>, vector<16xf32>,
            tpu.vector_store %arg9[%parallel_loop3A_359, %parallel_loop3A_360, %parallel_loop3A_361], %parallel_loop3A_357 {strides = array<i32>} : memref<104x2x128xf32, #tpu.memory_space<vmem>>, vector<16xf32>,
            %parallel_loop3A_363 = arith.constant 0 : i32
            %parallel_loop3A_364 = arith.index_cast %parallel_loop3A_363 : i32 to index
            %parallel_loop3A_365 = arith.index_cast %parallel_loop3A_340 : i32 to index
            %parallel_loop3A_366 = arith.constant 32 : index
            %parallel_loop3A_367 = tpu.vector_load %arg7[%parallel_loop3A_364, %parallel_loop3A_365, %parallel_loop3A_366] {strides = array<i32>} : memref<4x104x64xf32, #tpu.memory_space<vmem>>, vector<16xf32>,
            %parallel_loop3A_368 = arith.mulf %parallel_loop3A_367, %get3A_66 : vector<16xf32>
            %parallel_loop3A_369 = arith.constant 0 : i32
            %parallel_loop3A_370 = arith.index_cast %parallel_loop3A_335 : i32 to index
            %parallel_loop3A_371 = arith.index_cast %parallel_loop3A_369 : i32 to index
            %parallel_loop3A_372 = arith.constant 32 : index
            %parallel_loop3A_373 = tpu.vector_load %arg9[%parallel_loop3A_370, %parallel_loop3A_371, %parallel_loop3A_372] {strides = array<i32>} : memref<104x2x128xf32, #tpu.memory_space<vmem>>, vector<16xf32>,
            tpu.vector_store %arg9[%parallel_loop3A_370, %parallel_loop3A_371, %parallel_loop3A_372], %parallel_loop3A_368 {strides = array<i32>} : memref<104x2x128xf32, #tpu.memory_space<vmem>>, vector<16xf32>,
            %parallel_loop3A_374 = arith.constant 0 : i32
            %parallel_loop3A_375 = arith.index_cast %parallel_loop3A_374 : i32 to index
            %parallel_loop3A_376 = arith.index_cast %parallel_loop3A_340 : i32 to index
            %parallel_loop3A_377 = arith.constant 48 : index
            %parallel_loop3A_378 = tpu.vector_load %arg7[%parallel_loop3A_375, %parallel_loop3A_376, %parallel_loop3A_377] {strides = array<i32>} : memref<4x104x64xf32, #tpu.memory_space<vmem>>, vector<16xf32>,
            %parallel_loop3A_379 = arith.mulf %parallel_loop3A_378, %get3A_68 : vector<16xf32>
            %parallel_loop3A_380 = arith.constant 0 : i32
            %parallel_loop3A_381 = arith.index_cast %parallel_loop3A_335 : i32 to index
            %parallel_loop3A_382 = arith.index_cast %parallel_loop3A_380 : i32 to index
            %parallel_loop3A_383 = arith.constant 48 : index
            %parallel_loop3A_384 = tpu.vector_load %arg9[%parallel_loop3A_381, %parallel_loop3A_382, %parallel_loop3A_383] {strides = array<i32>} : memref<104x2x128xf32, #tpu.memory_space<vmem>>, vector<16xf32>,
            tpu.vector_store %arg9[%parallel_loop3A_381, %parallel_loop3A_382, %parallel_loop3A_383], %parallel_loop3A_379 {strides = array<i32>} : memref<104x2x128xf32, #tpu.memory_space<vmem>>, vector<16xf32>,
            %parallel_loop3A_385 = arith.constant 1 : i32
            %parallel_loop3A_386 = arith.index_cast %parallel_loop3A_385 : i32 to index
            %parallel_loop3A_387 = arith.index_cast %parallel_loop3A_340 : i32 to index
            %parallel_loop3A_388 = arith.constant 0 : index
            %parallel_loop3A_389 = tpu.vector_load %arg7[%parallel_loop3A_386, %parallel_loop3A_387, %parallel_loop3A_388] {strides = array<i32>} : memref<4x104x64xf32, #tpu.memory_space<vmem>>, vector<16xf32>,
            %parallel_loop3A_390 = arith.mulf %parallel_loop3A_389, %get3A_70 : vector<16xf32>
            %parallel_loop3A_391 = arith.constant 0 : i32
            %parallel_loop3A_392 = arith.index_cast %parallel_loop3A_335 : i32 to index
            %parallel_loop3A_393 = arith.index_cast %parallel_loop3A_391 : i32 to index
            %parallel_loop3A_394 = arith.constant 64 : index
            %parallel_loop3A_395 = tpu.vector_load %arg9[%parallel_loop3A_392, %parallel_loop3A_393, %parallel_loop3A_394] {strides = array<i32>} : memref<104x2x128xf32, #tpu.memory_space<vmem>>, vector<16xf32>,
            tpu.vector_store %arg9[%parallel_loop3A_392, %parallel_loop3A_393, %parallel_loop3A_394], %parallel_loop3A_390 {strides = array<i32>} : memref<104x2x128xf32, #tpu.memory_space<vmem>>, vector<16xf32>,
            %parallel_loop3A_396 = arith.constant 1 : i32
            %parallel_loop3A_397 = arith.index_cast %parallel_loop3A_396 : i32 to index
            %parallel_loop3A_398 = arith.index_cast %parallel_loop3A_340 : i32 to index
            %parallel_loop3A_399 = arith.constant 16 : index
            %parallel_loop3A_400 = tpu.vector_load %arg7[%parallel_loop3A_397, %parallel_loop3A_398, %parallel_loop3A_399] {strides = array<i32>} : memref<4x104x64xf32, #tpu.memory_space<vmem>>, vector<16xf32>,
            %parallel_loop3A_401 = arith.mulf %parallel_loop3A_400, %get3A_72 : vector<16xf32>
            %parallel_loop3A_402 = arith.constant 0 : i32
            %parallel_loop3A_403 = arith.index_cast %parallel_loop3A_335 : i32 to index
            %parallel_loop3A_404 = arith.index_cast %parallel_loop3A_402 : i32 to index
            %parallel_loop3A_405 = arith.constant 80 : index
            %parallel_loop3A_406 = tpu.vector_load %arg9[%parallel_loop3A_403, %parallel_loop3A_404, %parallel_loop3A_405] {strides = array<i32>} : memref<104x2x128xf32, #tpu.memory_space<vmem>>, vector<16xf32>,
            tpu.vector_store %arg9[%parallel_loop3A_403, %parallel_loop3A_404, %parallel_loop3A_405], %parallel_loop3A_401 {strides = array<i32>} : memref<104x2x128xf32, #tpu.memory_space<vmem>>, vector<16xf32>,
            %parallel_loop3A_407 = arith.constant 1 : i32
            %parallel_loop3A_408 = arith.index_cast %parallel_loop3A_407 : i32 to index
            %parallel_loop3A_409 = arith.index_cast %parallel_loop3A_340 : i32 to index
            %parallel_loop3A_410 = arith.constant 32 : index
            %parallel_loop3A_411 = tpu.vector_load %arg7[%parallel_loop3A_408, %parallel_loop3A_409, %parallel_loop3A_410] {strides = array<i32>} : memref<4x104x64xf32, #tpu.memory_space<vmem>>, vector<16xf32>,
            %parallel_loop3A_412 = arith.mulf %parallel_loop3A_411, %get3A_74 : vector<16xf32>
            %parallel_loop3A_413 = arith.constant 0 : i32
            %parallel_loop3A_414 = arith.index_cast %parallel_loop3A_335 : i32 to index
            %parallel_loop3A_415 = arith.index_cast %parallel_loop3A_413 : i32 to index
            %parallel_loop3A_416 = arith.constant 96 : index
            %parallel_loop3A_417 = tpu.vector_load %arg9[%parallel_loop3A_414, %parallel_loop3A_415, %parallel_loop3A_416] {strides = array<i32>} : memref<104x2x128xf32, #tpu.memory_space<vmem>>, vector<16xf32>,
            tpu.vector_store %arg9[%parallel_loop3A_414, %parallel_loop3A_415, %parallel_loop3A_416], %parallel_loop3A_412 {strides = array<i32>} : memref<104x2x128xf32, #tpu.memory_space<vmem>>, vector<16xf32>,
            %parallel_loop3A_418 = arith.constant 1 : i32
            %parallel_loop3A_419 = arith.index_cast %parallel_loop3A_418 : i32 to index
            %parallel_loop3A_420 = arith.index_cast %parallel_loop3A_340 : i32 to index
            %parallel_loop3A_421 = arith.constant 48 : index
            %parallel_loop3A_422 = tpu.vector_load %arg7[%parallel_loop3A_419, %parallel_loop3A_420, %parallel_loop3A_421] {strides = array<i32>} : memref<4x104x64xf32, #tpu.memory_space<vmem>>, vector<16xf32>,
            %parallel_loop3A_423 = arith.mulf %parallel_loop3A_422, %get3A_76 : vector<16xf32>
            %parallel_loop3A_424 = arith.constant 0 : i32
            %parallel_loop3A_425 = arith.index_cast %parallel_loop3A_335 : i32 to index
            %parallel_loop3A_426 = arith.index_cast %parallel_loop3A_424 : i32 to index
            %parallel_loop3A_427 = arith.constant 112 : index
            %parallel_loop3A_428 = tpu.vector_load %arg9[%parallel_loop3A_425, %parallel_loop3A_426, %parallel_loop3A_427] {strides = array<i32>} : memref<104x2x128xf32, #tpu.memory_space<vmem>>, vector<16xf32>,
            tpu.vector_store %arg9[%parallel_loop3A_425, %parallel_loop3A_426, %parallel_loop3A_427], %parallel_loop3A_423 {strides = array<i32>} : memref<104x2x128xf32, #tpu.memory_space<vmem>>, vector<16xf32>,
            %parallel_loop3A_429 = arith.constant 2 : i32
            %parallel_loop3A_430 = arith.index_cast %parallel_loop3A_429 : i32 to index
            %parallel_loop3A_431 = arith.index_cast %parallel_loop3A_340 : i32 to index
            %parallel_loop3A_432 = arith.constant 0 : index
            %parallel_loop3A_433 = tpu.vector_load %arg7[%parallel_loop3A_430, %parallel_loop3A_431, %parallel_loop3A_432] {strides = array<i32>} : memref<4x104x64xf32, #tpu.memory_space<vmem>>, vector<16xf32>,
            %parallel_loop3A_434 = arith.mulf %parallel_loop3A_433, %get3A_78 : vector<16xf32>
            %parallel_loop3A_435 = arith.constant 1 : i32
            %parallel_loop3A_436 = arith.index_cast %parallel_loop3A_335 : i32 to index
            %parallel_loop3A_437 = arith.index_cast %parallel_loop3A_435 : i32 to index
            %parallel_loop3A_438 = arith.constant 0 : index
            %parallel_loop3A_439 = tpu.vector_load %arg9[%parallel_loop3A_436, %parallel_loop3A_437, %parallel_loop3A_438] {strides = array<i32>} : memref<104x2x128xf32, #tpu.memory_space<vmem>>, vector<16xf32>,
            tpu.vector_store %arg9[%parallel_loop3A_436, %parallel_loop3A_437, %parallel_loop3A_438], %parallel_loop3A_434 {strides = array<i32>} : memref<104x2x128xf32, #tpu.memory_space<vmem>>, vector<16xf32>,
            %parallel_loop3A_440 = arith.constant 2 : i32
            %parallel_loop3A_441 = arith.index_cast %parallel_loop3A_440 : i32 to index
            %parallel_loop3A_442 = arith.index_cast %parallel_loop3A_340 : i32 to index
            %parallel_loop3A_443 = arith.constant 16 : index
            %parallel_loop3A_444 = tpu.vector_load %arg7[%parallel_loop3A_441, %parallel_loop3A_442, %parallel_loop3A_443] {strides = array<i32>} : memref<4x104x64xf32, #tpu.memory_space<vmem>>, vector<16xf32>,
            %parallel_loop3A_445 = arith.mulf %parallel_loop3A_444, %get3A_80 : vector<16xf32>
            %parallel_loop3A_446 = arith.constant 1 : i32
            %parallel_loop3A_447 = arith.index_cast %parallel_loop3A_335 : i32 to index
            %parallel_loop3A_448 = arith.index_cast %parallel_loop3A_446 : i32 to index
            %parallel_loop3A_449 = arith.constant 16 : index
            %parallel_loop3A_450 = tpu.vector_load %arg9[%parallel_loop3A_447, %parallel_loop3A_448, %parallel_loop3A_449] {strides = array<i32>} : memref<104x2x128xf32, #tpu.memory_space<vmem>>, vector<16xf32>,
            tpu.vector_store %arg9[%parallel_loop3A_447, %parallel_loop3A_448, %parallel_loop3A_449], %parallel_loop3A_445 {strides = array<i32>} : memref<104x2x128xf32, #tpu.memory_space<vmem>>, vector<16xf32>,
            %parallel_loop3A_451 = arith.constant 2 : i32
            %parallel_loop3A_452 = arith.index_cast %parallel_loop3A_451 : i32 to index
            %parallel_loop3A_453 = arith.index_cast %parallel_loop3A_340 : i32 to index
            %parallel_loop3A_454 = arith.constant 32 : index
            %parallel_loop3A_455 = tpu.vector_load %arg7[%parallel_loop3A_452, %parallel_loop3A_453, %parallel_loop3A_454] {strides = array<i32>} : memref<4x104x64xf32, #tpu.memory_space<vmem>>, vector<16xf32>,
            %parallel_loop3A_456 = arith.mulf %parallel_loop3A_455, %get3A_82 : vector<16xf32>
            %parallel_loop3A_457 = arith.constant 1 : i32
            %parallel_loop3A_458 = arith.index_cast %parallel_loop3A_335 : i32 to index
            %parallel_loop3A_459 = arith.index_cast %parallel_loop3A_457 : i32 to index
            %parallel_loop3A_460 = arith.constant 32 : index
            %parallel_loop3A_461 = tpu.vector_load %arg9[%parallel_loop3A_458, %parallel_loop3A_459, %parallel_loop3A_460] {strides = array<i32>} : memref<104x2x128xf32, #tpu.memory_space<vmem>>, vector<16xf32>,
            tpu.vector_store %arg9[%parallel_loop3A_458, %parallel_loop3A_459, %parallel_loop3A_460], %parallel_loop3A_456 {strides = array<i32>} : memref<104x2x128xf32, #tpu.memory_space<vmem>>, vector<16xf32>,
            %parallel_loop3A_462 = arith.constant 2 : i32
            %parallel_loop3A_463 = arith.index_cast %parallel_loop3A_462 : i32 to index
            %parallel_loop3A_464 = arith.index_cast %parallel_loop3A_340 : i32 to index
            %parallel_loop3A_465 = arith.constant 48 : index
            %parallel_loop3A_466 = tpu.vector_load %arg7[%parallel_loop3A_463, %parallel_loop3A_464, %parallel_loop3A_465] {strides = array<i32>} : memref<4x104x64xf32, #tpu.memory_space<vmem>>, vector<16xf32>,
            %parallel_loop3A_467 = arith.mulf %parallel_loop3A_466, %get3A_84 : vector<16xf32>
            %parallel_loop3A_468 = arith.constant 1 : i32
            %parallel_loop3A_469 = arith.index_cast %parallel_loop3A_335 : i32 to index
            %parallel_loop3A_470 = arith.index_cast %parallel_loop3A_468 : i32 to index
            %parallel_loop3A_471 = arith.constant 48 : index
            %parallel_loop3A_472 = tpu.vector_load %arg9[%parallel_loop3A_469, %parallel_loop3A_470, %parallel_loop3A_471] {strides = array<i32>} : memref<104x2x128xf32, #tpu.memory_space<vmem>>, vector<16xf32>,
            tpu.vector_store %arg9[%parallel_loop3A_469, %parallel_loop3A_470, %parallel_loop3A_471], %parallel_loop3A_467 {strides = array<i32>} : memref<104x2x128xf32, #tpu.memory_space<vmem>>, vector<16xf32>,
            %parallel_loop3A_473 = arith.constant 3 : i32
            %parallel_loop3A_474 = arith.index_cast %parallel_loop3A_473 : i32 to index
            %parallel_loop3A_475 = arith.index_cast %parallel_loop3A_340 : i32 to index
            %parallel_loop3A_476 = arith.constant 0 : index
            %parallel_loop3A_477 = tpu.vector_load %arg7[%parallel_loop3A_474, %parallel_loop3A_475, %parallel_loop3A_476] {strides = array<i32>} : memref<4x104x64xf32, #tpu.memory_space<vmem>>, vector<16xf32>,
            %parallel_loop3A_478 = arith.mulf %parallel_loop3A_477, %get3A_86 : vector<16xf32>
            %parallel_loop3A_479 = arith.constant 1 : i32
            %parallel_loop3A_480 = arith.index_cast %parallel_loop3A_335 : i32 to index
            %parallel_loop3A_481 = arith.index_cast %parallel_loop3A_479 : i32 to index
            %parallel_loop3A_482 = arith.constant 64 : index
            %parallel_loop3A_483 = tpu.vector_load %arg9[%parallel_loop3A_480, %parallel_loop3A_481, %parallel_loop3A_482] {strides = array<i32>} : memref<104x2x128xf32, #tpu.memory_space<vmem>>, vector<16xf32>,
            tpu.vector_store %arg9[%parallel_loop3A_480, %parallel_loop3A_481, %parallel_loop3A_482], %parallel_loop3A_478 {strides = array<i32>} : memref<104x2x128xf32, #tpu.memory_space<vmem>>, vector<16xf32>,
            %parallel_loop3A_484 = arith.constant 3 : i32
            %parallel_loop3A_485 = arith.index_cast %parallel_loop3A_484 : i32 to index
            %parallel_loop3A_486 = arith.index_cast %parallel_loop3A_340 : i32 to index
            %parallel_loop3A_487 = arith.constant 16 : index
            %parallel_loop3A_488 = tpu.vector_load %arg7[%parallel_loop3A_485, %parallel_loop3A_486, %parallel_loop3A_487] {strides = array<i32>} : memref<4x104x64xf32, #tpu.memory_space<vmem>>, vector<16xf32>,
            %parallel_loop3A_489 = arith.mulf %parallel_loop3A_488, %get3A_88 : vector<16xf32>
            %parallel_loop3A_490 = arith.constant 1 : i32
            %parallel_loop3A_491 = arith.index_cast %parallel_loop3A_335 : i32 to index
            %parallel_loop3A_492 = arith.index_cast %parallel_loop3A_490 : i32 to index
            %parallel_loop3A_493 = arith.constant 80 : index
            %parallel_loop3A_494 = tpu.vector_load %arg9[%parallel_loop3A_491, %parallel_loop3A_492, %parallel_loop3A_493] {strides = array<i32>} : memref<104x2x128xf32, #tpu.memory_space<vmem>>, vector<16xf32>,
            tpu.vector_store %arg9[%parallel_loop3A_491, %parallel_loop3A_492, %parallel_loop3A_493], %parallel_loop3A_489 {strides = array<i32>} : memref<104x2x128xf32, #tpu.memory_space<vmem>>, vector<16xf32>,
            %parallel_loop3A_495 = arith.constant 3 : i32
            %parallel_loop3A_496 = arith.index_cast %parallel_loop3A_495 : i32 to index
            %parallel_loop3A_497 = arith.index_cast %parallel_loop3A_340 : i32 to index
            %parallel_loop3A_498 = arith.constant 32 : index
            %parallel_loop3A_499 = tpu.vector_load %arg7[%parallel_loop3A_496, %parallel_loop3A_497, %parallel_loop3A_498] {strides = array<i32>} : memref<4x104x64xf32, #tpu.memory_space<vmem>>, vector<16xf32>,
            %parallel_loop3A_500 = arith.mulf %parallel_loop3A_499, %get3A_90 : vector<16xf32>
            %parallel_loop3A_501 = arith.constant 1 : i32
            %parallel_loop3A_502 = arith.index_cast %parallel_loop3A_335 : i32 to index
            %parallel_loop3A_503 = arith.index_cast %parallel_loop3A_501 : i32 to index
            %parallel_loop3A_504 = arith.constant 96 : index
            %parallel_loop3A_505 = tpu.vector_load %arg9[%parallel_loop3A_502, %parallel_loop3A_503, %parallel_loop3A_504] {strides = array<i32>} : memref<104x2x128xf32, #tpu.memory_space<vmem>>, vector<16xf32>,
            tpu.vector_store %arg9[%parallel_loop3A_502, %parallel_loop3A_503, %parallel_loop3A_504], %parallel_loop3A_500 {strides = array<i32>} : memref<104x2x128xf32, #tpu.memory_space<vmem>>, vector<16xf32>,
            %parallel_loop3A_506 = arith.constant 3 : i32
            %parallel_loop3A_507 = arith.index_cast %parallel_loop3A_506 : i32 to index
            %parallel_loop3A_508 = arith.index_cast %parallel_loop3A_340 : i32 to index
            %parallel_loop3A_509 = arith.constant 48 : index
            %parallel_loop3A_510 = tpu.vector_load %arg7[%parallel_loop3A_507, %parallel_loop3A_508, %parallel_loop3A_509] {strides = array<i32>} : memref<4x104x64xf32, #tpu.memory_space<vmem>>, vector<16xf32>,
            %parallel_loop3A_511 = arith.mulf %parallel_loop3A_510, %get3A_92 : vector<16xf32>
            %parallel_loop3A_512 = arith.constant 1 : i32
            %parallel_loop3A_513 = arith.index_cast %parallel_loop3A_335 : i32 to index
            %parallel_loop3A_514 = arith.index_cast %parallel_loop3A_512 : i32 to index
            %parallel_loop3A_515 = arith.constant 112 : index
            %parallel_loop3A_516 = tpu.vector_load %arg9[%parallel_loop3A_513, %parallel_loop3A_514, %parallel_loop3A_515] {strides = array<i32>} : memref<104x2x128xf32, #tpu.memory_space<vmem>>, vector<16xf32>,
            tpu.vector_store %arg9[%parallel_loop3A_513, %parallel_loop3A_514, %parallel_loop3A_515], %parallel_loop3A_511 {strides = array<i32>} : memref<104x2x128xf32, #tpu.memory_space<vmem>>, vector<16xf32>,
          } {sc.loop_unroll_factor = 4 : i64, sc.parallel_access}
        } else {
        }
        %add3A_291 = arith.constant 2 : i32
        %add3A_292 = arith.addi %reduce_sum3A_60, %add3A_291 : i32
        %sub3A_293 = arith.subi %add3A_292, %max3A_259 : i32
        %jit3A_294 = arith.constant 0 : i32
        %jit3A_295 = arith.constant 104 : i32
        %max3A_296 = arith.maxsi %jit3A_294, %sub3A_293 : i32
        %min3A_297 = arith.minsi %jit3A_295, %max3A_296 : i32
        %sub3A_298 = arith.constant 104 : i32
        %sub3A_299 = arith.subi %sub3A_298, %min3A_297 : i32
        %parallel_loop3A_300 = arith.constant 0 : i32
        %parallel_loop3A_301 = arith.constant 1 : i32
        scf.for %parallel_loop3A_332 = %parallel_loop3A_300 to %sub3A_299 step %parallel_loop3A_301  : i32 {
          %parallel_loop3A_333 = arith.addi %min3A_297, %parallel_loop3A_332 : i32
          %parallel_loop3A_334 = arith.constant 0 : i32
          %parallel_loop3A_335 = arith.index_cast %parallel_loop3A_333 : i32 to index
          %parallel_loop3A_336 = arith.index_cast %parallel_loop3A_334 : i32 to index
          %parallel_loop3A_337 = arith.constant 0 : index
          %parallel_loop3A_338 = tpu.vector_load %arg9[%parallel_loop3A_335, %parallel_loop3A_336, %parallel_loop3A_337] {strides = array<i32>} : memref<104x2x128xf32, #tpu.memory_space<vmem>>, vector<16xf32>,
          tpu.vector_store %arg9[%parallel_loop3A_335, %parallel_loop3A_336, %parallel_loop3A_337], %broadcast_in_dim3A_93 {strides = array<i32>} : memref<104x2x128xf32, #tpu.memory_space<vmem>>, vector<16xf32>,
          %parallel_loop3A_339 = arith.constant 0 : i32
          %parallel_loop3A_340 = arith.index_cast %parallel_loop3A_333 : i32 to index
          %parallel_loop3A_341 = arith.index_cast %parallel_loop3A_339 : i32 to index
          %parallel_loop3A_342 = arith.constant 16 : index
          %parallel_loop3A_343 = tpu.vector_load %arg9[%parallel_loop3A_340, %parallel_loop3A_341, %parallel_loop3A_342] {strides = array<i32>} : memref<104x2x128xf32, #tpu.memory_space<vmem>>, vector<16xf32>,
          tpu.vector_store %arg9[%parallel_loop3A_340, %parallel_loop3A_341, %parallel_loop3A_342], %broadcast_in_dim3A_93 {strides = array<i32>} : memref<104x2x128xf32, #tpu.memory_space<vmem>>, vector<16xf32>,
          %parallel_loop3A_344 = arith.constant 0 : i32
          %parallel_loop3A_345 = arith.index_cast %parallel_loop3A_333 : i32 to index
          %parallel_loop3A_346 = arith.index_cast %parallel_loop3A_344 : i32 to index
          %parallel_loop3A_347 = arith.constant 32 : index
          %parallel_loop3A_348 = tpu.vector_load %arg9[%parallel_loop3A_345, %parallel_loop3A_346, %parallel_loop3A_347] {strides = array<i32>} : memref<104x2x128xf32, #tpu.memory_space<vmem>>, vector<16xf32>,
          tpu.vector_store %arg9[%parallel_loop3A_345, %parallel_loop3A_346, %parallel_loop3A_347], %broadcast_in_dim3A_93 {strides = array<i32>} : memref<104x2x128xf32, #tpu.memory_space<vmem>>, vector<16xf32>,
          %parallel_loop3A_349 = arith.constant 0 : i32
          %parallel_loop3A_350 = arith.index_cast %parallel_loop3A_333 : i32 to index
          %parallel_loop3A_351 = arith.index_cast %parallel_loop3A_349 : i32 to index
          %parallel_loop3A_352 = arith.constant 48 : index
          %parallel_loop3A_353 = tpu.vector_load %arg9[%parallel_loop3A_350, %parallel_loop3A_351, %parallel_loop3A_352] {strides = array<i32>} : memref<104x2x128xf32, #tpu.memory_space<vmem>>, vector<16xf32>,
          tpu.vector_store %arg9[%parallel_loop3A_350, %parallel_loop3A_351, %parallel_loop3A_352], %broadcast_in_dim3A_93 {strides = array<i32>} : memref<104x2x128xf32, #tpu.memory_space<vmem>>, vector<16xf32>,
          %parallel_loop3A_354 = arith.constant 0 : i32
          %parallel_loop3A_355 = arith.index_cast %parallel_loop3A_333 : i32 to index
          %parallel_loop3A_356 = arith.index_cast %parallel_loop3A_354 : i32 to index
          %parallel_loop3A_357 = arith.constant 64 : index
          %parallel_loop3A_358 = tpu.vector_load %arg9[%parallel_loop3A_355, %parallel_loop3A_356, %parallel_loop3A_357] {strides = array<i32>} : memref<104x2x128xf32, #tpu.memory_space<vmem>>, vector<16xf32>,
          tpu.vector_store %arg9[%parallel_loop3A_355, %parallel_loop3A_356, %parallel_loop3A_357], %broadcast_in_dim3A_93 {strides = array<i32>} : memref<104x2x128xf32, #tpu.memory_space<vmem>>, vector<16xf32>,
          %parallel_loop3A_359 = arith.constant 0 : i32
          %parallel_loop3A_360 = arith.index_cast %parallel_loop3A_333 : i32 to index
          %parallel_loop3A_361 = arith.index_cast %parallel_loop3A_359 : i32 to index
          %parallel_loop3A_362 = arith.constant 80 : index
          %parallel_loop3A_363 = tpu.vector_load %arg9[%parallel_loop3A_360, %parallel_loop3A_361, %parallel_loop3A_362] {strides = array<i32>} : memref<104x2x128xf32, #tpu.memory_space<vmem>>, vector<16xf32>,
          tpu.vector_store %arg9[%parallel_loop3A_360, %parallel_loop3A_361, %parallel_loop3A_362], %broadcast_in_dim3A_93 {strides = array<i32>} : memref<104x2x128xf32, #tpu.memory_space<vmem>>, vector<16xf32>,
          %parallel_loop3A_364 = arith.constant 0 : i32
          %parallel_loop3A_365 = arith.index_cast %parallel_loop3A_333 : i32 to index
          %parallel_loop3A_366 = arith.index_cast %parallel_loop3A_364 : i32 to index
          %parallel_loop3A_367 = arith.constant 96 : index
          %parallel_loop3A_368 = tpu.vector_load %arg9[%parallel_loop3A_365, %parallel_loop3A_366, %parallel_loop3A_367] {strides = array<i32>} : memref<104x2x128xf32, #tpu.memory_space<vmem>>, vector<16xf32>,
          tpu.vector_store %arg9[%parallel_loop3A_365, %parallel_loop3A_366, %parallel_loop3A_367], %broadcast_in_dim3A_93 {strides = array<i32>} : memref<104x2x128xf32, #tpu.memory_space<vmem>>, vector<16xf32>,
          %parallel_loop3A_369 = arith.constant 0 : i32
          %parallel_loop3A_370 = arith.index_cast %parallel_loop3A_333 : i32 to index
          %parallel_loop3A_371 = arith.index_cast %parallel_loop3A_369 : i32 to index
          %parallel_loop3A_372 = arith.constant 112 : index
          %parallel_loop3A_373 = tpu.vector_load %arg9[%parallel_loop3A_370, %parallel_loop3A_371, %parallel_loop3A_372] {strides = array<i32>} : memref<104x2x128xf32, #tpu.memory_space<vmem>>, vector<16xf32>,
          tpu.vector_store %arg9[%parallel_loop3A_370, %parallel_loop3A_371, %parallel_loop3A_372], %broadcast_in_dim3A_93 {strides = array<i32>} : memref<104x2x128xf32, #tpu.memory_space<vmem>>, vector<16xf32>,
          %parallel_loop3A_374 = arith.constant 1 : i32
          %parallel_loop3A_375 = arith.index_cast %parallel_loop3A_333 : i32 to index
          %parallel_loop3A_376 = arith.index_cast %parallel_loop3A_374 : i32 to index
          %parallel_loop3A_377 = arith.constant 0 : index
          %parallel_loop3A_378 = tpu.vector_load %arg9[%parallel_loop3A_375, %parallel_loop3A_376, %parallel_loop3A_377] {strides = array<i32>} : memref<104x2x128xf32, #tpu.memory_space<vmem>>, vector<16xf32>,
          tpu.vector_store %arg9[%parallel_loop3A_375, %parallel_loop3A_376, %parallel_loop3A_377], %broadcast_in_dim3A_93 {strides = array<i32>} : memref<104x2x128xf32, #tpu.memory_space<vmem>>, vector<16xf32>,
          %parallel_loop3A_379 = arith.constant 1 : i32
          %parallel_loop3A_380 = arith.index_cast %parallel_loop3A_333 : i32 to index
          %parallel_loop3A_381 = arith.index_cast %parallel_loop3A_379 : i32 to index
          %parallel_loop3A_382 = arith.constant 16 : index
          %parallel_loop3A_383 = tpu.vector_load %arg9[%parallel_loop3A_380, %parallel_loop3A_381, %parallel_loop3A_382] {strides = array<i32>} : memref<104x2x128xf32, #tpu.memory_space<vmem>>, vector<16xf32>,
          tpu.vector_store %arg9[%parallel_loop3A_380, %parallel_loop3A_381, %parallel_loop3A_382], %broadcast_in_dim3A_93 {strides = array<i32>} : memref<104x2x128xf32, #tpu.memory_space<vmem>>, vector<16xf32>,
          %parallel_loop3A_384 = arith.constant 1 : i32
          %parallel_loop3A_385 = arith.index_cast %parallel_loop3A_333 : i32 to index
          %parallel_loop3A_386 = arith.index_cast %parallel_loop3A_384 : i32 to index
          %parallel_loop3A_387 = arith.constant 32 : index
          %parallel_loop3A_388 = tpu.vector_load %arg9[%parallel_loop3A_385, %parallel_loop3A_386, %parallel_loop3A_387] {strides = array<i32>} : memref<104x2x128xf32, #tpu.memory_space<vmem>>, vector<16xf32>,
          tpu.vector_store %arg9[%parallel_loop3A_385, %parallel_loop3A_386, %parallel_loop3A_387], %broadcast_in_dim3A_93 {strides = array<i32>} : memref<104x2x128xf32, #tpu.memory_space<vmem>>, vector<16xf32>,
          %parallel_loop3A_389 = arith.constant 1 : i32
          %parallel_loop3A_390 = arith.index_cast %parallel_loop3A_333 : i32 to index
          %parallel_loop3A_391 = arith.index_cast %parallel_loop3A_389 : i32 to index
          %parallel_loop3A_392 = arith.constant 48 : index
          %parallel_loop3A_393 = tpu.vector_load %arg9[%parallel_loop3A_390, %parallel_loop3A_391, %parallel_loop3A_392] {strides = array<i32>} : memref<104x2x128xf32, #tpu.memory_space<vmem>>, vector<16xf32>,
          tpu.vector_store %arg9[%parallel_loop3A_390, %parallel_loop3A_391, %parallel_loop3A_392], %broadcast_in_dim3A_93 {strides = array<i32>} : memref<104x2x128xf32, #tpu.memory_space<vmem>>, vector<16xf32>,
          %parallel_loop3A_394 = arith.constant 1 : i32
          %parallel_loop3A_395 = arith.index_cast %parallel_loop3A_333 : i32 to index
          %parallel_loop3A_396 = arith.index_cast %parallel_loop3A_394 : i32 to index
          %parallel_loop3A_397 = arith.constant 64 : index
          %parallel_loop3A_398 = tpu.vector_load %arg9[%parallel_loop3A_395, %parallel_loop3A_396, %parallel_loop3A_397] {strides = array<i32>} : memref<104x2x128xf32, #tpu.memory_space<vmem>>, vector<16xf32>,
          tpu.vector_store %arg9[%parallel_loop3A_395, %parallel_loop3A_396, %parallel_loop3A_397], %broadcast_in_dim3A_93 {strides = array<i32>} : memref<104x2x128xf32, #tpu.memory_space<vmem>>, vector<16xf32>,
          %parallel_loop3A_399 = arith.constant 1 : i32
          %parallel_loop3A_400 = arith.index_cast %parallel_loop3A_333 : i32 to index
          %parallel_loop3A_401 = arith.index_cast %parallel_loop3A_399 : i32 to index
          %parallel_loop3A_402 = arith.constant 80 : index
          %parallel_loop3A_403 = tpu.vector_load %arg9[%parallel_loop3A_400, %parallel_loop3A_401, %parallel_loop3A_402] {strides = array<i32>} : memref<104x2x128xf32, #tpu.memory_space<vmem>>, vector<16xf32>,
          tpu.vector_store %arg9[%parallel_loop3A_400, %parallel_loop3A_401, %parallel_loop3A_402], %broadcast_in_dim3A_93 {strides = array<i32>} : memref<104x2x128xf32, #tpu.memory_space<vmem>>, vector<16xf32>,
          %parallel_loop3A_404 = arith.constant 1 : i32
          %parallel_loop3A_405 = arith.index_cast %parallel_loop3A_333 : i32 to index
          %parallel_loop3A_406 = arith.index_cast %parallel_loop3A_404 : i32 to index
          %parallel_loop3A_407 = arith.constant 96 : index
          %parallel_loop3A_408 = tpu.vector_load %arg9[%parallel_loop3A_405, %parallel_loop3A_406, %parallel_loop3A_407] {strides = array<i32>} : memref<104x2x128xf32, #tpu.memory_space<vmem>>, vector<16xf32>,
          tpu.vector_store %arg9[%parallel_loop3A_405, %parallel_loop3A_406, %parallel_loop3A_407], %broadcast_in_dim3A_93 {strides = array<i32>} : memref<104x2x128xf32, #tpu.memory_space<vmem>>, vector<16xf32>,
          %parallel_loop3A_409 = arith.constant 1 : i32
          %parallel_loop3A_410 = arith.index_cast %parallel_loop3A_333 : i32 to index
          %parallel_loop3A_411 = arith.index_cast %parallel_loop3A_409 : i32 to index
          %parallel_loop3A_412 = arith.constant 112 : index
          %parallel_loop3A_413 = tpu.vector_load %arg9[%parallel_loop3A_410, %parallel_loop3A_411, %parallel_loop3A_412] {strides = array<i32>} : memref<104x2x128xf32, #tpu.memory_space<vmem>>, vector<16xf32>,
          tpu.vector_store %arg9[%parallel_loop3A_410, %parallel_loop3A_411, %parallel_loop3A_412], %broadcast_in_dim3A_93 {strides = array<i32>} : memref<104x2x128xf32, #tpu.memory_space<vmem>>, vector<16xf32>,
        } {sc.loop_unroll_factor = 2 : i64, sc.parallel_access}
        %add3A_302 = arith.constant 1 : i32
        %add3A_303 = arith.addi %reduce_sum3A_60, %add3A_302 : i32
        %ge3A_304 = arith.cmpi sge, %add3A_303, %max3A_259 : i32
        %add3A_305 = arith.constant 1 : i32
        %add3A_306 = arith.addi %reduce_sum3A_60, %add3A_305 : i32
        %add3A_307 = arith.constant 104 : i32
        %add3A_308 = arith.addi %max3A_259, %add3A_307 : i32
        %lt3A_309 = arith.cmpi slt, %add3A_306, %add3A_308 : i32
        %and3A_310 = arith.andi %ge3A_304, %lt3A_309 : i1
        %convert_element_type3A_311 = arith.extui %and3A_310 : i1 to i32
        %cond3A_312 = arith.constant 0 : i32
        %cond3A_313 = arith.cmpi ne, %convert_element_type3A_311, %cond3A_312 : i32
        scf.if %cond3A_313 {
          %add3A_332 = arith.constant 1 : i32
          %add3A_333 = arith.addi %reduce_sum3A_60, %add3A_332 : i32
          %sub3A_334 = arith.subi %add3A_333, %max3A_259 : i32
          %swap3A = arith.constant 0 : i32
          %swap3A_335 = arith.index_cast %sub3A_334 : i32 to index
          %swap3A_336 = arith.index_cast %swap3A : i32 to index
          %swap3A_337 = arith.constant 0 : index
          %swap3A_338 = tpu.vector_load %arg9[%swap3A_335, %swap3A_336, %swap3A_337] {strides = array<i32>} : memref<104x2x128xf32, #tpu.memory_space<vmem>>, vector<16xf32>,
          tpu.vector_store %arg9[%swap3A_335, %swap3A_336, %swap3A_337], %add3A_99 {strides = array<i32>} : memref<104x2x128xf32, #tpu.memory_space<vmem>>, vector<16xf32>,
          %swap3A_339 = arith.constant 0 : i32
          %swap3A_340 = arith.index_cast %sub3A_334 : i32 to index
          %swap3A_341 = arith.index_cast %swap3A_339 : i32 to index
          %swap3A_342 = arith.constant 16 : index
          %swap3A_343 = tpu.vector_load %arg9[%swap3A_340, %swap3A_341, %swap3A_342] {strides = array<i32>} : memref<104x2x128xf32, #tpu.memory_space<vmem>>, vector<16xf32>,
          tpu.vector_store %arg9[%swap3A_340, %swap3A_341, %swap3A_342], %add3A_99 {strides = array<i32>} : memref<104x2x128xf32, #tpu.memory_space<vmem>>, vector<16xf32>,
          %swap3A_344 = arith.constant 0 : i32
          %swap3A_345 = arith.index_cast %sub3A_334 : i32 to index
          %swap3A_346 = arith.index_cast %swap3A_344 : i32 to index
          %swap3A_347 = arith.constant 32 : index
          %swap3A_348 = tpu.vector_load %arg9[%swap3A_345, %swap3A_346, %swap3A_347] {strides = array<i32>} : memref<104x2x128xf32, #tpu.memory_space<vmem>>, vector<16xf32>,
          tpu.vector_store %arg9[%swap3A_345, %swap3A_346, %swap3A_347], %add3A_99 {strides = array<i32>} : memref<104x2x128xf32, #tpu.memory_space<vmem>>, vector<16xf32>,
          %swap3A_349 = arith.constant 0 : i32
          %swap3A_350 = arith.index_cast %sub3A_334 : i32 to index
          %swap3A_351 = arith.index_cast %swap3A_349 : i32 to index
          %swap3A_352 = arith.constant 48 : index
          %swap3A_353 = tpu.vector_load %arg9[%swap3A_350, %swap3A_351, %swap3A_352] {strides = array<i32>} : memref<104x2x128xf32, #tpu.memory_space<vmem>>, vector<16xf32>,
          tpu.vector_store %arg9[%swap3A_350, %swap3A_351, %swap3A_352], %add3A_99 {strides = array<i32>} : memref<104x2x128xf32, #tpu.memory_space<vmem>>, vector<16xf32>,
          %swap3A_354 = arith.constant 0 : i32
          %swap3A_355 = arith.index_cast %sub3A_334 : i32 to index
          %swap3A_356 = arith.index_cast %swap3A_354 : i32 to index
          %swap3A_357 = arith.constant 64 : index
          %swap3A_358 = tpu.vector_load %arg9[%swap3A_355, %swap3A_356, %swap3A_357] {strides = array<i32>} : memref<104x2x128xf32, #tpu.memory_space<vmem>>, vector<16xf32>,
          tpu.vector_store %arg9[%swap3A_355, %swap3A_356, %swap3A_357], %add3A_99 {strides = array<i32>} : memref<104x2x128xf32, #tpu.memory_space<vmem>>, vector<16xf32>,
          %swap3A_359 = arith.constant 0 : i32
          %swap3A_360 = arith.index_cast %sub3A_334 : i32 to index
          %swap3A_361 = arith.index_cast %swap3A_359 : i32 to index
          %swap3A_362 = arith.constant 80 : index
          %swap3A_363 = tpu.vector_load %arg9[%swap3A_360, %swap3A_361, %swap3A_362] {strides = array<i32>} : memref<104x2x128xf32, #tpu.memory_space<vmem>>, vector<16xf32>,
          tpu.vector_store %arg9[%swap3A_360, %swap3A_361, %swap3A_362], %add3A_99 {strides = array<i32>} : memref<104x2x128xf32, #tpu.memory_space<vmem>>, vector<16xf32>,
          %swap3A_364 = arith.constant 0 : i32
          %swap3A_365 = arith.index_cast %sub3A_334 : i32 to index
          %swap3A_366 = arith.index_cast %swap3A_364 : i32 to index
          %swap3A_367 = arith.constant 96 : index
          %swap3A_368 = tpu.vector_load %arg9[%swap3A_365, %swap3A_366, %swap3A_367] {strides = array<i32>} : memref<104x2x128xf32, #tpu.memory_space<vmem>>, vector<16xf32>,
          tpu.vector_store %arg9[%swap3A_365, %swap3A_366, %swap3A_367], %add3A_99 {strides = array<i32>} : memref<104x2x128xf32, #tpu.memory_space<vmem>>, vector<16xf32>,
          %swap3A_369 = arith.constant 0 : i32
          %swap3A_370 = arith.index_cast %sub3A_334 : i32 to index
          %swap3A_371 = arith.index_cast %swap3A_369 : i32 to index
          %swap3A_372 = arith.constant 112 : index
          %swap3A_373 = tpu.vector_load %arg9[%swap3A_370, %swap3A_371, %swap3A_372] {strides = array<i32>} : memref<104x2x128xf32, #tpu.memory_space<vmem>>, vector<16xf32>,
          tpu.vector_store %arg9[%swap3A_370, %swap3A_371, %swap3A_372], %add3A_99 {strides = array<i32>} : memref<104x2x128xf32, #tpu.memory_space<vmem>>, vector<16xf32>,
          %swap3A_374 = arith.constant 1 : i32
          %swap3A_375 = arith.index_cast %sub3A_334 : i32 to index
          %swap3A_376 = arith.index_cast %swap3A_374 : i32 to index
          %swap3A_377 = arith.constant 0 : index
          %swap3A_378 = tpu.vector_load %arg9[%swap3A_375, %swap3A_376, %swap3A_377] {strides = array<i32>} : memref<104x2x128xf32, #tpu.memory_space<vmem>>, vector<16xf32>,
          tpu.vector_store %arg9[%swap3A_375, %swap3A_376, %swap3A_377], %add3A_99 {strides = array<i32>} : memref<104x2x128xf32, #tpu.memory_space<vmem>>, vector<16xf32>,
          %swap3A_379 = arith.constant 1 : i32
          %swap3A_380 = arith.index_cast %sub3A_334 : i32 to index
          %swap3A_381 = arith.index_cast %swap3A_379 : i32 to index
          %swap3A_382 = arith.constant 16 : index
          %swap3A_383 = tpu.vector_load %arg9[%swap3A_380, %swap3A_381, %swap3A_382] {strides = array<i32>} : memref<104x2x128xf32, #tpu.memory_space<vmem>>, vector<16xf32>,
          tpu.vector_store %arg9[%swap3A_380, %swap3A_381, %swap3A_382], %add3A_99 {strides = array<i32>} : memref<104x2x128xf32, #tpu.memory_space<vmem>>, vector<16xf32>,
          %swap3A_384 = arith.constant 1 : i32
          %swap3A_385 = arith.index_cast %sub3A_334 : i32 to index
          %swap3A_386 = arith.index_cast %swap3A_384 : i32 to index
          %swap3A_387 = arith.constant 32 : index
          %swap3A_388 = tpu.vector_load %arg9[%swap3A_385, %swap3A_386, %swap3A_387] {strides = array<i32>} : memref<104x2x128xf32, #tpu.memory_space<vmem>>, vector<16xf32>,
          tpu.vector_store %arg9[%swap3A_385, %swap3A_386, %swap3A_387], %add3A_99 {strides = array<i32>} : memref<104x2x128xf32, #tpu.memory_space<vmem>>, vector<16xf32>,
          %swap3A_389 = arith.constant 1 : i32
          %swap3A_390 = arith.index_cast %sub3A_334 : i32 to index
          %swap3A_391 = arith.index_cast %swap3A_389 : i32 to index
          %swap3A_392 = arith.constant 48 : index
          %swap3A_393 = tpu.vector_load %arg9[%swap3A_390, %swap3A_391, %swap3A_392] {strides = array<i32>} : memref<104x2x128xf32, #tpu.memory_space<vmem>>, vector<16xf32>,
          tpu.vector_store %arg9[%swap3A_390, %swap3A_391, %swap3A_392], %add3A_99 {strides = array<i32>} : memref<104x2x128xf32, #tpu.memory_space<vmem>>, vector<16xf32>,
          %swap3A_394 = arith.constant 1 : i32
          %swap3A_395 = arith.index_cast %sub3A_334 : i32 to index
          %swap3A_396 = arith.index_cast %swap3A_394 : i32 to index
          %swap3A_397 = arith.constant 64 : index
          %swap3A_398 = tpu.vector_load %arg9[%swap3A_395, %swap3A_396, %swap3A_397] {strides = array<i32>} : memref<104x2x128xf32, #tpu.memory_space<vmem>>, vector<16xf32>,
          tpu.vector_store %arg9[%swap3A_395, %swap3A_396, %swap3A_397], %add3A_99 {strides = array<i32>} : memref<104x2x128xf32, #tpu.memory_space<vmem>>, vector<16xf32>,
          %swap3A_399 = arith.constant 1 : i32
          %swap3A_400 = arith.index_cast %sub3A_334 : i32 to index
          %swap3A_401 = arith.index_cast %swap3A_399 : i32 to index
          %swap3A_402 = arith.constant 80 : index
          %swap3A_403 = tpu.vector_load %arg9[%swap3A_400, %swap3A_401, %swap3A_402] {strides = array<i32>} : memref<104x2x128xf32, #tpu.memory_space<vmem>>, vector<16xf32>,
          tpu.vector_store %arg9[%swap3A_400, %swap3A_401, %swap3A_402], %add3A_99 {strides = array<i32>} : memref<104x2x128xf32, #tpu.memory_space<vmem>>, vector<16xf32>,
          %swap3A_404 = arith.constant 1 : i32
          %swap3A_405 = arith.index_cast %sub3A_334 : i32 to index
          %swap3A_406 = arith.index_cast %swap3A_404 : i32 to index
          %swap3A_407 = arith.constant 96 : index
          %swap3A_408 = tpu.vector_load %arg9[%swap3A_405, %swap3A_406, %swap3A_407] {strides = array<i32>} : memref<104x2x128xf32, #tpu.memory_space<vmem>>, vector<16xf32>,
          tpu.vector_store %arg9[%swap3A_405, %swap3A_406, %swap3A_407], %add3A_99 {strides = array<i32>} : memref<104x2x128xf32, #tpu.memory_space<vmem>>, vector<16xf32>,
          %swap3A_409 = arith.constant 1 : i32
          %swap3A_410 = arith.index_cast %sub3A_334 : i32 to index
          %swap3A_411 = arith.index_cast %swap3A_409 : i32 to index
          %swap3A_412 = arith.constant 112 : index
          %swap3A_413 = tpu.vector_load %arg9[%swap3A_410, %swap3A_411, %swap3A_412] {strides = array<i32>} : memref<104x2x128xf32, #tpu.memory_space<vmem>>, vector<16xf32>,
          tpu.vector_store %arg9[%swap3A_410, %swap3A_411, %swap3A_412], %add3A_99 {strides = array<i32>} : memref<104x2x128xf32, #tpu.memory_space<vmem>>, vector<16xf32>,
        } else {
        }
        %eq3A_314 = arith.constant 0 : i32
        %eq3A_315 = arith.cmpi eq, %max3A_259, %eq3A_314 : i32
        %convert_element_type3A_316 = arith.extui %eq3A_315 : i1 to i32
        %cond3A_317 = arith.constant 0 : i32
        %cond3A_318 = arith.cmpi ne, %convert_element_type3A_316, %cond3A_317 : i32
        scf.if %cond3A_318 {
          %swap3A = arith.constant 0 : i32
          %swap3A_332 = arith.constant 0 : i32
          %swap3A_333 = arith.index_cast %swap3A : i32 to index
          %swap3A_334 = arith.index_cast %swap3A_332 : i32 to index
          %swap3A_335 = arith.constant 0 : index
          %swap3A_336 = tpu.vector_load %arg9[%swap3A_333, %swap3A_334, %swap3A_335] {strides = array<i32>} : memref<104x2x128xf32, #tpu.memory_space<vmem>>, vector<16xf32>,
          tpu.vector_store %arg9[%swap3A_333, %swap3A_334, %swap3A_335], %add3A_96 {strides = array<i32>} : memref<104x2x128xf32, #tpu.memory_space<vmem>>, vector<16xf32>,
          %swap3A_337 = arith.constant 0 : i32
          %swap3A_338 = arith.constant 0 : i32
          %swap3A_339 = arith.index_cast %swap3A_337 : i32 to index
          %swap3A_340 = arith.index_cast %swap3A_338 : i32 to index
          %swap3A_341 = arith.constant 16 : index
          %swap3A_342 = tpu.vector_load %arg9[%swap3A_339, %swap3A_340, %swap3A_341] {strides = array<i32>} : memref<104x2x128xf32, #tpu.memory_space<vmem>>, vector<16xf32>,
          tpu.vector_store %arg9[%swap3A_339, %swap3A_340, %swap3A_341], %add3A_96 {strides = array<i32>} : memref<104x2x128xf32, #tpu.memory_space<vmem>>, vector<16xf32>,
          %swap3A_343 = arith.constant 0 : i32
          %swap3A_344 = arith.constant 0 : i32
          %swap3A_345 = arith.index_cast %swap3A_343 : i32 to index
          %swap3A_346 = arith.index_cast %swap3A_344 : i32 to index
          %swap3A_347 = arith.constant 32 : index
          %swap3A_348 = tpu.vector_load %arg9[%swap3A_345, %swap3A_346, %swap3A_347] {strides = array<i32>} : memref<104x2x128xf32, #tpu.memory_space<vmem>>, vector<16xf32>,
          tpu.vector_store %arg9[%swap3A_345, %swap3A_346, %swap3A_347], %add3A_96 {strides = array<i32>} : memref<104x2x128xf32, #tpu.memory_space<vmem>>, vector<16xf32>,
          %swap3A_349 = arith.constant 0 : i32
          %swap3A_350 = arith.constant 0 : i32
          %swap3A_351 = arith.index_cast %swap3A_349 : i32 to index
          %swap3A_352 = arith.index_cast %swap3A_350 : i32 to index
          %swap3A_353 = arith.constant 48 : index
          %swap3A_354 = tpu.vector_load %arg9[%swap3A_351, %swap3A_352, %swap3A_353] {strides = array<i32>} : memref<104x2x128xf32, #tpu.memory_space<vmem>>, vector<16xf32>,
          tpu.vector_store %arg9[%swap3A_351, %swap3A_352, %swap3A_353], %add3A_96 {strides = array<i32>} : memref<104x2x128xf32, #tpu.memory_space<vmem>>, vector<16xf32>,
          %swap3A_355 = arith.constant 0 : i32
          %swap3A_356 = arith.constant 0 : i32
          %swap3A_357 = arith.index_cast %swap3A_355 : i32 to index
          %swap3A_358 = arith.index_cast %swap3A_356 : i32 to index
          %swap3A_359 = arith.constant 64 : index
          %swap3A_360 = tpu.vector_load %arg9[%swap3A_357, %swap3A_358, %swap3A_359] {strides = array<i32>} : memref<104x2x128xf32, #tpu.memory_space<vmem>>, vector<16xf32>,
          tpu.vector_store %arg9[%swap3A_357, %swap3A_358, %swap3A_359], %add3A_96 {strides = array<i32>} : memref<104x2x128xf32, #tpu.memory_space<vmem>>, vector<16xf32>,
          %swap3A_361 = arith.constant 0 : i32
          %swap3A_362 = arith.constant 0 : i32
          %swap3A_363 = arith.index_cast %swap3A_361 : i32 to index
          %swap3A_364 = arith.index_cast %swap3A_362 : i32 to index
          %swap3A_365 = arith.constant 80 : index
          %swap3A_366 = tpu.vector_load %arg9[%swap3A_363, %swap3A_364, %swap3A_365] {strides = array<i32>} : memref<104x2x128xf32, #tpu.memory_space<vmem>>, vector<16xf32>,
          tpu.vector_store %arg9[%swap3A_363, %swap3A_364, %swap3A_365], %add3A_96 {strides = array<i32>} : memref<104x2x128xf32, #tpu.memory_space<vmem>>, vector<16xf32>,
          %swap3A_367 = arith.constant 0 : i32
          %swap3A_368 = arith.constant 0 : i32
          %swap3A_369 = arith.index_cast %swap3A_367 : i32 to index
          %swap3A_370 = arith.index_cast %swap3A_368 : i32 to index
          %swap3A_371 = arith.constant 96 : index
          %swap3A_372 = tpu.vector_load %arg9[%swap3A_369, %swap3A_370, %swap3A_371] {strides = array<i32>} : memref<104x2x128xf32, #tpu.memory_space<vmem>>, vector<16xf32>,
          tpu.vector_store %arg9[%swap3A_369, %swap3A_370, %swap3A_371], %add3A_96 {strides = array<i32>} : memref<104x2x128xf32, #tpu.memory_space<vmem>>, vector<16xf32>,
          %swap3A_373 = arith.constant 0 : i32
          %swap3A_374 = arith.constant 0 : i32
          %swap3A_375 = arith.index_cast %swap3A_373 : i32 to index
          %swap3A_376 = arith.index_cast %swap3A_374 : i32 to index
          %swap3A_377 = arith.constant 112 : index
          %swap3A_378 = tpu.vector_load %arg9[%swap3A_375, %swap3A_376, %swap3A_377] {strides = array<i32>} : memref<104x2x128xf32, #tpu.memory_space<vmem>>, vector<16xf32>,
          tpu.vector_store %arg9[%swap3A_375, %swap3A_376, %swap3A_377], %add3A_96 {strides = array<i32>} : memref<104x2x128xf32, #tpu.memory_space<vmem>>, vector<16xf32>,
          %swap3A_379 = arith.constant 0 : i32
          %swap3A_380 = arith.constant 1 : i32
          %swap3A_381 = arith.index_cast %swap3A_379 : i32 to index
          %swap3A_382 = arith.index_cast %swap3A_380 : i32 to index
          %swap3A_383 = arith.constant 0 : index
          %swap3A_384 = tpu.vector_load %arg9[%swap3A_381, %swap3A_382, %swap3A_383] {strides = array<i32>} : memref<104x2x128xf32, #tpu.memory_space<vmem>>, vector<16xf32>,
          tpu.vector_store %arg9[%swap3A_381, %swap3A_382, %swap3A_383], %add3A_96 {strides = array<i32>} : memref<104x2x128xf32, #tpu.memory_space<vmem>>, vector<16xf32>,
          %swap3A_385 = arith.constant 0 : i32
          %swap3A_386 = arith.constant 1 : i32
          %swap3A_387 = arith.index_cast %swap3A_385 : i32 to index
          %swap3A_388 = arith.index_cast %swap3A_386 : i32 to index
          %swap3A_389 = arith.constant 16 : index
          %swap3A_390 = tpu.vector_load %arg9[%swap3A_387, %swap3A_388, %swap3A_389] {strides = array<i32>} : memref<104x2x128xf32, #tpu.memory_space<vmem>>, vector<16xf32>,
          tpu.vector_store %arg9[%swap3A_387, %swap3A_388, %swap3A_389], %add3A_96 {strides = array<i32>} : memref<104x2x128xf32, #tpu.memory_space<vmem>>, vector<16xf32>,
          %swap3A_391 = arith.constant 0 : i32
          %swap3A_392 = arith.constant 1 : i32
          %swap3A_393 = arith.index_cast %swap3A_391 : i32 to index
          %swap3A_394 = arith.index_cast %swap3A_392 : i32 to index
          %swap3A_395 = arith.constant 32 : index
          %swap3A_396 = tpu.vector_load %arg9[%swap3A_393, %swap3A_394, %swap3A_395] {strides = array<i32>} : memref<104x2x128xf32, #tpu.memory_space<vmem>>, vector<16xf32>,
          tpu.vector_store %arg9[%swap3A_393, %swap3A_394, %swap3A_395], %add3A_96 {strides = array<i32>} : memref<104x2x128xf32, #tpu.memory_space<vmem>>, vector<16xf32>,
          %swap3A_397 = arith.constant 0 : i32
          %swap3A_398 = arith.constant 1 : i32
          %swap3A_399 = arith.index_cast %swap3A_397 : i32 to index
          %swap3A_400 = arith.index_cast %swap3A_398 : i32 to index
          %swap3A_401 = arith.constant 48 : index
          %swap3A_402 = tpu.vector_load %arg9[%swap3A_399, %swap3A_400, %swap3A_401] {strides = array<i32>} : memref<104x2x128xf32, #tpu.memory_space<vmem>>, vector<16xf32>,
          tpu.vector_store %arg9[%swap3A_399, %swap3A_400, %swap3A_401], %add3A_96 {strides = array<i32>} : memref<104x2x128xf32, #tpu.memory_space<vmem>>, vector<16xf32>,
          %swap3A_403 = arith.constant 0 : i32
          %swap3A_404 = arith.constant 1 : i32
          %swap3A_405 = arith.index_cast %swap3A_403 : i32 to index
          %swap3A_406 = arith.index_cast %swap3A_404 : i32 to index
          %swap3A_407 = arith.constant 64 : index
          %swap3A_408 = tpu.vector_load %arg9[%swap3A_405, %swap3A_406, %swap3A_407] {strides = array<i32>} : memref<104x2x128xf32, #tpu.memory_space<vmem>>, vector<16xf32>,
          tpu.vector_store %arg9[%swap3A_405, %swap3A_406, %swap3A_407], %add3A_96 {strides = array<i32>} : memref<104x2x128xf32, #tpu.memory_space<vmem>>, vector<16xf32>,
          %swap3A_409 = arith.constant 0 : i32
          %swap3A_410 = arith.constant 1 : i32
          %swap3A_411 = arith.index_cast %swap3A_409 : i32 to index
          %swap3A_412 = arith.index_cast %swap3A_410 : i32 to index
          %swap3A_413 = arith.constant 80 : index
          %swap3A_414 = tpu.vector_load %arg9[%swap3A_411, %swap3A_412, %swap3A_413] {strides = array<i32>} : memref<104x2x128xf32, #tpu.memory_space<vmem>>, vector<16xf32>,
          tpu.vector_store %arg9[%swap3A_411, %swap3A_412, %swap3A_413], %add3A_96 {strides = array<i32>} : memref<104x2x128xf32, #tpu.memory_space<vmem>>, vector<16xf32>,
          %swap3A_415 = arith.constant 0 : i32
          %swap3A_416 = arith.constant 1 : i32
          %swap3A_417 = arith.index_cast %swap3A_415 : i32 to index
          %swap3A_418 = arith.index_cast %swap3A_416 : i32 to index
          %swap3A_419 = arith.constant 96 : index
          %swap3A_420 = tpu.vector_load %arg9[%swap3A_417, %swap3A_418, %swap3A_419] {strides = array<i32>} : memref<104x2x128xf32, #tpu.memory_space<vmem>>, vector<16xf32>,
          tpu.vector_store %arg9[%swap3A_417, %swap3A_418, %swap3A_419], %add3A_96 {strides = array<i32>} : memref<104x2x128xf32, #tpu.memory_space<vmem>>, vector<16xf32>,
          %swap3A_421 = arith.constant 0 : i32
          %swap3A_422 = arith.constant 1 : i32
          %swap3A_423 = arith.index_cast %swap3A_421 : i32 to index
          %swap3A_424 = arith.index_cast %swap3A_422 : i32 to index
          %swap3A_425 = arith.constant 112 : index
          %swap3A_426 = tpu.vector_load %arg9[%swap3A_423, %swap3A_424, %swap3A_425] {strides = array<i32>} : memref<104x2x128xf32, #tpu.memory_space<vmem>>, vector<16xf32>,
          tpu.vector_store %arg9[%swap3A_423, %swap3A_424, %swap3A_425], %add3A_96 {strides = array<i32>} : memref<104x2x128xf32, #tpu.memory_space<vmem>>, vector<16xf32>,
        } else {
        }
        %dma_start3A = arith.constant 0 : i32
        %dma_start3A_319 = arith.constant 0 : i32
        %dma_start3A_320 = tpu.memref_slice %arg6[%max3A_259, %select_n3A_30, %dma_start3A, %select_n3A_46, %dma_start3A_319] : memref<4098x2x2x8x128xf32, #tpu.memory_space<hbm>> -> memref<104x1x2x1x128xf32, #tpu.memory_space<hbm>>
        %dma_start3A_321 = tpu.memref_squeeze %dma_start3A_320 : memref<104x1x2x1x128xf32, #tpu.memory_space<hbm>> -> memref<104x2x128xf32, #tpu.memory_space<hbm>>
        %dma_start3A_322 = arith.constant 0 : i32
        %dma_start3A_323 = arith.constant 0 : i32
        %dma_start3A_324 = tpu.memref_slice %arg6[%max3A_259, %select_n3A_30, %dma_start3A_322, %select_n3A_46, %dma_start3A_323] : memref<4098x2x2x8x128xf32, #tpu.memory_space<hbm>> -> memref<104x1x2x1x128xf32, #tpu.memory_space<hbm>>
        %dma_start3A_325 = tpu.memref_squeeze %dma_start3A_324 : memref<104x1x2x1x128xf32, #tpu.memory_space<hbm>> -> memref<104x2x128xf32, #tpu.memory_space<hbm>>
        tpu.enqueue_dma source(%arg9 : memref<104x2x128xf32, #tpu.memory_space<vmem>>) target(%dma_start3A_325 : memref<104x2x128xf32, #tpu.memory_space<hbm>>) target_semaphore(%arg17 : memref<!tpu.dma_semaphore, #tpu.memory_space<semaphore_mem>>)
        %add3A_326 = arith.constant 2 : i32
        %add3A_327 = arith.addi %mul3A_242, %add3A_326 : i32
        %lt3A_328 = arith.cmpi slt, %add3A_327, %select_n3A_164 : i32
        %convert_element_type3A_329 = arith.extui %lt3A_328 : i1 to i32
        %cond3A_330 = arith.constant 0 : i32
        %cond3A_331 = arith.cmpi ne, %convert_element_type3A_329, %cond3A_330 : i32
        scf.if %cond3A_331 {
          %add3A_332 = arith.constant 2 : i32
          %add3A_333 = arith.addi %mul3A_242, %add3A_332 : i32
          %mul3A_334 = arith.constant 104 : i32
          %mul3A_335 = arith.muli %add3A_333, %mul3A_334 : i32
          %add3A_336 = arith.addi %mul3A_9, %mul3A_335 : i32
          %sub3A_337 = arith.constant 104 : i32
          %sub3A_338 = arith.subi %sub3A_133, %sub3A_337 : i32
          %min3A_339 = arith.minsi %add3A_336, %sub3A_338 : i32
          %max3A_340 = arith.maxsi %min3A_339, %mul3A_9 : i32
          %add3A_341 = arith.addi %reduce_sum3A_53, %max3A_340 : i32
          %sub3A_342 = arith.constant 1 : i32
          %sub3A_343 = arith.subi %add3A_341, %sub3A_342 : i32
          %jit3A_344 = arith.constant 0 : i32
          %jit3A_345 = arith.constant 32664 : i32
          %max3A_346 = arith.maxsi %jit3A_344, %sub3A_343 : i32
          %min3A_347 = arith.minsi %jit3A_345, %max3A_346 : i32
          %dma_start3A_348 = arith.constant 0 : i32
          %dma_start3A_349 = arith.constant 0 : i32
          %dma_start3A_350 = tpu.memref_slice %arg2[%dma_start3A_348, %min3A_347, %dma_start3A_349] : memref<4x32768x64xf32, #tpu.memory_space<hbm>> -> memref<4x104x64xf32, #tpu.memory_space<hbm>>
          %dma_start3A_351 = arith.constant 0 : i32
          %dma_start3A_352 = arith.constant 0 : i32
          %dma_start3A_353 = tpu.memref_slice %arg2[%dma_start3A_351, %min3A_347, %dma_start3A_352] : memref<4x32768x64xf32, #tpu.memory_space<hbm>> -> memref<4x104x64xf32, #tpu.memory_space<hbm>>
          tpu.enqueue_dma source(%dma_start3A_353 : memref<4x104x64xf32, #tpu.memory_space<hbm>>) target(%arg7 : memref<4x104x64xf32, #tpu.memory_space<vmem>>) target_semaphore(%arg15 : memref<!tpu.dma_semaphore, #tpu.memory_space<semaphore_mem>>)
        } else {
        }
      } else {
      }
      %add3A_247 = arith.constant 1 : i32
      %add3A_248 = arith.addi %mul3A_242, %add3A_247 : i32
      %lt3A_249 = arith.cmpi slt, %add3A_248, %select_n3A_164 : i32
      %convert_element_type3A_250 = arith.extui %lt3A_249 : i1 to i32
      %cond3A_251 = arith.constant 0 : i32
      %cond3A_252 = arith.cmpi ne, %convert_element_type3A_250, %cond3A_251 : i32
      scf.if %cond3A_252 {
        %add3A_253 = arith.constant 1 : i32
        %add3A_254 = arith.addi %mul3A_242, %add3A_253 : i32
        %mul3A_255 = arith.constant 104 : i32
        %mul3A_256 = arith.muli %add3A_254, %mul3A_255 : i32
        %add3A_257 = arith.addi %mul3A_9, %mul3A_256 : i32
        %sub3A_258 = arith.constant 104 : i32
        %sub3A_259 = arith.subi %sub3A_133, %sub3A_258 : i32
        %min3A_260 = arith.minsi %add3A_257, %sub3A_259 : i32
        %max3A_261 = arith.maxsi %min3A_260, %mul3A_9 : i32
        %add3A_262 = arith.addi %reduce_sum3A_53, %max3A_261 : i32
        %sub3A_263 = arith.constant 1 : i32
        %sub3A_264 = arith.subi %add3A_262, %sub3A_263 : i32
        %jit3A_265 = arith.constant 0 : i32
        %jit3A_266 = arith.constant 32664 : i32
        %max3A_267 = arith.maxsi %jit3A_265, %sub3A_264 : i32
        %min3A_268 = arith.minsi %jit3A_266, %max3A_267 : i32
        %add3A_269 = arith.addi %reduce_sum3A_53, %max3A_261 : i32
        %sub3A_270 = arith.constant 1 : i32
        %sub3A_271 = arith.subi %add3A_269, %sub3A_270 : i32
        %sub3A_272 = arith.subi %sub3A_271, %min3A_268 : i32
        %dma_wait3A = arith.constant 0 : i32
        %dma_wait3A_273 = arith.constant 0 : i32
        %dma_wait3A_274 = tpu.memref_slice %arg2[%dma_wait3A, %min3A_268, %dma_wait3A_273] : memref<4x32768x64xf32, #tpu.memory_space<hbm>> -> memref<4x104x64xf32, #tpu.memory_space<hbm>>
        %dma_wait3A_275 = arith.constant 0 : i32
        %dma_wait3A_276 = arith.constant 0 : i32
        %dma_wait3A_277 = tpu.memref_slice %arg2[%dma_wait3A_275, %min3A_268, %dma_wait3A_276] : memref<4x32768x64xf32, #tpu.memory_space<hbm>> -> memref<4x104x64xf32, #tpu.memory_space<hbm>>
        tpu.wait_dma2 semaphore(%arg16 : memref<!tpu.dma_semaphore, #tpu.memory_space<semaphore_mem>>) src(%dma_wait3A_277 : memref<4x104x64xf32, #tpu.memory_space<hbm>>) dst(%arg8 : memref<4x104x64xf32, #tpu.memory_space<vmem>>)
        %ge3A_278 = arith.constant 2 : i32
        %ge3A_279 = arith.cmpi sge, %add3A_254, %ge3A_278 : i32
        %convert_element_type3A_280 = arith.extui %ge3A_279 : i1 to i32
        %cond3A_281 = arith.constant 0 : i32
        %cond3A_282 = arith.cmpi ne, %convert_element_type3A_280, %cond3A_281 : i32
        scf.if %cond3A_282 {
          %dma_wait3A_334 = arith.constant 0 : i32
          %dma_wait3A_335 = arith.constant 0 : i32
          %dma_wait3A_336 = tpu.memref_slice %arg6[%max3A_261, %select_n3A_30, %dma_wait3A_334, %select_n3A_46, %dma_wait3A_335] : memref<4098x2x2x8x128xf32, #tpu.memory_space<hbm>> -> memref<104x1x2x1x128xf32, #tpu.memory_space<hbm>>
          %dma_wait3A_337 = tpu.memref_squeeze %dma_wait3A_336 : memref<104x1x2x1x128xf32, #tpu.memory_space<hbm>> -> memref<104x2x128xf32, #tpu.memory_space<hbm>>
          %dma_wait3A_338 = arith.constant 0 : i32
          %dma_wait3A_339 = arith.constant 0 : i32
          %dma_wait3A_340 = tpu.memref_slice %arg6[%max3A_261, %select_n3A_30, %dma_wait3A_338, %select_n3A_46, %dma_wait3A_339] : memref<4098x2x2x8x128xf32, #tpu.memory_space<hbm>> -> memref<104x1x2x1x128xf32, #tpu.memory_space<hbm>>
          %dma_wait3A_341 = tpu.memref_squeeze %dma_wait3A_340 : memref<104x1x2x1x128xf32, #tpu.memory_space<hbm>> -> memref<104x2x128xf32, #tpu.memory_space<hbm>>
          tpu.wait_dma2 semaphore(%arg18 : memref<!tpu.dma_semaphore, #tpu.memory_space<semaphore_mem>>) src(%arg10 : memref<104x2x128xf32, #tpu.memory_space<vmem>>) dst(%dma_wait3A_341 : memref<104x2x128xf32, #tpu.memory_space<hbm>>)
        } else {
        }
        %eq3A_283 = arith.constant 0 : i32
        %eq3A_284 = arith.cmpi eq, %sub3A_272, %eq3A_283 : i32
        %convert_element_type3A_285 = arith.extui %eq3A_284 : i1 to i32
        %cond3A_286 = arith.constant 0 : i32
        %cond3A_287 = arith.cmpi ne, %convert_element_type3A_285, %cond3A_286 : i32
        scf.if %cond3A_287 {
          %parallel_loop3A_334 = arith.constant 0 : i32
          %parallel_loop3A_335 = arith.constant 104 : i32
          %parallel_loop3A_336 = arith.constant 1 : i32
          scf.for %parallel_loop3A_337 = %parallel_loop3A_334 to %parallel_loop3A_335 step %parallel_loop3A_336  : i32 {
            %parallel_loop3A_338 = arith.constant 0 : i32
            %parallel_loop3A_339 = arith.index_cast %parallel_loop3A_338 : i32 to index
            %parallel_loop3A_340 = arith.index_cast %parallel_loop3A_337 : i32 to index
            %parallel_loop3A_341 = arith.constant 0 : index
            %parallel_loop3A_342 = tpu.vector_load %arg8[%parallel_loop3A_339, %parallel_loop3A_340, %parallel_loop3A_341] {strides = array<i32>} : memref<4x104x64xf32, #tpu.memory_space<vmem>>, vector<16xf32>,
            %parallel_loop3A_343 = arith.mulf %parallel_loop3A_342, %get3A_62 : vector<16xf32>
            %parallel_loop3A_344 = arith.constant 0 : i32
            %parallel_loop3A_345 = arith.index_cast %parallel_loop3A_337 : i32 to index
            %parallel_loop3A_346 = arith.index_cast %parallel_loop3A_344 : i32 to index
            %parallel_loop3A_347 = arith.constant 0 : index
            %parallel_loop3A_348 = tpu.vector_load %arg10[%parallel_loop3A_345, %parallel_loop3A_346, %parallel_loop3A_347] {strides = array<i32>} : memref<104x2x128xf32, #tpu.memory_space<vmem>>, vector<16xf32>,
            tpu.vector_store %arg10[%parallel_loop3A_345, %parallel_loop3A_346, %parallel_loop3A_347], %parallel_loop3A_343 {strides = array<i32>} : memref<104x2x128xf32, #tpu.memory_space<vmem>>, vector<16xf32>,
            %parallel_loop3A_349 = arith.constant 0 : i32
            %parallel_loop3A_350 = arith.index_cast %parallel_loop3A_349 : i32 to index
            %parallel_loop3A_351 = arith.index_cast %parallel_loop3A_337 : i32 to index
            %parallel_loop3A_352 = arith.constant 16 : index
            %parallel_loop3A_353 = tpu.vector_load %arg8[%parallel_loop3A_350, %parallel_loop3A_351, %parallel_loop3A_352] {strides = array<i32>} : memref<4x104x64xf32, #tpu.memory_space<vmem>>, vector<16xf32>,
            %parallel_loop3A_354 = arith.mulf %parallel_loop3A_353, %get3A_64 : vector<16xf32>
            %parallel_loop3A_355 = arith.constant 0 : i32
            %parallel_loop3A_356 = arith.index_cast %parallel_loop3A_337 : i32 to index
            %parallel_loop3A_357 = arith.index_cast %parallel_loop3A_355 : i32 to index
            %parallel_loop3A_358 = arith.constant 16 : index
            %parallel_loop3A_359 = tpu.vector_load %arg10[%parallel_loop3A_356, %parallel_loop3A_357, %parallel_loop3A_358] {strides = array<i32>} : memref<104x2x128xf32, #tpu.memory_space<vmem>>, vector<16xf32>,
            tpu.vector_store %arg10[%parallel_loop3A_356, %parallel_loop3A_357, %parallel_loop3A_358], %parallel_loop3A_354 {strides = array<i32>} : memref<104x2x128xf32, #tpu.memory_space<vmem>>, vector<16xf32>,
            %parallel_loop3A_360 = arith.constant 0 : i32
            %parallel_loop3A_361 = arith.index_cast %parallel_loop3A_360 : i32 to index
            %parallel_loop3A_362 = arith.index_cast %parallel_loop3A_337 : i32 to index
            %parallel_loop3A_363 = arith.constant 32 : index
            %parallel_loop3A_364 = tpu.vector_load %arg8[%parallel_loop3A_361, %parallel_loop3A_362, %parallel_loop3A_363] {strides = array<i32>} : memref<4x104x64xf32, #tpu.memory_space<vmem>>, vector<16xf32>,
            %parallel_loop3A_365 = arith.mulf %parallel_loop3A_364, %get3A_66 : vector<16xf32>
            %parallel_loop3A_366 = arith.constant 0 : i32
            %parallel_loop3A_367 = arith.index_cast %parallel_loop3A_337 : i32 to index
            %parallel_loop3A_368 = arith.index_cast %parallel_loop3A_366 : i32 to index
            %parallel_loop3A_369 = arith.constant 32 : index
            %parallel_loop3A_370 = tpu.vector_load %arg10[%parallel_loop3A_367, %parallel_loop3A_368, %parallel_loop3A_369] {strides = array<i32>} : memref<104x2x128xf32, #tpu.memory_space<vmem>>, vector<16xf32>,
            tpu.vector_store %arg10[%parallel_loop3A_367, %parallel_loop3A_368, %parallel_loop3A_369], %parallel_loop3A_365 {strides = array<i32>} : memref<104x2x128xf32, #tpu.memory_space<vmem>>, vector<16xf32>,
            %parallel_loop3A_371 = arith.constant 0 : i32
            %parallel_loop3A_372 = arith.index_cast %parallel_loop3A_371 : i32 to index
            %parallel_loop3A_373 = arith.index_cast %parallel_loop3A_337 : i32 to index
            %parallel_loop3A_374 = arith.constant 48 : index
            %parallel_loop3A_375 = tpu.vector_load %arg8[%parallel_loop3A_372, %parallel_loop3A_373, %parallel_loop3A_374] {strides = array<i32>} : memref<4x104x64xf32, #tpu.memory_space<vmem>>, vector<16xf32>,
            %parallel_loop3A_376 = arith.mulf %parallel_loop3A_375, %get3A_68 : vector<16xf32>
            %parallel_loop3A_377 = arith.constant 0 : i32
            %parallel_loop3A_378 = arith.index_cast %parallel_loop3A_337 : i32 to index
            %parallel_loop3A_379 = arith.index_cast %parallel_loop3A_377 : i32 to index
            %parallel_loop3A_380 = arith.constant 48 : index
            %parallel_loop3A_381 = tpu.vector_load %arg10[%parallel_loop3A_378, %parallel_loop3A_379, %parallel_loop3A_380] {strides = array<i32>} : memref<104x2x128xf32, #tpu.memory_space<vmem>>, vector<16xf32>,
            tpu.vector_store %arg10[%parallel_loop3A_378, %parallel_loop3A_379, %parallel_loop3A_380], %parallel_loop3A_376 {strides = array<i32>} : memref<104x2x128xf32, #tpu.memory_space<vmem>>, vector<16xf32>,
            %parallel_loop3A_382 = arith.constant 1 : i32
            %parallel_loop3A_383 = arith.index_cast %parallel_loop3A_382 : i32 to index
            %parallel_loop3A_384 = arith.index_cast %parallel_loop3A_337 : i32 to index
            %parallel_loop3A_385 = arith.constant 0 : index
            %parallel_loop3A_386 = tpu.vector_load %arg8[%parallel_loop3A_383, %parallel_loop3A_384, %parallel_loop3A_385] {strides = array<i32>} : memref<4x104x64xf32, #tpu.memory_space<vmem>>, vector<16xf32>,
            %parallel_loop3A_387 = arith.mulf %parallel_loop3A_386, %get3A_70 : vector<16xf32>
            %parallel_loop3A_388 = arith.constant 0 : i32
            %parallel_loop3A_389 = arith.index_cast %parallel_loop3A_337 : i32 to index
            %parallel_loop3A_390 = arith.index_cast %parallel_loop3A_388 : i32 to index
            %parallel_loop3A_391 = arith.constant 64 : index
            %parallel_loop3A_392 = tpu.vector_load %arg10[%parallel_loop3A_389, %parallel_loop3A_390, %parallel_loop3A_391] {strides = array<i32>} : memref<104x2x128xf32, #tpu.memory_space<vmem>>, vector<16xf32>,
            tpu.vector_store %arg10[%parallel_loop3A_389, %parallel_loop3A_390, %parallel_loop3A_391], %parallel_loop3A_387 {strides = array<i32>} : memref<104x2x128xf32, #tpu.memory_space<vmem>>, vector<16xf32>,
            %parallel_loop3A_393 = arith.constant 1 : i32
            %parallel_loop3A_394 = arith.index_cast %parallel_loop3A_393 : i32 to index
            %parallel_loop3A_395 = arith.index_cast %parallel_loop3A_337 : i32 to index
            %parallel_loop3A_396 = arith.constant 16 : index
            %parallel_loop3A_397 = tpu.vector_load %arg8[%parallel_loop3A_394, %parallel_loop3A_395, %parallel_loop3A_396] {strides = array<i32>} : memref<4x104x64xf32, #tpu.memory_space<vmem>>, vector<16xf32>,
            %parallel_loop3A_398 = arith.mulf %parallel_loop3A_397, %get3A_72 : vector<16xf32>
            %parallel_loop3A_399 = arith.constant 0 : i32
            %parallel_loop3A_400 = arith.index_cast %parallel_loop3A_337 : i32 to index
            %parallel_loop3A_401 = arith.index_cast %parallel_loop3A_399 : i32 to index
            %parallel_loop3A_402 = arith.constant 80 : index
            %parallel_loop3A_403 = tpu.vector_load %arg10[%parallel_loop3A_400, %parallel_loop3A_401, %parallel_loop3A_402] {strides = array<i32>} : memref<104x2x128xf32, #tpu.memory_space<vmem>>, vector<16xf32>,
            tpu.vector_store %arg10[%parallel_loop3A_400, %parallel_loop3A_401, %parallel_loop3A_402], %parallel_loop3A_398 {strides = array<i32>} : memref<104x2x128xf32, #tpu.memory_space<vmem>>, vector<16xf32>,
            %parallel_loop3A_404 = arith.constant 1 : i32
            %parallel_loop3A_405 = arith.index_cast %parallel_loop3A_404 : i32 to index
            %parallel_loop3A_406 = arith.index_cast %parallel_loop3A_337 : i32 to index
            %parallel_loop3A_407 = arith.constant 32 : index
            %parallel_loop3A_408 = tpu.vector_load %arg8[%parallel_loop3A_405, %parallel_loop3A_406, %parallel_loop3A_407] {strides = array<i32>} : memref<4x104x64xf32, #tpu.memory_space<vmem>>, vector<16xf32>,
            %parallel_loop3A_409 = arith.mulf %parallel_loop3A_408, %get3A_74 : vector<16xf32>
            %parallel_loop3A_410 = arith.constant 0 : i32
            %parallel_loop3A_411 = arith.index_cast %parallel_loop3A_337 : i32 to index
            %parallel_loop3A_412 = arith.index_cast %parallel_loop3A_410 : i32 to index
            %parallel_loop3A_413 = arith.constant 96 : index
            %parallel_loop3A_414 = tpu.vector_load %arg10[%parallel_loop3A_411, %parallel_loop3A_412, %parallel_loop3A_413] {strides = array<i32>} : memref<104x2x128xf32, #tpu.memory_space<vmem>>, vector<16xf32>,
            tpu.vector_store %arg10[%parallel_loop3A_411, %parallel_loop3A_412, %parallel_loop3A_413], %parallel_loop3A_409 {strides = array<i32>} : memref<104x2x128xf32, #tpu.memory_space<vmem>>, vector<16xf32>,
            %parallel_loop3A_415 = arith.constant 1 : i32
            %parallel_loop3A_416 = arith.index_cast %parallel_loop3A_415 : i32 to index
            %parallel_loop3A_417 = arith.index_cast %parallel_loop3A_337 : i32 to index
            %parallel_loop3A_418 = arith.constant 48 : index
            %parallel_loop3A_419 = tpu.vector_load %arg8[%parallel_loop3A_416, %parallel_loop3A_417, %parallel_loop3A_418] {strides = array<i32>} : memref<4x104x64xf32, #tpu.memory_space<vmem>>, vector<16xf32>,
            %parallel_loop3A_420 = arith.mulf %parallel_loop3A_419, %get3A_76 : vector<16xf32>
            %parallel_loop3A_421 = arith.constant 0 : i32
            %parallel_loop3A_422 = arith.index_cast %parallel_loop3A_337 : i32 to index
            %parallel_loop3A_423 = arith.index_cast %parallel_loop3A_421 : i32 to index
            %parallel_loop3A_424 = arith.constant 112 : index
            %parallel_loop3A_425 = tpu.vector_load %arg10[%parallel_loop3A_422, %parallel_loop3A_423, %parallel_loop3A_424] {strides = array<i32>} : memref<104x2x128xf32, #tpu.memory_space<vmem>>, vector<16xf32>,
            tpu.vector_store %arg10[%parallel_loop3A_422, %parallel_loop3A_423, %parallel_loop3A_424], %parallel_loop3A_420 {strides = array<i32>} : memref<104x2x128xf32, #tpu.memory_space<vmem>>, vector<16xf32>,
            %parallel_loop3A_426 = arith.constant 2 : i32
            %parallel_loop3A_427 = arith.index_cast %parallel_loop3A_426 : i32 to index
            %parallel_loop3A_428 = arith.index_cast %parallel_loop3A_337 : i32 to index
            %parallel_loop3A_429 = arith.constant 0 : index
            %parallel_loop3A_430 = tpu.vector_load %arg8[%parallel_loop3A_427, %parallel_loop3A_428, %parallel_loop3A_429] {strides = array<i32>} : memref<4x104x64xf32, #tpu.memory_space<vmem>>, vector<16xf32>,
            %parallel_loop3A_431 = arith.mulf %parallel_loop3A_430, %get3A_78 : vector<16xf32>
            %parallel_loop3A_432 = arith.constant 1 : i32
            %parallel_loop3A_433 = arith.index_cast %parallel_loop3A_337 : i32 to index
            %parallel_loop3A_434 = arith.index_cast %parallel_loop3A_432 : i32 to index
            %parallel_loop3A_435 = arith.constant 0 : index
            %parallel_loop3A_436 = tpu.vector_load %arg10[%parallel_loop3A_433, %parallel_loop3A_434, %parallel_loop3A_435] {strides = array<i32>} : memref<104x2x128xf32, #tpu.memory_space<vmem>>, vector<16xf32>,
            tpu.vector_store %arg10[%parallel_loop3A_433, %parallel_loop3A_434, %parallel_loop3A_435], %parallel_loop3A_431 {strides = array<i32>} : memref<104x2x128xf32, #tpu.memory_space<vmem>>, vector<16xf32>,
            %parallel_loop3A_437 = arith.constant 2 : i32
            %parallel_loop3A_438 = arith.index_cast %parallel_loop3A_437 : i32 to index
            %parallel_loop3A_439 = arith.index_cast %parallel_loop3A_337 : i32 to index
            %parallel_loop3A_440 = arith.constant 16 : index
            %parallel_loop3A_441 = tpu.vector_load %arg8[%parallel_loop3A_438, %parallel_loop3A_439, %parallel_loop3A_440] {strides = array<i32>} : memref<4x104x64xf32, #tpu.memory_space<vmem>>, vector<16xf32>,
            %parallel_loop3A_442 = arith.mulf %parallel_loop3A_441, %get3A_80 : vector<16xf32>
            %parallel_loop3A_443 = arith.constant 1 : i32
            %parallel_loop3A_444 = arith.index_cast %parallel_loop3A_337 : i32 to index
            %parallel_loop3A_445 = arith.index_cast %parallel_loop3A_443 : i32 to index
            %parallel_loop3A_446 = arith.constant 16 : index
            %parallel_loop3A_447 = tpu.vector_load %arg10[%parallel_loop3A_444, %parallel_loop3A_445, %parallel_loop3A_446] {strides = array<i32>} : memref<104x2x128xf32, #tpu.memory_space<vmem>>, vector<16xf32>,
            tpu.vector_store %arg10[%parallel_loop3A_444, %parallel_loop3A_445, %parallel_loop3A_446], %parallel_loop3A_442 {strides = array<i32>} : memref<104x2x128xf32, #tpu.memory_space<vmem>>, vector<16xf32>,
            %parallel_loop3A_448 = arith.constant 2 : i32
            %parallel_loop3A_449 = arith.index_cast %parallel_loop3A_448 : i32 to index
            %parallel_loop3A_450 = arith.index_cast %parallel_loop3A_337 : i32 to index
            %parallel_loop3A_451 = arith.constant 32 : index
            %parallel_loop3A_452 = tpu.vector_load %arg8[%parallel_loop3A_449, %parallel_loop3A_450, %parallel_loop3A_451] {strides = array<i32>} : memref<4x104x64xf32, #tpu.memory_space<vmem>>, vector<16xf32>,
            %parallel_loop3A_453 = arith.mulf %parallel_loop3A_452, %get3A_82 : vector<16xf32>
            %parallel_loop3A_454 = arith.constant 1 : i32
            %parallel_loop3A_455 = arith.index_cast %parallel_loop3A_337 : i32 to index
            %parallel_loop3A_456 = arith.index_cast %parallel_loop3A_454 : i32 to index
            %parallel_loop3A_457 = arith.constant 32 : index
            %parallel_loop3A_458 = tpu.vector_load %arg10[%parallel_loop3A_455, %parallel_loop3A_456, %parallel_loop3A_457] {strides = array<i32>} : memref<104x2x128xf32, #tpu.memory_space<vmem>>, vector<16xf32>,
            tpu.vector_store %arg10[%parallel_loop3A_455, %parallel_loop3A_456, %parallel_loop3A_457], %parallel_loop3A_453 {strides = array<i32>} : memref<104x2x128xf32, #tpu.memory_space<vmem>>, vector<16xf32>,
            %parallel_loop3A_459 = arith.constant 2 : i32
            %parallel_loop3A_460 = arith.index_cast %parallel_loop3A_459 : i32 to index
            %parallel_loop3A_461 = arith.index_cast %parallel_loop3A_337 : i32 to index
            %parallel_loop3A_462 = arith.constant 48 : index
            %parallel_loop3A_463 = tpu.vector_load %arg8[%parallel_loop3A_460, %parallel_loop3A_461, %parallel_loop3A_462] {strides = array<i32>} : memref<4x104x64xf32, #tpu.memory_space<vmem>>, vector<16xf32>,
            %parallel_loop3A_464 = arith.mulf %parallel_loop3A_463, %get3A_84 : vector<16xf32>
            %parallel_loop3A_465 = arith.constant 1 : i32
            %parallel_loop3A_466 = arith.index_cast %parallel_loop3A_337 : i32 to index
            %parallel_loop3A_467 = arith.index_cast %parallel_loop3A_465 : i32 to index
            %parallel_loop3A_468 = arith.constant 48 : index
            %parallel_loop3A_469 = tpu.vector_load %arg10[%parallel_loop3A_466, %parallel_loop3A_467, %parallel_loop3A_468] {strides = array<i32>} : memref<104x2x128xf32, #tpu.memory_space<vmem>>, vector<16xf32>,
            tpu.vector_store %arg10[%parallel_loop3A_466, %parallel_loop3A_467, %parallel_loop3A_468], %parallel_loop3A_464 {strides = array<i32>} : memref<104x2x128xf32, #tpu.memory_space<vmem>>, vector<16xf32>,
            %parallel_loop3A_470 = arith.constant 3 : i32
            %parallel_loop3A_471 = arith.index_cast %parallel_loop3A_470 : i32 to index
            %parallel_loop3A_472 = arith.index_cast %parallel_loop3A_337 : i32 to index
            %parallel_loop3A_473 = arith.constant 0 : index
            %parallel_loop3A_474 = tpu.vector_load %arg8[%parallel_loop3A_471, %parallel_loop3A_472, %parallel_loop3A_473] {strides = array<i32>} : memref<4x104x64xf32, #tpu.memory_space<vmem>>, vector<16xf32>,
            %parallel_loop3A_475 = arith.mulf %parallel_loop3A_474, %get3A_86 : vector<16xf32>
            %parallel_loop3A_476 = arith.constant 1 : i32
            %parallel_loop3A_477 = arith.index_cast %parallel_loop3A_337 : i32 to index
            %parallel_loop3A_478 = arith.index_cast %parallel_loop3A_476 : i32 to index
            %parallel_loop3A_479 = arith.constant 64 : index
            %parallel_loop3A_480 = tpu.vector_load %arg10[%parallel_loop3A_477, %parallel_loop3A_478, %parallel_loop3A_479] {strides = array<i32>} : memref<104x2x128xf32, #tpu.memory_space<vmem>>, vector<16xf32>,
            tpu.vector_store %arg10[%parallel_loop3A_477, %parallel_loop3A_478, %parallel_loop3A_479], %parallel_loop3A_475 {strides = array<i32>} : memref<104x2x128xf32, #tpu.memory_space<vmem>>, vector<16xf32>,
            %parallel_loop3A_481 = arith.constant 3 : i32
            %parallel_loop3A_482 = arith.index_cast %parallel_loop3A_481 : i32 to index
            %parallel_loop3A_483 = arith.index_cast %parallel_loop3A_337 : i32 to index
            %parallel_loop3A_484 = arith.constant 16 : index
            %parallel_loop3A_485 = tpu.vector_load %arg8[%parallel_loop3A_482, %parallel_loop3A_483, %parallel_loop3A_484] {strides = array<i32>} : memref<4x104x64xf32, #tpu.memory_space<vmem>>, vector<16xf32>,
            %parallel_loop3A_486 = arith.mulf %parallel_loop3A_485, %get3A_88 : vector<16xf32>
            %parallel_loop3A_487 = arith.constant 1 : i32
            %parallel_loop3A_488 = arith.index_cast %parallel_loop3A_337 : i32 to index
            %parallel_loop3A_489 = arith.index_cast %parallel_loop3A_487 : i32 to index
            %parallel_loop3A_490 = arith.constant 80 : index
            %parallel_loop3A_491 = tpu.vector_load %arg10[%parallel_loop3A_488, %parallel_loop3A_489, %parallel_loop3A_490] {strides = array<i32>} : memref<104x2x128xf32, #tpu.memory_space<vmem>>, vector<16xf32>,
            tpu.vector_store %arg10[%parallel_loop3A_488, %parallel_loop3A_489, %parallel_loop3A_490], %parallel_loop3A_486 {strides = array<i32>} : memref<104x2x128xf32, #tpu.memory_space<vmem>>, vector<16xf32>,
            %parallel_loop3A_492 = arith.constant 3 : i32
            %parallel_loop3A_493 = arith.index_cast %parallel_loop3A_492 : i32 to index
            %parallel_loop3A_494 = arith.index_cast %parallel_loop3A_337 : i32 to index
            %parallel_loop3A_495 = arith.constant 32 : index
            %parallel_loop3A_496 = tpu.vector_load %arg8[%parallel_loop3A_493, %parallel_loop3A_494, %parallel_loop3A_495] {strides = array<i32>} : memref<4x104x64xf32, #tpu.memory_space<vmem>>, vector<16xf32>,
            %parallel_loop3A_497 = arith.mulf %parallel_loop3A_496, %get3A_90 : vector<16xf32>
            %parallel_loop3A_498 = arith.constant 1 : i32
            %parallel_loop3A_499 = arith.index_cast %parallel_loop3A_337 : i32 to index
            %parallel_loop3A_500 = arith.index_cast %parallel_loop3A_498 : i32 to index
            %parallel_loop3A_501 = arith.constant 96 : index
            %parallel_loop3A_502 = tpu.vector_load %arg10[%parallel_loop3A_499, %parallel_loop3A_500, %parallel_loop3A_501] {strides = array<i32>} : memref<104x2x128xf32, #tpu.memory_space<vmem>>, vector<16xf32>,
            tpu.vector_store %arg10[%parallel_loop3A_499, %parallel_loop3A_500, %parallel_loop3A_501], %parallel_loop3A_497 {strides = array<i32>} : memref<104x2x128xf32, #tpu.memory_space<vmem>>, vector<16xf32>,
            %parallel_loop3A_503 = arith.constant 3 : i32
            %parallel_loop3A_504 = arith.index_cast %parallel_loop3A_503 : i32 to index
            %parallel_loop3A_505 = arith.index_cast %parallel_loop3A_337 : i32 to index
            %parallel_loop3A_506 = arith.constant 48 : index
            %parallel_loop3A_507 = tpu.vector_load %arg8[%parallel_loop3A_504, %parallel_loop3A_505, %parallel_loop3A_506] {strides = array<i32>} : memref<4x104x64xf32, #tpu.memory_space<vmem>>, vector<16xf32>,
            %parallel_loop3A_508 = arith.mulf %parallel_loop3A_507, %get3A_92 : vector<16xf32>
            %parallel_loop3A_509 = arith.constant 1 : i32
            %parallel_loop3A_510 = arith.index_cast %parallel_loop3A_337 : i32 to index
            %parallel_loop3A_511 = arith.index_cast %parallel_loop3A_509 : i32 to index
            %parallel_loop3A_512 = arith.constant 112 : index
            %parallel_loop3A_513 = tpu.vector_load %arg10[%parallel_loop3A_510, %parallel_loop3A_511, %parallel_loop3A_512] {strides = array<i32>} : memref<104x2x128xf32, #tpu.memory_space<vmem>>, vector<16xf32>,
            tpu.vector_store %arg10[%parallel_loop3A_510, %parallel_loop3A_511, %parallel_loop3A_512], %parallel_loop3A_508 {strides = array<i32>} : memref<104x2x128xf32, #tpu.memory_space<vmem>>, vector<16xf32>,
          } {sc.loop_unroll_factor = 4 : i64, sc.parallel_access}
        } else {
        }
        %ne3A_288 = arith.constant 0 : i32
        %ne3A_289 = arith.cmpi ne, %sub3A_272, %ne3A_288 : i32
        %convert_element_type3A_290 = arith.extui %ne3A_289 : i1 to i32
        %cond3A_291 = arith.constant 0 : i32
        %cond3A_292 = arith.cmpi ne, %convert_element_type3A_290, %cond3A_291 : i32
        scf.if %cond3A_292 {
          %parallel_loop3A_334 = arith.constant 0 : i32
          %parallel_loop3A_335 = arith.constant 104 : i32
          %parallel_loop3A_336 = arith.constant 1 : i32
          scf.for %parallel_loop3A_337 = %parallel_loop3A_334 to %parallel_loop3A_335 step %parallel_loop3A_336  : i32 {
            %parallel_loop3A_338 = arith.addi %parallel_loop3A_337, %sub3A_272 : i32
            %parallel_loop3A_339 = arith.constant 0 : i32
            %parallel_loop3A_340 = arith.constant 103 : i32
            %parallel_loop3A_341 = arith.maxsi %parallel_loop3A_339, %parallel_loop3A_338 : i32
            %parallel_loop3A_342 = arith.minsi %parallel_loop3A_340, %parallel_loop3A_341 : i32
            %parallel_loop3A_343 = arith.constant 0 : i32
            %parallel_loop3A_344 = arith.index_cast %parallel_loop3A_343 : i32 to index
            %parallel_loop3A_345 = arith.index_cast %parallel_loop3A_342 : i32 to index
            %parallel_loop3A_346 = arith.constant 0 : index
            %parallel_loop3A_347 = tpu.vector_load %arg8[%parallel_loop3A_344, %parallel_loop3A_345, %parallel_loop3A_346] {strides = array<i32>} : memref<4x104x64xf32, #tpu.memory_space<vmem>>, vector<16xf32>,
            %parallel_loop3A_348 = arith.mulf %parallel_loop3A_347, %get3A_62 : vector<16xf32>
            %parallel_loop3A_349 = arith.constant 0 : i32
            %parallel_loop3A_350 = arith.index_cast %parallel_loop3A_337 : i32 to index
            %parallel_loop3A_351 = arith.index_cast %parallel_loop3A_349 : i32 to index
            %parallel_loop3A_352 = arith.constant 0 : index
            %parallel_loop3A_353 = tpu.vector_load %arg10[%parallel_loop3A_350, %parallel_loop3A_351, %parallel_loop3A_352] {strides = array<i32>} : memref<104x2x128xf32, #tpu.memory_space<vmem>>, vector<16xf32>,
            tpu.vector_store %arg10[%parallel_loop3A_350, %parallel_loop3A_351, %parallel_loop3A_352], %parallel_loop3A_348 {strides = array<i32>} : memref<104x2x128xf32, #tpu.memory_space<vmem>>, vector<16xf32>,
            %parallel_loop3A_354 = arith.constant 0 : i32
            %parallel_loop3A_355 = arith.index_cast %parallel_loop3A_354 : i32 to index
            %parallel_loop3A_356 = arith.index_cast %parallel_loop3A_342 : i32 to index
            %parallel_loop3A_357 = arith.constant 16 : index
            %parallel_loop3A_358 = tpu.vector_load %arg8[%parallel_loop3A_355, %parallel_loop3A_356, %parallel_loop3A_357] {strides = array<i32>} : memref<4x104x64xf32, #tpu.memory_space<vmem>>, vector<16xf32>,
            %parallel_loop3A_359 = arith.mulf %parallel_loop3A_358, %get3A_64 : vector<16xf32>
            %parallel_loop3A_360 = arith.constant 0 : i32
            %parallel_loop3A_361 = arith.index_cast %parallel_loop3A_337 : i32 to index
            %parallel_loop3A_362 = arith.index_cast %parallel_loop3A_360 : i32 to index
            %parallel_loop3A_363 = arith.constant 16 : index
            %parallel_loop3A_364 = tpu.vector_load %arg10[%parallel_loop3A_361, %parallel_loop3A_362, %parallel_loop3A_363] {strides = array<i32>} : memref<104x2x128xf32, #tpu.memory_space<vmem>>, vector<16xf32>,
            tpu.vector_store %arg10[%parallel_loop3A_361, %parallel_loop3A_362, %parallel_loop3A_363], %parallel_loop3A_359 {strides = array<i32>} : memref<104x2x128xf32, #tpu.memory_space<vmem>>, vector<16xf32>,
            %parallel_loop3A_365 = arith.constant 0 : i32
            %parallel_loop3A_366 = arith.index_cast %parallel_loop3A_365 : i32 to index
            %parallel_loop3A_367 = arith.index_cast %parallel_loop3A_342 : i32 to index
            %parallel_loop3A_368 = arith.constant 32 : index
            %parallel_loop3A_369 = tpu.vector_load %arg8[%parallel_loop3A_366, %parallel_loop3A_367, %parallel_loop3A_368] {strides = array<i32>} : memref<4x104x64xf32, #tpu.memory_space<vmem>>, vector<16xf32>,
            %parallel_loop3A_370 = arith.mulf %parallel_loop3A_369, %get3A_66 : vector<16xf32>
            %parallel_loop3A_371 = arith.constant 0 : i32
            %parallel_loop3A_372 = arith.index_cast %parallel_loop3A_337 : i32 to index
            %parallel_loop3A_373 = arith.index_cast %parallel_loop3A_371 : i32 to index
            %parallel_loop3A_374 = arith.constant 32 : index
            %parallel_loop3A_375 = tpu.vector_load %arg10[%parallel_loop3A_372, %parallel_loop3A_373, %parallel_loop3A_374] {strides = array<i32>} : memref<104x2x128xf32, #tpu.memory_space<vmem>>, vector<16xf32>,
            tpu.vector_store %arg10[%parallel_loop3A_372, %parallel_loop3A_373, %parallel_loop3A_374], %parallel_loop3A_370 {strides = array<i32>} : memref<104x2x128xf32, #tpu.memory_space<vmem>>, vector<16xf32>,
            %parallel_loop3A_376 = arith.constant 0 : i32
            %parallel_loop3A_377 = arith.index_cast %parallel_loop3A_376 : i32 to index
            %parallel_loop3A_378 = arith.index_cast %parallel_loop3A_342 : i32 to index
            %parallel_loop3A_379 = arith.constant 48 : index
            %parallel_loop3A_380 = tpu.vector_load %arg8[%parallel_loop3A_377, %parallel_loop3A_378, %parallel_loop3A_379] {strides = array<i32>} : memref<4x104x64xf32, #tpu.memory_space<vmem>>, vector<16xf32>,
            %parallel_loop3A_381 = arith.mulf %parallel_loop3A_380, %get3A_68 : vector<16xf32>
            %parallel_loop3A_382 = arith.constant 0 : i32
            %parallel_loop3A_383 = arith.index_cast %parallel_loop3A_337 : i32 to index
            %parallel_loop3A_384 = arith.index_cast %parallel_loop3A_382 : i32 to index
            %parallel_loop3A_385 = arith.constant 48 : index
            %parallel_loop3A_386 = tpu.vector_load %arg10[%parallel_loop3A_383, %parallel_loop3A_384, %parallel_loop3A_385] {strides = array<i32>} : memref<104x2x128xf32, #tpu.memory_space<vmem>>, vector<16xf32>,
            tpu.vector_store %arg10[%parallel_loop3A_383, %parallel_loop3A_384, %parallel_loop3A_385], %parallel_loop3A_381 {strides = array<i32>} : memref<104x2x128xf32, #tpu.memory_space<vmem>>, vector<16xf32>,
            %parallel_loop3A_387 = arith.constant 1 : i32
            %parallel_loop3A_388 = arith.index_cast %parallel_loop3A_387 : i32 to index
            %parallel_loop3A_389 = arith.index_cast %parallel_loop3A_342 : i32 to index
            %parallel_loop3A_390 = arith.constant 0 : index
            %parallel_loop3A_391 = tpu.vector_load %arg8[%parallel_loop3A_388, %parallel_loop3A_389, %parallel_loop3A_390] {strides = array<i32>} : memref<4x104x64xf32, #tpu.memory_space<vmem>>, vector<16xf32>,
            %parallel_loop3A_392 = arith.mulf %parallel_loop3A_391, %get3A_70 : vector<16xf32>
            %parallel_loop3A_393 = arith.constant 0 : i32
            %parallel_loop3A_394 = arith.index_cast %parallel_loop3A_337 : i32 to index
            %parallel_loop3A_395 = arith.index_cast %parallel_loop3A_393 : i32 to index
            %parallel_loop3A_396 = arith.constant 64 : index
            %parallel_loop3A_397 = tpu.vector_load %arg10[%parallel_loop3A_394, %parallel_loop3A_395, %parallel_loop3A_396] {strides = array<i32>} : memref<104x2x128xf32, #tpu.memory_space<vmem>>, vector<16xf32>,
            tpu.vector_store %arg10[%parallel_loop3A_394, %parallel_loop3A_395, %parallel_loop3A_396], %parallel_loop3A_392 {strides = array<i32>} : memref<104x2x128xf32, #tpu.memory_space<vmem>>, vector<16xf32>,
            %parallel_loop3A_398 = arith.constant 1 : i32
            %parallel_loop3A_399 = arith.index_cast %parallel_loop3A_398 : i32 to index
            %parallel_loop3A_400 = arith.index_cast %parallel_loop3A_342 : i32 to index
            %parallel_loop3A_401 = arith.constant 16 : index
            %parallel_loop3A_402 = tpu.vector_load %arg8[%parallel_loop3A_399, %parallel_loop3A_400, %parallel_loop3A_401] {strides = array<i32>} : memref<4x104x64xf32, #tpu.memory_space<vmem>>, vector<16xf32>,
            %parallel_loop3A_403 = arith.mulf %parallel_loop3A_402, %get3A_72 : vector<16xf32>
            %parallel_loop3A_404 = arith.constant 0 : i32
            %parallel_loop3A_405 = arith.index_cast %parallel_loop3A_337 : i32 to index
            %parallel_loop3A_406 = arith.index_cast %parallel_loop3A_404 : i32 to index
            %parallel_loop3A_407 = arith.constant 80 : index
            %parallel_loop3A_408 = tpu.vector_load %arg10[%parallel_loop3A_405, %parallel_loop3A_406, %parallel_loop3A_407] {strides = array<i32>} : memref<104x2x128xf32, #tpu.memory_space<vmem>>, vector<16xf32>,
            tpu.vector_store %arg10[%parallel_loop3A_405, %parallel_loop3A_406, %parallel_loop3A_407], %parallel_loop3A_403 {strides = array<i32>} : memref<104x2x128xf32, #tpu.memory_space<vmem>>, vector<16xf32>,
            %parallel_loop3A_409 = arith.constant 1 : i32
            %parallel_loop3A_410 = arith.index_cast %parallel_loop3A_409 : i32 to index
            %parallel_loop3A_411 = arith.index_cast %parallel_loop3A_342 : i32 to index
            %parallel_loop3A_412 = arith.constant 32 : index
            %parallel_loop3A_413 = tpu.vector_load %arg8[%parallel_loop3A_410, %parallel_loop3A_411, %parallel_loop3A_412] {strides = array<i32>} : memref<4x104x64xf32, #tpu.memory_space<vmem>>, vector<16xf32>,
            %parallel_loop3A_414 = arith.mulf %parallel_loop3A_413, %get3A_74 : vector<16xf32>
            %parallel_loop3A_415 = arith.constant 0 : i32
            %parallel_loop3A_416 = arith.index_cast %parallel_loop3A_337 : i32 to index
            %parallel_loop3A_417 = arith.index_cast %parallel_loop3A_415 : i32 to index
            %parallel_loop3A_418 = arith.constant 96 : index
            %parallel_loop3A_419 = tpu.vector_load %arg10[%parallel_loop3A_416, %parallel_loop3A_417, %parallel_loop3A_418] {strides = array<i32>} : memref<104x2x128xf32, #tpu.memory_space<vmem>>, vector<16xf32>,
            tpu.vector_store %arg10[%parallel_loop3A_416, %parallel_loop3A_417, %parallel_loop3A_418], %parallel_loop3A_414 {strides = array<i32>} : memref<104x2x128xf32, #tpu.memory_space<vmem>>, vector<16xf32>,
            %parallel_loop3A_420 = arith.constant 1 : i32
            %parallel_loop3A_421 = arith.index_cast %parallel_loop3A_420 : i32 to index
            %parallel_loop3A_422 = arith.index_cast %parallel_loop3A_342 : i32 to index
            %parallel_loop3A_423 = arith.constant 48 : index
            %parallel_loop3A_424 = tpu.vector_load %arg8[%parallel_loop3A_421, %parallel_loop3A_422, %parallel_loop3A_423] {strides = array<i32>} : memref<4x104x64xf32, #tpu.memory_space<vmem>>, vector<16xf32>,
            %parallel_loop3A_425 = arith.mulf %parallel_loop3A_424, %get3A_76 : vector<16xf32>
            %parallel_loop3A_426 = arith.constant 0 : i32
            %parallel_loop3A_427 = arith.index_cast %parallel_loop3A_337 : i32 to index
            %parallel_loop3A_428 = arith.index_cast %parallel_loop3A_426 : i32 to index
            %parallel_loop3A_429 = arith.constant 112 : index
            %parallel_loop3A_430 = tpu.vector_load %arg10[%parallel_loop3A_427, %parallel_loop3A_428, %parallel_loop3A_429] {strides = array<i32>} : memref<104x2x128xf32, #tpu.memory_space<vmem>>, vector<16xf32>,
            tpu.vector_store %arg10[%parallel_loop3A_427, %parallel_loop3A_428, %parallel_loop3A_429], %parallel_loop3A_425 {strides = array<i32>} : memref<104x2x128xf32, #tpu.memory_space<vmem>>, vector<16xf32>,
            %parallel_loop3A_431 = arith.constant 2 : i32
            %parallel_loop3A_432 = arith.index_cast %parallel_loop3A_431 : i32 to index
            %parallel_loop3A_433 = arith.index_cast %parallel_loop3A_342 : i32 to index
            %parallel_loop3A_434 = arith.constant 0 : index
            %parallel_loop3A_435 = tpu.vector_load %arg8[%parallel_loop3A_432, %parallel_loop3A_433, %parallel_loop3A_434] {strides = array<i32>} : memref<4x104x64xf32, #tpu.memory_space<vmem>>, vector<16xf32>,
            %parallel_loop3A_436 = arith.mulf %parallel_loop3A_435, %get3A_78 : vector<16xf32>
            %parallel_loop3A_437 = arith.constant 1 : i32
            %parallel_loop3A_438 = arith.index_cast %parallel_loop3A_337 : i32 to index
            %parallel_loop3A_439 = arith.index_cast %parallel_loop3A_437 : i32 to index
            %parallel_loop3A_440 = arith.constant 0 : index
            %parallel_loop3A_441 = tpu.vector_load %arg10[%parallel_loop3A_438, %parallel_loop3A_439, %parallel_loop3A_440] {strides = array<i32>} : memref<104x2x128xf32, #tpu.memory_space<vmem>>, vector<16xf32>,
            tpu.vector_store %arg10[%parallel_loop3A_438, %parallel_loop3A_439, %parallel_loop3A_440], %parallel_loop3A_436 {strides = array<i32>} : memref<104x2x128xf32, #tpu.memory_space<vmem>>, vector<16xf32>,
            %parallel_loop3A_442 = arith.constant 2 : i32
            %parallel_loop3A_443 = arith.index_cast %parallel_loop3A_442 : i32 to index
            %parallel_loop3A_444 = arith.index_cast %parallel_loop3A_342 : i32 to index
            %parallel_loop3A_445 = arith.constant 16 : index
            %parallel_loop3A_446 = tpu.vector_load %arg8[%parallel_loop3A_443, %parallel_loop3A_444, %parallel_loop3A_445] {strides = array<i32>} : memref<4x104x64xf32, #tpu.memory_space<vmem>>, vector<16xf32>,
            %parallel_loop3A_447 = arith.mulf %parallel_loop3A_446, %get3A_80 : vector<16xf32>
            %parallel_loop3A_448 = arith.constant 1 : i32
            %parallel_loop3A_449 = arith.index_cast %parallel_loop3A_337 : i32 to index
            %parallel_loop3A_450 = arith.index_cast %parallel_loop3A_448 : i32 to index
            %parallel_loop3A_451 = arith.constant 16 : index
            %parallel_loop3A_452 = tpu.vector_load %arg10[%parallel_loop3A_449, %parallel_loop3A_450, %parallel_loop3A_451] {strides = array<i32>} : memref<104x2x128xf32, #tpu.memory_space<vmem>>, vector<16xf32>,
            tpu.vector_store %arg10[%parallel_loop3A_449, %parallel_loop3A_450, %parallel_loop3A_451], %parallel_loop3A_447 {strides = array<i32>} : memref<104x2x128xf32, #tpu.memory_space<vmem>>, vector<16xf32>,
            %parallel_loop3A_453 = arith.constant 2 : i32
            %parallel_loop3A_454 = arith.index_cast %parallel_loop3A_453 : i32 to index
            %parallel_loop3A_455 = arith.index_cast %parallel_loop3A_342 : i32 to index
            %parallel_loop3A_456 = arith.constant 32 : index
            %parallel_loop3A_457 = tpu.vector_load %arg8[%parallel_loop3A_454, %parallel_loop3A_455, %parallel_loop3A_456] {strides = array<i32>} : memref<4x104x64xf32, #tpu.memory_space<vmem>>, vector<16xf32>,
            %parallel_loop3A_458 = arith.mulf %parallel_loop3A_457, %get3A_82 : vector<16xf32>
            %parallel_loop3A_459 = arith.constant 1 : i32
            %parallel_loop3A_460 = arith.index_cast %parallel_loop3A_337 : i32 to index
            %parallel_loop3A_461 = arith.index_cast %parallel_loop3A_459 : i32 to index
            %parallel_loop3A_462 = arith.constant 32 : index
            %parallel_loop3A_463 = tpu.vector_load %arg10[%parallel_loop3A_460, %parallel_loop3A_461, %parallel_loop3A_462] {strides = array<i32>} : memref<104x2x128xf32, #tpu.memory_space<vmem>>, vector<16xf32>,
            tpu.vector_store %arg10[%parallel_loop3A_460, %parallel_loop3A_461, %parallel_loop3A_462], %parallel_loop3A_458 {strides = array<i32>} : memref<104x2x128xf32, #tpu.memory_space<vmem>>, vector<16xf32>,
            %parallel_loop3A_464 = arith.constant 2 : i32
            %parallel_loop3A_465 = arith.index_cast %parallel_loop3A_464 : i32 to index
            %parallel_loop3A_466 = arith.index_cast %parallel_loop3A_342 : i32 to index
            %parallel_loop3A_467 = arith.constant 48 : index
            %parallel_loop3A_468 = tpu.vector_load %arg8[%parallel_loop3A_465, %parallel_loop3A_466, %parallel_loop3A_467] {strides = array<i32>} : memref<4x104x64xf32, #tpu.memory_space<vmem>>, vector<16xf32>,
            %parallel_loop3A_469 = arith.mulf %parallel_loop3A_468, %get3A_84 : vector<16xf32>
            %parallel_loop3A_470 = arith.constant 1 : i32
            %parallel_loop3A_471 = arith.index_cast %parallel_loop3A_337 : i32 to index
            %parallel_loop3A_472 = arith.index_cast %parallel_loop3A_470 : i32 to index
            %parallel_loop3A_473 = arith.constant 48 : index
            %parallel_loop3A_474 = tpu.vector_load %arg10[%parallel_loop3A_471, %parallel_loop3A_472, %parallel_loop3A_473] {strides = array<i32>} : memref<104x2x128xf32, #tpu.memory_space<vmem>>, vector<16xf32>,
            tpu.vector_store %arg10[%parallel_loop3A_471, %parallel_loop3A_472, %parallel_loop3A_473], %parallel_loop3A_469 {strides = array<i32>} : memref<104x2x128xf32, #tpu.memory_space<vmem>>, vector<16xf32>,
            %parallel_loop3A_475 = arith.constant 3 : i32
            %parallel_loop3A_476 = arith.index_cast %parallel_loop3A_475 : i32 to index
            %parallel_loop3A_477 = arith.index_cast %parallel_loop3A_342 : i32 to index
            %parallel_loop3A_478 = arith.constant 0 : index
            %parallel_loop3A_479 = tpu.vector_load %arg8[%parallel_loop3A_476, %parallel_loop3A_477, %parallel_loop3A_478] {strides = array<i32>} : memref<4x104x64xf32, #tpu.memory_space<vmem>>, vector<16xf32>,
            %parallel_loop3A_480 = arith.mulf %parallel_loop3A_479, %get3A_86 : vector<16xf32>
            %parallel_loop3A_481 = arith.constant 1 : i32
            %parallel_loop3A_482 = arith.index_cast %parallel_loop3A_337 : i32 to index
            %parallel_loop3A_483 = arith.index_cast %parallel_loop3A_481 : i32 to index
            %parallel_loop3A_484 = arith.constant 64 : index
            %parallel_loop3A_485 = tpu.vector_load %arg10[%parallel_loop3A_482, %parallel_loop3A_483, %parallel_loop3A_484] {strides = array<i32>} : memref<104x2x128xf32, #tpu.memory_space<vmem>>, vector<16xf32>,
            tpu.vector_store %arg10[%parallel_loop3A_482, %parallel_loop3A_483, %parallel_loop3A_484], %parallel_loop3A_480 {strides = array<i32>} : memref<104x2x128xf32, #tpu.memory_space<vmem>>, vector<16xf32>,
            %parallel_loop3A_486 = arith.constant 3 : i32
            %parallel_loop3A_487 = arith.index_cast %parallel_loop3A_486 : i32 to index
            %parallel_loop3A_488 = arith.index_cast %parallel_loop3A_342 : i32 to index
            %parallel_loop3A_489 = arith.constant 16 : index
            %parallel_loop3A_490 = tpu.vector_load %arg8[%parallel_loop3A_487, %parallel_loop3A_488, %parallel_loop3A_489] {strides = array<i32>} : memref<4x104x64xf32, #tpu.memory_space<vmem>>, vector<16xf32>,
            %parallel_loop3A_491 = arith.mulf %parallel_loop3A_490, %get3A_88 : vector<16xf32>
            %parallel_loop3A_492 = arith.constant 1 : i32
            %parallel_loop3A_493 = arith.index_cast %parallel_loop3A_337 : i32 to index
            %parallel_loop3A_494 = arith.index_cast %parallel_loop3A_492 : i32 to index
            %parallel_loop3A_495 = arith.constant 80 : index
            %parallel_loop3A_496 = tpu.vector_load %arg10[%parallel_loop3A_493, %parallel_loop3A_494, %parallel_loop3A_495] {strides = array<i32>} : memref<104x2x128xf32, #tpu.memory_space<vmem>>, vector<16xf32>,
            tpu.vector_store %arg10[%parallel_loop3A_493, %parallel_loop3A_494, %parallel_loop3A_495], %parallel_loop3A_491 {strides = array<i32>} : memref<104x2x128xf32, #tpu.memory_space<vmem>>, vector<16xf32>,
            %parallel_loop3A_497 = arith.constant 3 : i32
            %parallel_loop3A_498 = arith.index_cast %parallel_loop3A_497 : i32 to index
            %parallel_loop3A_499 = arith.index_cast %parallel_loop3A_342 : i32 to index
            %parallel_loop3A_500 = arith.constant 32 : index
            %parallel_loop3A_501 = tpu.vector_load %arg8[%parallel_loop3A_498, %parallel_loop3A_499, %parallel_loop3A_500] {strides = array<i32>} : memref<4x104x64xf32, #tpu.memory_space<vmem>>, vector<16xf32>,
            %parallel_loop3A_502 = arith.mulf %parallel_loop3A_501, %get3A_90 : vector<16xf32>
            %parallel_loop3A_503 = arith.constant 1 : i32
            %parallel_loop3A_504 = arith.index_cast %parallel_loop3A_337 : i32 to index
            %parallel_loop3A_505 = arith.index_cast %parallel_loop3A_503 : i32 to index
            %parallel_loop3A_506 = arith.constant 96 : index
            %parallel_loop3A_507 = tpu.vector_load %arg10[%parallel_loop3A_504, %parallel_loop3A_505, %parallel_loop3A_506] {strides = array<i32>} : memref<104x2x128xf32, #tpu.memory_space<vmem>>, vector<16xf32>,
            tpu.vector_store %arg10[%parallel_loop3A_504, %parallel_loop3A_505, %parallel_loop3A_506], %parallel_loop3A_502 {strides = array<i32>} : memref<104x2x128xf32, #tpu.memory_space<vmem>>, vector<16xf32>,
            %parallel_loop3A_508 = arith.constant 3 : i32
            %parallel_loop3A_509 = arith.index_cast %parallel_loop3A_508 : i32 to index
            %parallel_loop3A_510 = arith.index_cast %parallel_loop3A_342 : i32 to index
            %parallel_loop3A_511 = arith.constant 48 : index
            %parallel_loop3A_512 = tpu.vector_load %arg8[%parallel_loop3A_509, %parallel_loop3A_510, %parallel_loop3A_511] {strides = array<i32>} : memref<4x104x64xf32, #tpu.memory_space<vmem>>, vector<16xf32>,
            %parallel_loop3A_513 = arith.mulf %parallel_loop3A_512, %get3A_92 : vector<16xf32>
            %parallel_loop3A_514 = arith.constant 1 : i32
            %parallel_loop3A_515 = arith.index_cast %parallel_loop3A_337 : i32 to index
            %parallel_loop3A_516 = arith.index_cast %parallel_loop3A_514 : i32 to index
            %parallel_loop3A_517 = arith.constant 112 : index
            %parallel_loop3A_518 = tpu.vector_load %arg10[%parallel_loop3A_515, %parallel_loop3A_516, %parallel_loop3A_517] {strides = array<i32>} : memref<104x2x128xf32, #tpu.memory_space<vmem>>, vector<16xf32>,
            tpu.vector_store %arg10[%parallel_loop3A_515, %parallel_loop3A_516, %parallel_loop3A_517], %parallel_loop3A_513 {strides = array<i32>} : memref<104x2x128xf32, #tpu.memory_space<vmem>>, vector<16xf32>,
          } {sc.loop_unroll_factor = 4 : i64, sc.parallel_access}
        } else {
        }
        %add3A_293 = arith.constant 2 : i32
        %add3A_294 = arith.addi %reduce_sum3A_60, %add3A_293 : i32
        %sub3A_295 = arith.subi %add3A_294, %max3A_261 : i32
        %jit3A_296 = arith.constant 0 : i32
        %jit3A_297 = arith.constant 104 : i32
        %max3A_298 = arith.maxsi %jit3A_296, %sub3A_295 : i32
        %min3A_299 = arith.minsi %jit3A_297, %max3A_298 : i32
        %sub3A_300 = arith.constant 104 : i32
        %sub3A_301 = arith.subi %sub3A_300, %min3A_299 : i32
        %parallel_loop3A_302 = arith.constant 0 : i32
        %parallel_loop3A_303 = arith.constant 1 : i32
        scf.for %parallel_loop3A_334 = %parallel_loop3A_302 to %sub3A_301 step %parallel_loop3A_303  : i32 {
          %parallel_loop3A_335 = arith.addi %min3A_299, %parallel_loop3A_334 : i32
          %parallel_loop3A_336 = arith.constant 0 : i32
          %parallel_loop3A_337 = arith.index_cast %parallel_loop3A_335 : i32 to index
          %parallel_loop3A_338 = arith.index_cast %parallel_loop3A_336 : i32 to index
          %parallel_loop3A_339 = arith.constant 0 : index
          %parallel_loop3A_340 = tpu.vector_load %arg10[%parallel_loop3A_337, %parallel_loop3A_338, %parallel_loop3A_339] {strides = array<i32>} : memref<104x2x128xf32, #tpu.memory_space<vmem>>, vector<16xf32>,
          tpu.vector_store %arg10[%parallel_loop3A_337, %parallel_loop3A_338, %parallel_loop3A_339], %broadcast_in_dim3A_93 {strides = array<i32>} : memref<104x2x128xf32, #tpu.memory_space<vmem>>, vector<16xf32>,
          %parallel_loop3A_341 = arith.constant 0 : i32
          %parallel_loop3A_342 = arith.index_cast %parallel_loop3A_335 : i32 to index
          %parallel_loop3A_343 = arith.index_cast %parallel_loop3A_341 : i32 to index
          %parallel_loop3A_344 = arith.constant 16 : index
          %parallel_loop3A_345 = tpu.vector_load %arg10[%parallel_loop3A_342, %parallel_loop3A_343, %parallel_loop3A_344] {strides = array<i32>} : memref<104x2x128xf32, #tpu.memory_space<vmem>>, vector<16xf32>,
          tpu.vector_store %arg10[%parallel_loop3A_342, %parallel_loop3A_343, %parallel_loop3A_344], %broadcast_in_dim3A_93 {strides = array<i32>} : memref<104x2x128xf32, #tpu.memory_space<vmem>>, vector<16xf32>,
          %parallel_loop3A_346 = arith.constant 0 : i32
          %parallel_loop3A_347 = arith.index_cast %parallel_loop3A_335 : i32 to index
          %parallel_loop3A_348 = arith.index_cast %parallel_loop3A_346 : i32 to index
          %parallel_loop3A_349 = arith.constant 32 : index
          %parallel_loop3A_350 = tpu.vector_load %arg10[%parallel_loop3A_347, %parallel_loop3A_348, %parallel_loop3A_349] {strides = array<i32>} : memref<104x2x128xf32, #tpu.memory_space<vmem>>, vector<16xf32>,
          tpu.vector_store %arg10[%parallel_loop3A_347, %parallel_loop3A_348, %parallel_loop3A_349], %broadcast_in_dim3A_93 {strides = array<i32>} : memref<104x2x128xf32, #tpu.memory_space<vmem>>, vector<16xf32>,
          %parallel_loop3A_351 = arith.constant 0 : i32
          %parallel_loop3A_352 = arith.index_cast %parallel_loop3A_335 : i32 to index
          %parallel_loop3A_353 = arith.index_cast %parallel_loop3A_351 : i32 to index
          %parallel_loop3A_354 = arith.constant 48 : index
          %parallel_loop3A_355 = tpu.vector_load %arg10[%parallel_loop3A_352, %parallel_loop3A_353, %parallel_loop3A_354] {strides = array<i32>} : memref<104x2x128xf32, #tpu.memory_space<vmem>>, vector<16xf32>,
          tpu.vector_store %arg10[%parallel_loop3A_352, %parallel_loop3A_353, %parallel_loop3A_354], %broadcast_in_dim3A_93 {strides = array<i32>} : memref<104x2x128xf32, #tpu.memory_space<vmem>>, vector<16xf32>,
          %parallel_loop3A_356 = arith.constant 0 : i32
          %parallel_loop3A_357 = arith.index_cast %parallel_loop3A_335 : i32 to index
          %parallel_loop3A_358 = arith.index_cast %parallel_loop3A_356 : i32 to index
          %parallel_loop3A_359 = arith.constant 64 : index
          %parallel_loop3A_360 = tpu.vector_load %arg10[%parallel_loop3A_357, %parallel_loop3A_358, %parallel_loop3A_359] {strides = array<i32>} : memref<104x2x128xf32, #tpu.memory_space<vmem>>, vector<16xf32>,
          tpu.vector_store %arg10[%parallel_loop3A_357, %parallel_loop3A_358, %parallel_loop3A_359], %broadcast_in_dim3A_93 {strides = array<i32>} : memref<104x2x128xf32, #tpu.memory_space<vmem>>, vector<16xf32>,
          %parallel_loop3A_361 = arith.constant 0 : i32
          %parallel_loop3A_362 = arith.index_cast %parallel_loop3A_335 : i32 to index
          %parallel_loop3A_363 = arith.index_cast %parallel_loop3A_361 : i32 to index
          %parallel_loop3A_364 = arith.constant 80 : index
          %parallel_loop3A_365 = tpu.vector_load %arg10[%parallel_loop3A_362, %parallel_loop3A_363, %parallel_loop3A_364] {strides = array<i32>} : memref<104x2x128xf32, #tpu.memory_space<vmem>>, vector<16xf32>,
          tpu.vector_store %arg10[%parallel_loop3A_362, %parallel_loop3A_363, %parallel_loop3A_364], %broadcast_in_dim3A_93 {strides = array<i32>} : memref<104x2x128xf32, #tpu.memory_space<vmem>>, vector<16xf32>,
          %parallel_loop3A_366 = arith.constant 0 : i32
          %parallel_loop3A_367 = arith.index_cast %parallel_loop3A_335 : i32 to index
          %parallel_loop3A_368 = arith.index_cast %parallel_loop3A_366 : i32 to index
          %parallel_loop3A_369 = arith.constant 96 : index
          %parallel_loop3A_370 = tpu.vector_load %arg10[%parallel_loop3A_367, %parallel_loop3A_368, %parallel_loop3A_369] {strides = array<i32>} : memref<104x2x128xf32, #tpu.memory_space<vmem>>, vector<16xf32>,
          tpu.vector_store %arg10[%parallel_loop3A_367, %parallel_loop3A_368, %parallel_loop3A_369], %broadcast_in_dim3A_93 {strides = array<i32>} : memref<104x2x128xf32, #tpu.memory_space<vmem>>, vector<16xf32>,
          %parallel_loop3A_371 = arith.constant 0 : i32
          %parallel_loop3A_372 = arith.index_cast %parallel_loop3A_335 : i32 to index
          %parallel_loop3A_373 = arith.index_cast %parallel_loop3A_371 : i32 to index
          %parallel_loop3A_374 = arith.constant 112 : index
          %parallel_loop3A_375 = tpu.vector_load %arg10[%parallel_loop3A_372, %parallel_loop3A_373, %parallel_loop3A_374] {strides = array<i32>} : memref<104x2x128xf32, #tpu.memory_space<vmem>>, vector<16xf32>,
          tpu.vector_store %arg10[%parallel_loop3A_372, %parallel_loop3A_373, %parallel_loop3A_374], %broadcast_in_dim3A_93 {strides = array<i32>} : memref<104x2x128xf32, #tpu.memory_space<vmem>>, vector<16xf32>,
          %parallel_loop3A_376 = arith.constant 1 : i32
          %parallel_loop3A_377 = arith.index_cast %parallel_loop3A_335 : i32 to index
          %parallel_loop3A_378 = arith.index_cast %parallel_loop3A_376 : i32 to index
          %parallel_loop3A_379 = arith.constant 0 : index
          %parallel_loop3A_380 = tpu.vector_load %arg10[%parallel_loop3A_377, %parallel_loop3A_378, %parallel_loop3A_379] {strides = array<i32>} : memref<104x2x128xf32, #tpu.memory_space<vmem>>, vector<16xf32>,
          tpu.vector_store %arg10[%parallel_loop3A_377, %parallel_loop3A_378, %parallel_loop3A_379], %broadcast_in_dim3A_93 {strides = array<i32>} : memref<104x2x128xf32, #tpu.memory_space<vmem>>, vector<16xf32>,
          %parallel_loop3A_381 = arith.constant 1 : i32
          %parallel_loop3A_382 = arith.index_cast %parallel_loop3A_335 : i32 to index
          %parallel_loop3A_383 = arith.index_cast %parallel_loop3A_381 : i32 to index
          %parallel_loop3A_384 = arith.constant 16 : index
          %parallel_loop3A_385 = tpu.vector_load %arg10[%parallel_loop3A_382, %parallel_loop3A_383, %parallel_loop3A_384] {strides = array<i32>} : memref<104x2x128xf32, #tpu.memory_space<vmem>>, vector<16xf32>,
          tpu.vector_store %arg10[%parallel_loop3A_382, %parallel_loop3A_383, %parallel_loop3A_384], %broadcast_in_dim3A_93 {strides = array<i32>} : memref<104x2x128xf32, #tpu.memory_space<vmem>>, vector<16xf32>,
          %parallel_loop3A_386 = arith.constant 1 : i32
          %parallel_loop3A_387 = arith.index_cast %parallel_loop3A_335 : i32 to index
          %parallel_loop3A_388 = arith.index_cast %parallel_loop3A_386 : i32 to index
          %parallel_loop3A_389 = arith.constant 32 : index
          %parallel_loop3A_390 = tpu.vector_load %arg10[%parallel_loop3A_387, %parallel_loop3A_388, %parallel_loop3A_389] {strides = array<i32>} : memref<104x2x128xf32, #tpu.memory_space<vmem>>, vector<16xf32>,
          tpu.vector_store %arg10[%parallel_loop3A_387, %parallel_loop3A_388, %parallel_loop3A_389], %broadcast_in_dim3A_93 {strides = array<i32>} : memref<104x2x128xf32, #tpu.memory_space<vmem>>, vector<16xf32>,
          %parallel_loop3A_391 = arith.constant 1 : i32
          %parallel_loop3A_392 = arith.index_cast %parallel_loop3A_335 : i32 to index
          %parallel_loop3A_393 = arith.index_cast %parallel_loop3A_391 : i32 to index
          %parallel_loop3A_394 = arith.constant 48 : index
          %parallel_loop3A_395 = tpu.vector_load %arg10[%parallel_loop3A_392, %parallel_loop3A_393, %parallel_loop3A_394] {strides = array<i32>} : memref<104x2x128xf32, #tpu.memory_space<vmem>>, vector<16xf32>,
          tpu.vector_store %arg10[%parallel_loop3A_392, %parallel_loop3A_393, %parallel_loop3A_394], %broadcast_in_dim3A_93 {strides = array<i32>} : memref<104x2x128xf32, #tpu.memory_space<vmem>>, vector<16xf32>,
          %parallel_loop3A_396 = arith.constant 1 : i32
          %parallel_loop3A_397 = arith.index_cast %parallel_loop3A_335 : i32 to index
          %parallel_loop3A_398 = arith.index_cast %parallel_loop3A_396 : i32 to index
          %parallel_loop3A_399 = arith.constant 64 : index
          %parallel_loop3A_400 = tpu.vector_load %arg10[%parallel_loop3A_397, %parallel_loop3A_398, %parallel_loop3A_399] {strides = array<i32>} : memref<104x2x128xf32, #tpu.memory_space<vmem>>, vector<16xf32>,
          tpu.vector_store %arg10[%parallel_loop3A_397, %parallel_loop3A_398, %parallel_loop3A_399], %broadcast_in_dim3A_93 {strides = array<i32>} : memref<104x2x128xf32, #tpu.memory_space<vmem>>, vector<16xf32>,
          %parallel_loop3A_401 = arith.constant 1 : i32
          %parallel_loop3A_402 = arith.index_cast %parallel_loop3A_335 : i32 to index
          %parallel_loop3A_403 = arith.index_cast %parallel_loop3A_401 : i32 to index
          %parallel_loop3A_404 = arith.constant 80 : index
          %parallel_loop3A_405 = tpu.vector_load %arg10[%parallel_loop3A_402, %parallel_loop3A_403, %parallel_loop3A_404] {strides = array<i32>} : memref<104x2x128xf32, #tpu.memory_space<vmem>>, vector<16xf32>,
          tpu.vector_store %arg10[%parallel_loop3A_402, %parallel_loop3A_403, %parallel_loop3A_404], %broadcast_in_dim3A_93 {strides = array<i32>} : memref<104x2x128xf32, #tpu.memory_space<vmem>>, vector<16xf32>,
          %parallel_loop3A_406 = arith.constant 1 : i32
          %parallel_loop3A_407 = arith.index_cast %parallel_loop3A_335 : i32 to index
          %parallel_loop3A_408 = arith.index_cast %parallel_loop3A_406 : i32 to index
          %parallel_loop3A_409 = arith.constant 96 : index
          %parallel_loop3A_410 = tpu.vector_load %arg10[%parallel_loop3A_407, %parallel_loop3A_408, %parallel_loop3A_409] {strides = array<i32>} : memref<104x2x128xf32, #tpu.memory_space<vmem>>, vector<16xf32>,
          tpu.vector_store %arg10[%parallel_loop3A_407, %parallel_loop3A_408, %parallel_loop3A_409], %broadcast_in_dim3A_93 {strides = array<i32>} : memref<104x2x128xf32, #tpu.memory_space<vmem>>, vector<16xf32>,
          %parallel_loop3A_411 = arith.constant 1 : i32
          %parallel_loop3A_412 = arith.index_cast %parallel_loop3A_335 : i32 to index
          %parallel_loop3A_413 = arith.index_cast %parallel_loop3A_411 : i32 to index
          %parallel_loop3A_414 = arith.constant 112 : index
          %parallel_loop3A_415 = tpu.vector_load %arg10[%parallel_loop3A_412, %parallel_loop3A_413, %parallel_loop3A_414] {strides = array<i32>} : memref<104x2x128xf32, #tpu.memory_space<vmem>>, vector<16xf32>,
          tpu.vector_store %arg10[%parallel_loop3A_412, %parallel_loop3A_413, %parallel_loop3A_414], %broadcast_in_dim3A_93 {strides = array<i32>} : memref<104x2x128xf32, #tpu.memory_space<vmem>>, vector<16xf32>,
        } {sc.loop_unroll_factor = 2 : i64, sc.parallel_access}
        %add3A_304 = arith.constant 1 : i32
        %add3A_305 = arith.addi %reduce_sum3A_60, %add3A_304 : i32
        %ge3A_306 = arith.cmpi sge, %add3A_305, %max3A_261 : i32
        %add3A_307 = arith.constant 1 : i32
        %add3A_308 = arith.addi %reduce_sum3A_60, %add3A_307 : i32
        %add3A_309 = arith.constant 104 : i32
        %add3A_310 = arith.addi %max3A_261, %add3A_309 : i32
        %lt3A_311 = arith.cmpi slt, %add3A_308, %add3A_310 : i32
        %and3A_312 = arith.andi %ge3A_306, %lt3A_311 : i1
        %convert_element_type3A_313 = arith.extui %and3A_312 : i1 to i32
        %cond3A_314 = arith.constant 0 : i32
        %cond3A_315 = arith.cmpi ne, %convert_element_type3A_313, %cond3A_314 : i32
        scf.if %cond3A_315 {
          %add3A_334 = arith.constant 1 : i32
          %add3A_335 = arith.addi %reduce_sum3A_60, %add3A_334 : i32
          %sub3A_336 = arith.subi %add3A_335, %max3A_261 : i32
          %swap3A = arith.constant 0 : i32
          %swap3A_337 = arith.index_cast %sub3A_336 : i32 to index
          %swap3A_338 = arith.index_cast %swap3A : i32 to index
          %swap3A_339 = arith.constant 0 : index
          %swap3A_340 = tpu.vector_load %arg10[%swap3A_337, %swap3A_338, %swap3A_339] {strides = array<i32>} : memref<104x2x128xf32, #tpu.memory_space<vmem>>, vector<16xf32>,
          tpu.vector_store %arg10[%swap3A_337, %swap3A_338, %swap3A_339], %add3A_99 {strides = array<i32>} : memref<104x2x128xf32, #tpu.memory_space<vmem>>, vector<16xf32>,
          %swap3A_341 = arith.constant 0 : i32
          %swap3A_342 = arith.index_cast %sub3A_336 : i32 to index
          %swap3A_343 = arith.index_cast %swap3A_341 : i32 to index
          %swap3A_344 = arith.constant 16 : index
          %swap3A_345 = tpu.vector_load %arg10[%swap3A_342, %swap3A_343, %swap3A_344] {strides = array<i32>} : memref<104x2x128xf32, #tpu.memory_space<vmem>>, vector<16xf32>,
          tpu.vector_store %arg10[%swap3A_342, %swap3A_343, %swap3A_344], %add3A_99 {strides = array<i32>} : memref<104x2x128xf32, #tpu.memory_space<vmem>>, vector<16xf32>,
          %swap3A_346 = arith.constant 0 : i32
          %swap3A_347 = arith.index_cast %sub3A_336 : i32 to index
          %swap3A_348 = arith.index_cast %swap3A_346 : i32 to index
          %swap3A_349 = arith.constant 32 : index
          %swap3A_350 = tpu.vector_load %arg10[%swap3A_347, %swap3A_348, %swap3A_349] {strides = array<i32>} : memref<104x2x128xf32, #tpu.memory_space<vmem>>, vector<16xf32>,
          tpu.vector_store %arg10[%swap3A_347, %swap3A_348, %swap3A_349], %add3A_99 {strides = array<i32>} : memref<104x2x128xf32, #tpu.memory_space<vmem>>, vector<16xf32>,
          %swap3A_351 = arith.constant 0 : i32
          %swap3A_352 = arith.index_cast %sub3A_336 : i32 to index
          %swap3A_353 = arith.index_cast %swap3A_351 : i32 to index
          %swap3A_354 = arith.constant 48 : index
          %swap3A_355 = tpu.vector_load %arg10[%swap3A_352, %swap3A_353, %swap3A_354] {strides = array<i32>} : memref<104x2x128xf32, #tpu.memory_space<vmem>>, vector<16xf32>,
          tpu.vector_store %arg10[%swap3A_352, %swap3A_353, %swap3A_354], %add3A_99 {strides = array<i32>} : memref<104x2x128xf32, #tpu.memory_space<vmem>>, vector<16xf32>,
          %swap3A_356 = arith.constant 0 : i32
          %swap3A_357 = arith.index_cast %sub3A_336 : i32 to index
          %swap3A_358 = arith.index_cast %swap3A_356 : i32 to index
          %swap3A_359 = arith.constant 64 : index
          %swap3A_360 = tpu.vector_load %arg10[%swap3A_357, %swap3A_358, %swap3A_359] {strides = array<i32>} : memref<104x2x128xf32, #tpu.memory_space<vmem>>, vector<16xf32>,
          tpu.vector_store %arg10[%swap3A_357, %swap3A_358, %swap3A_359], %add3A_99 {strides = array<i32>} : memref<104x2x128xf32, #tpu.memory_space<vmem>>, vector<16xf32>,
          %swap3A_361 = arith.constant 0 : i32
          %swap3A_362 = arith.index_cast %sub3A_336 : i32 to index
          %swap3A_363 = arith.index_cast %swap3A_361 : i32 to index
          %swap3A_364 = arith.constant 80 : index
          %swap3A_365 = tpu.vector_load %arg10[%swap3A_362, %swap3A_363, %swap3A_364] {strides = array<i32>} : memref<104x2x128xf32, #tpu.memory_space<vmem>>, vector<16xf32>,
          tpu.vector_store %arg10[%swap3A_362, %swap3A_363, %swap3A_364], %add3A_99 {strides = array<i32>} : memref<104x2x128xf32, #tpu.memory_space<vmem>>, vector<16xf32>,
          %swap3A_366 = arith.constant 0 : i32
          %swap3A_367 = arith.index_cast %sub3A_336 : i32 to index
          %swap3A_368 = arith.index_cast %swap3A_366 : i32 to index
          %swap3A_369 = arith.constant 96 : index
          %swap3A_370 = tpu.vector_load %arg10[%swap3A_367, %swap3A_368, %swap3A_369] {strides = array<i32>} : memref<104x2x128xf32, #tpu.memory_space<vmem>>, vector<16xf32>,
          tpu.vector_store %arg10[%swap3A_367, %swap3A_368, %swap3A_369], %add3A_99 {strides = array<i32>} : memref<104x2x128xf32, #tpu.memory_space<vmem>>, vector<16xf32>,
          %swap3A_371 = arith.constant 0 : i32
          %swap3A_372 = arith.index_cast %sub3A_336 : i32 to index
          %swap3A_373 = arith.index_cast %swap3A_371 : i32 to index
          %swap3A_374 = arith.constant 112 : index
          %swap3A_375 = tpu.vector_load %arg10[%swap3A_372, %swap3A_373, %swap3A_374] {strides = array<i32>} : memref<104x2x128xf32, #tpu.memory_space<vmem>>, vector<16xf32>,
          tpu.vector_store %arg10[%swap3A_372, %swap3A_373, %swap3A_374], %add3A_99 {strides = array<i32>} : memref<104x2x128xf32, #tpu.memory_space<vmem>>, vector<16xf32>,
          %swap3A_376 = arith.constant 1 : i32
          %swap3A_377 = arith.index_cast %sub3A_336 : i32 to index
          %swap3A_378 = arith.index_cast %swap3A_376 : i32 to index
          %swap3A_379 = arith.constant 0 : index
          %swap3A_380 = tpu.vector_load %arg10[%swap3A_377, %swap3A_378, %swap3A_379] {strides = array<i32>} : memref<104x2x128xf32, #tpu.memory_space<vmem>>, vector<16xf32>,
          tpu.vector_store %arg10[%swap3A_377, %swap3A_378, %swap3A_379], %add3A_99 {strides = array<i32>} : memref<104x2x128xf32, #tpu.memory_space<vmem>>, vector<16xf32>,
          %swap3A_381 = arith.constant 1 : i32
          %swap3A_382 = arith.index_cast %sub3A_336 : i32 to index
          %swap3A_383 = arith.index_cast %swap3A_381 : i32 to index
          %swap3A_384 = arith.constant 16 : index
          %swap3A_385 = tpu.vector_load %arg10[%swap3A_382, %swap3A_383, %swap3A_384] {strides = array<i32>} : memref<104x2x128xf32, #tpu.memory_space<vmem>>, vector<16xf32>,
          tpu.vector_store %arg10[%swap3A_382, %swap3A_383, %swap3A_384], %add3A_99 {strides = array<i32>} : memref<104x2x128xf32, #tpu.memory_space<vmem>>, vector<16xf32>,
          %swap3A_386 = arith.constant 1 : i32
          %swap3A_387 = arith.index_cast %sub3A_336 : i32 to index
          %swap3A_388 = arith.index_cast %swap3A_386 : i32 to index
          %swap3A_389 = arith.constant 32 : index
          %swap3A_390 = tpu.vector_load %arg10[%swap3A_387, %swap3A_388, %swap3A_389] {strides = array<i32>} : memref<104x2x128xf32, #tpu.memory_space<vmem>>, vector<16xf32>,
          tpu.vector_store %arg10[%swap3A_387, %swap3A_388, %swap3A_389], %add3A_99 {strides = array<i32>} : memref<104x2x128xf32, #tpu.memory_space<vmem>>, vector<16xf32>,
          %swap3A_391 = arith.constant 1 : i32
          %swap3A_392 = arith.index_cast %sub3A_336 : i32 to index
          %swap3A_393 = arith.index_cast %swap3A_391 : i32 to index
          %swap3A_394 = arith.constant 48 : index
          %swap3A_395 = tpu.vector_load %arg10[%swap3A_392, %swap3A_393, %swap3A_394] {strides = array<i32>} : memref<104x2x128xf32, #tpu.memory_space<vmem>>, vector<16xf32>,
          tpu.vector_store %arg10[%swap3A_392, %swap3A_393, %swap3A_394], %add3A_99 {strides = array<i32>} : memref<104x2x128xf32, #tpu.memory_space<vmem>>, vector<16xf32>,
          %swap3A_396 = arith.constant 1 : i32
          %swap3A_397 = arith.index_cast %sub3A_336 : i32 to index
          %swap3A_398 = arith.index_cast %swap3A_396 : i32 to index
          %swap3A_399 = arith.constant 64 : index
          %swap3A_400 = tpu.vector_load %arg10[%swap3A_397, %swap3A_398, %swap3A_399] {strides = array<i32>} : memref<104x2x128xf32, #tpu.memory_space<vmem>>, vector<16xf32>,
          tpu.vector_store %arg10[%swap3A_397, %swap3A_398, %swap3A_399], %add3A_99 {strides = array<i32>} : memref<104x2x128xf32, #tpu.memory_space<vmem>>, vector<16xf32>,
          %swap3A_401 = arith.constant 1 : i32
          %swap3A_402 = arith.index_cast %sub3A_336 : i32 to index
          %swap3A_403 = arith.index_cast %swap3A_401 : i32 to index
          %swap3A_404 = arith.constant 80 : index
          %swap3A_405 = tpu.vector_load %arg10[%swap3A_402, %swap3A_403, %swap3A_404] {strides = array<i32>} : memref<104x2x128xf32, #tpu.memory_space<vmem>>, vector<16xf32>,
          tpu.vector_store %arg10[%swap3A_402, %swap3A_403, %swap3A_404], %add3A_99 {strides = array<i32>} : memref<104x2x128xf32, #tpu.memory_space<vmem>>, vector<16xf32>,
          %swap3A_406 = arith.constant 1 : i32
          %swap3A_407 = arith.index_cast %sub3A_336 : i32 to index
          %swap3A_408 = arith.index_cast %swap3A_406 : i32 to index
          %swap3A_409 = arith.constant 96 : index
          %swap3A_410 = tpu.vector_load %arg10[%swap3A_407, %swap3A_408, %swap3A_409] {strides = array<i32>} : memref<104x2x128xf32, #tpu.memory_space<vmem>>, vector<16xf32>,
          tpu.vector_store %arg10[%swap3A_407, %swap3A_408, %swap3A_409], %add3A_99 {strides = array<i32>} : memref<104x2x128xf32, #tpu.memory_space<vmem>>, vector<16xf32>,
          %swap3A_411 = arith.constant 1 : i32
          %swap3A_412 = arith.index_cast %sub3A_336 : i32 to index
          %swap3A_413 = arith.index_cast %swap3A_411 : i32 to index
          %swap3A_414 = arith.constant 112 : index
          %swap3A_415 = tpu.vector_load %arg10[%swap3A_412, %swap3A_413, %swap3A_414] {strides = array<i32>} : memref<104x2x128xf32, #tpu.memory_space<vmem>>, vector<16xf32>,
          tpu.vector_store %arg10[%swap3A_412, %swap3A_413, %swap3A_414], %add3A_99 {strides = array<i32>} : memref<104x2x128xf32, #tpu.memory_space<vmem>>, vector<16xf32>,
        } else {
        }
        %eq3A_316 = arith.constant 0 : i32
        %eq3A_317 = arith.cmpi eq, %max3A_261, %eq3A_316 : i32
        %convert_element_type3A_318 = arith.extui %eq3A_317 : i1 to i32
        %cond3A_319 = arith.constant 0 : i32
        %cond3A_320 = arith.cmpi ne, %convert_element_type3A_318, %cond3A_319 : i32
        scf.if %cond3A_320 {
          %swap3A = arith.constant 0 : i32
          %swap3A_334 = arith.constant 0 : i32
          %swap3A_335 = arith.index_cast %swap3A : i32 to index
          %swap3A_336 = arith.index_cast %swap3A_334 : i32 to index
          %swap3A_337 = arith.constant 0 : index
          %swap3A_338 = tpu.vector_load %arg10[%swap3A_335, %swap3A_336, %swap3A_337] {strides = array<i32>} : memref<104x2x128xf32, #tpu.memory_space<vmem>>, vector<16xf32>,
          tpu.vector_store %arg10[%swap3A_335, %swap3A_336, %swap3A_337], %add3A_96 {strides = array<i32>} : memref<104x2x128xf32, #tpu.memory_space<vmem>>, vector<16xf32>,
          %swap3A_339 = arith.constant 0 : i32
          %swap3A_340 = arith.constant 0 : i32
          %swap3A_341 = arith.index_cast %swap3A_339 : i32 to index
          %swap3A_342 = arith.index_cast %swap3A_340 : i32 to index
          %swap3A_343 = arith.constant 16 : index
          %swap3A_344 = tpu.vector_load %arg10[%swap3A_341, %swap3A_342, %swap3A_343] {strides = array<i32>} : memref<104x2x128xf32, #tpu.memory_space<vmem>>, vector<16xf32>,
          tpu.vector_store %arg10[%swap3A_341, %swap3A_342, %swap3A_343], %add3A_96 {strides = array<i32>} : memref<104x2x128xf32, #tpu.memory_space<vmem>>, vector<16xf32>,
          %swap3A_345 = arith.constant 0 : i32
          %swap3A_346 = arith.constant 0 : i32
          %swap3A_347 = arith.index_cast %swap3A_345 : i32 to index
          %swap3A_348 = arith.index_cast %swap3A_346 : i32 to index
          %swap3A_349 = arith.constant 32 : index
          %swap3A_350 = tpu.vector_load %arg10[%swap3A_347, %swap3A_348, %swap3A_349] {strides = array<i32>} : memref<104x2x128xf32, #tpu.memory_space<vmem>>, vector<16xf32>,
          tpu.vector_store %arg10[%swap3A_347, %swap3A_348, %swap3A_349], %add3A_96 {strides = array<i32>} : memref<104x2x128xf32, #tpu.memory_space<vmem>>, vector<16xf32>,
          %swap3A_351 = arith.constant 0 : i32
          %swap3A_352 = arith.constant 0 : i32
          %swap3A_353 = arith.index_cast %swap3A_351 : i32 to index
          %swap3A_354 = arith.index_cast %swap3A_352 : i32 to index
          %swap3A_355 = arith.constant 48 : index
          %swap3A_356 = tpu.vector_load %arg10[%swap3A_353, %swap3A_354, %swap3A_355] {strides = array<i32>} : memref<104x2x128xf32, #tpu.memory_space<vmem>>, vector<16xf32>,
          tpu.vector_store %arg10[%swap3A_353, %swap3A_354, %swap3A_355], %add3A_96 {strides = array<i32>} : memref<104x2x128xf32, #tpu.memory_space<vmem>>, vector<16xf32>,
          %swap3A_357 = arith.constant 0 : i32
          %swap3A_358 = arith.constant 0 : i32
          %swap3A_359 = arith.index_cast %swap3A_357 : i32 to index
          %swap3A_360 = arith.index_cast %swap3A_358 : i32 to index
          %swap3A_361 = arith.constant 64 : index
          %swap3A_362 = tpu.vector_load %arg10[%swap3A_359, %swap3A_360, %swap3A_361] {strides = array<i32>} : memref<104x2x128xf32, #tpu.memory_space<vmem>>, vector<16xf32>,
          tpu.vector_store %arg10[%swap3A_359, %swap3A_360, %swap3A_361], %add3A_96 {strides = array<i32>} : memref<104x2x128xf32, #tpu.memory_space<vmem>>, vector<16xf32>,
          %swap3A_363 = arith.constant 0 : i32
          %swap3A_364 = arith.constant 0 : i32
          %swap3A_365 = arith.index_cast %swap3A_363 : i32 to index
          %swap3A_366 = arith.index_cast %swap3A_364 : i32 to index
          %swap3A_367 = arith.constant 80 : index
          %swap3A_368 = tpu.vector_load %arg10[%swap3A_365, %swap3A_366, %swap3A_367] {strides = array<i32>} : memref<104x2x128xf32, #tpu.memory_space<vmem>>, vector<16xf32>,
          tpu.vector_store %arg10[%swap3A_365, %swap3A_366, %swap3A_367], %add3A_96 {strides = array<i32>} : memref<104x2x128xf32, #tpu.memory_space<vmem>>, vector<16xf32>,
          %swap3A_369 = arith.constant 0 : i32
          %swap3A_370 = arith.constant 0 : i32
          %swap3A_371 = arith.index_cast %swap3A_369 : i32 to index
          %swap3A_372 = arith.index_cast %swap3A_370 : i32 to index
          %swap3A_373 = arith.constant 96 : index
          %swap3A_374 = tpu.vector_load %arg10[%swap3A_371, %swap3A_372, %swap3A_373] {strides = array<i32>} : memref<104x2x128xf32, #tpu.memory_space<vmem>>, vector<16xf32>,
          tpu.vector_store %arg10[%swap3A_371, %swap3A_372, %swap3A_373], %add3A_96 {strides = array<i32>} : memref<104x2x128xf32, #tpu.memory_space<vmem>>, vector<16xf32>,
          %swap3A_375 = arith.constant 0 : i32
          %swap3A_376 = arith.constant 0 : i32
          %swap3A_377 = arith.index_cast %swap3A_375 : i32 to index
          %swap3A_378 = arith.index_cast %swap3A_376 : i32 to index
          %swap3A_379 = arith.constant 112 : index
          %swap3A_380 = tpu.vector_load %arg10[%swap3A_377, %swap3A_378, %swap3A_379] {strides = array<i32>} : memref<104x2x128xf32, #tpu.memory_space<vmem>>, vector<16xf32>,
          tpu.vector_store %arg10[%swap3A_377, %swap3A_378, %swap3A_379], %add3A_96 {strides = array<i32>} : memref<104x2x128xf32, #tpu.memory_space<vmem>>, vector<16xf32>,
          %swap3A_381 = arith.constant 0 : i32
          %swap3A_382 = arith.constant 1 : i32
          %swap3A_383 = arith.index_cast %swap3A_381 : i32 to index
          %swap3A_384 = arith.index_cast %swap3A_382 : i32 to index
          %swap3A_385 = arith.constant 0 : index
          %swap3A_386 = tpu.vector_load %arg10[%swap3A_383, %swap3A_384, %swap3A_385] {strides = array<i32>} : memref<104x2x128xf32, #tpu.memory_space<vmem>>, vector<16xf32>,
          tpu.vector_store %arg10[%swap3A_383, %swap3A_384, %swap3A_385], %add3A_96 {strides = array<i32>} : memref<104x2x128xf32, #tpu.memory_space<vmem>>, vector<16xf32>,
          %swap3A_387 = arith.constant 0 : i32
          %swap3A_388 = arith.constant 1 : i32
          %swap3A_389 = arith.index_cast %swap3A_387 : i32 to index
          %swap3A_390 = arith.index_cast %swap3A_388 : i32 to index
          %swap3A_391 = arith.constant 16 : index
          %swap3A_392 = tpu.vector_load %arg10[%swap3A_389, %swap3A_390, %swap3A_391] {strides = array<i32>} : memref<104x2x128xf32, #tpu.memory_space<vmem>>, vector<16xf32>,
          tpu.vector_store %arg10[%swap3A_389, %swap3A_390, %swap3A_391], %add3A_96 {strides = array<i32>} : memref<104x2x128xf32, #tpu.memory_space<vmem>>, vector<16xf32>,
          %swap3A_393 = arith.constant 0 : i32
          %swap3A_394 = arith.constant 1 : i32
          %swap3A_395 = arith.index_cast %swap3A_393 : i32 to index
          %swap3A_396 = arith.index_cast %swap3A_394 : i32 to index
          %swap3A_397 = arith.constant 32 : index
          %swap3A_398 = tpu.vector_load %arg10[%swap3A_395, %swap3A_396, %swap3A_397] {strides = array<i32>} : memref<104x2x128xf32, #tpu.memory_space<vmem>>, vector<16xf32>,
          tpu.vector_store %arg10[%swap3A_395, %swap3A_396, %swap3A_397], %add3A_96 {strides = array<i32>} : memref<104x2x128xf32, #tpu.memory_space<vmem>>, vector<16xf32>,
          %swap3A_399 = arith.constant 0 : i32
          %swap3A_400 = arith.constant 1 : i32
          %swap3A_401 = arith.index_cast %swap3A_399 : i32 to index
          %swap3A_402 = arith.index_cast %swap3A_400 : i32 to index
          %swap3A_403 = arith.constant 48 : index
          %swap3A_404 = tpu.vector_load %arg10[%swap3A_401, %swap3A_402, %swap3A_403] {strides = array<i32>} : memref<104x2x128xf32, #tpu.memory_space<vmem>>, vector<16xf32>,
          tpu.vector_store %arg10[%swap3A_401, %swap3A_402, %swap3A_403], %add3A_96 {strides = array<i32>} : memref<104x2x128xf32, #tpu.memory_space<vmem>>, vector<16xf32>,
          %swap3A_405 = arith.constant 0 : i32
          %swap3A_406 = arith.constant 1 : i32
          %swap3A_407 = arith.index_cast %swap3A_405 : i32 to index
          %swap3A_408 = arith.index_cast %swap3A_406 : i32 to index
          %swap3A_409 = arith.constant 64 : index
          %swap3A_410 = tpu.vector_load %arg10[%swap3A_407, %swap3A_408, %swap3A_409] {strides = array<i32>} : memref<104x2x128xf32, #tpu.memory_space<vmem>>, vector<16xf32>,
          tpu.vector_store %arg10[%swap3A_407, %swap3A_408, %swap3A_409], %add3A_96 {strides = array<i32>} : memref<104x2x128xf32, #tpu.memory_space<vmem>>, vector<16xf32>,
          %swap3A_411 = arith.constant 0 : i32
          %swap3A_412 = arith.constant 1 : i32
          %swap3A_413 = arith.index_cast %swap3A_411 : i32 to index
          %swap3A_414 = arith.index_cast %swap3A_412 : i32 to index
          %swap3A_415 = arith.constant 80 : index
          %swap3A_416 = tpu.vector_load %arg10[%swap3A_413, %swap3A_414, %swap3A_415] {strides = array<i32>} : memref<104x2x128xf32, #tpu.memory_space<vmem>>, vector<16xf32>,
          tpu.vector_store %arg10[%swap3A_413, %swap3A_414, %swap3A_415], %add3A_96 {strides = array<i32>} : memref<104x2x128xf32, #tpu.memory_space<vmem>>, vector<16xf32>,
          %swap3A_417 = arith.constant 0 : i32
          %swap3A_418 = arith.constant 1 : i32
          %swap3A_419 = arith.index_cast %swap3A_417 : i32 to index
          %swap3A_420 = arith.index_cast %swap3A_418 : i32 to index
          %swap3A_421 = arith.constant 96 : index
          %swap3A_422 = tpu.vector_load %arg10[%swap3A_419, %swap3A_420, %swap3A_421] {strides = array<i32>} : memref<104x2x128xf32, #tpu.memory_space<vmem>>, vector<16xf32>,
          tpu.vector_store %arg10[%swap3A_419, %swap3A_420, %swap3A_421], %add3A_96 {strides = array<i32>} : memref<104x2x128xf32, #tpu.memory_space<vmem>>, vector<16xf32>,
          %swap3A_423 = arith.constant 0 : i32
          %swap3A_424 = arith.constant 1 : i32
          %swap3A_425 = arith.index_cast %swap3A_423 : i32 to index
          %swap3A_426 = arith.index_cast %swap3A_424 : i32 to index
          %swap3A_427 = arith.constant 112 : index
          %swap3A_428 = tpu.vector_load %arg10[%swap3A_425, %swap3A_426, %swap3A_427] {strides = array<i32>} : memref<104x2x128xf32, #tpu.memory_space<vmem>>, vector<16xf32>,
          tpu.vector_store %arg10[%swap3A_425, %swap3A_426, %swap3A_427], %add3A_96 {strides = array<i32>} : memref<104x2x128xf32, #tpu.memory_space<vmem>>, vector<16xf32>,
        } else {
        }
        %dma_start3A = arith.constant 0 : i32
        %dma_start3A_321 = arith.constant 0 : i32
        %dma_start3A_322 = tpu.memref_slice %arg6[%max3A_261, %select_n3A_30, %dma_start3A, %select_n3A_46, %dma_start3A_321] : memref<4098x2x2x8x128xf32, #tpu.memory_space<hbm>> -> memref<104x1x2x1x128xf32, #tpu.memory_space<hbm>>
        %dma_start3A_323 = tpu.memref_squeeze %dma_start3A_322 : memref<104x1x2x1x128xf32, #tpu.memory_space<hbm>> -> memref<104x2x128xf32, #tpu.memory_space<hbm>>
        %dma_start3A_324 = arith.constant 0 : i32
        %dma_start3A_325 = arith.constant 0 : i32
        %dma_start3A_326 = tpu.memref_slice %arg6[%max3A_261, %select_n3A_30, %dma_start3A_324, %select_n3A_46, %dma_start3A_325] : memref<4098x2x2x8x128xf32, #tpu.memory_space<hbm>> -> memref<104x1x2x1x128xf32, #tpu.memory_space<hbm>>
        %dma_start3A_327 = tpu.memref_squeeze %dma_start3A_326 : memref<104x1x2x1x128xf32, #tpu.memory_space<hbm>> -> memref<104x2x128xf32, #tpu.memory_space<hbm>>
        tpu.enqueue_dma source(%arg10 : memref<104x2x128xf32, #tpu.memory_space<vmem>>) target(%dma_start3A_327 : memref<104x2x128xf32, #tpu.memory_space<hbm>>) target_semaphore(%arg18 : memref<!tpu.dma_semaphore, #tpu.memory_space<semaphore_mem>>)
        %add3A_328 = arith.constant 2 : i32
        %add3A_329 = arith.addi %add3A_254, %add3A_328 : i32
        %lt3A_330 = arith.cmpi slt, %add3A_329, %select_n3A_164 : i32
        %convert_element_type3A_331 = arith.extui %lt3A_330 : i1 to i32
        %cond3A_332 = arith.constant 0 : i32
        %cond3A_333 = arith.cmpi ne, %convert_element_type3A_331, %cond3A_332 : i32
        scf.if %cond3A_333 {
          %add3A_334 = arith.constant 2 : i32
          %add3A_335 = arith.addi %add3A_254, %add3A_334 : i32
          %mul3A_336 = arith.constant 104 : i32
          %mul3A_337 = arith.muli %add3A_335, %mul3A_336 : i32
          %add3A_338 = arith.addi %mul3A_9, %mul3A_337 : i32
          %sub3A_339 = arith.constant 104 : i32
          %sub3A_340 = arith.subi %sub3A_133, %sub3A_339 : i32
          %min3A_341 = arith.minsi %add3A_338, %sub3A_340 : i32
          %max3A_342 = arith.maxsi %min3A_341, %mul3A_9 : i32
          %add3A_343 = arith.addi %reduce_sum3A_53, %max3A_342 : i32
          %sub3A_344 = arith.constant 1 : i32
          %sub3A_345 = arith.subi %add3A_343, %sub3A_344 : i32
          %jit3A_346 = arith.constant 0 : i32
          %jit3A_347 = arith.constant 32664 : i32
          %max3A_348 = arith.maxsi %jit3A_346, %sub3A_345 : i32
          %min3A_349 = arith.minsi %jit3A_347, %max3A_348 : i32
          %dma_start3A_350 = arith.constant 0 : i32
          %dma_start3A_351 = arith.constant 0 : i32
          %dma_start3A_352 = tpu.memref_slice %arg2[%dma_start3A_350, %min3A_349, %dma_start3A_351] : memref<4x32768x64xf32, #tpu.memory_space<hbm>> -> memref<4x104x64xf32, #tpu.memory_space<hbm>>
          %dma_start3A_353 = arith.constant 0 : i32
          %dma_start3A_354 = arith.constant 0 : i32
          %dma_start3A_355 = tpu.memref_slice %arg2[%dma_start3A_353, %min3A_349, %dma_start3A_354] : memref<4x32768x64xf32, #tpu.memory_space<hbm>> -> memref<4x104x64xf32, #tpu.memory_space<hbm>>
          tpu.enqueue_dma source(%dma_start3A_355 : memref<4x104x64xf32, #tpu.memory_space<hbm>>) target(%arg8 : memref<4x104x64xf32, #tpu.memory_space<vmem>>) target_semaphore(%arg16 : memref<!tpu.dma_semaphore, #tpu.memory_space<semaphore_mem>>)
        } else {
        }
      } else {
      }
    }
    %while3A_219 = arith.constant 1 : i32
    scf.for %while3A_240 = %while3A_217 to %while3A_213 step %while3A_219  : i32 {
      %mul3A_241 = arith.constant 2 : i32
      %mul3A_242 = arith.muli %mul3A_241, %while3A_240 : i32
      %lt3A_243 = arith.cmpi slt, %mul3A_242, %select_n3A_164 : i32
      %convert_element_type3A_244 = arith.extui %lt3A_243 : i1 to i32
      %cond3A_245 = arith.constant 0 : i32
      %cond3A_246 = arith.cmpi ne, %convert_element_type3A_244, %cond3A_245 : i32
      scf.if %cond3A_246 {
        %mul3A_253 = arith.constant 104 : i32
        %mul3A_254 = arith.muli %mul3A_242, %mul3A_253 : i32
        %add3A_255 = arith.addi %mul3A_9, %mul3A_254 : i32
        %sub3A_256 = arith.constant 104 : i32
        %sub3A_257 = arith.subi %sub3A_133, %sub3A_256 : i32
        %min3A_258 = arith.minsi %add3A_255, %sub3A_257 : i32
        %max3A_259 = arith.maxsi %min3A_258, %mul3A_9 : i32
        %add3A_260 = arith.addi %reduce_sum3A_53, %max3A_259 : i32
        %sub3A_261 = arith.constant 1 : i32
        %sub3A_262 = arith.subi %add3A_260, %sub3A_261 : i32
        %jit3A_263 = arith.constant 0 : i32
        %jit3A_264 = arith.constant 32664 : i32
        %max3A_265 = arith.maxsi %jit3A_263, %sub3A_262 : i32
        %min3A_266 = arith.minsi %jit3A_264, %max3A_265 : i32
        %add3A_267 = arith.addi %reduce_sum3A_53, %max3A_259 : i32
        %sub3A_268 = arith.constant 1 : i32
        %sub3A_269 = arith.subi %add3A_267, %sub3A_268 : i32
        %sub3A_270 = arith.subi %sub3A_269, %min3A_266 : i32
        %dma_wait3A = arith.constant 0 : i32
        %dma_wait3A_271 = arith.constant 0 : i32
        %dma_wait3A_272 = tpu.memref_slice %arg2[%dma_wait3A, %min3A_266, %dma_wait3A_271] : memref<4x32768x64xf32, #tpu.memory_space<hbm>> -> memref<4x104x64xf32, #tpu.memory_space<hbm>>
        %dma_wait3A_273 = arith.constant 0 : i32
        %dma_wait3A_274 = arith.constant 0 : i32
        %dma_wait3A_275 = tpu.memref_slice %arg2[%dma_wait3A_273, %min3A_266, %dma_wait3A_274] : memref<4x32768x64xf32, #tpu.memory_space<hbm>> -> memref<4x104x64xf32, #tpu.memory_space<hbm>>
        tpu.wait_dma2 semaphore(%arg15 : memref<!tpu.dma_semaphore, #tpu.memory_space<semaphore_mem>>) src(%dma_wait3A_275 : memref<4x104x64xf32, #tpu.memory_space<hbm>>) dst(%arg7 : memref<4x104x64xf32, #tpu.memory_space<vmem>>)
        %ge3A_276 = arith.constant 2 : i32
        %ge3A_277 = arith.cmpi sge, %mul3A_242, %ge3A_276 : i32
        %convert_element_type3A_278 = arith.extui %ge3A_277 : i1 to i32
        %cond3A_279 = arith.constant 0 : i32
        %cond3A_280 = arith.cmpi ne, %convert_element_type3A_278, %cond3A_279 : i32
        scf.if %cond3A_280 {
          %dma_wait3A_332 = arith.constant 0 : i32
          %dma_wait3A_333 = arith.constant 0 : i32
          %dma_wait3A_334 = tpu.memref_slice %arg6[%max3A_259, %select_n3A_30, %dma_wait3A_332, %select_n3A_46, %dma_wait3A_333] : memref<4098x2x2x8x128xf32, #tpu.memory_space<hbm>> -> memref<104x1x2x1x128xf32, #tpu.memory_space<hbm>>
          %dma_wait3A_335 = tpu.memref_squeeze %dma_wait3A_334 : memref<104x1x2x1x128xf32, #tpu.memory_space<hbm>> -> memref<104x2x128xf32, #tpu.memory_space<hbm>>
          %dma_wait3A_336 = arith.constant 0 : i32
          %dma_wait3A_337 = arith.constant 0 : i32
          %dma_wait3A_338 = tpu.memref_slice %arg6[%max3A_259, %select_n3A_30, %dma_wait3A_336, %select_n3A_46, %dma_wait3A_337] : memref<4098x2x2x8x128xf32, #tpu.memory_space<hbm>> -> memref<104x1x2x1x128xf32, #tpu.memory_space<hbm>>
          %dma_wait3A_339 = tpu.memref_squeeze %dma_wait3A_338 : memref<104x1x2x1x128xf32, #tpu.memory_space<hbm>> -> memref<104x2x128xf32, #tpu.memory_space<hbm>>
          tpu.wait_dma2 semaphore(%arg17 : memref<!tpu.dma_semaphore, #tpu.memory_space<semaphore_mem>>) src(%arg9 : memref<104x2x128xf32, #tpu.memory_space<vmem>>) dst(%dma_wait3A_339 : memref<104x2x128xf32, #tpu.memory_space<hbm>>)
        } else {
        }
        %eq3A_281 = arith.constant 0 : i32
        %eq3A_282 = arith.cmpi eq, %sub3A_270, %eq3A_281 : i32
        %convert_element_type3A_283 = arith.extui %eq3A_282 : i1 to i32
        %cond3A_284 = arith.constant 0 : i32
        %cond3A_285 = arith.cmpi ne, %convert_element_type3A_283, %cond3A_284 : i32
        scf.if %cond3A_285 {
          %parallel_loop3A_332 = arith.constant 0 : i32
          %parallel_loop3A_333 = arith.constant 104 : i32
          %parallel_loop3A_334 = arith.constant 1 : i32
          scf.for %parallel_loop3A_335 = %parallel_loop3A_332 to %parallel_loop3A_333 step %parallel_loop3A_334  : i32 {
            %parallel_loop3A_336 = arith.constant 0 : i32
            %parallel_loop3A_337 = arith.index_cast %parallel_loop3A_336 : i32 to index
            %parallel_loop3A_338 = arith.index_cast %parallel_loop3A_335 : i32 to index
            %parallel_loop3A_339 = arith.constant 0 : index
            %parallel_loop3A_340 = tpu.vector_load %arg7[%parallel_loop3A_337, %parallel_loop3A_338, %parallel_loop3A_339] {strides = array<i32>} : memref<4x104x64xf32, #tpu.memory_space<vmem>>, vector<16xf32>,
            %parallel_loop3A_341 = arith.mulf %parallel_loop3A_340, %get3A_62 : vector<16xf32>
            %parallel_loop3A_342 = arith.constant 0 : i32
            %parallel_loop3A_343 = arith.index_cast %parallel_loop3A_335 : i32 to index
            %parallel_loop3A_344 = arith.index_cast %parallel_loop3A_342 : i32 to index
            %parallel_loop3A_345 = arith.constant 0 : index
            %parallel_loop3A_346 = tpu.vector_load %arg9[%parallel_loop3A_343, %parallel_loop3A_344, %parallel_loop3A_345] {strides = array<i32>} : memref<104x2x128xf32, #tpu.memory_space<vmem>>, vector<16xf32>,
            tpu.vector_store %arg9[%parallel_loop3A_343, %parallel_loop3A_344, %parallel_loop3A_345], %parallel_loop3A_341 {strides = array<i32>} : memref<104x2x128xf32, #tpu.memory_space<vmem>>, vector<16xf32>,
            %parallel_loop3A_347 = arith.constant 0 : i32
            %parallel_loop3A_348 = arith.index_cast %parallel_loop3A_347 : i32 to index
            %parallel_loop3A_349 = arith.index_cast %parallel_loop3A_335 : i32 to index
            %parallel_loop3A_350 = arith.constant 16 : index
            %parallel_loop3A_351 = tpu.vector_load %arg7[%parallel_loop3A_348, %parallel_loop3A_349, %parallel_loop3A_350] {strides = array<i32>} : memref<4x104x64xf32, #tpu.memory_space<vmem>>, vector<16xf32>,
            %parallel_loop3A_352 = arith.mulf %parallel_loop3A_351, %get3A_64 : vector<16xf32>
            %parallel_loop3A_353 = arith.constant 0 : i32
            %parallel_loop3A_354 = arith.index_cast %parallel_loop3A_335 : i32 to index
            %parallel_loop3A_355 = arith.index_cast %parallel_loop3A_353 : i32 to index
            %parallel_loop3A_356 = arith.constant 16 : index
            %parallel_loop3A_357 = tpu.vector_load %arg9[%parallel_loop3A_354, %parallel_loop3A_355, %parallel_loop3A_356] {strides = array<i32>} : memref<104x2x128xf32, #tpu.memory_space<vmem>>, vector<16xf32>,
            tpu.vector_store %arg9[%parallel_loop3A_354, %parallel_loop3A_355, %parallel_loop3A_356], %parallel_loop3A_352 {strides = array<i32>} : memref<104x2x128xf32, #tpu.memory_space<vmem>>, vector<16xf32>,
            %parallel_loop3A_358 = arith.constant 0 : i32
            %parallel_loop3A_359 = arith.index_cast %parallel_loop3A_358 : i32 to index
            %parallel_loop3A_360 = arith.index_cast %parallel_loop3A_335 : i32 to index
            %parallel_loop3A_361 = arith.constant 32 : index
            %parallel_loop3A_362 = tpu.vector_load %arg7[%parallel_loop3A_359, %parallel_loop3A_360, %parallel_loop3A_361] {strides = array<i32>} : memref<4x104x64xf32, #tpu.memory_space<vmem>>, vector<16xf32>,
            %parallel_loop3A_363 = arith.mulf %parallel_loop3A_362, %get3A_66 : vector<16xf32>
            %parallel_loop3A_364 = arith.constant 0 : i32
            %parallel_loop3A_365 = arith.index_cast %parallel_loop3A_335 : i32 to index
            %parallel_loop3A_366 = arith.index_cast %parallel_loop3A_364 : i32 to index
            %parallel_loop3A_367 = arith.constant 32 : index
            %parallel_loop3A_368 = tpu.vector_load %arg9[%parallel_loop3A_365, %parallel_loop3A_366, %parallel_loop3A_367] {strides = array<i32>} : memref<104x2x128xf32, #tpu.memory_space<vmem>>, vector<16xf32>,
            tpu.vector_store %arg9[%parallel_loop3A_365, %parallel_loop3A_366, %parallel_loop3A_367], %parallel_loop3A_363 {strides = array<i32>} : memref<104x2x128xf32, #tpu.memory_space<vmem>>, vector<16xf32>,
            %parallel_loop3A_369 = arith.constant 0 : i32
            %parallel_loop3A_370 = arith.index_cast %parallel_loop3A_369 : i32 to index
            %parallel_loop3A_371 = arith.index_cast %parallel_loop3A_335 : i32 to index
            %parallel_loop3A_372 = arith.constant 48 : index
            %parallel_loop3A_373 = tpu.vector_load %arg7[%parallel_loop3A_370, %parallel_loop3A_371, %parallel_loop3A_372] {strides = array<i32>} : memref<4x104x64xf32, #tpu.memory_space<vmem>>, vector<16xf32>,
            %parallel_loop3A_374 = arith.mulf %parallel_loop3A_373, %get3A_68 : vector<16xf32>
            %parallel_loop3A_375 = arith.constant 0 : i32
            %parallel_loop3A_376 = arith.index_cast %parallel_loop3A_335 : i32 to index
            %parallel_loop3A_377 = arith.index_cast %parallel_loop3A_375 : i32 to index
            %parallel_loop3A_378 = arith.constant 48 : index
            %parallel_loop3A_379 = tpu.vector_load %arg9[%parallel_loop3A_376, %parallel_loop3A_377, %parallel_loop3A_378] {strides = array<i32>} : memref<104x2x128xf32, #tpu.memory_space<vmem>>, vector<16xf32>,
            tpu.vector_store %arg9[%parallel_loop3A_376, %parallel_loop3A_377, %parallel_loop3A_378], %parallel_loop3A_374 {strides = array<i32>} : memref<104x2x128xf32, #tpu.memory_space<vmem>>, vector<16xf32>,
            %parallel_loop3A_380 = arith.constant 1 : i32
            %parallel_loop3A_381 = arith.index_cast %parallel_loop3A_380 : i32 to index
            %parallel_loop3A_382 = arith.index_cast %parallel_loop3A_335 : i32 to index
            %parallel_loop3A_383 = arith.constant 0 : index
            %parallel_loop3A_384 = tpu.vector_load %arg7[%parallel_loop3A_381, %parallel_loop3A_382, %parallel_loop3A_383] {strides = array<i32>} : memref<4x104x64xf32, #tpu.memory_space<vmem>>, vector<16xf32>,
            %parallel_loop3A_385 = arith.mulf %parallel_loop3A_384, %get3A_70 : vector<16xf32>
            %parallel_loop3A_386 = arith.constant 0 : i32
            %parallel_loop3A_387 = arith.index_cast %parallel_loop3A_335 : i32 to index
            %parallel_loop3A_388 = arith.index_cast %parallel_loop3A_386 : i32 to index
            %parallel_loop3A_389 = arith.constant 64 : index
            %parallel_loop3A_390 = tpu.vector_load %arg9[%parallel_loop3A_387, %parallel_loop3A_388, %parallel_loop3A_389] {strides = array<i32>} : memref<104x2x128xf32, #tpu.memory_space<vmem>>, vector<16xf32>,
            tpu.vector_store %arg9[%parallel_loop3A_387, %parallel_loop3A_388, %parallel_loop3A_389], %parallel_loop3A_385 {strides = array<i32>} : memref<104x2x128xf32, #tpu.memory_space<vmem>>, vector<16xf32>,
            %parallel_loop3A_391 = arith.constant 1 : i32
            %parallel_loop3A_392 = arith.index_cast %parallel_loop3A_391 : i32 to index
            %parallel_loop3A_393 = arith.index_cast %parallel_loop3A_335 : i32 to index
            %parallel_loop3A_394 = arith.constant 16 : index
            %parallel_loop3A_395 = tpu.vector_load %arg7[%parallel_loop3A_392, %parallel_loop3A_393, %parallel_loop3A_394] {strides = array<i32>} : memref<4x104x64xf32, #tpu.memory_space<vmem>>, vector<16xf32>,
            %parallel_loop3A_396 = arith.mulf %parallel_loop3A_395, %get3A_72 : vector<16xf32>
            %parallel_loop3A_397 = arith.constant 0 : i32
            %parallel_loop3A_398 = arith.index_cast %parallel_loop3A_335 : i32 to index
            %parallel_loop3A_399 = arith.index_cast %parallel_loop3A_397 : i32 to index
            %parallel_loop3A_400 = arith.constant 80 : index
            %parallel_loop3A_401 = tpu.vector_load %arg9[%parallel_loop3A_398, %parallel_loop3A_399, %parallel_loop3A_400] {strides = array<i32>} : memref<104x2x128xf32, #tpu.memory_space<vmem>>, vector<16xf32>,
            tpu.vector_store %arg9[%parallel_loop3A_398, %parallel_loop3A_399, %parallel_loop3A_400], %parallel_loop3A_396 {strides = array<i32>} : memref<104x2x128xf32, #tpu.memory_space<vmem>>, vector<16xf32>,
            %parallel_loop3A_402 = arith.constant 1 : i32
            %parallel_loop3A_403 = arith.index_cast %parallel_loop3A_402 : i32 to index
            %parallel_loop3A_404 = arith.index_cast %parallel_loop3A_335 : i32 to index
            %parallel_loop3A_405 = arith.constant 32 : index
            %parallel_loop3A_406 = tpu.vector_load %arg7[%parallel_loop3A_403, %parallel_loop3A_404, %parallel_loop3A_405] {strides = array<i32>} : memref<4x104x64xf32, #tpu.memory_space<vmem>>, vector<16xf32>,
            %parallel_loop3A_407 = arith.mulf %parallel_loop3A_406, %get3A_74 : vector<16xf32>
            %parallel_loop3A_408 = arith.constant 0 : i32
            %parallel_loop3A_409 = arith.index_cast %parallel_loop3A_335 : i32 to index
            %parallel_loop3A_410 = arith.index_cast %parallel_loop3A_408 : i32 to index
            %parallel_loop3A_411 = arith.constant 96 : index
            %parallel_loop3A_412 = tpu.vector_load %arg9[%parallel_loop3A_409, %parallel_loop3A_410, %parallel_loop3A_411] {strides = array<i32>} : memref<104x2x128xf32, #tpu.memory_space<vmem>>, vector<16xf32>,
            tpu.vector_store %arg9[%parallel_loop3A_409, %parallel_loop3A_410, %parallel_loop3A_411], %parallel_loop3A_407 {strides = array<i32>} : memref<104x2x128xf32, #tpu.memory_space<vmem>>, vector<16xf32>,
            %parallel_loop3A_413 = arith.constant 1 : i32
            %parallel_loop3A_414 = arith.index_cast %parallel_loop3A_413 : i32 to index
            %parallel_loop3A_415 = arith.index_cast %parallel_loop3A_335 : i32 to index
            %parallel_loop3A_416 = arith.constant 48 : index
            %parallel_loop3A_417 = tpu.vector_load %arg7[%parallel_loop3A_414, %parallel_loop3A_415, %parallel_loop3A_416] {strides = array<i32>} : memref<4x104x64xf32, #tpu.memory_space<vmem>>, vector<16xf32>,
            %parallel_loop3A_418 = arith.mulf %parallel_loop3A_417, %get3A_76 : vector<16xf32>
            %parallel_loop3A_419 = arith.constant 0 : i32
            %parallel_loop3A_420 = arith.index_cast %parallel_loop3A_335 : i32 to index
            %parallel_loop3A_421 = arith.index_cast %parallel_loop3A_419 : i32 to index
            %parallel_loop3A_422 = arith.constant 112 : index
            %parallel_loop3A_423 = tpu.vector_load %arg9[%parallel_loop3A_420, %parallel_loop3A_421, %parallel_loop3A_422] {strides = array<i32>} : memref<104x2x128xf32, #tpu.memory_space<vmem>>, vector<16xf32>,
            tpu.vector_store %arg9[%parallel_loop3A_420, %parallel_loop3A_421, %parallel_loop3A_422], %parallel_loop3A_418 {strides = array<i32>} : memref<104x2x128xf32, #tpu.memory_space<vmem>>, vector<16xf32>,
            %parallel_loop3A_424 = arith.constant 2 : i32
            %parallel_loop3A_425 = arith.index_cast %parallel_loop3A_424 : i32 to index
            %parallel_loop3A_426 = arith.index_cast %parallel_loop3A_335 : i32 to index
            %parallel_loop3A_427 = arith.constant 0 : index
            %parallel_loop3A_428 = tpu.vector_load %arg7[%parallel_loop3A_425, %parallel_loop3A_426, %parallel_loop3A_427] {strides = array<i32>} : memref<4x104x64xf32, #tpu.memory_space<vmem>>, vector<16xf32>,
            %parallel_loop3A_429 = arith.mulf %parallel_loop3A_428, %get3A_78 : vector<16xf32>
            %parallel_loop3A_430 = arith.constant 1 : i32
            %parallel_loop3A_431 = arith.index_cast %parallel_loop3A_335 : i32 to index
            %parallel_loop3A_432 = arith.index_cast %parallel_loop3A_430 : i32 to index
            %parallel_loop3A_433 = arith.constant 0 : index
            %parallel_loop3A_434 = tpu.vector_load %arg9[%parallel_loop3A_431, %parallel_loop3A_432, %parallel_loop3A_433] {strides = array<i32>} : memref<104x2x128xf32, #tpu.memory_space<vmem>>, vector<16xf32>,
            tpu.vector_store %arg9[%parallel_loop3A_431, %parallel_loop3A_432, %parallel_loop3A_433], %parallel_loop3A_429 {strides = array<i32>} : memref<104x2x128xf32, #tpu.memory_space<vmem>>, vector<16xf32>,
            %parallel_loop3A_435 = arith.constant 2 : i32
            %parallel_loop3A_436 = arith.index_cast %parallel_loop3A_435 : i32 to index
            %parallel_loop3A_437 = arith.index_cast %parallel_loop3A_335 : i32 to index
            %parallel_loop3A_438 = arith.constant 16 : index
            %parallel_loop3A_439 = tpu.vector_load %arg7[%parallel_loop3A_436, %parallel_loop3A_437, %parallel_loop3A_438] {strides = array<i32>} : memref<4x104x64xf32, #tpu.memory_space<vmem>>, vector<16xf32>,
            %parallel_loop3A_440 = arith.mulf %parallel_loop3A_439, %get3A_80 : vector<16xf32>
            %parallel_loop3A_441 = arith.constant 1 : i32
            %parallel_loop3A_442 = arith.index_cast %parallel_loop3A_335 : i32 to index
            %parallel_loop3A_443 = arith.index_cast %parallel_loop3A_441 : i32 to index
            %parallel_loop3A_444 = arith.constant 16 : index
            %parallel_loop3A_445 = tpu.vector_load %arg9[%parallel_loop3A_442, %parallel_loop3A_443, %parallel_loop3A_444] {strides = array<i32>} : memref<104x2x128xf32, #tpu.memory_space<vmem>>, vector<16xf32>,
            tpu.vector_store %arg9[%parallel_loop3A_442, %parallel_loop3A_443, %parallel_loop3A_444], %parallel_loop3A_440 {strides = array<i32>} : memref<104x2x128xf32, #tpu.memory_space<vmem>>, vector<16xf32>,
            %parallel_loop3A_446 = arith.constant 2 : i32
            %parallel_loop3A_447 = arith.index_cast %parallel_loop3A_446 : i32 to index
            %parallel_loop3A_448 = arith.index_cast %parallel_loop3A_335 : i32 to index
            %parallel_loop3A_449 = arith.constant 32 : index
            %parallel_loop3A_450 = tpu.vector_load %arg7[%parallel_loop3A_447, %parallel_loop3A_448, %parallel_loop3A_449] {strides = array<i32>} : memref<4x104x64xf32, #tpu.memory_space<vmem>>, vector<16xf32>,
            %parallel_loop3A_451 = arith.mulf %parallel_loop3A_450, %get3A_82 : vector<16xf32>
            %parallel_loop3A_452 = arith.constant 1 : i32
            %parallel_loop3A_453 = arith.index_cast %parallel_loop3A_335 : i32 to index
            %parallel_loop3A_454 = arith.index_cast %parallel_loop3A_452 : i32 to index
            %parallel_loop3A_455 = arith.constant 32 : index
            %parallel_loop3A_456 = tpu.vector_load %arg9[%parallel_loop3A_453, %parallel_loop3A_454, %parallel_loop3A_455] {strides = array<i32>} : memref<104x2x128xf32, #tpu.memory_space<vmem>>, vector<16xf32>,
            tpu.vector_store %arg9[%parallel_loop3A_453, %parallel_loop3A_454, %parallel_loop3A_455], %parallel_loop3A_451 {strides = array<i32>} : memref<104x2x128xf32, #tpu.memory_space<vmem>>, vector<16xf32>,
            %parallel_loop3A_457 = arith.constant 2 : i32
            %parallel_loop3A_458 = arith.index_cast %parallel_loop3A_457 : i32 to index
            %parallel_loop3A_459 = arith.index_cast %parallel_loop3A_335 : i32 to index
            %parallel_loop3A_460 = arith.constant 48 : index
            %parallel_loop3A_461 = tpu.vector_load %arg7[%parallel_loop3A_458, %parallel_loop3A_459, %parallel_loop3A_460] {strides = array<i32>} : memref<4x104x64xf32, #tpu.memory_space<vmem>>, vector<16xf32>,
            %parallel_loop3A_462 = arith.mulf %parallel_loop3A_461, %get3A_84 : vector<16xf32>
            %parallel_loop3A_463 = arith.constant 1 : i32
            %parallel_loop3A_464 = arith.index_cast %parallel_loop3A_335 : i32 to index
            %parallel_loop3A_465 = arith.index_cast %parallel_loop3A_463 : i32 to index
            %parallel_loop3A_466 = arith.constant 48 : index
            %parallel_loop3A_467 = tpu.vector_load %arg9[%parallel_loop3A_464, %parallel_loop3A_465, %parallel_loop3A_466] {strides = array<i32>} : memref<104x2x128xf32, #tpu.memory_space<vmem>>, vector<16xf32>,
            tpu.vector_store %arg9[%parallel_loop3A_464, %parallel_loop3A_465, %parallel_loop3A_466], %parallel_loop3A_462 {strides = array<i32>} : memref<104x2x128xf32, #tpu.memory_space<vmem>>, vector<16xf32>,
            %parallel_loop3A_468 = arith.constant 3 : i32
            %parallel_loop3A_469 = arith.index_cast %parallel_loop3A_468 : i32 to index
            %parallel_loop3A_470 = arith.index_cast %parallel_loop3A_335 : i32 to index
            %parallel_loop3A_471 = arith.constant 0 : index
            %parallel_loop3A_472 = tpu.vector_load %arg7[%parallel_loop3A_469, %parallel_loop3A_470, %parallel_loop3A_471] {strides = array<i32>} : memref<4x104x64xf32, #tpu.memory_space<vmem>>, vector<16xf32>,
            %parallel_loop3A_473 = arith.mulf %parallel_loop3A_472, %get3A_86 : vector<16xf32>
            %parallel_loop3A_474 = arith.constant 1 : i32
            %parallel_loop3A_475 = arith.index_cast %parallel_loop3A_335 : i32 to index
            %parallel_loop3A_476 = arith.index_cast %parallel_loop3A_474 : i32 to index
            %parallel_loop3A_477 = arith.constant 64 : index
            %parallel_loop3A_478 = tpu.vector_load %arg9[%parallel_loop3A_475, %parallel_loop3A_476, %parallel_loop3A_477] {strides = array<i32>} : memref<104x2x128xf32, #tpu.memory_space<vmem>>, vector<16xf32>,
            tpu.vector_store %arg9[%parallel_loop3A_475, %parallel_loop3A_476, %parallel_loop3A_477], %parallel_loop3A_473 {strides = array<i32>} : memref<104x2x128xf32, #tpu.memory_space<vmem>>, vector<16xf32>,
            %parallel_loop3A_479 = arith.constant 3 : i32
            %parallel_loop3A_480 = arith.index_cast %parallel_loop3A_479 : i32 to index
            %parallel_loop3A_481 = arith.index_cast %parallel_loop3A_335 : i32 to index
            %parallel_loop3A_482 = arith.constant 16 : index
            %parallel_loop3A_483 = tpu.vector_load %arg7[%parallel_loop3A_480, %parallel_loop3A_481, %parallel_loop3A_482] {strides = array<i32>} : memref<4x104x64xf32, #tpu.memory_space<vmem>>, vector<16xf32>,
            %parallel_loop3A_484 = arith.mulf %parallel_loop3A_483, %get3A_88 : vector<16xf32>
            %parallel_loop3A_485 = arith.constant 1 : i32
            %parallel_loop3A_486 = arith.index_cast %parallel_loop3A_335 : i32 to index
            %parallel_loop3A_487 = arith.index_cast %parallel_loop3A_485 : i32 to index
            %parallel_loop3A_488 = arith.constant 80 : index
            %parallel_loop3A_489 = tpu.vector_load %arg9[%parallel_loop3A_486, %parallel_loop3A_487, %parallel_loop3A_488] {strides = array<i32>} : memref<104x2x128xf32, #tpu.memory_space<vmem>>, vector<16xf32>,
            tpu.vector_store %arg9[%parallel_loop3A_486, %parallel_loop3A_487, %parallel_loop3A_488], %parallel_loop3A_484 {strides = array<i32>} : memref<104x2x128xf32, #tpu.memory_space<vmem>>, vector<16xf32>,
            %parallel_loop3A_490 = arith.constant 3 : i32
            %parallel_loop3A_491 = arith.index_cast %parallel_loop3A_490 : i32 to index
            %parallel_loop3A_492 = arith.index_cast %parallel_loop3A_335 : i32 to index
            %parallel_loop3A_493 = arith.constant 32 : index
            %parallel_loop3A_494 = tpu.vector_load %arg7[%parallel_loop3A_491, %parallel_loop3A_492, %parallel_loop3A_493] {strides = array<i32>} : memref<4x104x64xf32, #tpu.memory_space<vmem>>, vector<16xf32>,
            %parallel_loop3A_495 = arith.mulf %parallel_loop3A_494, %get3A_90 : vector<16xf32>
            %parallel_loop3A_496 = arith.constant 1 : i32
            %parallel_loop3A_497 = arith.index_cast %parallel_loop3A_335 : i32 to index
            %parallel_loop3A_498 = arith.index_cast %parallel_loop3A_496 : i32 to index
            %parallel_loop3A_499 = arith.constant 96 : index
            %parallel_loop3A_500 = tpu.vector_load %arg9[%parallel_loop3A_497, %parallel_loop3A_498, %parallel_loop3A_499] {strides = array<i32>} : memref<104x2x128xf32, #tpu.memory_space<vmem>>, vector<16xf32>,
            tpu.vector_store %arg9[%parallel_loop3A_497, %parallel_loop3A_498, %parallel_loop3A_499], %parallel_loop3A_495 {strides = array<i32>} : memref<104x2x128xf32, #tpu.memory_space<vmem>>, vector<16xf32>,
            %parallel_loop3A_501 = arith.constant 3 : i32
            %parallel_loop3A_502 = arith.index_cast %parallel_loop3A_501 : i32 to index
            %parallel_loop3A_503 = arith.index_cast %parallel_loop3A_335 : i32 to index
            %parallel_loop3A_504 = arith.constant 48 : index
            %parallel_loop3A_505 = tpu.vector_load %arg7[%parallel_loop3A_502, %parallel_loop3A_503, %parallel_loop3A_504] {strides = array<i32>} : memref<4x104x64xf32, #tpu.memory_space<vmem>>, vector<16xf32>,
            %parallel_loop3A_506 = arith.mulf %parallel_loop3A_505, %get3A_92 : vector<16xf32>
            %parallel_loop3A_507 = arith.constant 1 : i32
            %parallel_loop3A_508 = arith.index_cast %parallel_loop3A_335 : i32 to index
            %parallel_loop3A_509 = arith.index_cast %parallel_loop3A_507 : i32 to index
            %parallel_loop3A_510 = arith.constant 112 : index
            %parallel_loop3A_511 = tpu.vector_load %arg9[%parallel_loop3A_508, %parallel_loop3A_509, %parallel_loop3A_510] {strides = array<i32>} : memref<104x2x128xf32, #tpu.memory_space<vmem>>, vector<16xf32>,
            tpu.vector_store %arg9[%parallel_loop3A_508, %parallel_loop3A_509, %parallel_loop3A_510], %parallel_loop3A_506 {strides = array<i32>} : memref<104x2x128xf32, #tpu.memory_space<vmem>>, vector<16xf32>,
          } {sc.loop_unroll_factor = 4 : i64, sc.parallel_access}
        } else {
        }
        %ne3A_286 = arith.constant 0 : i32
        %ne3A_287 = arith.cmpi ne, %sub3A_270, %ne3A_286 : i32
        %convert_element_type3A_288 = arith.extui %ne3A_287 : i1 to i32
        %cond3A_289 = arith.constant 0 : i32
        %cond3A_290 = arith.cmpi ne, %convert_element_type3A_288, %cond3A_289 : i32
        scf.if %cond3A_290 {
          %parallel_loop3A_332 = arith.constant 0 : i32
          %parallel_loop3A_333 = arith.constant 104 : i32
          %parallel_loop3A_334 = arith.constant 1 : i32
          scf.for %parallel_loop3A_335 = %parallel_loop3A_332 to %parallel_loop3A_333 step %parallel_loop3A_334  : i32 {
            %parallel_loop3A_336 = arith.addi %parallel_loop3A_335, %sub3A_270 : i32
            %parallel_loop3A_337 = arith.constant 0 : i32
            %parallel_loop3A_338 = arith.constant 103 : i32
            %parallel_loop3A_339 = arith.maxsi %parallel_loop3A_337, %parallel_loop3A_336 : i32
            %parallel_loop3A_340 = arith.minsi %parallel_loop3A_338, %parallel_loop3A_339 : i32
            %parallel_loop3A_341 = arith.constant 0 : i32
            %parallel_loop3A_342 = arith.index_cast %parallel_loop3A_341 : i32 to index
            %parallel_loop3A_343 = arith.index_cast %parallel_loop3A_340 : i32 to index
            %parallel_loop3A_344 = arith.constant 0 : index
            %parallel_loop3A_345 = tpu.vector_load %arg7[%parallel_loop3A_342, %parallel_loop3A_343, %parallel_loop3A_344] {strides = array<i32>} : memref<4x104x64xf32, #tpu.memory_space<vmem>>, vector<16xf32>,
            %parallel_loop3A_346 = arith.mulf %parallel_loop3A_345, %get3A_62 : vector<16xf32>
            %parallel_loop3A_347 = arith.constant 0 : i32
            %parallel_loop3A_348 = arith.index_cast %parallel_loop3A_335 : i32 to index
            %parallel_loop3A_349 = arith.index_cast %parallel_loop3A_347 : i32 to index
            %parallel_loop3A_350 = arith.constant 0 : index
            %parallel_loop3A_351 = tpu.vector_load %arg9[%parallel_loop3A_348, %parallel_loop3A_349, %parallel_loop3A_350] {strides = array<i32>} : memref<104x2x128xf32, #tpu.memory_space<vmem>>, vector<16xf32>,
            tpu.vector_store %arg9[%parallel_loop3A_348, %parallel_loop3A_349, %parallel_loop3A_350], %parallel_loop3A_346 {strides = array<i32>} : memref<104x2x128xf32, #tpu.memory_space<vmem>>, vector<16xf32>,
            %parallel_loop3A_352 = arith.constant 0 : i32
            %parallel_loop3A_353 = arith.index_cast %parallel_loop3A_352 : i32 to index
            %parallel_loop3A_354 = arith.index_cast %parallel_loop3A_340 : i32 to index
            %parallel_loop3A_355 = arith.constant 16 : index
            %parallel_loop3A_356 = tpu.vector_load %arg7[%parallel_loop3A_353, %parallel_loop3A_354, %parallel_loop3A_355] {strides = array<i32>} : memref<4x104x64xf32, #tpu.memory_space<vmem>>, vector<16xf32>,
            %parallel_loop3A_357 = arith.mulf %parallel_loop3A_356, %get3A_64 : vector<16xf32>
            %parallel_loop3A_358 = arith.constant 0 : i32
            %parallel_loop3A_359 = arith.index_cast %parallel_loop3A_335 : i32 to index
            %parallel_loop3A_360 = arith.index_cast %parallel_loop3A_358 : i32 to index
            %parallel_loop3A_361 = arith.constant 16 : index
            %parallel_loop3A_362 = tpu.vector_load %arg9[%parallel_loop3A_359, %parallel_loop3A_360, %parallel_loop3A_361] {strides = array<i32>} : memref<104x2x128xf32, #tpu.memory_space<vmem>>, vector<16xf32>,
            tpu.vector_store %arg9[%parallel_loop3A_359, %parallel_loop3A_360, %parallel_loop3A_361], %parallel_loop3A_357 {strides = array<i32>} : memref<104x2x128xf32, #tpu.memory_space<vmem>>, vector<16xf32>,
            %parallel_loop3A_363 = arith.constant 0 : i32
            %parallel_loop3A_364 = arith.index_cast %parallel_loop3A_363 : i32 to index
            %parallel_loop3A_365 = arith.index_cast %parallel_loop3A_340 : i32 to index
            %parallel_loop3A_366 = arith.constant 32 : index
            %parallel_loop3A_367 = tpu.vector_load %arg7[%parallel_loop3A_364, %parallel_loop3A_365, %parallel_loop3A_366] {strides = array<i32>} : memref<4x104x64xf32, #tpu.memory_space<vmem>>, vector<16xf32>,
            %parallel_loop3A_368 = arith.mulf %parallel_loop3A_367, %get3A_66 : vector<16xf32>
            %parallel_loop3A_369 = arith.constant 0 : i32
            %parallel_loop3A_370 = arith.index_cast %parallel_loop3A_335 : i32 to index
            %parallel_loop3A_371 = arith.index_cast %parallel_loop3A_369 : i32 to index
            %parallel_loop3A_372 = arith.constant 32 : index
            %parallel_loop3A_373 = tpu.vector_load %arg9[%parallel_loop3A_370, %parallel_loop3A_371, %parallel_loop3A_372] {strides = array<i32>} : memref<104x2x128xf32, #tpu.memory_space<vmem>>, vector<16xf32>,
            tpu.vector_store %arg9[%parallel_loop3A_370, %parallel_loop3A_371, %parallel_loop3A_372], %parallel_loop3A_368 {strides = array<i32>} : memref<104x2x128xf32, #tpu.memory_space<vmem>>, vector<16xf32>,
            %parallel_loop3A_374 = arith.constant 0 : i32
            %parallel_loop3A_375 = arith.index_cast %parallel_loop3A_374 : i32 to index
            %parallel_loop3A_376 = arith.index_cast %parallel_loop3A_340 : i32 to index
            %parallel_loop3A_377 = arith.constant 48 : index
            %parallel_loop3A_378 = tpu.vector_load %arg7[%parallel_loop3A_375, %parallel_loop3A_376, %parallel_loop3A_377] {strides = array<i32>} : memref<4x104x64xf32, #tpu.memory_space<vmem>>, vector<16xf32>,
            %parallel_loop3A_379 = arith.mulf %parallel_loop3A_378, %get3A_68 : vector<16xf32>
            %parallel_loop3A_380 = arith.constant 0 : i32
            %parallel_loop3A_381 = arith.index_cast %parallel_loop3A_335 : i32 to index
            %parallel_loop3A_382 = arith.index_cast %parallel_loop3A_380 : i32 to index
            %parallel_loop3A_383 = arith.constant 48 : index
            %parallel_loop3A_384 = tpu.vector_load %arg9[%parallel_loop3A_381, %parallel_loop3A_382, %parallel_loop3A_383] {strides = array<i32>} : memref<104x2x128xf32, #tpu.memory_space<vmem>>, vector<16xf32>,
            tpu.vector_store %arg9[%parallel_loop3A_381, %parallel_loop3A_382, %parallel_loop3A_383], %parallel_loop3A_379 {strides = array<i32>} : memref<104x2x128xf32, #tpu.memory_space<vmem>>, vector<16xf32>,
            %parallel_loop3A_385 = arith.constant 1 : i32
            %parallel_loop3A_386 = arith.index_cast %parallel_loop3A_385 : i32 to index
            %parallel_loop3A_387 = arith.index_cast %parallel_loop3A_340 : i32 to index
            %parallel_loop3A_388 = arith.constant 0 : index
            %parallel_loop3A_389 = tpu.vector_load %arg7[%parallel_loop3A_386, %parallel_loop3A_387, %parallel_loop3A_388] {strides = array<i32>} : memref<4x104x64xf32, #tpu.memory_space<vmem>>, vector<16xf32>,
            %parallel_loop3A_390 = arith.mulf %parallel_loop3A_389, %get3A_70 : vector<16xf32>
            %parallel_loop3A_391 = arith.constant 0 : i32
            %parallel_loop3A_392 = arith.index_cast %parallel_loop3A_335 : i32 to index
            %parallel_loop3A_393 = arith.index_cast %parallel_loop3A_391 : i32 to index
            %parallel_loop3A_394 = arith.constant 64 : index
            %parallel_loop3A_395 = tpu.vector_load %arg9[%parallel_loop3A_392, %parallel_loop3A_393, %parallel_loop3A_394] {strides = array<i32>} : memref<104x2x128xf32, #tpu.memory_space<vmem>>, vector<16xf32>,
            tpu.vector_store %arg9[%parallel_loop3A_392, %parallel_loop3A_393, %parallel_loop3A_394], %parallel_loop3A_390 {strides = array<i32>} : memref<104x2x128xf32, #tpu.memory_space<vmem>>, vector<16xf32>,
            %parallel_loop3A_396 = arith.constant 1 : i32
            %parallel_loop3A_397 = arith.index_cast %parallel_loop3A_396 : i32 to index
            %parallel_loop3A_398 = arith.index_cast %parallel_loop3A_340 : i32 to index
            %parallel_loop3A_399 = arith.constant 16 : index
            %parallel_loop3A_400 = tpu.vector_load %arg7[%parallel_loop3A_397, %parallel_loop3A_398, %parallel_loop3A_399] {strides = array<i32>} : memref<4x104x64xf32, #tpu.memory_space<vmem>>, vector<16xf32>,
            %parallel_loop3A_401 = arith.mulf %parallel_loop3A_400, %get3A_72 : vector<16xf32>
            %parallel_loop3A_402 = arith.constant 0 : i32
            %parallel_loop3A_403 = arith.index_cast %parallel_loop3A_335 : i32 to index
            %parallel_loop3A_404 = arith.index_cast %parallel_loop3A_402 : i32 to index
            %parallel_loop3A_405 = arith.constant 80 : index
            %parallel_loop3A_406 = tpu.vector_load %arg9[%parallel_loop3A_403, %parallel_loop3A_404, %parallel_loop3A_405] {strides = array<i32>} : memref<104x2x128xf32, #tpu.memory_space<vmem>>, vector<16xf32>,
            tpu.vector_store %arg9[%parallel_loop3A_403, %parallel_loop3A_404, %parallel_loop3A_405], %parallel_loop3A_401 {strides = array<i32>} : memref<104x2x128xf32, #tpu.memory_space<vmem>>, vector<16xf32>,
            %parallel_loop3A_407 = arith.constant 1 : i32
            %parallel_loop3A_408 = arith.index_cast %parallel_loop3A_407 : i32 to index
            %parallel_loop3A_409 = arith.index_cast %parallel_loop3A_340 : i32 to index
            %parallel_loop3A_410 = arith.constant 32 : index
            %parallel_loop3A_411 = tpu.vector_load %arg7[%parallel_loop3A_408, %parallel_loop3A_409, %parallel_loop3A_410] {strides = array<i32>} : memref<4x104x64xf32, #tpu.memory_space<vmem>>, vector<16xf32>,
            %parallel_loop3A_412 = arith.mulf %parallel_loop3A_411, %get3A_74 : vector<16xf32>
            %parallel_loop3A_413 = arith.constant 0 : i32
            %parallel_loop3A_414 = arith.index_cast %parallel_loop3A_335 : i32 to index
            %parallel_loop3A_415 = arith.index_cast %parallel_loop3A_413 : i32 to index
            %parallel_loop3A_416 = arith.constant 96 : index
            %parallel_loop3A_417 = tpu.vector_load %arg9[%parallel_loop3A_414, %parallel_loop3A_415, %parallel_loop3A_416] {strides = array<i32>} : memref<104x2x128xf32, #tpu.memory_space<vmem>>, vector<16xf32>,
            tpu.vector_store %arg9[%parallel_loop3A_414, %parallel_loop3A_415, %parallel_loop3A_416], %parallel_loop3A_412 {strides = array<i32>} : memref<104x2x128xf32, #tpu.memory_space<vmem>>, vector<16xf32>,
            %parallel_loop3A_418 = arith.constant 1 : i32
            %parallel_loop3A_419 = arith.index_cast %parallel_loop3A_418 : i32 to index
            %parallel_loop3A_420 = arith.index_cast %parallel_loop3A_340 : i32 to index
            %parallel_loop3A_421 = arith.constant 48 : index
            %parallel_loop3A_422 = tpu.vector_load %arg7[%parallel_loop3A_419, %parallel_loop3A_420, %parallel_loop3A_421] {strides = array<i32>} : memref<4x104x64xf32, #tpu.memory_space<vmem>>, vector<16xf32>,
            %parallel_loop3A_423 = arith.mulf %parallel_loop3A_422, %get3A_76 : vector<16xf32>
            %parallel_loop3A_424 = arith.constant 0 : i32
            %parallel_loop3A_425 = arith.index_cast %parallel_loop3A_335 : i32 to index
            %parallel_loop3A_426 = arith.index_cast %parallel_loop3A_424 : i32 to index
            %parallel_loop3A_427 = arith.constant 112 : index
            %parallel_loop3A_428 = tpu.vector_load %arg9[%parallel_loop3A_425, %parallel_loop3A_426, %parallel_loop3A_427] {strides = array<i32>} : memref<104x2x128xf32, #tpu.memory_space<vmem>>, vector<16xf32>,
            tpu.vector_store %arg9[%parallel_loop3A_425, %parallel_loop3A_426, %parallel_loop3A_427], %parallel_loop3A_423 {strides = array<i32>} : memref<104x2x128xf32, #tpu.memory_space<vmem>>, vector<16xf32>,
            %parallel_loop3A_429 = arith.constant 2 : i32
            %parallel_loop3A_430 = arith.index_cast %parallel_loop3A_429 : i32 to index
            %parallel_loop3A_431 = arith.index_cast %parallel_loop3A_340 : i32 to index
            %parallel_loop3A_432 = arith.constant 0 : index
            %parallel_loop3A_433 = tpu.vector_load %arg7[%parallel_loop3A_430, %parallel_loop3A_431, %parallel_loop3A_432] {strides = array<i32>} : memref<4x104x64xf32, #tpu.memory_space<vmem>>, vector<16xf32>,
            %parallel_loop3A_434 = arith.mulf %parallel_loop3A_433, %get3A_78 : vector<16xf32>
            %parallel_loop3A_435 = arith.constant 1 : i32
            %parallel_loop3A_436 = arith.index_cast %parallel_loop3A_335 : i32 to index
            %parallel_loop3A_437 = arith.index_cast %parallel_loop3A_435 : i32 to index
            %parallel_loop3A_438 = arith.constant 0 : index
            %parallel_loop3A_439 = tpu.vector_load %arg9[%parallel_loop3A_436, %parallel_loop3A_437, %parallel_loop3A_438] {strides = array<i32>} : memref<104x2x128xf32, #tpu.memory_space<vmem>>, vector<16xf32>,
            tpu.vector_store %arg9[%parallel_loop3A_436, %parallel_loop3A_437, %parallel_loop3A_438], %parallel_loop3A_434 {strides = array<i32>} : memref<104x2x128xf32, #tpu.memory_space<vmem>>, vector<16xf32>,
            %parallel_loop3A_440 = arith.constant 2 : i32
            %parallel_loop3A_441 = arith.index_cast %parallel_loop3A_440 : i32 to index
            %parallel_loop3A_442 = arith.index_cast %parallel_loop3A_340 : i32 to index
            %parallel_loop3A_443 = arith.constant 16 : index
            %parallel_loop3A_444 = tpu.vector_load %arg7[%parallel_loop3A_441, %parallel_loop3A_442, %parallel_loop3A_443] {strides = array<i32>} : memref<4x104x64xf32, #tpu.memory_space<vmem>>, vector<16xf32>,
            %parallel_loop3A_445 = arith.mulf %parallel_loop3A_444, %get3A_80 : vector<16xf32>
            %parallel_loop3A_446 = arith.constant 1 : i32
            %parallel_loop3A_447 = arith.index_cast %parallel_loop3A_335 : i32 to index
            %parallel_loop3A_448 = arith.index_cast %parallel_loop3A_446 : i32 to index
            %parallel_loop3A_449 = arith.constant 16 : index
            %parallel_loop3A_450 = tpu.vector_load %arg9[%parallel_loop3A_447, %parallel_loop3A_448, %parallel_loop3A_449] {strides = array<i32>} : memref<104x2x128xf32, #tpu.memory_space<vmem>>, vector<16xf32>,
            tpu.vector_store %arg9[%parallel_loop3A_447, %parallel_loop3A_448, %parallel_loop3A_449], %parallel_loop3A_445 {strides = array<i32>} : memref<104x2x128xf32, #tpu.memory_space<vmem>>, vector<16xf32>,
            %parallel_loop3A_451 = arith.constant 2 : i32
            %parallel_loop3A_452 = arith.index_cast %parallel_loop3A_451 : i32 to index
            %parallel_loop3A_453 = arith.index_cast %parallel_loop3A_340 : i32 to index
            %parallel_loop3A_454 = arith.constant 32 : index
            %parallel_loop3A_455 = tpu.vector_load %arg7[%parallel_loop3A_452, %parallel_loop3A_453, %parallel_loop3A_454] {strides = array<i32>} : memref<4x104x64xf32, #tpu.memory_space<vmem>>, vector<16xf32>,
            %parallel_loop3A_456 = arith.mulf %parallel_loop3A_455, %get3A_82 : vector<16xf32>
            %parallel_loop3A_457 = arith.constant 1 : i32
            %parallel_loop3A_458 = arith.index_cast %parallel_loop3A_335 : i32 to index
            %parallel_loop3A_459 = arith.index_cast %parallel_loop3A_457 : i32 to index
            %parallel_loop3A_460 = arith.constant 32 : index
            %parallel_loop3A_461 = tpu.vector_load %arg9[%parallel_loop3A_458, %parallel_loop3A_459, %parallel_loop3A_460] {strides = array<i32>} : memref<104x2x128xf32, #tpu.memory_space<vmem>>, vector<16xf32>,
            tpu.vector_store %arg9[%parallel_loop3A_458, %parallel_loop3A_459, %parallel_loop3A_460], %parallel_loop3A_456 {strides = array<i32>} : memref<104x2x128xf32, #tpu.memory_space<vmem>>, vector<16xf32>,
            %parallel_loop3A_462 = arith.constant 2 : i32
            %parallel_loop3A_463 = arith.index_cast %parallel_loop3A_462 : i32 to index
            %parallel_loop3A_464 = arith.index_cast %parallel_loop3A_340 : i32 to index
            %parallel_loop3A_465 = arith.constant 48 : index
            %parallel_loop3A_466 = tpu.vector_load %arg7[%parallel_loop3A_463, %parallel_loop3A_464, %parallel_loop3A_465] {strides = array<i32>} : memref<4x104x64xf32, #tpu.memory_space<vmem>>, vector<16xf32>,
            %parallel_loop3A_467 = arith.mulf %parallel_loop3A_466, %get3A_84 : vector<16xf32>
            %parallel_loop3A_468 = arith.constant 1 : i32
            %parallel_loop3A_469 = arith.index_cast %parallel_loop3A_335 : i32 to index
            %parallel_loop3A_470 = arith.index_cast %parallel_loop3A_468 : i32 to index
            %parallel_loop3A_471 = arith.constant 48 : index
            %parallel_loop3A_472 = tpu.vector_load %arg9[%parallel_loop3A_469, %parallel_loop3A_470, %parallel_loop3A_471] {strides = array<i32>} : memref<104x2x128xf32, #tpu.memory_space<vmem>>, vector<16xf32>,
            tpu.vector_store %arg9[%parallel_loop3A_469, %parallel_loop3A_470, %parallel_loop3A_471], %parallel_loop3A_467 {strides = array<i32>} : memref<104x2x128xf32, #tpu.memory_space<vmem>>, vector<16xf32>,
            %parallel_loop3A_473 = arith.constant 3 : i32
            %parallel_loop3A_474 = arith.index_cast %parallel_loop3A_473 : i32 to index
            %parallel_loop3A_475 = arith.index_cast %parallel_loop3A_340 : i32 to index
            %parallel_loop3A_476 = arith.constant 0 : index
            %parallel_loop3A_477 = tpu.vector_load %arg7[%parallel_loop3A_474, %parallel_loop3A_475, %parallel_loop3A_476] {strides = array<i32>} : memref<4x104x64xf32, #tpu.memory_space<vmem>>, vector<16xf32>,
            %parallel_loop3A_478 = arith.mulf %parallel_loop3A_477, %get3A_86 : vector<16xf32>
            %parallel_loop3A_479 = arith.constant 1 : i32
            %parallel_loop3A_480 = arith.index_cast %parallel_loop3A_335 : i32 to index
            %parallel_loop3A_481 = arith.index_cast %parallel_loop3A_479 : i32 to index
            %parallel_loop3A_482 = arith.constant 64 : index
            %parallel_loop3A_483 = tpu.vector_load %arg9[%parallel_loop3A_480, %parallel_loop3A_481, %parallel_loop3A_482] {strides = array<i32>} : memref<104x2x128xf32, #tpu.memory_space<vmem>>, vector<16xf32>,
            tpu.vector_store %arg9[%parallel_loop3A_480, %parallel_loop3A_481, %parallel_loop3A_482], %parallel_loop3A_478 {strides = array<i32>} : memref<104x2x128xf32, #tpu.memory_space<vmem>>, vector<16xf32>,
            %parallel_loop3A_484 = arith.constant 3 : i32
            %parallel_loop3A_485 = arith.index_cast %parallel_loop3A_484 : i32 to index
            %parallel_loop3A_486 = arith.index_cast %parallel_loop3A_340 : i32 to index
            %parallel_loop3A_487 = arith.constant 16 : index
            %parallel_loop3A_488 = tpu.vector_load %arg7[%parallel_loop3A_485, %parallel_loop3A_486, %parallel_loop3A_487] {strides = array<i32>} : memref<4x104x64xf32, #tpu.memory_space<vmem>>, vector<16xf32>,
            %parallel_loop3A_489 = arith.mulf %parallel_loop3A_488, %get3A_88 : vector<16xf32>
            %parallel_loop3A_490 = arith.constant 1 : i32
            %parallel_loop3A_491 = arith.index_cast %parallel_loop3A_335 : i32 to index
            %parallel_loop3A_492 = arith.index_cast %parallel_loop3A_490 : i32 to index
            %parallel_loop3A_493 = arith.constant 80 : index
            %parallel_loop3A_494 = tpu.vector_load %arg9[%parallel_loop3A_491, %parallel_loop3A_492, %parallel_loop3A_493] {strides = array<i32>} : memref<104x2x128xf32, #tpu.memory_space<vmem>>, vector<16xf32>,
            tpu.vector_store %arg9[%parallel_loop3A_491, %parallel_loop3A_492, %parallel_loop3A_493], %parallel_loop3A_489 {strides = array<i32>} : memref<104x2x128xf32, #tpu.memory_space<vmem>>, vector<16xf32>,
            %parallel_loop3A_495 = arith.constant 3 : i32
            %parallel_loop3A_496 = arith.index_cast %parallel_loop3A_495 : i32 to index
            %parallel_loop3A_497 = arith.index_cast %parallel_loop3A_340 : i32 to index
            %parallel_loop3A_498 = arith.constant 32 : index
            %parallel_loop3A_499 = tpu.vector_load %arg7[%parallel_loop3A_496, %parallel_loop3A_497, %parallel_loop3A_498] {strides = array<i32>} : memref<4x104x64xf32, #tpu.memory_space<vmem>>, vector<16xf32>,
            %parallel_loop3A_500 = arith.mulf %parallel_loop3A_499, %get3A_90 : vector<16xf32>
            %parallel_loop3A_501 = arith.constant 1 : i32
            %parallel_loop3A_502 = arith.index_cast %parallel_loop3A_335 : i32 to index
            %parallel_loop3A_503 = arith.index_cast %parallel_loop3A_501 : i32 to index
            %parallel_loop3A_504 = arith.constant 96 : index
            %parallel_loop3A_505 = tpu.vector_load %arg9[%parallel_loop3A_502, %parallel_loop3A_503, %parallel_loop3A_504] {strides = array<i32>} : memref<104x2x128xf32, #tpu.memory_space<vmem>>, vector<16xf32>,
            tpu.vector_store %arg9[%parallel_loop3A_502, %parallel_loop3A_503, %parallel_loop3A_504], %parallel_loop3A_500 {strides = array<i32>} : memref<104x2x128xf32, #tpu.memory_space<vmem>>, vector<16xf32>,
            %parallel_loop3A_506 = arith.constant 3 : i32
            %parallel_loop3A_507 = arith.index_cast %parallel_loop3A_506 : i32 to index
            %parallel_loop3A_508 = arith.index_cast %parallel_loop3A_340 : i32 to index
            %parallel_loop3A_509 = arith.constant 48 : index
            %parallel_loop3A_510 = tpu.vector_load %arg7[%parallel_loop3A_507, %parallel_loop3A_508, %parallel_loop3A_509] {strides = array<i32>} : memref<4x104x64xf32, #tpu.memory_space<vmem>>, vector<16xf32>,
            %parallel_loop3A_511 = arith.mulf %parallel_loop3A_510, %get3A_92 : vector<16xf32>
            %parallel_loop3A_512 = arith.constant 1 : i32
            %parallel_loop3A_513 = arith.index_cast %parallel_loop3A_335 : i32 to index
            %parallel_loop3A_514 = arith.index_cast %parallel_loop3A_512 : i32 to index
            %parallel_loop3A_515 = arith.constant 112 : index
            %parallel_loop3A_516 = tpu.vector_load %arg9[%parallel_loop3A_513, %parallel_loop3A_514, %parallel_loop3A_515] {strides = array<i32>} : memref<104x2x128xf32, #tpu.memory_space<vmem>>, vector<16xf32>,
            tpu.vector_store %arg9[%parallel_loop3A_513, %parallel_loop3A_514, %parallel_loop3A_515], %parallel_loop3A_511 {strides = array<i32>} : memref<104x2x128xf32, #tpu.memory_space<vmem>>, vector<16xf32>,
          } {sc.loop_unroll_factor = 4 : i64, sc.parallel_access}
        } else {
        }
        %add3A_291 = arith.constant 2 : i32
        %add3A_292 = arith.addi %reduce_sum3A_60, %add3A_291 : i32
        %sub3A_293 = arith.subi %add3A_292, %max3A_259 : i32
        %jit3A_294 = arith.constant 0 : i32
        %jit3A_295 = arith.constant 104 : i32
        %max3A_296 = arith.maxsi %jit3A_294, %sub3A_293 : i32
        %min3A_297 = arith.minsi %jit3A_295, %max3A_296 : i32
        %sub3A_298 = arith.constant 104 : i32
        %sub3A_299 = arith.subi %sub3A_298, %min3A_297 : i32
        %parallel_loop3A_300 = arith.constant 0 : i32
        %parallel_loop3A_301 = arith.constant 1 : i32
        scf.for %parallel_loop3A_332 = %parallel_loop3A_300 to %sub3A_299 step %parallel_loop3A_301  : i32 {
          %parallel_loop3A_333 = arith.addi %min3A_297, %parallel_loop3A_332 : i32
          %parallel_loop3A_334 = arith.constant 0 : i32
          %parallel_loop3A_335 = arith.index_cast %parallel_loop3A_333 : i32 to index
          %parallel_loop3A_336 = arith.index_cast %parallel_loop3A_334 : i32 to index
          %parallel_loop3A_337 = arith.constant 0 : index
          %parallel_loop3A_338 = tpu.vector_load %arg9[%parallel_loop3A_335, %parallel_loop3A_336, %parallel_loop3A_337] {strides = array<i32>} : memref<104x2x128xf32, #tpu.memory_space<vmem>>, vector<16xf32>,
          tpu.vector_store %arg9[%parallel_loop3A_335, %parallel_loop3A_336, %parallel_loop3A_337], %broadcast_in_dim3A_93 {strides = array<i32>} : memref<104x2x128xf32, #tpu.memory_space<vmem>>, vector<16xf32>,
          %parallel_loop3A_339 = arith.constant 0 : i32
          %parallel_loop3A_340 = arith.index_cast %parallel_loop3A_333 : i32 to index
          %parallel_loop3A_341 = arith.index_cast %parallel_loop3A_339 : i32 to index
          %parallel_loop3A_342 = arith.constant 16 : index
          %parallel_loop3A_343 = tpu.vector_load %arg9[%parallel_loop3A_340, %parallel_loop3A_341, %parallel_loop3A_342] {strides = array<i32>} : memref<104x2x128xf32, #tpu.memory_space<vmem>>, vector<16xf32>,
          tpu.vector_store %arg9[%parallel_loop3A_340, %parallel_loop3A_341, %parallel_loop3A_342], %broadcast_in_dim3A_93 {strides = array<i32>} : memref<104x2x128xf32, #tpu.memory_space<vmem>>, vector<16xf32>,
          %parallel_loop3A_344 = arith.constant 0 : i32
          %parallel_loop3A_345 = arith.index_cast %parallel_loop3A_333 : i32 to index
          %parallel_loop3A_346 = arith.index_cast %parallel_loop3A_344 : i32 to index
          %parallel_loop3A_347 = arith.constant 32 : index
          %parallel_loop3A_348 = tpu.vector_load %arg9[%parallel_loop3A_345, %parallel_loop3A_346, %parallel_loop3A_347] {strides = array<i32>} : memref<104x2x128xf32, #tpu.memory_space<vmem>>, vector<16xf32>,
          tpu.vector_store %arg9[%parallel_loop3A_345, %parallel_loop3A_346, %parallel_loop3A_347], %broadcast_in_dim3A_93 {strides = array<i32>} : memref<104x2x128xf32, #tpu.memory_space<vmem>>, vector<16xf32>,
          %parallel_loop3A_349 = arith.constant 0 : i32
          %parallel_loop3A_350 = arith.index_cast %parallel_loop3A_333 : i32 to index
          %parallel_loop3A_351 = arith.index_cast %parallel_loop3A_349 : i32 to index
          %parallel_loop3A_352 = arith.constant 48 : index
          %parallel_loop3A_353 = tpu.vector_load %arg9[%parallel_loop3A_350, %parallel_loop3A_351, %parallel_loop3A_352] {strides = array<i32>} : memref<104x2x128xf32, #tpu.memory_space<vmem>>, vector<16xf32>,
          tpu.vector_store %arg9[%parallel_loop3A_350, %parallel_loop3A_351, %parallel_loop3A_352], %broadcast_in_dim3A_93 {strides = array<i32>} : memref<104x2x128xf32, #tpu.memory_space<vmem>>, vector<16xf32>,
          %parallel_loop3A_354 = arith.constant 0 : i32
          %parallel_loop3A_355 = arith.index_cast %parallel_loop3A_333 : i32 to index
          %parallel_loop3A_356 = arith.index_cast %parallel_loop3A_354 : i32 to index
          %parallel_loop3A_357 = arith.constant 64 : index
          %parallel_loop3A_358 = tpu.vector_load %arg9[%parallel_loop3A_355, %parallel_loop3A_356, %parallel_loop3A_357] {strides = array<i32>} : memref<104x2x128xf32, #tpu.memory_space<vmem>>, vector<16xf32>,
          tpu.vector_store %arg9[%parallel_loop3A_355, %parallel_loop3A_356, %parallel_loop3A_357], %broadcast_in_dim3A_93 {strides = array<i32>} : memref<104x2x128xf32, #tpu.memory_space<vmem>>, vector<16xf32>,
          %parallel_loop3A_359 = arith.constant 0 : i32
          %parallel_loop3A_360 = arith.index_cast %parallel_loop3A_333 : i32 to index
          %parallel_loop3A_361 = arith.index_cast %parallel_loop3A_359 : i32 to index
          %parallel_loop3A_362 = arith.constant 80 : index
          %parallel_loop3A_363 = tpu.vector_load %arg9[%parallel_loop3A_360, %parallel_loop3A_361, %parallel_loop3A_362] {strides = array<i32>} : memref<104x2x128xf32, #tpu.memory_space<vmem>>, vector<16xf32>,
          tpu.vector_store %arg9[%parallel_loop3A_360, %parallel_loop3A_361, %parallel_loop3A_362], %broadcast_in_dim3A_93 {strides = array<i32>} : memref<104x2x128xf32, #tpu.memory_space<vmem>>, vector<16xf32>,
          %parallel_loop3A_364 = arith.constant 0 : i32
          %parallel_loop3A_365 = arith.index_cast %parallel_loop3A_333 : i32 to index
          %parallel_loop3A_366 = arith.index_cast %parallel_loop3A_364 : i32 to index
          %parallel_loop3A_367 = arith.constant 96 : index
          %parallel_loop3A_368 = tpu.vector_load %arg9[%parallel_loop3A_365, %parallel_loop3A_366, %parallel_loop3A_367] {strides = array<i32>} : memref<104x2x128xf32, #tpu.memory_space<vmem>>, vector<16xf32>,
          tpu.vector_store %arg9[%parallel_loop3A_365, %parallel_loop3A_366, %parallel_loop3A_367], %broadcast_in_dim3A_93 {strides = array<i32>} : memref<104x2x128xf32, #tpu.memory_space<vmem>>, vector<16xf32>,
          %parallel_loop3A_369 = arith.constant 0 : i32
          %parallel_loop3A_370 = arith.index_cast %parallel_loop3A_333 : i32 to index
          %parallel_loop3A_371 = arith.index_cast %parallel_loop3A_369 : i32 to index
          %parallel_loop3A_372 = arith.constant 112 : index
          %parallel_loop3A_373 = tpu.vector_load %arg9[%parallel_loop3A_370, %parallel_loop3A_371, %parallel_loop3A_372] {strides = array<i32>} : memref<104x2x128xf32, #tpu.memory_space<vmem>>, vector<16xf32>,
          tpu.vector_store %arg9[%parallel_loop3A_370, %parallel_loop3A_371, %parallel_loop3A_372], %broadcast_in_dim3A_93 {strides = array<i32>} : memref<104x2x128xf32, #tpu.memory_space<vmem>>, vector<16xf32>,
          %parallel_loop3A_374 = arith.constant 1 : i32
          %parallel_loop3A_375 = arith.index_cast %parallel_loop3A_333 : i32 to index
          %parallel_loop3A_376 = arith.index_cast %parallel_loop3A_374 : i32 to index
          %parallel_loop3A_377 = arith.constant 0 : index
          %parallel_loop3A_378 = tpu.vector_load %arg9[%parallel_loop3A_375, %parallel_loop3A_376, %parallel_loop3A_377] {strides = array<i32>} : memref<104x2x128xf32, #tpu.memory_space<vmem>>, vector<16xf32>,
          tpu.vector_store %arg9[%parallel_loop3A_375, %parallel_loop3A_376, %parallel_loop3A_377], %broadcast_in_dim3A_93 {strides = array<i32>} : memref<104x2x128xf32, #tpu.memory_space<vmem>>, vector<16xf32>,
          %parallel_loop3A_379 = arith.constant 1 : i32
          %parallel_loop3A_380 = arith.index_cast %parallel_loop3A_333 : i32 to index
          %parallel_loop3A_381 = arith.index_cast %parallel_loop3A_379 : i32 to index
          %parallel_loop3A_382 = arith.constant 16 : index
          %parallel_loop3A_383 = tpu.vector_load %arg9[%parallel_loop3A_380, %parallel_loop3A_381, %parallel_loop3A_382] {strides = array<i32>} : memref<104x2x128xf32, #tpu.memory_space<vmem>>, vector<16xf32>,
          tpu.vector_store %arg9[%parallel_loop3A_380, %parallel_loop3A_381, %parallel_loop3A_382], %broadcast_in_dim3A_93 {strides = array<i32>} : memref<104x2x128xf32, #tpu.memory_space<vmem>>, vector<16xf32>,
          %parallel_loop3A_384 = arith.constant 1 : i32
          %parallel_loop3A_385 = arith.index_cast %parallel_loop3A_333 : i32 to index
          %parallel_loop3A_386 = arith.index_cast %parallel_loop3A_384 : i32 to index
          %parallel_loop3A_387 = arith.constant 32 : index
          %parallel_loop3A_388 = tpu.vector_load %arg9[%parallel_loop3A_385, %parallel_loop3A_386, %parallel_loop3A_387] {strides = array<i32>} : memref<104x2x128xf32, #tpu.memory_space<vmem>>, vector<16xf32>,
          tpu.vector_store %arg9[%parallel_loop3A_385, %parallel_loop3A_386, %parallel_loop3A_387], %broadcast_in_dim3A_93 {strides = array<i32>} : memref<104x2x128xf32, #tpu.memory_space<vmem>>, vector<16xf32>,
          %parallel_loop3A_389 = arith.constant 1 : i32
          %parallel_loop3A_390 = arith.index_cast %parallel_loop3A_333 : i32 to index
          %parallel_loop3A_391 = arith.index_cast %parallel_loop3A_389 : i32 to index
          %parallel_loop3A_392 = arith.constant 48 : index
          %parallel_loop3A_393 = tpu.vector_load %arg9[%parallel_loop3A_390, %parallel_loop3A_391, %parallel_loop3A_392] {strides = array<i32>} : memref<104x2x128xf32, #tpu.memory_space<vmem>>, vector<16xf32>,
          tpu.vector_store %arg9[%parallel_loop3A_390, %parallel_loop3A_391, %parallel_loop3A_392], %broadcast_in_dim3A_93 {strides = array<i32>} : memref<104x2x128xf32, #tpu.memory_space<vmem>>, vector<16xf32>,
          %parallel_loop3A_394 = arith.constant 1 : i32
          %parallel_loop3A_395 = arith.index_cast %parallel_loop3A_333 : i32 to index
          %parallel_loop3A_396 = arith.index_cast %parallel_loop3A_394 : i32 to index
          %parallel_loop3A_397 = arith.constant 64 : index
          %parallel_loop3A_398 = tpu.vector_load %arg9[%parallel_loop3A_395, %parallel_loop3A_396, %parallel_loop3A_397] {strides = array<i32>} : memref<104x2x128xf32, #tpu.memory_space<vmem>>, vector<16xf32>,
          tpu.vector_store %arg9[%parallel_loop3A_395, %parallel_loop3A_396, %parallel_loop3A_397], %broadcast_in_dim3A_93 {strides = array<i32>} : memref<104x2x128xf32, #tpu.memory_space<vmem>>, vector<16xf32>,
          %parallel_loop3A_399 = arith.constant 1 : i32
          %parallel_loop3A_400 = arith.index_cast %parallel_loop3A_333 : i32 to index
          %parallel_loop3A_401 = arith.index_cast %parallel_loop3A_399 : i32 to index
          %parallel_loop3A_402 = arith.constant 80 : index
          %parallel_loop3A_403 = tpu.vector_load %arg9[%parallel_loop3A_400, %parallel_loop3A_401, %parallel_loop3A_402] {strides = array<i32>} : memref<104x2x128xf32, #tpu.memory_space<vmem>>, vector<16xf32>,
          tpu.vector_store %arg9[%parallel_loop3A_400, %parallel_loop3A_401, %parallel_loop3A_402], %broadcast_in_dim3A_93 {strides = array<i32>} : memref<104x2x128xf32, #tpu.memory_space<vmem>>, vector<16xf32>,
          %parallel_loop3A_404 = arith.constant 1 : i32
          %parallel_loop3A_405 = arith.index_cast %parallel_loop3A_333 : i32 to index
          %parallel_loop3A_406 = arith.index_cast %parallel_loop3A_404 : i32 to index
          %parallel_loop3A_407 = arith.constant 96 : index
          %parallel_loop3A_408 = tpu.vector_load %arg9[%parallel_loop3A_405, %parallel_loop3A_406, %parallel_loop3A_407] {strides = array<i32>} : memref<104x2x128xf32, #tpu.memory_space<vmem>>, vector<16xf32>,
          tpu.vector_store %arg9[%parallel_loop3A_405, %parallel_loop3A_406, %parallel_loop3A_407], %broadcast_in_dim3A_93 {strides = array<i32>} : memref<104x2x128xf32, #tpu.memory_space<vmem>>, vector<16xf32>,
          %parallel_loop3A_409 = arith.constant 1 : i32
          %parallel_loop3A_410 = arith.index_cast %parallel_loop3A_333 : i32 to index
          %parallel_loop3A_411 = arith.index_cast %parallel_loop3A_409 : i32 to index
          %parallel_loop3A_412 = arith.constant 112 : index
          %parallel_loop3A_413 = tpu.vector_load %arg9[%parallel_loop3A_410, %parallel_loop3A_411, %parallel_loop3A_412] {strides = array<i32>} : memref<104x2x128xf32, #tpu.memory_space<vmem>>, vector<16xf32>,
          tpu.vector_store %arg9[%parallel_loop3A_410, %parallel_loop3A_411, %parallel_loop3A_412], %broadcast_in_dim3A_93 {strides = array<i32>} : memref<104x2x128xf32, #tpu.memory_space<vmem>>, vector<16xf32>,
        } {sc.loop_unroll_factor = 2 : i64, sc.parallel_access}
        %add3A_302 = arith.constant 1 : i32
        %add3A_303 = arith.addi %reduce_sum3A_60, %add3A_302 : i32
        %ge3A_304 = arith.cmpi sge, %add3A_303, %max3A_259 : i32
        %add3A_305 = arith.constant 1 : i32
        %add3A_306 = arith.addi %reduce_sum3A_60, %add3A_305 : i32
        %add3A_307 = arith.constant 104 : i32
        %add3A_308 = arith.addi %max3A_259, %add3A_307 : i32
        %lt3A_309 = arith.cmpi slt, %add3A_306, %add3A_308 : i32
        %and3A_310 = arith.andi %ge3A_304, %lt3A_309 : i1
        %convert_element_type3A_311 = arith.extui %and3A_310 : i1 to i32
        %cond3A_312 = arith.constant 0 : i32
        %cond3A_313 = arith.cmpi ne, %convert_element_type3A_311, %cond3A_312 : i32
        scf.if %cond3A_313 {
          %add3A_332 = arith.constant 1 : i32
          %add3A_333 = arith.addi %reduce_sum3A_60, %add3A_332 : i32
          %sub3A_334 = arith.subi %add3A_333, %max3A_259 : i32
          %swap3A = arith.constant 0 : i32
          %swap3A_335 = arith.index_cast %sub3A_334 : i32 to index
          %swap3A_336 = arith.index_cast %swap3A : i32 to index
          %swap3A_337 = arith.constant 0 : index
          %swap3A_338 = tpu.vector_load %arg9[%swap3A_335, %swap3A_336, %swap3A_337] {strides = array<i32>} : memref<104x2x128xf32, #tpu.memory_space<vmem>>, vector<16xf32>,
          tpu.vector_store %arg9[%swap3A_335, %swap3A_336, %swap3A_337], %add3A_99 {strides = array<i32>} : memref<104x2x128xf32, #tpu.memory_space<vmem>>, vector<16xf32>,
          %swap3A_339 = arith.constant 0 : i32
          %swap3A_340 = arith.index_cast %sub3A_334 : i32 to index
          %swap3A_341 = arith.index_cast %swap3A_339 : i32 to index
          %swap3A_342 = arith.constant 16 : index
          %swap3A_343 = tpu.vector_load %arg9[%swap3A_340, %swap3A_341, %swap3A_342] {strides = array<i32>} : memref<104x2x128xf32, #tpu.memory_space<vmem>>, vector<16xf32>,
          tpu.vector_store %arg9[%swap3A_340, %swap3A_341, %swap3A_342], %add3A_99 {strides = array<i32>} : memref<104x2x128xf32, #tpu.memory_space<vmem>>, vector<16xf32>,
          %swap3A_344 = arith.constant 0 : i32
          %swap3A_345 = arith.index_cast %sub3A_334 : i32 to index
          %swap3A_346 = arith.index_cast %swap3A_344 : i32 to index
          %swap3A_347 = arith.constant 32 : index
          %swap3A_348 = tpu.vector_load %arg9[%swap3A_345, %swap3A_346, %swap3A_347] {strides = array<i32>} : memref<104x2x128xf32, #tpu.memory_space<vmem>>, vector<16xf32>,
          tpu.vector_store %arg9[%swap3A_345, %swap3A_346, %swap3A_347], %add3A_99 {strides = array<i32>} : memref<104x2x128xf32, #tpu.memory_space<vmem>>, vector<16xf32>,
          %swap3A_349 = arith.constant 0 : i32
          %swap3A_350 = arith.index_cast %sub3A_334 : i32 to index
          %swap3A_351 = arith.index_cast %swap3A_349 : i32 to index
          %swap3A_352 = arith.constant 48 : index
          %swap3A_353 = tpu.vector_load %arg9[%swap3A_350, %swap3A_351, %swap3A_352] {strides = array<i32>} : memref<104x2x128xf32, #tpu.memory_space<vmem>>, vector<16xf32>,
          tpu.vector_store %arg9[%swap3A_350, %swap3A_351, %swap3A_352], %add3A_99 {strides = array<i32>} : memref<104x2x128xf32, #tpu.memory_space<vmem>>, vector<16xf32>,
          %swap3A_354 = arith.constant 0 : i32
          %swap3A_355 = arith.index_cast %sub3A_334 : i32 to index
          %swap3A_356 = arith.index_cast %swap3A_354 : i32 to index
          %swap3A_357 = arith.constant 64 : index
          %swap3A_358 = tpu.vector_load %arg9[%swap3A_355, %swap3A_356, %swap3A_357] {strides = array<i32>} : memref<104x2x128xf32, #tpu.memory_space<vmem>>, vector<16xf32>,
          tpu.vector_store %arg9[%swap3A_355, %swap3A_356, %swap3A_357], %add3A_99 {strides = array<i32>} : memref<104x2x128xf32, #tpu.memory_space<vmem>>, vector<16xf32>,
          %swap3A_359 = arith.constant 0 : i32
          %swap3A_360 = arith.index_cast %sub3A_334 : i32 to index
          %swap3A_361 = arith.index_cast %swap3A_359 : i32 to index
          %swap3A_362 = arith.constant 80 : index
          %swap3A_363 = tpu.vector_load %arg9[%swap3A_360, %swap3A_361, %swap3A_362] {strides = array<i32>} : memref<104x2x128xf32, #tpu.memory_space<vmem>>, vector<16xf32>,
          tpu.vector_store %arg9[%swap3A_360, %swap3A_361, %swap3A_362], %add3A_99 {strides = array<i32>} : memref<104x2x128xf32, #tpu.memory_space<vmem>>, vector<16xf32>,
          %swap3A_364 = arith.constant 0 : i32
          %swap3A_365 = arith.index_cast %sub3A_334 : i32 to index
          %swap3A_366 = arith.index_cast %swap3A_364 : i32 to index
          %swap3A_367 = arith.constant 96 : index
          %swap3A_368 = tpu.vector_load %arg9[%swap3A_365, %swap3A_366, %swap3A_367] {strides = array<i32>} : memref<104x2x128xf32, #tpu.memory_space<vmem>>, vector<16xf32>,
          tpu.vector_store %arg9[%swap3A_365, %swap3A_366, %swap3A_367], %add3A_99 {strides = array<i32>} : memref<104x2x128xf32, #tpu.memory_space<vmem>>, vector<16xf32>,
          %swap3A_369 = arith.constant 0 : i32
          %swap3A_370 = arith.index_cast %sub3A_334 : i32 to index
          %swap3A_371 = arith.index_cast %swap3A_369 : i32 to index
          %swap3A_372 = arith.constant 112 : index
          %swap3A_373 = tpu.vector_load %arg9[%swap3A_370, %swap3A_371, %swap3A_372] {strides = array<i32>} : memref<104x2x128xf32, #tpu.memory_space<vmem>>, vector<16xf32>,
          tpu.vector_store %arg9[%swap3A_370, %swap3A_371, %swap3A_372], %add3A_99 {strides = array<i32>} : memref<104x2x128xf32, #tpu.memory_space<vmem>>, vector<16xf32>,
          %swap3A_374 = arith.constant 1 : i32
          %swap3A_375 = arith.index_cast %sub3A_334 : i32 to index
          %swap3A_376 = arith.index_cast %swap3A_374 : i32 to index
          %swap3A_377 = arith.constant 0 : index
          %swap3A_378 = tpu.vector_load %arg9[%swap3A_375, %swap3A_376, %swap3A_377] {strides = array<i32>} : memref<104x2x128xf32, #tpu.memory_space<vmem>>, vector<16xf32>,
          tpu.vector_store %arg9[%swap3A_375, %swap3A_376, %swap3A_377], %add3A_99 {strides = array<i32>} : memref<104x2x128xf32, #tpu.memory_space<vmem>>, vector<16xf32>,
          %swap3A_379 = arith.constant 1 : i32
          %swap3A_380 = arith.index_cast %sub3A_334 : i32 to index
          %swap3A_381 = arith.index_cast %swap3A_379 : i32 to index
          %swap3A_382 = arith.constant 16 : index
          %swap3A_383 = tpu.vector_load %arg9[%swap3A_380, %swap3A_381, %swap3A_382] {strides = array<i32>} : memref<104x2x128xf32, #tpu.memory_space<vmem>>, vector<16xf32>,
          tpu.vector_store %arg9[%swap3A_380, %swap3A_381, %swap3A_382], %add3A_99 {strides = array<i32>} : memref<104x2x128xf32, #tpu.memory_space<vmem>>, vector<16xf32>,
          %swap3A_384 = arith.constant 1 : i32
          %swap3A_385 = arith.index_cast %sub3A_334 : i32 to index
          %swap3A_386 = arith.index_cast %swap3A_384 : i32 to index
          %swap3A_387 = arith.constant 32 : index
          %swap3A_388 = tpu.vector_load %arg9[%swap3A_385, %swap3A_386, %swap3A_387] {strides = array<i32>} : memref<104x2x128xf32, #tpu.memory_space<vmem>>, vector<16xf32>,
          tpu.vector_store %arg9[%swap3A_385, %swap3A_386, %swap3A_387], %add3A_99 {strides = array<i32>} : memref<104x2x128xf32, #tpu.memory_space<vmem>>, vector<16xf32>,
          %swap3A_389 = arith.constant 1 : i32
          %swap3A_390 = arith.index_cast %sub3A_334 : i32 to index
          %swap3A_391 = arith.index_cast %swap3A_389 : i32 to index
          %swap3A_392 = arith.constant 48 : index
          %swap3A_393 = tpu.vector_load %arg9[%swap3A_390, %swap3A_391, %swap3A_392] {strides = array<i32>} : memref<104x2x128xf32, #tpu.memory_space<vmem>>, vector<16xf32>,
          tpu.vector_store %arg9[%swap3A_390, %swap3A_391, %swap3A_392], %add3A_99 {strides = array<i32>} : memref<104x2x128xf32, #tpu.memory_space<vmem>>, vector<16xf32>,
          %swap3A_394 = arith.constant 1 : i32
          %swap3A_395 = arith.index_cast %sub3A_334 : i32 to index
          %swap3A_396 = arith.index_cast %swap3A_394 : i32 to index
          %swap3A_397 = arith.constant 64 : index
          %swap3A_398 = tpu.vector_load %arg9[%swap3A_395, %swap3A_396, %swap3A_397] {strides = array<i32>} : memref<104x2x128xf32, #tpu.memory_space<vmem>>, vector<16xf32>,
          tpu.vector_store %arg9[%swap3A_395, %swap3A_396, %swap3A_397], %add3A_99 {strides = array<i32>} : memref<104x2x128xf32, #tpu.memory_space<vmem>>, vector<16xf32>,
          %swap3A_399 = arith.constant 1 : i32
          %swap3A_400 = arith.index_cast %sub3A_334 : i32 to index
          %swap3A_401 = arith.index_cast %swap3A_399 : i32 to index
          %swap3A_402 = arith.constant 80 : index
          %swap3A_403 = tpu.vector_load %arg9[%swap3A_400, %swap3A_401, %swap3A_402] {strides = array<i32>} : memref<104x2x128xf32, #tpu.memory_space<vmem>>, vector<16xf32>,
          tpu.vector_store %arg9[%swap3A_400, %swap3A_401, %swap3A_402], %add3A_99 {strides = array<i32>} : memref<104x2x128xf32, #tpu.memory_space<vmem>>, vector<16xf32>,
          %swap3A_404 = arith.constant 1 : i32
          %swap3A_405 = arith.index_cast %sub3A_334 : i32 to index
          %swap3A_406 = arith.index_cast %swap3A_404 : i32 to index
          %swap3A_407 = arith.constant 96 : index
          %swap3A_408 = tpu.vector_load %arg9[%swap3A_405, %swap3A_406, %swap3A_407] {strides = array<i32>} : memref<104x2x128xf32, #tpu.memory_space<vmem>>, vector<16xf32>,
          tpu.vector_store %arg9[%swap3A_405, %swap3A_406, %swap3A_407], %add3A_99 {strides = array<i32>} : memref<104x2x128xf32, #tpu.memory_space<vmem>>, vector<16xf32>,
          %swap3A_409 = arith.constant 1 : i32
          %swap3A_410 = arith.index_cast %sub3A_334 : i32 to index
          %swap3A_411 = arith.index_cast %swap3A_409 : i32 to index
          %swap3A_412 = arith.constant 112 : index
          %swap3A_413 = tpu.vector_load %arg9[%swap3A_410, %swap3A_411, %swap3A_412] {strides = array<i32>} : memref<104x2x128xf32, #tpu.memory_space<vmem>>, vector<16xf32>,
          tpu.vector_store %arg9[%swap3A_410, %swap3A_411, %swap3A_412], %add3A_99 {strides = array<i32>} : memref<104x2x128xf32, #tpu.memory_space<vmem>>, vector<16xf32>,
        } else {
        }
        %eq3A_314 = arith.constant 0 : i32
        %eq3A_315 = arith.cmpi eq, %max3A_259, %eq3A_314 : i32
        %convert_element_type3A_316 = arith.extui %eq3A_315 : i1 to i32
        %cond3A_317 = arith.constant 0 : i32
        %cond3A_318 = arith.cmpi ne, %convert_element_type3A_316, %cond3A_317 : i32
        scf.if %cond3A_318 {
          %swap3A = arith.constant 0 : i32
          %swap3A_332 = arith.constant 0 : i32
          %swap3A_333 = arith.index_cast %swap3A : i32 to index
          %swap3A_334 = arith.index_cast %swap3A_332 : i32 to index
          %swap3A_335 = arith.constant 0 : index
          %swap3A_336 = tpu.vector_load %arg9[%swap3A_333, %swap3A_334, %swap3A_335] {strides = array<i32>} : memref<104x2x128xf32, #tpu.memory_space<vmem>>, vector<16xf32>,
          tpu.vector_store %arg9[%swap3A_333, %swap3A_334, %swap3A_335], %add3A_96 {strides = array<i32>} : memref<104x2x128xf32, #tpu.memory_space<vmem>>, vector<16xf32>,
          %swap3A_337 = arith.constant 0 : i32
          %swap3A_338 = arith.constant 0 : i32
          %swap3A_339 = arith.index_cast %swap3A_337 : i32 to index
          %swap3A_340 = arith.index_cast %swap3A_338 : i32 to index
          %swap3A_341 = arith.constant 16 : index
          %swap3A_342 = tpu.vector_load %arg9[%swap3A_339, %swap3A_340, %swap3A_341] {strides = array<i32>} : memref<104x2x128xf32, #tpu.memory_space<vmem>>, vector<16xf32>,
          tpu.vector_store %arg9[%swap3A_339, %swap3A_340, %swap3A_341], %add3A_96 {strides = array<i32>} : memref<104x2x128xf32, #tpu.memory_space<vmem>>, vector<16xf32>,
          %swap3A_343 = arith.constant 0 : i32
          %swap3A_344 = arith.constant 0 : i32
          %swap3A_345 = arith.index_cast %swap3A_343 : i32 to index
          %swap3A_346 = arith.index_cast %swap3A_344 : i32 to index
          %swap3A_347 = arith.constant 32 : index
          %swap3A_348 = tpu.vector_load %arg9[%swap3A_345, %swap3A_346, %swap3A_347] {strides = array<i32>} : memref<104x2x128xf32, #tpu.memory_space<vmem>>, vector<16xf32>,
          tpu.vector_store %arg9[%swap3A_345, %swap3A_346, %swap3A_347], %add3A_96 {strides = array<i32>} : memref<104x2x128xf32, #tpu.memory_space<vmem>>, vector<16xf32>,
          %swap3A_349 = arith.constant 0 : i32
          %swap3A_350 = arith.constant 0 : i32
          %swap3A_351 = arith.index_cast %swap3A_349 : i32 to index
          %swap3A_352 = arith.index_cast %swap3A_350 : i32 to index
          %swap3A_353 = arith.constant 48 : index
          %swap3A_354 = tpu.vector_load %arg9[%swap3A_351, %swap3A_352, %swap3A_353] {strides = array<i32>} : memref<104x2x128xf32, #tpu.memory_space<vmem>>, vector<16xf32>,
          tpu.vector_store %arg9[%swap3A_351, %swap3A_352, %swap3A_353], %add3A_96 {strides = array<i32>} : memref<104x2x128xf32, #tpu.memory_space<vmem>>, vector<16xf32>,
          %swap3A_355 = arith.constant 0 : i32
          %swap3A_356 = arith.constant 0 : i32
          %swap3A_357 = arith.index_cast %swap3A_355 : i32 to index
          %swap3A_358 = arith.index_cast %swap3A_356 : i32 to index
          %swap3A_359 = arith.constant 64 : index
          %swap3A_360 = tpu.vector_load %arg9[%swap3A_357, %swap3A_358, %swap3A_359] {strides = array<i32>} : memref<104x2x128xf32, #tpu.memory_space<vmem>>, vector<16xf32>,
          tpu.vector_store %arg9[%swap3A_357, %swap3A_358, %swap3A_359], %add3A_96 {strides = array<i32>} : memref<104x2x128xf32, #tpu.memory_space<vmem>>, vector<16xf32>,
          %swap3A_361 = arith.constant 0 : i32
          %swap3A_362 = arith.constant 0 : i32
          %swap3A_363 = arith.index_cast %swap3A_361 : i32 to index
          %swap3A_364 = arith.index_cast %swap3A_362 : i32 to index
          %swap3A_365 = arith.constant 80 : index
          %swap3A_366 = tpu.vector_load %arg9[%swap3A_363, %swap3A_364, %swap3A_365] {strides = array<i32>} : memref<104x2x128xf32, #tpu.memory_space<vmem>>, vector<16xf32>,
          tpu.vector_store %arg9[%swap3A_363, %swap3A_364, %swap3A_365], %add3A_96 {strides = array<i32>} : memref<104x2x128xf32, #tpu.memory_space<vmem>>, vector<16xf32>,
          %swap3A_367 = arith.constant 0 : i32
          %swap3A_368 = arith.constant 0 : i32
          %swap3A_369 = arith.index_cast %swap3A_367 : i32 to index
          %swap3A_370 = arith.index_cast %swap3A_368 : i32 to index
          %swap3A_371 = arith.constant 96 : index
          %swap3A_372 = tpu.vector_load %arg9[%swap3A_369, %swap3A_370, %swap3A_371] {strides = array<i32>} : memref<104x2x128xf32, #tpu.memory_space<vmem>>, vector<16xf32>,
          tpu.vector_store %arg9[%swap3A_369, %swap3A_370, %swap3A_371], %add3A_96 {strides = array<i32>} : memref<104x2x128xf32, #tpu.memory_space<vmem>>, vector<16xf32>,
          %swap3A_373 = arith.constant 0 : i32
          %swap3A_374 = arith.constant 0 : i32
          %swap3A_375 = arith.index_cast %swap3A_373 : i32 to index
          %swap3A_376 = arith.index_cast %swap3A_374 : i32 to index
          %swap3A_377 = arith.constant 112 : index
          %swap3A_378 = tpu.vector_load %arg9[%swap3A_375, %swap3A_376, %swap3A_377] {strides = array<i32>} : memref<104x2x128xf32, #tpu.memory_space<vmem>>, vector<16xf32>,
          tpu.vector_store %arg9[%swap3A_375, %swap3A_376, %swap3A_377], %add3A_96 {strides = array<i32>} : memref<104x2x128xf32, #tpu.memory_space<vmem>>, vector<16xf32>,
          %swap3A_379 = arith.constant 0 : i32
          %swap3A_380 = arith.constant 1 : i32
          %swap3A_381 = arith.index_cast %swap3A_379 : i32 to index
          %swap3A_382 = arith.index_cast %swap3A_380 : i32 to index
          %swap3A_383 = arith.constant 0 : index
          %swap3A_384 = tpu.vector_load %arg9[%swap3A_381, %swap3A_382, %swap3A_383] {strides = array<i32>} : memref<104x2x128xf32, #tpu.memory_space<vmem>>, vector<16xf32>,
          tpu.vector_store %arg9[%swap3A_381, %swap3A_382, %swap3A_383], %add3A_96 {strides = array<i32>} : memref<104x2x128xf32, #tpu.memory_space<vmem>>, vector<16xf32>,
          %swap3A_385 = arith.constant 0 : i32
          %swap3A_386 = arith.constant 1 : i32
          %swap3A_387 = arith.index_cast %swap3A_385 : i32 to index
          %swap3A_388 = arith.index_cast %swap3A_386 : i32 to index
          %swap3A_389 = arith.constant 16 : index
          %swap3A_390 = tpu.vector_load %arg9[%swap3A_387, %swap3A_388, %swap3A_389] {strides = array<i32>} : memref<104x2x128xf32, #tpu.memory_space<vmem>>, vector<16xf32>,
          tpu.vector_store %arg9[%swap3A_387, %swap3A_388, %swap3A_389], %add3A_96 {strides = array<i32>} : memref<104x2x128xf32, #tpu.memory_space<vmem>>, vector<16xf32>,
          %swap3A_391 = arith.constant 0 : i32
          %swap3A_392 = arith.constant 1 : i32
          %swap3A_393 = arith.index_cast %swap3A_391 : i32 to index
          %swap3A_394 = arith.index_cast %swap3A_392 : i32 to index
          %swap3A_395 = arith.constant 32 : index
          %swap3A_396 = tpu.vector_load %arg9[%swap3A_393, %swap3A_394, %swap3A_395] {strides = array<i32>} : memref<104x2x128xf32, #tpu.memory_space<vmem>>, vector<16xf32>,
          tpu.vector_store %arg9[%swap3A_393, %swap3A_394, %swap3A_395], %add3A_96 {strides = array<i32>} : memref<104x2x128xf32, #tpu.memory_space<vmem>>, vector<16xf32>,
          %swap3A_397 = arith.constant 0 : i32
          %swap3A_398 = arith.constant 1 : i32
          %swap3A_399 = arith.index_cast %swap3A_397 : i32 to index
          %swap3A_400 = arith.index_cast %swap3A_398 : i32 to index
          %swap3A_401 = arith.constant 48 : index
          %swap3A_402 = tpu.vector_load %arg9[%swap3A_399, %swap3A_400, %swap3A_401] {strides = array<i32>} : memref<104x2x128xf32, #tpu.memory_space<vmem>>, vector<16xf32>,
          tpu.vector_store %arg9[%swap3A_399, %swap3A_400, %swap3A_401], %add3A_96 {strides = array<i32>} : memref<104x2x128xf32, #tpu.memory_space<vmem>>, vector<16xf32>,
          %swap3A_403 = arith.constant 0 : i32
          %swap3A_404 = arith.constant 1 : i32
          %swap3A_405 = arith.index_cast %swap3A_403 : i32 to index
          %swap3A_406 = arith.index_cast %swap3A_404 : i32 to index
          %swap3A_407 = arith.constant 64 : index
          %swap3A_408 = tpu.vector_load %arg9[%swap3A_405, %swap3A_406, %swap3A_407] {strides = array<i32>} : memref<104x2x128xf32, #tpu.memory_space<vmem>>, vector<16xf32>,
          tpu.vector_store %arg9[%swap3A_405, %swap3A_406, %swap3A_407], %add3A_96 {strides = array<i32>} : memref<104x2x128xf32, #tpu.memory_space<vmem>>, vector<16xf32>,
          %swap3A_409 = arith.constant 0 : i32
          %swap3A_410 = arith.constant 1 : i32
          %swap3A_411 = arith.index_cast %swap3A_409 : i32 to index
          %swap3A_412 = arith.index_cast %swap3A_410 : i32 to index
          %swap3A_413 = arith.constant 80 : index
          %swap3A_414 = tpu.vector_load %arg9[%swap3A_411, %swap3A_412, %swap3A_413] {strides = array<i32>} : memref<104x2x128xf32, #tpu.memory_space<vmem>>, vector<16xf32>,
          tpu.vector_store %arg9[%swap3A_411, %swap3A_412, %swap3A_413], %add3A_96 {strides = array<i32>} : memref<104x2x128xf32, #tpu.memory_space<vmem>>, vector<16xf32>,
          %swap3A_415 = arith.constant 0 : i32
          %swap3A_416 = arith.constant 1 : i32
          %swap3A_417 = arith.index_cast %swap3A_415 : i32 to index
          %swap3A_418 = arith.index_cast %swap3A_416 : i32 to index
          %swap3A_419 = arith.constant 96 : index
          %swap3A_420 = tpu.vector_load %arg9[%swap3A_417, %swap3A_418, %swap3A_419] {strides = array<i32>} : memref<104x2x128xf32, #tpu.memory_space<vmem>>, vector<16xf32>,
          tpu.vector_store %arg9[%swap3A_417, %swap3A_418, %swap3A_419], %add3A_96 {strides = array<i32>} : memref<104x2x128xf32, #tpu.memory_space<vmem>>, vector<16xf32>,
          %swap3A_421 = arith.constant 0 : i32
          %swap3A_422 = arith.constant 1 : i32
          %swap3A_423 = arith.index_cast %swap3A_421 : i32 to index
          %swap3A_424 = arith.index_cast %swap3A_422 : i32 to index
          %swap3A_425 = arith.constant 112 : index
          %swap3A_426 = tpu.vector_load %arg9[%swap3A_423, %swap3A_424, %swap3A_425] {strides = array<i32>} : memref<104x2x128xf32, #tpu.memory_space<vmem>>, vector<16xf32>,
          tpu.vector_store %arg9[%swap3A_423, %swap3A_424, %swap3A_425], %add3A_96 {strides = array<i32>} : memref<104x2x128xf32, #tpu.memory_space<vmem>>, vector<16xf32>,
        } else {
        }
        %dma_start3A = arith.constant 0 : i32
        %dma_start3A_319 = arith.constant 0 : i32
        %dma_start3A_320 = tpu.memref_slice %arg6[%max3A_259, %select_n3A_30, %dma_start3A, %select_n3A_46, %dma_start3A_319] : memref<4098x2x2x8x128xf32, #tpu.memory_space<hbm>> -> memref<104x1x2x1x128xf32, #tpu.memory_space<hbm>>
        %dma_start3A_321 = tpu.memref_squeeze %dma_start3A_320 : memref<104x1x2x1x128xf32, #tpu.memory_space<hbm>> -> memref<104x2x128xf32, #tpu.memory_space<hbm>>
        %dma_start3A_322 = arith.constant 0 : i32
        %dma_start3A_323 = arith.constant 0 : i32
        %dma_start3A_324 = tpu.memref_slice %arg6[%max3A_259, %select_n3A_30, %dma_start3A_322, %select_n3A_46, %dma_start3A_323] : memref<4098x2x2x8x128xf32, #tpu.memory_space<hbm>> -> memref<104x1x2x1x128xf32, #tpu.memory_space<hbm>>
        %dma_start3A_325 = tpu.memref_squeeze %dma_start3A_324 : memref<104x1x2x1x128xf32, #tpu.memory_space<hbm>> -> memref<104x2x128xf32, #tpu.memory_space<hbm>>
        tpu.enqueue_dma source(%arg9 : memref<104x2x128xf32, #tpu.memory_space<vmem>>) target(%dma_start3A_325 : memref<104x2x128xf32, #tpu.memory_space<hbm>>) target_semaphore(%arg17 : memref<!tpu.dma_semaphore, #tpu.memory_space<semaphore_mem>>)
        %add3A_326 = arith.constant 2 : i32
        %add3A_327 = arith.addi %mul3A_242, %add3A_326 : i32
        %lt3A_328 = arith.cmpi slt, %add3A_327, %select_n3A_164 : i32
        %convert_element_type3A_329 = arith.extui %lt3A_328 : i1 to i32
        %cond3A_330 = arith.constant 0 : i32
        %cond3A_331 = arith.cmpi ne, %convert_element_type3A_329, %cond3A_330 : i32
        scf.if %cond3A_331 {
          %add3A_332 = arith.constant 2 : i32
          %add3A_333 = arith.addi %mul3A_242, %add3A_332 : i32
          %mul3A_334 = arith.constant 104 : i32
          %mul3A_335 = arith.muli %add3A_333, %mul3A_334 : i32
          %add3A_336 = arith.addi %mul3A_9, %mul3A_335 : i32
          %sub3A_337 = arith.constant 104 : i32
          %sub3A_338 = arith.subi %sub3A_133, %sub3A_337 : i32
          %min3A_339 = arith.minsi %add3A_336, %sub3A_338 : i32
          %max3A_340 = arith.maxsi %min3A_339, %mul3A_9 : i32
          %add3A_341 = arith.addi %reduce_sum3A_53, %max3A_340 : i32
          %sub3A_342 = arith.constant 1 : i32
          %sub3A_343 = arith.subi %add3A_341, %sub3A_342 : i32
          %jit3A_344 = arith.constant 0 : i32
          %jit3A_345 = arith.constant 32664 : i32
          %max3A_346 = arith.maxsi %jit3A_344, %sub3A_343 : i32
          %min3A_347 = arith.minsi %jit3A_345, %max3A_346 : i32
          %dma_start3A_348 = arith.constant 0 : i32
          %dma_start3A_349 = arith.constant 0 : i32
          %dma_start3A_350 = tpu.memref_slice %arg2[%dma_start3A_348, %min3A_347, %dma_start3A_349] : memref<4x32768x64xf32, #tpu.memory_space<hbm>> -> memref<4x104x64xf32, #tpu.memory_space<hbm>>
          %dma_start3A_351 = arith.constant 0 : i32
          %dma_start3A_352 = arith.constant 0 : i32
          %dma_start3A_353 = tpu.memref_slice %arg2[%dma_start3A_351, %min3A_347, %dma_start3A_352] : memref<4x32768x64xf32, #tpu.memory_space<hbm>> -> memref<4x104x64xf32, #tpu.memory_space<hbm>>
          tpu.enqueue_dma source(%dma_start3A_353 : memref<4x104x64xf32, #tpu.memory_space<hbm>>) target(%arg7 : memref<4x104x64xf32, #tpu.memory_space<vmem>>) target_semaphore(%arg15 : memref<!tpu.dma_semaphore, #tpu.memory_space<semaphore_mem>>)
        } else {
        }
      } else {
      }
      %add3A_247 = arith.constant 1 : i32
      %add3A_248 = arith.addi %mul3A_242, %add3A_247 : i32
      %lt3A_249 = arith.cmpi slt, %add3A_248, %select_n3A_164 : i32
      %convert_element_type3A_250 = arith.extui %lt3A_249 : i1 to i32
      %cond3A_251 = arith.constant 0 : i32
      %cond3A_252 = arith.cmpi ne, %convert_element_type3A_250, %cond3A_251 : i32
      scf.if %cond3A_252 {
        %add3A_253 = arith.constant 1 : i32
        %add3A_254 = arith.addi %mul3A_242, %add3A_253 : i32
        %mul3A_255 = arith.constant 104 : i32
        %mul3A_256 = arith.muli %add3A_254, %mul3A_255 : i32
        %add3A_257 = arith.addi %mul3A_9, %mul3A_256 : i32
        %sub3A_258 = arith.constant 104 : i32
        %sub3A_259 = arith.subi %sub3A_133, %sub3A_258 : i32
        %min3A_260 = arith.minsi %add3A_257, %sub3A_259 : i32
        %max3A_261 = arith.maxsi %min3A_260, %mul3A_9 : i32
        %add3A_262 = arith.addi %reduce_sum3A_53, %max3A_261 : i32
        %sub3A_263 = arith.constant 1 : i32
        %sub3A_264 = arith.subi %add3A_262, %sub3A_263 : i32
        %jit3A_265 = arith.constant 0 : i32
        %jit3A_266 = arith.constant 32664 : i32
        %max3A_267 = arith.maxsi %jit3A_265, %sub3A_264 : i32
        %min3A_268 = arith.minsi %jit3A_266, %max3A_267 : i32
        %add3A_269 = arith.addi %reduce_sum3A_53, %max3A_261 : i32
        %sub3A_270 = arith.constant 1 : i32
        %sub3A_271 = arith.subi %add3A_269, %sub3A_270 : i32
        %sub3A_272 = arith.subi %sub3A_271, %min3A_268 : i32
        %dma_wait3A = arith.constant 0 : i32
        %dma_wait3A_273 = arith.constant 0 : i32
        %dma_wait3A_274 = tpu.memref_slice %arg2[%dma_wait3A, %min3A_268, %dma_wait3A_273] : memref<4x32768x64xf32, #tpu.memory_space<hbm>> -> memref<4x104x64xf32, #tpu.memory_space<hbm>>
        %dma_wait3A_275 = arith.constant 0 : i32
        %dma_wait3A_276 = arith.constant 0 : i32
        %dma_wait3A_277 = tpu.memref_slice %arg2[%dma_wait3A_275, %min3A_268, %dma_wait3A_276] : memref<4x32768x64xf32, #tpu.memory_space<hbm>> -> memref<4x104x64xf32, #tpu.memory_space<hbm>>
        tpu.wait_dma2 semaphore(%arg16 : memref<!tpu.dma_semaphore, #tpu.memory_space<semaphore_mem>>) src(%dma_wait3A_277 : memref<4x104x64xf32, #tpu.memory_space<hbm>>) dst(%arg8 : memref<4x104x64xf32, #tpu.memory_space<vmem>>)
        %ge3A_278 = arith.constant 2 : i32
        %ge3A_279 = arith.cmpi sge, %add3A_254, %ge3A_278 : i32
        %convert_element_type3A_280 = arith.extui %ge3A_279 : i1 to i32
        %cond3A_281 = arith.constant 0 : i32
        %cond3A_282 = arith.cmpi ne, %convert_element_type3A_280, %cond3A_281 : i32
        scf.if %cond3A_282 {
          %dma_wait3A_334 = arith.constant 0 : i32
          %dma_wait3A_335 = arith.constant 0 : i32
          %dma_wait3A_336 = tpu.memref_slice %arg6[%max3A_261, %select_n3A_30, %dma_wait3A_334, %select_n3A_46, %dma_wait3A_335] : memref<4098x2x2x8x128xf32, #tpu.memory_space<hbm>> -> memref<104x1x2x1x128xf32, #tpu.memory_space<hbm>>
          %dma_wait3A_337 = tpu.memref_squeeze %dma_wait3A_336 : memref<104x1x2x1x128xf32, #tpu.memory_space<hbm>> -> memref<104x2x128xf32, #tpu.memory_space<hbm>>
          %dma_wait3A_338 = arith.constant 0 : i32
          %dma_wait3A_339 = arith.constant 0 : i32
          %dma_wait3A_340 = tpu.memref_slice %arg6[%max3A_261, %select_n3A_30, %dma_wait3A_338, %select_n3A_46, %dma_wait3A_339] : memref<4098x2x2x8x128xf32, #tpu.memory_space<hbm>> -> memref<104x1x2x1x128xf32, #tpu.memory_space<hbm>>
          %dma_wait3A_341 = tpu.memref_squeeze %dma_wait3A_340 : memref<104x1x2x1x128xf32, #tpu.memory_space<hbm>> -> memref<104x2x128xf32, #tpu.memory_space<hbm>>
          tpu.wait_dma2 semaphore(%arg18 : memref<!tpu.dma_semaphore, #tpu.memory_space<semaphore_mem>>) src(%arg10 : memref<104x2x128xf32, #tpu.memory_space<vmem>>) dst(%dma_wait3A_341 : memref<104x2x128xf32, #tpu.memory_space<hbm>>)
        } else {
        }
        %eq3A_283 = arith.constant 0 : i32
        %eq3A_284 = arith.cmpi eq, %sub3A_272, %eq3A_283 : i32
        %convert_element_type3A_285 = arith.extui %eq3A_284 : i1 to i32
        %cond3A_286 = arith.constant 0 : i32
        %cond3A_287 = arith.cmpi ne, %convert_element_type3A_285, %cond3A_286 : i32
        scf.if %cond3A_287 {
          %parallel_loop3A_334 = arith.constant 0 : i32
          %parallel_loop3A_335 = arith.constant 104 : i32
          %parallel_loop3A_336 = arith.constant 1 : i32
          scf.for %parallel_loop3A_337 = %parallel_loop3A_334 to %parallel_loop3A_335 step %parallel_loop3A_336  : i32 {
            %parallel_loop3A_338 = arith.constant 0 : i32
            %parallel_loop3A_339 = arith.index_cast %parallel_loop3A_338 : i32 to index
            %parallel_loop3A_340 = arith.index_cast %parallel_loop3A_337 : i32 to index
            %parallel_loop3A_341 = arith.constant 0 : index
            %parallel_loop3A_342 = tpu.vector_load %arg8[%parallel_loop3A_339, %parallel_loop3A_340, %parallel_loop3A_341] {strides = array<i32>} : memref<4x104x64xf32, #tpu.memory_space<vmem>>, vector<16xf32>,
            %parallel_loop3A_343 = arith.mulf %parallel_loop3A_342, %get3A_62 : vector<16xf32>
            %parallel_loop3A_344 = arith.constant 0 : i32
            %parallel_loop3A_345 = arith.index_cast %parallel_loop3A_337 : i32 to index
            %parallel_loop3A_346 = arith.index_cast %parallel_loop3A_344 : i32 to index
            %parallel_loop3A_347 = arith.constant 0 : index
            %parallel_loop3A_348 = tpu.vector_load %arg10[%parallel_loop3A_345, %parallel_loop3A_346, %parallel_loop3A_347] {strides = array<i32>} : memref<104x2x128xf32, #tpu.memory_space<vmem>>, vector<16xf32>,
            tpu.vector_store %arg10[%parallel_loop3A_345, %parallel_loop3A_346, %parallel_loop3A_347], %parallel_loop3A_343 {strides = array<i32>} : memref<104x2x128xf32, #tpu.memory_space<vmem>>, vector<16xf32>,
            %parallel_loop3A_349 = arith.constant 0 : i32
            %parallel_loop3A_350 = arith.index_cast %parallel_loop3A_349 : i32 to index
            %parallel_loop3A_351 = arith.index_cast %parallel_loop3A_337 : i32 to index
            %parallel_loop3A_352 = arith.constant 16 : index
            %parallel_loop3A_353 = tpu.vector_load %arg8[%parallel_loop3A_350, %parallel_loop3A_351, %parallel_loop3A_352] {strides = array<i32>} : memref<4x104x64xf32, #tpu.memory_space<vmem>>, vector<16xf32>,
            %parallel_loop3A_354 = arith.mulf %parallel_loop3A_353, %get3A_64 : vector<16xf32>
            %parallel_loop3A_355 = arith.constant 0 : i32
            %parallel_loop3A_356 = arith.index_cast %parallel_loop3A_337 : i32 to index
            %parallel_loop3A_357 = arith.index_cast %parallel_loop3A_355 : i32 to index
            %parallel_loop3A_358 = arith.constant 16 : index
            %parallel_loop3A_359 = tpu.vector_load %arg10[%parallel_loop3A_356, %parallel_loop3A_357, %parallel_loop3A_358] {strides = array<i32>} : memref<104x2x128xf32, #tpu.memory_space<vmem>>, vector<16xf32>,
            tpu.vector_store %arg10[%parallel_loop3A_356, %parallel_loop3A_357, %parallel_loop3A_358], %parallel_loop3A_354 {strides = array<i32>} : memref<104x2x128xf32, #tpu.memory_space<vmem>>, vector<16xf32>,
            %parallel_loop3A_360 = arith.constant 0 : i32
            %parallel_loop3A_361 = arith.index_cast %parallel_loop3A_360 : i32 to index
            %parallel_loop3A_362 = arith.index_cast %parallel_loop3A_337 : i32 to index
            %parallel_loop3A_363 = arith.constant 32 : index
            %parallel_loop3A_364 = tpu.vector_load %arg8[%parallel_loop3A_361, %parallel_loop3A_362, %parallel_loop3A_363] {strides = array<i32>} : memref<4x104x64xf32, #tpu.memory_space<vmem>>, vector<16xf32>,
            %parallel_loop3A_365 = arith.mulf %parallel_loop3A_364, %get3A_66 : vector<16xf32>
            %parallel_loop3A_366 = arith.constant 0 : i32
            %parallel_loop3A_367 = arith.index_cast %parallel_loop3A_337 : i32 to index
            %parallel_loop3A_368 = arith.index_cast %parallel_loop3A_366 : i32 to index
            %parallel_loop3A_369 = arith.constant 32 : index
            %parallel_loop3A_370 = tpu.vector_load %arg10[%parallel_loop3A_367, %parallel_loop3A_368, %parallel_loop3A_369] {strides = array<i32>} : memref<104x2x128xf32, #tpu.memory_space<vmem>>, vector<16xf32>,
            tpu.vector_store %arg10[%parallel_loop3A_367, %parallel_loop3A_368, %parallel_loop3A_369], %parallel_loop3A_365 {strides = array<i32>} : memref<104x2x128xf32, #tpu.memory_space<vmem>>, vector<16xf32>,
            %parallel_loop3A_371 = arith.constant 0 : i32
            %parallel_loop3A_372 = arith.index_cast %parallel_loop3A_371 : i32 to index
            %parallel_loop3A_373 = arith.index_cast %parallel_loop3A_337 : i32 to index
            %parallel_loop3A_374 = arith.constant 48 : index
            %parallel_loop3A_375 = tpu.vector_load %arg8[%parallel_loop3A_372, %parallel_loop3A_373, %parallel_loop3A_374] {strides = array<i32>} : memref<4x104x64xf32, #tpu.memory_space<vmem>>, vector<16xf32>,
            %parallel_loop3A_376 = arith.mulf %parallel_loop3A_375, %get3A_68 : vector<16xf32>
            %parallel_loop3A_377 = arith.constant 0 : i32
            %parallel_loop3A_378 = arith.index_cast %parallel_loop3A_337 : i32 to index
            %parallel_loop3A_379 = arith.index_cast %parallel_loop3A_377 : i32 to index
            %parallel_loop3A_380 = arith.constant 48 : index
            %parallel_loop3A_381 = tpu.vector_load %arg10[%parallel_loop3A_378, %parallel_loop3A_379, %parallel_loop3A_380] {strides = array<i32>} : memref<104x2x128xf32, #tpu.memory_space<vmem>>, vector<16xf32>,
            tpu.vector_store %arg10[%parallel_loop3A_378, %parallel_loop3A_379, %parallel_loop3A_380], %parallel_loop3A_376 {strides = array<i32>} : memref<104x2x128xf32, #tpu.memory_space<vmem>>, vector<16xf32>,
            %parallel_loop3A_382 = arith.constant 1 : i32
            %parallel_loop3A_383 = arith.index_cast %parallel_loop3A_382 : i32 to index
            %parallel_loop3A_384 = arith.index_cast %parallel_loop3A_337 : i32 to index
            %parallel_loop3A_385 = arith.constant 0 : index
            %parallel_loop3A_386 = tpu.vector_load %arg8[%parallel_loop3A_383, %parallel_loop3A_384, %parallel_loop3A_385] {strides = array<i32>} : memref<4x104x64xf32, #tpu.memory_space<vmem>>, vector<16xf32>,
            %parallel_loop3A_387 = arith.mulf %parallel_loop3A_386, %get3A_70 : vector<16xf32>
            %parallel_loop3A_388 = arith.constant 0 : i32
            %parallel_loop3A_389 = arith.index_cast %parallel_loop3A_337 : i32 to index
            %parallel_loop3A_390 = arith.index_cast %parallel_loop3A_388 : i32 to index
            %parallel_loop3A_391 = arith.constant 64 : index
            %parallel_loop3A_392 = tpu.vector_load %arg10[%parallel_loop3A_389, %parallel_loop3A_390, %parallel_loop3A_391] {strides = array<i32>} : memref<104x2x128xf32, #tpu.memory_space<vmem>>, vector<16xf32>,
            tpu.vector_store %arg10[%parallel_loop3A_389, %parallel_loop3A_390, %parallel_loop3A_391], %parallel_loop3A_387 {strides = array<i32>} : memref<104x2x128xf32, #tpu.memory_space<vmem>>, vector<16xf32>,
            %parallel_loop3A_393 = arith.constant 1 : i32
            %parallel_loop3A_394 = arith.index_cast %parallel_loop3A_393 : i32 to index
            %parallel_loop3A_395 = arith.index_cast %parallel_loop3A_337 : i32 to index
            %parallel_loop3A_396 = arith.constant 16 : index
            %parallel_loop3A_397 = tpu.vector_load %arg8[%parallel_loop3A_394, %parallel_loop3A_395, %parallel_loop3A_396] {strides = array<i32>} : memref<4x104x64xf32, #tpu.memory_space<vmem>>, vector<16xf32>,
            %parallel_loop3A_398 = arith.mulf %parallel_loop3A_397, %get3A_72 : vector<16xf32>
            %parallel_loop3A_399 = arith.constant 0 : i32
            %parallel_loop3A_400 = arith.index_cast %parallel_loop3A_337 : i32 to index
            %parallel_loop3A_401 = arith.index_cast %parallel_loop3A_399 : i32 to index
            %parallel_loop3A_402 = arith.constant 80 : index
            %parallel_loop3A_403 = tpu.vector_load %arg10[%parallel_loop3A_400, %parallel_loop3A_401, %parallel_loop3A_402] {strides = array<i32>} : memref<104x2x128xf32, #tpu.memory_space<vmem>>, vector<16xf32>,
            tpu.vector_store %arg10[%parallel_loop3A_400, %parallel_loop3A_401, %parallel_loop3A_402], %parallel_loop3A_398 {strides = array<i32>} : memref<104x2x128xf32, #tpu.memory_space<vmem>>, vector<16xf32>,
            %parallel_loop3A_404 = arith.constant 1 : i32
            %parallel_loop3A_405 = arith.index_cast %parallel_loop3A_404 : i32 to index
            %parallel_loop3A_406 = arith.index_cast %parallel_loop3A_337 : i32 to index
            %parallel_loop3A_407 = arith.constant 32 : index
            %parallel_loop3A_408 = tpu.vector_load %arg8[%parallel_loop3A_405, %parallel_loop3A_406, %parallel_loop3A_407] {strides = array<i32>} : memref<4x104x64xf32, #tpu.memory_space<vmem>>, vector<16xf32>,
            %parallel_loop3A_409 = arith.mulf %parallel_loop3A_408, %get3A_74 : vector<16xf32>
            %parallel_loop3A_410 = arith.constant 0 : i32
            %parallel_loop3A_411 = arith.index_cast %parallel_loop3A_337 : i32 to index
            %parallel_loop3A_412 = arith.index_cast %parallel_loop3A_410 : i32 to index
            %parallel_loop3A_413 = arith.constant 96 : index
            %parallel_loop3A_414 = tpu.vector_load %arg10[%parallel_loop3A_411, %parallel_loop3A_412, %parallel_loop3A_413] {strides = array<i32>} : memref<104x2x128xf32, #tpu.memory_space<vmem>>, vector<16xf32>,
            tpu.vector_store %arg10[%parallel_loop3A_411, %parallel_loop3A_412, %parallel_loop3A_413], %parallel_loop3A_409 {strides = array<i32>} : memref<104x2x128xf32, #tpu.memory_space<vmem>>, vector<16xf32>,
            %parallel_loop3A_415 = arith.constant 1 : i32
            %parallel_loop3A_416 = arith.index_cast %parallel_loop3A_415 : i32 to index
            %parallel_loop3A_417 = arith.index_cast %parallel_loop3A_337 : i32 to index
            %parallel_loop3A_418 = arith.constant 48 : index
            %parallel_loop3A_419 = tpu.vector_load %arg8[%parallel_loop3A_416, %parallel_loop3A_417, %parallel_loop3A_418] {strides = array<i32>} : memref<4x104x64xf32, #tpu.memory_space<vmem>>, vector<16xf32>,
            %parallel_loop3A_420 = arith.mulf %parallel_loop3A_419, %get3A_76 : vector<16xf32>
            %parallel_loop3A_421 = arith.constant 0 : i32
            %parallel_loop3A_422 = arith.index_cast %parallel_loop3A_337 : i32 to index
            %parallel_loop3A_423 = arith.index_cast %parallel_loop3A_421 : i32 to index
            %parallel_loop3A_424 = arith.constant 112 : index
            %parallel_loop3A_425 = tpu.vector_load %arg10[%parallel_loop3A_422, %parallel_loop3A_423, %parallel_loop3A_424] {strides = array<i32>} : memref<104x2x128xf32, #tpu.memory_space<vmem>>, vector<16xf32>,
            tpu.vector_store %arg10[%parallel_loop3A_422, %parallel_loop3A_423, %parallel_loop3A_424], %parallel_loop3A_420 {strides = array<i32>} : memref<104x2x128xf32, #tpu.memory_space<vmem>>, vector<16xf32>,
            %parallel_loop3A_426 = arith.constant 2 : i32
            %parallel_loop3A_427 = arith.index_cast %parallel_loop3A_426 : i32 to index
            %parallel_loop3A_428 = arith.index_cast %parallel_loop3A_337 : i32 to index
            %parallel_loop3A_429 = arith.constant 0 : index
            %parallel_loop3A_430 = tpu.vector_load %arg8[%parallel_loop3A_427, %parallel_loop3A_428, %parallel_loop3A_429] {strides = array<i32>} : memref<4x104x64xf32, #tpu.memory_space<vmem>>, vector<16xf32>,
            %parallel_loop3A_431 = arith.mulf %parallel_loop3A_430, %get3A_78 : vector<16xf32>
            %parallel_loop3A_432 = arith.constant 1 : i32
            %parallel_loop3A_433 = arith.index_cast %parallel_loop3A_337 : i32 to index
            %parallel_loop3A_434 = arith.index_cast %parallel_loop3A_432 : i32 to index
            %parallel_loop3A_435 = arith.constant 0 : index
            %parallel_loop3A_436 = tpu.vector_load %arg10[%parallel_loop3A_433, %parallel_loop3A_434, %parallel_loop3A_435] {strides = array<i32>} : memref<104x2x128xf32, #tpu.memory_space<vmem>>, vector<16xf32>,
            tpu.vector_store %arg10[%parallel_loop3A_433, %parallel_loop3A_434, %parallel_loop3A_435], %parallel_loop3A_431 {strides = array<i32>} : memref<104x2x128xf32, #tpu.memory_space<vmem>>, vector<16xf32>,
            %parallel_loop3A_437 = arith.constant 2 : i32
            %parallel_loop3A_438 = arith.index_cast %parallel_loop3A_437 : i32 to index
            %parallel_loop3A_439 = arith.index_cast %parallel_loop3A_337 : i32 to index
            %parallel_loop3A_440 = arith.constant 16 : index
            %parallel_loop3A_441 = tpu.vector_load %arg8[%parallel_loop3A_438, %parallel_loop3A_439, %parallel_loop3A_440] {strides = array<i32>} : memref<4x104x64xf32, #tpu.memory_space<vmem>>, vector<16xf32>,
            %parallel_loop3A_442 = arith.mulf %parallel_loop3A_441, %get3A_80 : vector<16xf32>
            %parallel_loop3A_443 = arith.constant 1 : i32
            %parallel_loop3A_444 = arith.index_cast %parallel_loop3A_337 : i32 to index
            %parallel_loop3A_445 = arith.index_cast %parallel_loop3A_443 : i32 to index
            %parallel_loop3A_446 = arith.constant 16 : index
            %parallel_loop3A_447 = tpu.vector_load %arg10[%parallel_loop3A_444, %parallel_loop3A_445, %parallel_loop3A_446] {strides = array<i32>} : memref<104x2x128xf32, #tpu.memory_space<vmem>>, vector<16xf32>,
            tpu.vector_store %arg10[%parallel_loop3A_444, %parallel_loop3A_445, %parallel_loop3A_446], %parallel_loop3A_442 {strides = array<i32>} : memref<104x2x128xf32, #tpu.memory_space<vmem>>, vector<16xf32>,
            %parallel_loop3A_448 = arith.constant 2 : i32
            %parallel_loop3A_449 = arith.index_cast %parallel_loop3A_448 : i32 to index
            %parallel_loop3A_450 = arith.index_cast %parallel_loop3A_337 : i32 to index
            %parallel_loop3A_451 = arith.constant 32 : index
            %parallel_loop3A_452 = tpu.vector_load %arg8[%parallel_loop3A_449, %parallel_loop3A_450, %parallel_loop3A_451] {strides = array<i32>} : memref<4x104x64xf32, #tpu.memory_space<vmem>>, vector<16xf32>,
            %parallel_loop3A_453 = arith.mulf %parallel_loop3A_452, %get3A_82 : vector<16xf32>
            %parallel_loop3A_454 = arith.constant 1 : i32
            %parallel_loop3A_455 = arith.index_cast %parallel_loop3A_337 : i32 to index
            %parallel_loop3A_456 = arith.index_cast %parallel_loop3A_454 : i32 to index
            %parallel_loop3A_457 = arith.constant 32 : index
            %parallel_loop3A_458 = tpu.vector_load %arg10[%parallel_loop3A_455, %parallel_loop3A_456, %parallel_loop3A_457] {strides = array<i32>} : memref<104x2x128xf32, #tpu.memory_space<vmem>>, vector<16xf32>,
            tpu.vector_store %arg10[%parallel_loop3A_455, %parallel_loop3A_456, %parallel_loop3A_457], %parallel_loop3A_453 {strides = array<i32>} : memref<104x2x128xf32, #tpu.memory_space<vmem>>, vector<16xf32>,
            %parallel_loop3A_459 = arith.constant 2 : i32
            %parallel_loop3A_460 = arith.index_cast %parallel_loop3A_459 : i32 to index
            %parallel_loop3A_461 = arith.index_cast %parallel_loop3A_337 : i32 to index
            %parallel_loop3A_462 = arith.constant 48 : index
            %parallel_loop3A_463 = tpu.vector_load %arg8[%parallel_loop3A_460, %parallel_loop3A_461, %parallel_loop3A_462] {strides = array<i32>} : memref<4x104x64xf32, #tpu.memory_space<vmem>>, vector<16xf32>,
            %parallel_loop3A_464 = arith.mulf %parallel_loop3A_463, %get3A_84 : vector<16xf32>
            %parallel_loop3A_465 = arith.constant 1 : i32
            %parallel_loop3A_466 = arith.index_cast %parallel_loop3A_337 : i32 to index
            %parallel_loop3A_467 = arith.index_cast %parallel_loop3A_465 : i32 to index
            %parallel_loop3A_468 = arith.constant 48 : index
            %parallel_loop3A_469 = tpu.vector_load %arg10[%parallel_loop3A_466, %parallel_loop3A_467, %parallel_loop3A_468] {strides = array<i32>} : memref<104x2x128xf32, #tpu.memory_space<vmem>>, vector<16xf32>,
            tpu.vector_store %arg10[%parallel_loop3A_466, %parallel_loop3A_467, %parallel_loop3A_468], %parallel_loop3A_464 {strides = array<i32>} : memref<104x2x128xf32, #tpu.memory_space<vmem>>, vector<16xf32>,
            %parallel_loop3A_470 = arith.constant 3 : i32
            %parallel_loop3A_471 = arith.index_cast %parallel_loop3A_470 : i32 to index
            %parallel_loop3A_472 = arith.index_cast %parallel_loop3A_337 : i32 to index
            %parallel_loop3A_473 = arith.constant 0 : index
            %parallel_loop3A_474 = tpu.vector_load %arg8[%parallel_loop3A_471, %parallel_loop3A_472, %parallel_loop3A_473] {strides = array<i32>} : memref<4x104x64xf32, #tpu.memory_space<vmem>>, vector<16xf32>,
            %parallel_loop3A_475 = arith.mulf %parallel_loop3A_474, %get3A_86 : vector<16xf32>
            %parallel_loop3A_476 = arith.constant 1 : i32
            %parallel_loop3A_477 = arith.index_cast %parallel_loop3A_337 : i32 to index
            %parallel_loop3A_478 = arith.index_cast %parallel_loop3A_476 : i32 to index
            %parallel_loop3A_479 = arith.constant 64 : index
            %parallel_loop3A_480 = tpu.vector_load %arg10[%parallel_loop3A_477, %parallel_loop3A_478, %parallel_loop3A_479] {strides = array<i32>} : memref<104x2x128xf32, #tpu.memory_space<vmem>>, vector<16xf32>,
            tpu.vector_store %arg10[%parallel_loop3A_477, %parallel_loop3A_478, %parallel_loop3A_479], %parallel_loop3A_475 {strides = array<i32>} : memref<104x2x128xf32, #tpu.memory_space<vmem>>, vector<16xf32>,
            %parallel_loop3A_481 = arith.constant 3 : i32
            %parallel_loop3A_482 = arith.index_cast %parallel_loop3A_481 : i32 to index
            %parallel_loop3A_483 = arith.index_cast %parallel_loop3A_337 : i32 to index
            %parallel_loop3A_484 = arith.constant 16 : index
            %parallel_loop3A_485 = tpu.vector_load %arg8[%parallel_loop3A_482, %parallel_loop3A_483, %parallel_loop3A_484] {strides = array<i32>} : memref<4x104x64xf32, #tpu.memory_space<vmem>>, vector<16xf32>,
            %parallel_loop3A_486 = arith.mulf %parallel_loop3A_485, %get3A_88 : vector<16xf32>
            %parallel_loop3A_487 = arith.constant 1 : i32
            %parallel_loop3A_488 = arith.index_cast %parallel_loop3A_337 : i32 to index
            %parallel_loop3A_489 = arith.index_cast %parallel_loop3A_487 : i32 to index
            %parallel_loop3A_490 = arith.constant 80 : index
            %parallel_loop3A_491 = tpu.vector_load %arg10[%parallel_loop3A_488, %parallel_loop3A_489, %parallel_loop3A_490] {strides = array<i32>} : memref<104x2x128xf32, #tpu.memory_space<vmem>>, vector<16xf32>,
            tpu.vector_store %arg10[%parallel_loop3A_488, %parallel_loop3A_489, %parallel_loop3A_490], %parallel_loop3A_486 {strides = array<i32>} : memref<104x2x128xf32, #tpu.memory_space<vmem>>, vector<16xf32>,
            %parallel_loop3A_492 = arith.constant 3 : i32
            %parallel_loop3A_493 = arith.index_cast %parallel_loop3A_492 : i32 to index
            %parallel_loop3A_494 = arith.index_cast %parallel_loop3A_337 : i32 to index
            %parallel_loop3A_495 = arith.constant 32 : index
            %parallel_loop3A_496 = tpu.vector_load %arg8[%parallel_loop3A_493, %parallel_loop3A_494, %parallel_loop3A_495] {strides = array<i32>} : memref<4x104x64xf32, #tpu.memory_space<vmem>>, vector<16xf32>,
            %parallel_loop3A_497 = arith.mulf %parallel_loop3A_496, %get3A_90 : vector<16xf32>
            %parallel_loop3A_498 = arith.constant 1 : i32
            %parallel_loop3A_499 = arith.index_cast %parallel_loop3A_337 : i32 to index
            %parallel_loop3A_500 = arith.index_cast %parallel_loop3A_498 : i32 to index
            %parallel_loop3A_501 = arith.constant 96 : index
            %parallel_loop3A_502 = tpu.vector_load %arg10[%parallel_loop3A_499, %parallel_loop3A_500, %parallel_loop3A_501] {strides = array<i32>} : memref<104x2x128xf32, #tpu.memory_space<vmem>>, vector<16xf32>,
            tpu.vector_store %arg10[%parallel_loop3A_499, %parallel_loop3A_500, %parallel_loop3A_501], %parallel_loop3A_497 {strides = array<i32>} : memref<104x2x128xf32, #tpu.memory_space<vmem>>, vector<16xf32>,
            %parallel_loop3A_503 = arith.constant 3 : i32
            %parallel_loop3A_504 = arith.index_cast %parallel_loop3A_503 : i32 to index
            %parallel_loop3A_505 = arith.index_cast %parallel_loop3A_337 : i32 to index
            %parallel_loop3A_506 = arith.constant 48 : index
            %parallel_loop3A_507 = tpu.vector_load %arg8[%parallel_loop3A_504, %parallel_loop3A_505, %parallel_loop3A_506] {strides = array<i32>} : memref<4x104x64xf32, #tpu.memory_space<vmem>>, vector<16xf32>,
            %parallel_loop3A_508 = arith.mulf %parallel_loop3A_507, %get3A_92 : vector<16xf32>
            %parallel_loop3A_509 = arith.constant 1 : i32
            %parallel_loop3A_510 = arith.index_cast %parallel_loop3A_337 : i32 to index
            %parallel_loop3A_511 = arith.index_cast %parallel_loop3A_509 : i32 to index
            %parallel_loop3A_512 = arith.constant 112 : index
            %parallel_loop3A_513 = tpu.vector_load %arg10[%parallel_loop3A_510, %parallel_loop3A_511, %parallel_loop3A_512] {strides = array<i32>} : memref<104x2x128xf32, #tpu.memory_space<vmem>>, vector<16xf32>,
            tpu.vector_store %arg10[%parallel_loop3A_510, %parallel_loop3A_511, %parallel_loop3A_512], %parallel_loop3A_508 {strides = array<i32>} : memref<104x2x128xf32, #tpu.memory_space<vmem>>, vector<16xf32>,
          } {sc.loop_unroll_factor = 4 : i64, sc.parallel_access}
        } else {
        }
        %ne3A_288 = arith.constant 0 : i32
        %ne3A_289 = arith.cmpi ne, %sub3A_272, %ne3A_288 : i32
        %convert_element_type3A_290 = arith.extui %ne3A_289 : i1 to i32
        %cond3A_291 = arith.constant 0 : i32
        %cond3A_292 = arith.cmpi ne, %convert_element_type3A_290, %cond3A_291 : i32
        scf.if %cond3A_292 {
          %parallel_loop3A_334 = arith.constant 0 : i32
          %parallel_loop3A_335 = arith.constant 104 : i32
          %parallel_loop3A_336 = arith.constant 1 : i32
          scf.for %parallel_loop3A_337 = %parallel_loop3A_334 to %parallel_loop3A_335 step %parallel_loop3A_336  : i32 {
            %parallel_loop3A_338 = arith.addi %parallel_loop3A_337, %sub3A_272 : i32
            %parallel_loop3A_339 = arith.constant 0 : i32
            %parallel_loop3A_340 = arith.constant 103 : i32
            %parallel_loop3A_341 = arith.maxsi %parallel_loop3A_339, %parallel_loop3A_338 : i32
            %parallel_loop3A_342 = arith.minsi %parallel_loop3A_340, %parallel_loop3A_341 : i32
            %parallel_loop3A_343 = arith.constant 0 : i32
            %parallel_loop3A_344 = arith.index_cast %parallel_loop3A_343 : i32 to index
            %parallel_loop3A_345 = arith.index_cast %parallel_loop3A_342 : i32 to index
            %parallel_loop3A_346 = arith.constant 0 : index
            %parallel_loop3A_347 = tpu.vector_load %arg8[%parallel_loop3A_344, %parallel_loop3A_345, %parallel_loop3A_346] {strides = array<i32>} : memref<4x104x64xf32, #tpu.memory_space<vmem>>, vector<16xf32>,
            %parallel_loop3A_348 = arith.mulf %parallel_loop3A_347, %get3A_62 : vector<16xf32>
            %parallel_loop3A_349 = arith.constant 0 : i32
            %parallel_loop3A_350 = arith.index_cast %parallel_loop3A_337 : i32 to index
            %parallel_loop3A_351 = arith.index_cast %parallel_loop3A_349 : i32 to index
            %parallel_loop3A_352 = arith.constant 0 : index
            %parallel_loop3A_353 = tpu.vector_load %arg10[%parallel_loop3A_350, %parallel_loop3A_351, %parallel_loop3A_352] {strides = array<i32>} : memref<104x2x128xf32, #tpu.memory_space<vmem>>, vector<16xf32>,
            tpu.vector_store %arg10[%parallel_loop3A_350, %parallel_loop3A_351, %parallel_loop3A_352], %parallel_loop3A_348 {strides = array<i32>} : memref<104x2x128xf32, #tpu.memory_space<vmem>>, vector<16xf32>,
            %parallel_loop3A_354 = arith.constant 0 : i32
            %parallel_loop3A_355 = arith.index_cast %parallel_loop3A_354 : i32 to index
            %parallel_loop3A_356 = arith.index_cast %parallel_loop3A_342 : i32 to index
            %parallel_loop3A_357 = arith.constant 16 : index
            %parallel_loop3A_358 = tpu.vector_load %arg8[%parallel_loop3A_355, %parallel_loop3A_356, %parallel_loop3A_357] {strides = array<i32>} : memref<4x104x64xf32, #tpu.memory_space<vmem>>, vector<16xf32>,
            %parallel_loop3A_359 = arith.mulf %parallel_loop3A_358, %get3A_64 : vector<16xf32>
            %parallel_loop3A_360 = arith.constant 0 : i32
            %parallel_loop3A_361 = arith.index_cast %parallel_loop3A_337 : i32 to index
            %parallel_loop3A_362 = arith.index_cast %parallel_loop3A_360 : i32 to index
            %parallel_loop3A_363 = arith.constant 16 : index
            %parallel_loop3A_364 = tpu.vector_load %arg10[%parallel_loop3A_361, %parallel_loop3A_362, %parallel_loop3A_363] {strides = array<i32>} : memref<104x2x128xf32, #tpu.memory_space<vmem>>, vector<16xf32>,
            tpu.vector_store %arg10[%parallel_loop3A_361, %parallel_loop3A_362, %parallel_loop3A_363], %parallel_loop3A_359 {strides = array<i32>} : memref<104x2x128xf32, #tpu.memory_space<vmem>>, vector<16xf32>,
            %parallel_loop3A_365 = arith.constant 0 : i32
            %parallel_loop3A_366 = arith.index_cast %parallel_loop3A_365 : i32 to index
            %parallel_loop3A_367 = arith.index_cast %parallel_loop3A_342 : i32 to index
            %parallel_loop3A_368 = arith.constant 32 : index
            %parallel_loop3A_369 = tpu.vector_load %arg8[%parallel_loop3A_366, %parallel_loop3A_367, %parallel_loop3A_368] {strides = array<i32>} : memref<4x104x64xf32, #tpu.memory_space<vmem>>, vector<16xf32>,
            %parallel_loop3A_370 = arith.mulf %parallel_loop3A_369, %get3A_66 : vector<16xf32>
            %parallel_loop3A_371 = arith.constant 0 : i32
            %parallel_loop3A_372 = arith.index_cast %parallel_loop3A_337 : i32 to index
            %parallel_loop3A_373 = arith.index_cast %parallel_loop3A_371 : i32 to index
            %parallel_loop3A_374 = arith.constant 32 : index
            %parallel_loop3A_375 = tpu.vector_load %arg10[%parallel_loop3A_372, %parallel_loop3A_373, %parallel_loop3A_374] {strides = array<i32>} : memref<104x2x128xf32, #tpu.memory_space<vmem>>, vector<16xf32>,
            tpu.vector_store %arg10[%parallel_loop3A_372, %parallel_loop3A_373, %parallel_loop3A_374], %parallel_loop3A_370 {strides = array<i32>} : memref<104x2x128xf32, #tpu.memory_space<vmem>>, vector<16xf32>,
            %parallel_loop3A_376 = arith.constant 0 : i32
            %parallel_loop3A_377 = arith.index_cast %parallel_loop3A_376 : i32 to index
            %parallel_loop3A_378 = arith.index_cast %parallel_loop3A_342 : i32 to index
            %parallel_loop3A_379 = arith.constant 48 : index
            %parallel_loop3A_380 = tpu.vector_load %arg8[%parallel_loop3A_377, %parallel_loop3A_378, %parallel_loop3A_379] {strides = array<i32>} : memref<4x104x64xf32, #tpu.memory_space<vmem>>, vector<16xf32>,
            %parallel_loop3A_381 = arith.mulf %parallel_loop3A_380, %get3A_68 : vector<16xf32>
            %parallel_loop3A_382 = arith.constant 0 : i32
            %parallel_loop3A_383 = arith.index_cast %parallel_loop3A_337 : i32 to index
            %parallel_loop3A_384 = arith.index_cast %parallel_loop3A_382 : i32 to index
            %parallel_loop3A_385 = arith.constant 48 : index
            %parallel_loop3A_386 = tpu.vector_load %arg10[%parallel_loop3A_383, %parallel_loop3A_384, %parallel_loop3A_385] {strides = array<i32>} : memref<104x2x128xf32, #tpu.memory_space<vmem>>, vector<16xf32>,
            tpu.vector_store %arg10[%parallel_loop3A_383, %parallel_loop3A_384, %parallel_loop3A_385], %parallel_loop3A_381 {strides = array<i32>} : memref<104x2x128xf32, #tpu.memory_space<vmem>>, vector<16xf32>,
            %parallel_loop3A_387 = arith.constant 1 : i32
            %parallel_loop3A_388 = arith.index_cast %parallel_loop3A_387 : i32 to index
            %parallel_loop3A_389 = arith.index_cast %parallel_loop3A_342 : i32 to index
            %parallel_loop3A_390 = arith.constant 0 : index
            %parallel_loop3A_391 = tpu.vector_load %arg8[%parallel_loop3A_388, %parallel_loop3A_389, %parallel_loop3A_390] {strides = array<i32>} : memref<4x104x64xf32, #tpu.memory_space<vmem>>, vector<16xf32>,
            %parallel_loop3A_392 = arith.mulf %parallel_loop3A_391, %get3A_70 : vector<16xf32>
            %parallel_loop3A_393 = arith.constant 0 : i32
            %parallel_loop3A_394 = arith.index_cast %parallel_loop3A_337 : i32 to index
            %parallel_loop3A_395 = arith.index_cast %parallel_loop3A_393 : i32 to index
            %parallel_loop3A_396 = arith.constant 64 : index
            %parallel_loop3A_397 = tpu.vector_load %arg10[%parallel_loop3A_394, %parallel_loop3A_395, %parallel_loop3A_396] {strides = array<i32>} : memref<104x2x128xf32, #tpu.memory_space<vmem>>, vector<16xf32>,
            tpu.vector_store %arg10[%parallel_loop3A_394, %parallel_loop3A_395, %parallel_loop3A_396], %parallel_loop3A_392 {strides = array<i32>} : memref<104x2x128xf32, #tpu.memory_space<vmem>>, vector<16xf32>,
            %parallel_loop3A_398 = arith.constant 1 : i32
            %parallel_loop3A_399 = arith.index_cast %parallel_loop3A_398 : i32 to index
            %parallel_loop3A_400 = arith.index_cast %parallel_loop3A_342 : i32 to index
            %parallel_loop3A_401 = arith.constant 16 : index
            %parallel_loop3A_402 = tpu.vector_load %arg8[%parallel_loop3A_399, %parallel_loop3A_400, %parallel_loop3A_401] {strides = array<i32>} : memref<4x104x64xf32, #tpu.memory_space<vmem>>, vector<16xf32>,
            %parallel_loop3A_403 = arith.mulf %parallel_loop3A_402, %get3A_72 : vector<16xf32>
            %parallel_loop3A_404 = arith.constant 0 : i32
            %parallel_loop3A_405 = arith.index_cast %parallel_loop3A_337 : i32 to index
            %parallel_loop3A_406 = arith.index_cast %parallel_loop3A_404 : i32 to index
            %parallel_loop3A_407 = arith.constant 80 : index
            %parallel_loop3A_408 = tpu.vector_load %arg10[%parallel_loop3A_405, %parallel_loop3A_406, %parallel_loop3A_407] {strides = array<i32>} : memref<104x2x128xf32, #tpu.memory_space<vmem>>, vector<16xf32>,
            tpu.vector_store %arg10[%parallel_loop3A_405, %parallel_loop3A_406, %parallel_loop3A_407], %parallel_loop3A_403 {strides = array<i32>} : memref<104x2x128xf32, #tpu.memory_space<vmem>>, vector<16xf32>,
            %parallel_loop3A_409 = arith.constant 1 : i32
            %parallel_loop3A_410 = arith.index_cast %parallel_loop3A_409 : i32 to index
            %parallel_loop3A_411 = arith.index_cast %parallel_loop3A_342 : i32 to index
            %parallel_loop3A_412 = arith.constant 32 : index
            %parallel_loop3A_413 = tpu.vector_load %arg8[%parallel_loop3A_410, %parallel_loop3A_411, %parallel_loop3A_412] {strides = array<i32>} : memref<4x104x64xf32, #tpu.memory_space<vmem>>, vector<16xf32>,
            %parallel_loop3A_414 = arith.mulf %parallel_loop3A_413, %get3A_74 : vector<16xf32>
            %parallel_loop3A_415 = arith.constant 0 : i32
            %parallel_loop3A_416 = arith.index_cast %parallel_loop3A_337 : i32 to index
            %parallel_loop3A_417 = arith.index_cast %parallel_loop3A_415 : i32 to index
            %parallel_loop3A_418 = arith.constant 96 : index
            %parallel_loop3A_419 = tpu.vector_load %arg10[%parallel_loop3A_416, %parallel_loop3A_417, %parallel_loop3A_418] {strides = array<i32>} : memref<104x2x128xf32, #tpu.memory_space<vmem>>, vector<16xf32>,
            tpu.vector_store %arg10[%parallel_loop3A_416, %parallel_loop3A_417, %parallel_loop3A_418], %parallel_loop3A_414 {strides = array<i32>} : memref<104x2x128xf32, #tpu.memory_space<vmem>>, vector<16xf32>,
            %parallel_loop3A_420 = arith.constant 1 : i32
            %parallel_loop3A_421 = arith.index_cast %parallel_loop3A_420 : i32 to index
            %parallel_loop3A_422 = arith.index_cast %parallel_loop3A_342 : i32 to index
            %parallel_loop3A_423 = arith.constant 48 : index
            %parallel_loop3A_424 = tpu.vector_load %arg8[%parallel_loop3A_421, %parallel_loop3A_422, %parallel_loop3A_423] {strides = array<i32>} : memref<4x104x64xf32, #tpu.memory_space<vmem>>, vector<16xf32>,
            %parallel_loop3A_425 = arith.mulf %parallel_loop3A_424, %get3A_76 : vector<16xf32>
            %parallel_loop3A_426 = arith.constant 0 : i32
            %parallel_loop3A_427 = arith.index_cast %parallel_loop3A_337 : i32 to index
            %parallel_loop3A_428 = arith.index_cast %parallel_loop3A_426 : i32 to index
            %parallel_loop3A_429 = arith.constant 112 : index
            %parallel_loop3A_430 = tpu.vector_load %arg10[%parallel_loop3A_427, %parallel_loop3A_428, %parallel_loop3A_429] {strides = array<i32>} : memref<104x2x128xf32, #tpu.memory_space<vmem>>, vector<16xf32>,
            tpu.vector_store %arg10[%parallel_loop3A_427, %parallel_loop3A_428, %parallel_loop3A_429], %parallel_loop3A_425 {strides = array<i32>} : memref<104x2x128xf32, #tpu.memory_space<vmem>>, vector<16xf32>,
            %parallel_loop3A_431 = arith.constant 2 : i32
            %parallel_loop3A_432 = arith.index_cast %parallel_loop3A_431 : i32 to index
            %parallel_loop3A_433 = arith.index_cast %parallel_loop3A_342 : i32 to index
            %parallel_loop3A_434 = arith.constant 0 : index
            %parallel_loop3A_435 = tpu.vector_load %arg8[%parallel_loop3A_432, %parallel_loop3A_433, %parallel_loop3A_434] {strides = array<i32>} : memref<4x104x64xf32, #tpu.memory_space<vmem>>, vector<16xf32>,
            %parallel_loop3A_436 = arith.mulf %parallel_loop3A_435, %get3A_78 : vector<16xf32>
            %parallel_loop3A_437 = arith.constant 1 : i32
            %parallel_loop3A_438 = arith.index_cast %parallel_loop3A_337 : i32 to index
            %parallel_loop3A_439 = arith.index_cast %parallel_loop3A_437 : i32 to index
            %parallel_loop3A_440 = arith.constant 0 : index
            %parallel_loop3A_441 = tpu.vector_load %arg10[%parallel_loop3A_438, %parallel_loop3A_439, %parallel_loop3A_440] {strides = array<i32>} : memref<104x2x128xf32, #tpu.memory_space<vmem>>, vector<16xf32>,
            tpu.vector_store %arg10[%parallel_loop3A_438, %parallel_loop3A_439, %parallel_loop3A_440], %parallel_loop3A_436 {strides = array<i32>} : memref<104x2x128xf32, #tpu.memory_space<vmem>>, vector<16xf32>,
            %parallel_loop3A_442 = arith.constant 2 : i32
            %parallel_loop3A_443 = arith.index_cast %parallel_loop3A_442 : i32 to index
            %parallel_loop3A_444 = arith.index_cast %parallel_loop3A_342 : i32 to index
            %parallel_loop3A_445 = arith.constant 16 : index
            %parallel_loop3A_446 = tpu.vector_load %arg8[%parallel_loop3A_443, %parallel_loop3A_444, %parallel_loop3A_445] {strides = array<i32>} : memref<4x104x64xf32, #tpu.memory_space<vmem>>, vector<16xf32>,
            %parallel_loop3A_447 = arith.mulf %parallel_loop3A_446, %get3A_80 : vector<16xf32>
            %parallel_loop3A_448 = arith.constant 1 : i32
            %parallel_loop3A_449 = arith.index_cast %parallel_loop3A_337 : i32 to index
            %parallel_loop3A_450 = arith.index_cast %parallel_loop3A_448 : i32 to index
            %parallel_loop3A_451 = arith.constant 16 : index
            %parallel_loop3A_452 = tpu.vector_load %arg10[%parallel_loop3A_449, %parallel_loop3A_450, %parallel_loop3A_451] {strides = array<i32>} : memref<104x2x128xf32, #tpu.memory_space<vmem>>, vector<16xf32>,
            tpu.vector_store %arg10[%parallel_loop3A_449, %parallel_loop3A_450, %parallel_loop3A_451], %parallel_loop3A_447 {strides = array<i32>} : memref<104x2x128xf32, #tpu.memory_space<vmem>>, vector<16xf32>,
            %parallel_loop3A_453 = arith.constant 2 : i32
            %parallel_loop3A_454 = arith.index_cast %parallel_loop3A_453 : i32 to index
            %parallel_loop3A_455 = arith.index_cast %parallel_loop3A_342 : i32 to index
            %parallel_loop3A_456 = arith.constant 32 : index
            %parallel_loop3A_457 = tpu.vector_load %arg8[%parallel_loop3A_454, %parallel_loop3A_455, %parallel_loop3A_456] {strides = array<i32>} : memref<4x104x64xf32, #tpu.memory_space<vmem>>, vector<16xf32>,
            %parallel_loop3A_458 = arith.mulf %parallel_loop3A_457, %get3A_82 : vector<16xf32>
            %parallel_loop3A_459 = arith.constant 1 : i32
            %parallel_loop3A_460 = arith.index_cast %parallel_loop3A_337 : i32 to index
            %parallel_loop3A_461 = arith.index_cast %parallel_loop3A_459 : i32 to index
            %parallel_loop3A_462 = arith.constant 32 : index
            %parallel_loop3A_463 = tpu.vector_load %arg10[%parallel_loop3A_460, %parallel_loop3A_461, %parallel_loop3A_462] {strides = array<i32>} : memref<104x2x128xf32, #tpu.memory_space<vmem>>, vector<16xf32>,
            tpu.vector_store %arg10[%parallel_loop3A_460, %parallel_loop3A_461, %parallel_loop3A_462], %parallel_loop3A_458 {strides = array<i32>} : memref<104x2x128xf32, #tpu.memory_space<vmem>>, vector<16xf32>,
            %parallel_loop3A_464 = arith.constant 2 : i32
            %parallel_loop3A_465 = arith.index_cast %parallel_loop3A_464 : i32 to index
            %parallel_loop3A_466 = arith.index_cast %parallel_loop3A_342 : i32 to index
            %parallel_loop3A_467 = arith.constant 48 : index
            %parallel_loop3A_468 = tpu.vector_load %arg8[%parallel_loop3A_465, %parallel_loop3A_466, %parallel_loop3A_467] {strides = array<i32>} : memref<4x104x64xf32, #tpu.memory_space<vmem>>, vector<16xf32>,
            %parallel_loop3A_469 = arith.mulf %parallel_loop3A_468, %get3A_84 : vector<16xf32>
            %parallel_loop3A_470 = arith.constant 1 : i32
            %parallel_loop3A_471 = arith.index_cast %parallel_loop3A_337 : i32 to index
            %parallel_loop3A_472 = arith.index_cast %parallel_loop3A_470 : i32 to index
            %parallel_loop3A_473 = arith.constant 48 : index
            %parallel_loop3A_474 = tpu.vector_load %arg10[%parallel_loop3A_471, %parallel_loop3A_472, %parallel_loop3A_473] {strides = array<i32>} : memref<104x2x128xf32, #tpu.memory_space<vmem>>, vector<16xf32>,
            tpu.vector_store %arg10[%parallel_loop3A_471, %parallel_loop3A_472, %parallel_loop3A_473], %parallel_loop3A_469 {strides = array<i32>} : memref<104x2x128xf32, #tpu.memory_space<vmem>>, vector<16xf32>,
            %parallel_loop3A_475 = arith.constant 3 : i32
            %parallel_loop3A_476 = arith.index_cast %parallel_loop3A_475 : i32 to index
            %parallel_loop3A_477 = arith.index_cast %parallel_loop3A_342 : i32 to index
            %parallel_loop3A_478 = arith.constant 0 : index
            %parallel_loop3A_479 = tpu.vector_load %arg8[%parallel_loop3A_476, %parallel_loop3A_477, %parallel_loop3A_478] {strides = array<i32>} : memref<4x104x64xf32, #tpu.memory_space<vmem>>, vector<16xf32>,
            %parallel_loop3A_480 = arith.mulf %parallel_loop3A_479, %get3A_86 : vector<16xf32>
            %parallel_loop3A_481 = arith.constant 1 : i32
            %parallel_loop3A_482 = arith.index_cast %parallel_loop3A_337 : i32 to index
            %parallel_loop3A_483 = arith.index_cast %parallel_loop3A_481 : i32 to index
            %parallel_loop3A_484 = arith.constant 64 : index
            %parallel_loop3A_485 = tpu.vector_load %arg10[%parallel_loop3A_482, %parallel_loop3A_483, %parallel_loop3A_484] {strides = array<i32>} : memref<104x2x128xf32, #tpu.memory_space<vmem>>, vector<16xf32>,
            tpu.vector_store %arg10[%parallel_loop3A_482, %parallel_loop3A_483, %parallel_loop3A_484], %parallel_loop3A_480 {strides = array<i32>} : memref<104x2x128xf32, #tpu.memory_space<vmem>>, vector<16xf32>,
            %parallel_loop3A_486 = arith.constant 3 : i32
            %parallel_loop3A_487 = arith.index_cast %parallel_loop3A_486 : i32 to index
            %parallel_loop3A_488 = arith.index_cast %parallel_loop3A_342 : i32 to index
            %parallel_loop3A_489 = arith.constant 16 : index
            %parallel_loop3A_490 = tpu.vector_load %arg8[%parallel_loop3A_487, %parallel_loop3A_488, %parallel_loop3A_489] {strides = array<i32>} : memref<4x104x64xf32, #tpu.memory_space<vmem>>, vector<16xf32>,
            %parallel_loop3A_491 = arith.mulf %parallel_loop3A_490, %get3A_88 : vector<16xf32>
            %parallel_loop3A_492 = arith.constant 1 : i32
            %parallel_loop3A_493 = arith.index_cast %parallel_loop3A_337 : i32 to index
            %parallel_loop3A_494 = arith.index_cast %parallel_loop3A_492 : i32 to index
            %parallel_loop3A_495 = arith.constant 80 : index
            %parallel_loop3A_496 = tpu.vector_load %arg10[%parallel_loop3A_493, %parallel_loop3A_494, %parallel_loop3A_495] {strides = array<i32>} : memref<104x2x128xf32, #tpu.memory_space<vmem>>, vector<16xf32>,
            tpu.vector_store %arg10[%parallel_loop3A_493, %parallel_loop3A_494, %parallel_loop3A_495], %parallel_loop3A_491 {strides = array<i32>} : memref<104x2x128xf32, #tpu.memory_space<vmem>>, vector<16xf32>,
            %parallel_loop3A_497 = arith.constant 3 : i32
            %parallel_loop3A_498 = arith.index_cast %parallel_loop3A_497 : i32 to index
            %parallel_loop3A_499 = arith.index_cast %parallel_loop3A_342 : i32 to index
            %parallel_loop3A_500 = arith.constant 32 : index
            %parallel_loop3A_501 = tpu.vector_load %arg8[%parallel_loop3A_498, %parallel_loop3A_499, %parallel_loop3A_500] {strides = array<i32>} : memref<4x104x64xf32, #tpu.memory_space<vmem>>, vector<16xf32>,
            %parallel_loop3A_502 = arith.mulf %parallel_loop3A_501, %get3A_90 : vector<16xf32>
            %parallel_loop3A_503 = arith.constant 1 : i32
            %parallel_loop3A_504 = arith.index_cast %parallel_loop3A_337 : i32 to index
            %parallel_loop3A_505 = arith.index_cast %parallel_loop3A_503 : i32 to index
            %parallel_loop3A_506 = arith.constant 96 : index
            %parallel_loop3A_507 = tpu.vector_load %arg10[%parallel_loop3A_504, %parallel_loop3A_505, %parallel_loop3A_506] {strides = array<i32>} : memref<104x2x128xf32, #tpu.memory_space<vmem>>, vector<16xf32>,
            tpu.vector_store %arg10[%parallel_loop3A_504, %parallel_loop3A_505, %parallel_loop3A_506], %parallel_loop3A_502 {strides = array<i32>} : memref<104x2x128xf32, #tpu.memory_space<vmem>>, vector<16xf32>,
            %parallel_loop3A_508 = arith.constant 3 : i32
            %parallel_loop3A_509 = arith.index_cast %parallel_loop3A_508 : i32 to index
            %parallel_loop3A_510 = arith.index_cast %parallel_loop3A_342 : i32 to index
            %parallel_loop3A_511 = arith.constant 48 : index
            %parallel_loop3A_512 = tpu.vector_load %arg8[%parallel_loop3A_509, %parallel_loop3A_510, %parallel_loop3A_511] {strides = array<i32>} : memref<4x104x64xf32, #tpu.memory_space<vmem>>, vector<16xf32>,
            %parallel_loop3A_513 = arith.mulf %parallel_loop3A_512, %get3A_92 : vector<16xf32>
            %parallel_loop3A_514 = arith.constant 1 : i32
            %parallel_loop3A_515 = arith.index_cast %parallel_loop3A_337 : i32 to index
            %parallel_loop3A_516 = arith.index_cast %parallel_loop3A_514 : i32 to index
            %parallel_loop3A_517 = arith.constant 112 : index
            %parallel_loop3A_518 = tpu.vector_load %arg10[%parallel_loop3A_515, %parallel_loop3A_516, %parallel_loop3A_517] {strides = array<i32>} : memref<104x2x128xf32, #tpu.memory_space<vmem>>, vector<16xf32>,
            tpu.vector_store %arg10[%parallel_loop3A_515, %parallel_loop3A_516, %parallel_loop3A_517], %parallel_loop3A_513 {strides = array<i32>} : memref<104x2x128xf32, #tpu.memory_space<vmem>>, vector<16xf32>,
          } {sc.loop_unroll_factor = 4 : i64, sc.parallel_access}
        } else {
        }
        %add3A_293 = arith.constant 2 : i32
        %add3A_294 = arith.addi %reduce_sum3A_60, %add3A_293 : i32
        %sub3A_295 = arith.subi %add3A_294, %max3A_261 : i32
        %jit3A_296 = arith.constant 0 : i32
        %jit3A_297 = arith.constant 104 : i32
        %max3A_298 = arith.maxsi %jit3A_296, %sub3A_295 : i32
        %min3A_299 = arith.minsi %jit3A_297, %max3A_298 : i32
        %sub3A_300 = arith.constant 104 : i32
        %sub3A_301 = arith.subi %sub3A_300, %min3A_299 : i32
        %parallel_loop3A_302 = arith.constant 0 : i32
        %parallel_loop3A_303 = arith.constant 1 : i32
        scf.for %parallel_loop3A_334 = %parallel_loop3A_302 to %sub3A_301 step %parallel_loop3A_303  : i32 {
          %parallel_loop3A_335 = arith.addi %min3A_299, %parallel_loop3A_334 : i32
          %parallel_loop3A_336 = arith.constant 0 : i32
          %parallel_loop3A_337 = arith.index_cast %parallel_loop3A_335 : i32 to index
          %parallel_loop3A_338 = arith.index_cast %parallel_loop3A_336 : i32 to index
          %parallel_loop3A_339 = arith.constant 0 : index
          %parallel_loop3A_340 = tpu.vector_load %arg10[%parallel_loop3A_337, %parallel_loop3A_338, %parallel_loop3A_339] {strides = array<i32>} : memref<104x2x128xf32, #tpu.memory_space<vmem>>, vector<16xf32>,
          tpu.vector_store %arg10[%parallel_loop3A_337, %parallel_loop3A_338, %parallel_loop3A_339], %broadcast_in_dim3A_93 {strides = array<i32>} : memref<104x2x128xf32, #tpu.memory_space<vmem>>, vector<16xf32>,
          %parallel_loop3A_341 = arith.constant 0 : i32
          %parallel_loop3A_342 = arith.index_cast %parallel_loop3A_335 : i32 to index
          %parallel_loop3A_343 = arith.index_cast %parallel_loop3A_341 : i32 to index
          %parallel_loop3A_344 = arith.constant 16 : index
          %parallel_loop3A_345 = tpu.vector_load %arg10[%parallel_loop3A_342, %parallel_loop3A_343, %parallel_loop3A_344] {strides = array<i32>} : memref<104x2x128xf32, #tpu.memory_space<vmem>>, vector<16xf32>,
          tpu.vector_store %arg10[%parallel_loop3A_342, %parallel_loop3A_343, %parallel_loop3A_344], %broadcast_in_dim3A_93 {strides = array<i32>} : memref<104x2x128xf32, #tpu.memory_space<vmem>>, vector<16xf32>,
          %parallel_loop3A_346 = arith.constant 0 : i32
          %parallel_loop3A_347 = arith.index_cast %parallel_loop3A_335 : i32 to index
          %parallel_loop3A_348 = arith.index_cast %parallel_loop3A_346 : i32 to index
          %parallel_loop3A_349 = arith.constant 32 : index
          %parallel_loop3A_350 = tpu.vector_load %arg10[%parallel_loop3A_347, %parallel_loop3A_348, %parallel_loop3A_349] {strides = array<i32>} : memref<104x2x128xf32, #tpu.memory_space<vmem>>, vector<16xf32>,
          tpu.vector_store %arg10[%parallel_loop3A_347, %parallel_loop3A_348, %parallel_loop3A_349], %broadcast_in_dim3A_93 {strides = array<i32>} : memref<104x2x128xf32, #tpu.memory_space<vmem>>, vector<16xf32>,
          %parallel_loop3A_351 = arith.constant 0 : i32
          %parallel_loop3A_352 = arith.index_cast %parallel_loop3A_335 : i32 to index
          %parallel_loop3A_353 = arith.index_cast %parallel_loop3A_351 : i32 to index
          %parallel_loop3A_354 = arith.constant 48 : index
          %parallel_loop3A_355 = tpu.vector_load %arg10[%parallel_loop3A_352, %parallel_loop3A_353, %parallel_loop3A_354] {strides = array<i32>} : memref<104x2x128xf32, #tpu.memory_space<vmem>>, vector<16xf32>,
          tpu.vector_store %arg10[%parallel_loop3A_352, %parallel_loop3A_353, %parallel_loop3A_354], %broadcast_in_dim3A_93 {strides = array<i32>} : memref<104x2x128xf32, #tpu.memory_space<vmem>>, vector<16xf32>,
          %parallel_loop3A_356 = arith.constant 0 : i32
          %parallel_loop3A_357 = arith.index_cast %parallel_loop3A_335 : i32 to index
          %parallel_loop3A_358 = arith.index_cast %parallel_loop3A_356 : i32 to index
          %parallel_loop3A_359 = arith.constant 64 : index
          %parallel_loop3A_360 = tpu.vector_load %arg10[%parallel_loop3A_357, %parallel_loop3A_358, %parallel_loop3A_359] {strides = array<i32>} : memref<104x2x128xf32, #tpu.memory_space<vmem>>, vector<16xf32>,
          tpu.vector_store %arg10[%parallel_loop3A_357, %parallel_loop3A_358, %parallel_loop3A_359], %broadcast_in_dim3A_93 {strides = array<i32>} : memref<104x2x128xf32, #tpu.memory_space<vmem>>, vector<16xf32>,
          %parallel_loop3A_361 = arith.constant 0 : i32
          %parallel_loop3A_362 = arith.index_cast %parallel_loop3A_335 : i32 to index
          %parallel_loop3A_363 = arith.index_cast %parallel_loop3A_361 : i32 to index
          %parallel_loop3A_364 = arith.constant 80 : index
          %parallel_loop3A_365 = tpu.vector_load %arg10[%parallel_loop3A_362, %parallel_loop3A_363, %parallel_loop3A_364] {strides = array<i32>} : memref<104x2x128xf32, #tpu.memory_space<vmem>>, vector<16xf32>,
          tpu.vector_store %arg10[%parallel_loop3A_362, %parallel_loop3A_363, %parallel_loop3A_364], %broadcast_in_dim3A_93 {strides = array<i32>} : memref<104x2x128xf32, #tpu.memory_space<vmem>>, vector<16xf32>,
          %parallel_loop3A_366 = arith.constant 0 : i32
          %parallel_loop3A_367 = arith.index_cast %parallel_loop3A_335 : i32 to index
          %parallel_loop3A_368 = arith.index_cast %parallel_loop3A_366 : i32 to index
          %parallel_loop3A_369 = arith.constant 96 : index
          %parallel_loop3A_370 = tpu.vector_load %arg10[%parallel_loop3A_367, %parallel_loop3A_368, %parallel_loop3A_369] {strides = array<i32>} : memref<104x2x128xf32, #tpu.memory_space<vmem>>, vector<16xf32>,
          tpu.vector_store %arg10[%parallel_loop3A_367, %parallel_loop3A_368, %parallel_loop3A_369], %broadcast_in_dim3A_93 {strides = array<i32>} : memref<104x2x128xf32, #tpu.memory_space<vmem>>, vector<16xf32>,
          %parallel_loop3A_371 = arith.constant 0 : i32
          %parallel_loop3A_372 = arith.index_cast %parallel_loop3A_335 : i32 to index
          %parallel_loop3A_373 = arith.index_cast %parallel_loop3A_371 : i32 to index
          %parallel_loop3A_374 = arith.constant 112 : index
          %parallel_loop3A_375 = tpu.vector_load %arg10[%parallel_loop3A_372, %parallel_loop3A_373, %parallel_loop3A_374] {strides = array<i32>} : memref<104x2x128xf32, #tpu.memory_space<vmem>>, vector<16xf32>,
          tpu.vector_store %arg10[%parallel_loop3A_372, %parallel_loop3A_373, %parallel_loop3A_374], %broadcast_in_dim3A_93 {strides = array<i32>} : memref<104x2x128xf32, #tpu.memory_space<vmem>>, vector<16xf32>,
          %parallel_loop3A_376 = arith.constant 1 : i32
          %parallel_loop3A_377 = arith.index_cast %parallel_loop3A_335 : i32 to index
          %parallel_loop3A_378 = arith.index_cast %parallel_loop3A_376 : i32 to index
          %parallel_loop3A_379 = arith.constant 0 : index
          %parallel_loop3A_380 = tpu.vector_load %arg10[%parallel_loop3A_377, %parallel_loop3A_378, %parallel_loop3A_379] {strides = array<i32>} : memref<104x2x128xf32, #tpu.memory_space<vmem>>, vector<16xf32>,
          tpu.vector_store %arg10[%parallel_loop3A_377, %parallel_loop3A_378, %parallel_loop3A_379], %broadcast_in_dim3A_93 {strides = array<i32>} : memref<104x2x128xf32, #tpu.memory_space<vmem>>, vector<16xf32>,
          %parallel_loop3A_381 = arith.constant 1 : i32
          %parallel_loop3A_382 = arith.index_cast %parallel_loop3A_335 : i32 to index
          %parallel_loop3A_383 = arith.index_cast %parallel_loop3A_381 : i32 to index
          %parallel_loop3A_384 = arith.constant 16 : index
          %parallel_loop3A_385 = tpu.vector_load %arg10[%parallel_loop3A_382, %parallel_loop3A_383, %parallel_loop3A_384] {strides = array<i32>} : memref<104x2x128xf32, #tpu.memory_space<vmem>>, vector<16xf32>,
          tpu.vector_store %arg10[%parallel_loop3A_382, %parallel_loop3A_383, %parallel_loop3A_384], %broadcast_in_dim3A_93 {strides = array<i32>} : memref<104x2x128xf32, #tpu.memory_space<vmem>>, vector<16xf32>,
          %parallel_loop3A_386 = arith.constant 1 : i32
          %parallel_loop3A_387 = arith.index_cast %parallel_loop3A_335 : i32 to index
          %parallel_loop3A_388 = arith.index_cast %parallel_loop3A_386 : i32 to index
          %parallel_loop3A_389 = arith.constant 32 : index
          %parallel_loop3A_390 = tpu.vector_load %arg10[%parallel_loop3A_387, %parallel_loop3A_388, %parallel_loop3A_389] {strides = array<i32>} : memref<104x2x128xf32, #tpu.memory_space<vmem>>, vector<16xf32>,
          tpu.vector_store %arg10[%parallel_loop3A_387, %parallel_loop3A_388, %parallel_loop3A_389], %broadcast_in_dim3A_93 {strides = array<i32>} : memref<104x2x128xf32, #tpu.memory_space<vmem>>, vector<16xf32>,
          %parallel_loop3A_391 = arith.constant 1 : i32
          %parallel_loop3A_392 = arith.index_cast %parallel_loop3A_335 : i32 to index
          %parallel_loop3A_393 = arith.index_cast %parallel_loop3A_391 : i32 to index
          %parallel_loop3A_394 = arith.constant 48 : index
          %parallel_loop3A_395 = tpu.vector_load %arg10[%parallel_loop3A_392, %parallel_loop3A_393, %parallel_loop3A_394] {strides = array<i32>} : memref<104x2x128xf32, #tpu.memory_space<vmem>>, vector<16xf32>,
          tpu.vector_store %arg10[%parallel_loop3A_392, %parallel_loop3A_393, %parallel_loop3A_394], %broadcast_in_dim3A_93 {strides = array<i32>} : memref<104x2x128xf32, #tpu.memory_space<vmem>>, vector<16xf32>,
          %parallel_loop3A_396 = arith.constant 1 : i32
          %parallel_loop3A_397 = arith.index_cast %parallel_loop3A_335 : i32 to index
          %parallel_loop3A_398 = arith.index_cast %parallel_loop3A_396 : i32 to index
          %parallel_loop3A_399 = arith.constant 64 : index
          %parallel_loop3A_400 = tpu.vector_load %arg10[%parallel_loop3A_397, %parallel_loop3A_398, %parallel_loop3A_399] {strides = array<i32>} : memref<104x2x128xf32, #tpu.memory_space<vmem>>, vector<16xf32>,
          tpu.vector_store %arg10[%parallel_loop3A_397, %parallel_loop3A_398, %parallel_loop3A_399], %broadcast_in_dim3A_93 {strides = array<i32>} : memref<104x2x128xf32, #tpu.memory_space<vmem>>, vector<16xf32>,
          %parallel_loop3A_401 = arith.constant 1 : i32
          %parallel_loop3A_402 = arith.index_cast %parallel_loop3A_335 : i32 to index
          %parallel_loop3A_403 = arith.index_cast %parallel_loop3A_401 : i32 to index
          %parallel_loop3A_404 = arith.constant 80 : index
          %parallel_loop3A_405 = tpu.vector_load %arg10[%parallel_loop3A_402, %parallel_loop3A_403, %parallel_loop3A_404] {strides = array<i32>} : memref<104x2x128xf32, #tpu.memory_space<vmem>>, vector<16xf32>,
          tpu.vector_store %arg10[%parallel_loop3A_402, %parallel_loop3A_403, %parallel_loop3A_404], %broadcast_in_dim3A_93 {strides = array<i32>} : memref<104x2x128xf32, #tpu.memory_space<vmem>>, vector<16xf32>,
          %parallel_loop3A_406 = arith.constant 1 : i32
          %parallel_loop3A_407 = arith.index_cast %parallel_loop3A_335 : i32 to index
          %parallel_loop3A_408 = arith.index_cast %parallel_loop3A_406 : i32 to index
          %parallel_loop3A_409 = arith.constant 96 : index
          %parallel_loop3A_410 = tpu.vector_load %arg10[%parallel_loop3A_407, %parallel_loop3A_408, %parallel_loop3A_409] {strides = array<i32>} : memref<104x2x128xf32, #tpu.memory_space<vmem>>, vector<16xf32>,
          tpu.vector_store %arg10[%parallel_loop3A_407, %parallel_loop3A_408, %parallel_loop3A_409], %broadcast_in_dim3A_93 {strides = array<i32>} : memref<104x2x128xf32, #tpu.memory_space<vmem>>, vector<16xf32>,
          %parallel_loop3A_411 = arith.constant 1 : i32
          %parallel_loop3A_412 = arith.index_cast %parallel_loop3A_335 : i32 to index
          %parallel_loop3A_413 = arith.index_cast %parallel_loop3A_411 : i32 to index
          %parallel_loop3A_414 = arith.constant 112 : index
          %parallel_loop3A_415 = tpu.vector_load %arg10[%parallel_loop3A_412, %parallel_loop3A_413, %parallel_loop3A_414] {strides = array<i32>} : memref<104x2x128xf32, #tpu.memory_space<vmem>>, vector<16xf32>,
          tpu.vector_store %arg10[%parallel_loop3A_412, %parallel_loop3A_413, %parallel_loop3A_414], %broadcast_in_dim3A_93 {strides = array<i32>} : memref<104x2x128xf32, #tpu.memory_space<vmem>>, vector<16xf32>,
        } {sc.loop_unroll_factor = 2 : i64, sc.parallel_access}
        %add3A_304 = arith.constant 1 : i32
        %add3A_305 = arith.addi %reduce_sum3A_60, %add3A_304 : i32
        %ge3A_306 = arith.cmpi sge, %add3A_305, %max3A_261 : i32
        %add3A_307 = arith.constant 1 : i32
        %add3A_308 = arith.addi %reduce_sum3A_60, %add3A_307 : i32
        %add3A_309 = arith.constant 104 : i32
        %add3A_310 = arith.addi %max3A_261, %add3A_309 : i32
        %lt3A_311 = arith.cmpi slt, %add3A_308, %add3A_310 : i32
        %and3A_312 = arith.andi %ge3A_306, %lt3A_311 : i1
        %convert_element_type3A_313 = arith.extui %and3A_312 : i1 to i32
        %cond3A_314 = arith.constant 0 : i32
        %cond3A_315 = arith.cmpi ne, %convert_element_type3A_313, %cond3A_314 : i32
        scf.if %cond3A_315 {
          %add3A_334 = arith.constant 1 : i32
          %add3A_335 = arith.addi %reduce_sum3A_60, %add3A_334 : i32
          %sub3A_336 = arith.subi %add3A_335, %max3A_261 : i32
          %swap3A = arith.constant 0 : i32
          %swap3A_337 = arith.index_cast %sub3A_336 : i32 to index
          %swap3A_338 = arith.index_cast %swap3A : i32 to index
          %swap3A_339 = arith.constant 0 : index
          %swap3A_340 = tpu.vector_load %arg10[%swap3A_337, %swap3A_338, %swap3A_339] {strides = array<i32>} : memref<104x2x128xf32, #tpu.memory_space<vmem>>, vector<16xf32>,
          tpu.vector_store %arg10[%swap3A_337, %swap3A_338, %swap3A_339], %add3A_99 {strides = array<i32>} : memref<104x2x128xf32, #tpu.memory_space<vmem>>, vector<16xf32>,
          %swap3A_341 = arith.constant 0 : i32
          %swap3A_342 = arith.index_cast %sub3A_336 : i32 to index
          %swap3A_343 = arith.index_cast %swap3A_341 : i32 to index
          %swap3A_344 = arith.constant 16 : index
          %swap3A_345 = tpu.vector_load %arg10[%swap3A_342, %swap3A_343, %swap3A_344] {strides = array<i32>} : memref<104x2x128xf32, #tpu.memory_space<vmem>>, vector<16xf32>,
          tpu.vector_store %arg10[%swap3A_342, %swap3A_343, %swap3A_344], %add3A_99 {strides = array<i32>} : memref<104x2x128xf32, #tpu.memory_space<vmem>>, vector<16xf32>,
          %swap3A_346 = arith.constant 0 : i32
          %swap3A_347 = arith.index_cast %sub3A_336 : i32 to index
          %swap3A_348 = arith.index_cast %swap3A_346 : i32 to index
          %swap3A_349 = arith.constant 32 : index
          %swap3A_350 = tpu.vector_load %arg10[%swap3A_347, %swap3A_348, %swap3A_349] {strides = array<i32>} : memref<104x2x128xf32, #tpu.memory_space<vmem>>, vector<16xf32>,
          tpu.vector_store %arg10[%swap3A_347, %swap3A_348, %swap3A_349], %add3A_99 {strides = array<i32>} : memref<104x2x128xf32, #tpu.memory_space<vmem>>, vector<16xf32>,
          %swap3A_351 = arith.constant 0 : i32
          %swap3A_352 = arith.index_cast %sub3A_336 : i32 to index
          %swap3A_353 = arith.index_cast %swap3A_351 : i32 to index
          %swap3A_354 = arith.constant 48 : index
          %swap3A_355 = tpu.vector_load %arg10[%swap3A_352, %swap3A_353, %swap3A_354] {strides = array<i32>} : memref<104x2x128xf32, #tpu.memory_space<vmem>>, vector<16xf32>,
          tpu.vector_store %arg10[%swap3A_352, %swap3A_353, %swap3A_354], %add3A_99 {strides = array<i32>} : memref<104x2x128xf32, #tpu.memory_space<vmem>>, vector<16xf32>,
          %swap3A_356 = arith.constant 0 : i32
          %swap3A_357 = arith.index_cast %sub3A_336 : i32 to index
          %swap3A_358 = arith.index_cast %swap3A_356 : i32 to index
          %swap3A_359 = arith.constant 64 : index
          %swap3A_360 = tpu.vector_load %arg10[%swap3A_357, %swap3A_358, %swap3A_359] {strides = array<i32>} : memref<104x2x128xf32, #tpu.memory_space<vmem>>, vector<16xf32>,
          tpu.vector_store %arg10[%swap3A_357, %swap3A_358, %swap3A_359], %add3A_99 {strides = array<i32>} : memref<104x2x128xf32, #tpu.memory_space<vmem>>, vector<16xf32>,
          %swap3A_361 = arith.constant 0 : i32
          %swap3A_362 = arith.index_cast %sub3A_336 : i32 to index
          %swap3A_363 = arith.index_cast %swap3A_361 : i32 to index
          %swap3A_364 = arith.constant 80 : index
          %swap3A_365 = tpu.vector_load %arg10[%swap3A_362, %swap3A_363, %swap3A_364] {strides = array<i32>} : memref<104x2x128xf32, #tpu.memory_space<vmem>>, vector<16xf32>,
          tpu.vector_store %arg10[%swap3A_362, %swap3A_363, %swap3A_364], %add3A_99 {strides = array<i32>} : memref<104x2x128xf32, #tpu.memory_space<vmem>>, vector<16xf32>,
          %swap3A_366 = arith.constant 0 : i32
          %swap3A_367 = arith.index_cast %sub3A_336 : i32 to index
          %swap3A_368 = arith.index_cast %swap3A_366 : i32 to index
          %swap3A_369 = arith.constant 96 : index
          %swap3A_370 = tpu.vector_load %arg10[%swap3A_367, %swap3A_368, %swap3A_369] {strides = array<i32>} : memref<104x2x128xf32, #tpu.memory_space<vmem>>, vector<16xf32>,
          tpu.vector_store %arg10[%swap3A_367, %swap3A_368, %swap3A_369], %add3A_99 {strides = array<i32>} : memref<104x2x128xf32, #tpu.memory_space<vmem>>, vector<16xf32>,
          %swap3A_371 = arith.constant 0 : i32
          %swap3A_372 = arith.index_cast %sub3A_336 : i32 to index
          %swap3A_373 = arith.index_cast %swap3A_371 : i32 to index
          %swap3A_374 = arith.constant 112 : index
          %swap3A_375 = tpu.vector_load %arg10[%swap3A_372, %swap3A_373, %swap3A_374] {strides = array<i32>} : memref<104x2x128xf32, #tpu.memory_space<vmem>>, vector<16xf32>,
          tpu.vector_store %arg10[%swap3A_372, %swap3A_373, %swap3A_374], %add3A_99 {strides = array<i32>} : memref<104x2x128xf32, #tpu.memory_space<vmem>>, vector<16xf32>,
          %swap3A_376 = arith.constant 1 : i32
          %swap3A_377 = arith.index_cast %sub3A_336 : i32 to index
          %swap3A_378 = arith.index_cast %swap3A_376 : i32 to index
          %swap3A_379 = arith.constant 0 : index
          %swap3A_380 = tpu.vector_load %arg10[%swap3A_377, %swap3A_378, %swap3A_379] {strides = array<i32>} : memref<104x2x128xf32, #tpu.memory_space<vmem>>, vector<16xf32>,
          tpu.vector_store %arg10[%swap3A_377, %swap3A_378, %swap3A_379], %add3A_99 {strides = array<i32>} : memref<104x2x128xf32, #tpu.memory_space<vmem>>, vector<16xf32>,
          %swap3A_381 = arith.constant 1 : i32
          %swap3A_382 = arith.index_cast %sub3A_336 : i32 to index
          %swap3A_383 = arith.index_cast %swap3A_381 : i32 to index
          %swap3A_384 = arith.constant 16 : index
          %swap3A_385 = tpu.vector_load %arg10[%swap3A_382, %swap3A_383, %swap3A_384] {strides = array<i32>} : memref<104x2x128xf32, #tpu.memory_space<vmem>>, vector<16xf32>,
          tpu.vector_store %arg10[%swap3A_382, %swap3A_383, %swap3A_384], %add3A_99 {strides = array<i32>} : memref<104x2x128xf32, #tpu.memory_space<vmem>>, vector<16xf32>,
          %swap3A_386 = arith.constant 1 : i32
          %swap3A_387 = arith.index_cast %sub3A_336 : i32 to index
          %swap3A_388 = arith.index_cast %swap3A_386 : i32 to index
          %swap3A_389 = arith.constant 32 : index
          %swap3A_390 = tpu.vector_load %arg10[%swap3A_387, %swap3A_388, %swap3A_389] {strides = array<i32>} : memref<104x2x128xf32, #tpu.memory_space<vmem>>, vector<16xf32>,
          tpu.vector_store %arg10[%swap3A_387, %swap3A_388, %swap3A_389], %add3A_99 {strides = array<i32>} : memref<104x2x128xf32, #tpu.memory_space<vmem>>, vector<16xf32>,
          %swap3A_391 = arith.constant 1 : i32
          %swap3A_392 = arith.index_cast %sub3A_336 : i32 to index
          %swap3A_393 = arith.index_cast %swap3A_391 : i32 to index
          %swap3A_394 = arith.constant 48 : index
          %swap3A_395 = tpu.vector_load %arg10[%swap3A_392, %swap3A_393, %swap3A_394] {strides = array<i32>} : memref<104x2x128xf32, #tpu.memory_space<vmem>>, vector<16xf32>,
          tpu.vector_store %arg10[%swap3A_392, %swap3A_393, %swap3A_394], %add3A_99 {strides = array<i32>} : memref<104x2x128xf32, #tpu.memory_space<vmem>>, vector<16xf32>,
          %swap3A_396 = arith.constant 1 : i32
          %swap3A_397 = arith.index_cast %sub3A_336 : i32 to index
          %swap3A_398 = arith.index_cast %swap3A_396 : i32 to index
          %swap3A_399 = arith.constant 64 : index
          %swap3A_400 = tpu.vector_load %arg10[%swap3A_397, %swap3A_398, %swap3A_399] {strides = array<i32>} : memref<104x2x128xf32, #tpu.memory_space<vmem>>, vector<16xf32>,
          tpu.vector_store %arg10[%swap3A_397, %swap3A_398, %swap3A_399], %add3A_99 {strides = array<i32>} : memref<104x2x128xf32, #tpu.memory_space<vmem>>, vector<16xf32>,
          %swap3A_401 = arith.constant 1 : i32
          %swap3A_402 = arith.index_cast %sub3A_336 : i32 to index
          %swap3A_403 = arith.index_cast %swap3A_401 : i32 to index
          %swap3A_404 = arith.constant 80 : index
          %swap3A_405 = tpu.vector_load %arg10[%swap3A_402, %swap3A_403, %swap3A_404] {strides = array<i32>} : memref<104x2x128xf32, #tpu.memory_space<vmem>>, vector<16xf32>,
          tpu.vector_store %arg10[%swap3A_402, %swap3A_403, %swap3A_404], %add3A_99 {strides = array<i32>} : memref<104x2x128xf32, #tpu.memory_space<vmem>>, vector<16xf32>,
          %swap3A_406 = arith.constant 1 : i32
          %swap3A_407 = arith.index_cast %sub3A_336 : i32 to index
          %swap3A_408 = arith.index_cast %swap3A_406 : i32 to index
          %swap3A_409 = arith.constant 96 : index
          %swap3A_410 = tpu.vector_load %arg10[%swap3A_407, %swap3A_408, %swap3A_409] {strides = array<i32>} : memref<104x2x128xf32, #tpu.memory_space<vmem>>, vector<16xf32>,
          tpu.vector_store %arg10[%swap3A_407, %swap3A_408, %swap3A_409], %add3A_99 {strides = array<i32>} : memref<104x2x128xf32, #tpu.memory_space<vmem>>, vector<16xf32>,
          %swap3A_411 = arith.constant 1 : i32
          %swap3A_412 = arith.index_cast %sub3A_336 : i32 to index
          %swap3A_413 = arith.index_cast %swap3A_411 : i32 to index
          %swap3A_414 = arith.constant 112 : index
          %swap3A_415 = tpu.vector_load %arg10[%swap3A_412, %swap3A_413, %swap3A_414] {strides = array<i32>} : memref<104x2x128xf32, #tpu.memory_space<vmem>>, vector<16xf32>,
          tpu.vector_store %arg10[%swap3A_412, %swap3A_413, %swap3A_414], %add3A_99 {strides = array<i32>} : memref<104x2x128xf32, #tpu.memory_space<vmem>>, vector<16xf32>,
        } else {
        }
        %eq3A_316 = arith.constant 0 : i32
        %eq3A_317 = arith.cmpi eq, %max3A_261, %eq3A_316 : i32
        %convert_element_type3A_318 = arith.extui %eq3A_317 : i1 to i32
        %cond3A_319 = arith.constant 0 : i32
        %cond3A_320 = arith.cmpi ne, %convert_element_type3A_318, %cond3A_319 : i32
        scf.if %cond3A_320 {
          %swap3A = arith.constant 0 : i32
          %swap3A_334 = arith.constant 0 : i32
          %swap3A_335 = arith.index_cast %swap3A : i32 to index
          %swap3A_336 = arith.index_cast %swap3A_334 : i32 to index
          %swap3A_337 = arith.constant 0 : index
          %swap3A_338 = tpu.vector_load %arg10[%swap3A_335, %swap3A_336, %swap3A_337] {strides = array<i32>} : memref<104x2x128xf32, #tpu.memory_space<vmem>>, vector<16xf32>,
          tpu.vector_store %arg10[%swap3A_335, %swap3A_336, %swap3A_337], %add3A_96 {strides = array<i32>} : memref<104x2x128xf32, #tpu.memory_space<vmem>>, vector<16xf32>,
          %swap3A_339 = arith.constant 0 : i32
          %swap3A_340 = arith.constant 0 : i32
          %swap3A_341 = arith.index_cast %swap3A_339 : i32 to index
          %swap3A_342 = arith.index_cast %swap3A_340 : i32 to index
          %swap3A_343 = arith.constant 16 : index
          %swap3A_344 = tpu.vector_load %arg10[%swap3A_341, %swap3A_342, %swap3A_343] {strides = array<i32>} : memref<104x2x128xf32, #tpu.memory_space<vmem>>, vector<16xf32>,
          tpu.vector_store %arg10[%swap3A_341, %swap3A_342, %swap3A_343], %add3A_96 {strides = array<i32>} : memref<104x2x128xf32, #tpu.memory_space<vmem>>, vector<16xf32>,
          %swap3A_345 = arith.constant 0 : i32
          %swap3A_346 = arith.constant 0 : i32
          %swap3A_347 = arith.index_cast %swap3A_345 : i32 to index
          %swap3A_348 = arith.index_cast %swap3A_346 : i32 to index
          %swap3A_349 = arith.constant 32 : index
          %swap3A_350 = tpu.vector_load %arg10[%swap3A_347, %swap3A_348, %swap3A_349] {strides = array<i32>} : memref<104x2x128xf32, #tpu.memory_space<vmem>>, vector<16xf32>,
          tpu.vector_store %arg10[%swap3A_347, %swap3A_348, %swap3A_349], %add3A_96 {strides = array<i32>} : memref<104x2x128xf32, #tpu.memory_space<vmem>>, vector<16xf32>,
          %swap3A_351 = arith.constant 0 : i32
          %swap3A_352 = arith.constant 0 : i32
          %swap3A_353 = arith.index_cast %swap3A_351 : i32 to index
          %swap3A_354 = arith.index_cast %swap3A_352 : i32 to index
          %swap3A_355 = arith.constant 48 : index
          %swap3A_356 = tpu.vector_load %arg10[%swap3A_353, %swap3A_354, %swap3A_355] {strides = array<i32>} : memref<104x2x128xf32, #tpu.memory_space<vmem>>, vector<16xf32>,
          tpu.vector_store %arg10[%swap3A_353, %swap3A_354, %swap3A_355], %add3A_96 {strides = array<i32>} : memref<104x2x128xf32, #tpu.memory_space<vmem>>, vector<16xf32>,
          %swap3A_357 = arith.constant 0 : i32
          %swap3A_358 = arith.constant 0 : i32
          %swap3A_359 = arith.index_cast %swap3A_357 : i32 to index
          %swap3A_360 = arith.index_cast %swap3A_358 : i32 to index
          %swap3A_361 = arith.constant 64 : index
          %swap3A_362 = tpu.vector_load %arg10[%swap3A_359, %swap3A_360, %swap3A_361] {strides = array<i32>} : memref<104x2x128xf32, #tpu.memory_space<vmem>>, vector<16xf32>,
          tpu.vector_store %arg10[%swap3A_359, %swap3A_360, %swap3A_361], %add3A_96 {strides = array<i32>} : memref<104x2x128xf32, #tpu.memory_space<vmem>>, vector<16xf32>,
          %swap3A_363 = arith.constant 0 : i32
          %swap3A_364 = arith.constant 0 : i32
          %swap3A_365 = arith.index_cast %swap3A_363 : i32 to index
          %swap3A_366 = arith.index_cast %swap3A_364 : i32 to index
          %swap3A_367 = arith.constant 80 : index
          %swap3A_368 = tpu.vector_load %arg10[%swap3A_365, %swap3A_366, %swap3A_367] {strides = array<i32>} : memref<104x2x128xf32, #tpu.memory_space<vmem>>, vector<16xf32>,
          tpu.vector_store %arg10[%swap3A_365, %swap3A_366, %swap3A_367], %add3A_96 {strides = array<i32>} : memref<104x2x128xf32, #tpu.memory_space<vmem>>, vector<16xf32>,
          %swap3A_369 = arith.constant 0 : i32
          %swap3A_370 = arith.constant 0 : i32
          %swap3A_371 = arith.index_cast %swap3A_369 : i32 to index
          %swap3A_372 = arith.index_cast %swap3A_370 : i32 to index
          %swap3A_373 = arith.constant 96 : index
          %swap3A_374 = tpu.vector_load %arg10[%swap3A_371, %swap3A_372, %swap3A_373] {strides = array<i32>} : memref<104x2x128xf32, #tpu.memory_space<vmem>>, vector<16xf32>,
          tpu.vector_store %arg10[%swap3A_371, %swap3A_372, %swap3A_373], %add3A_96 {strides = array<i32>} : memref<104x2x128xf32, #tpu.memory_space<vmem>>, vector<16xf32>,
          %swap3A_375 = arith.constant 0 : i32
          %swap3A_376 = arith.constant 0 : i32
          %swap3A_377 = arith.index_cast %swap3A_375 : i32 to index
          %swap3A_378 = arith.index_cast %swap3A_376 : i32 to index
          %swap3A_379 = arith.constant 112 : index
          %swap3A_380 = tpu.vector_load %arg10[%swap3A_377, %swap3A_378, %swap3A_379] {strides = array<i32>} : memref<104x2x128xf32, #tpu.memory_space<vmem>>, vector<16xf32>,
          tpu.vector_store %arg10[%swap3A_377, %swap3A_378, %swap3A_379], %add3A_96 {strides = array<i32>} : memref<104x2x128xf32, #tpu.memory_space<vmem>>, vector<16xf32>,
          %swap3A_381 = arith.constant 0 : i32
          %swap3A_382 = arith.constant 1 : i32
          %swap3A_383 = arith.index_cast %swap3A_381 : i32 to index
          %swap3A_384 = arith.index_cast %swap3A_382 : i32 to index
          %swap3A_385 = arith.constant 0 : index
          %swap3A_386 = tpu.vector_load %arg10[%swap3A_383, %swap3A_384, %swap3A_385] {strides = array<i32>} : memref<104x2x128xf32, #tpu.memory_space<vmem>>, vector<16xf32>,
          tpu.vector_store %arg10[%swap3A_383, %swap3A_384, %swap3A_385], %add3A_96 {strides = array<i32>} : memref<104x2x128xf32, #tpu.memory_space<vmem>>, vector<16xf32>,
          %swap3A_387 = arith.constant 0 : i32
          %swap3A_388 = arith.constant 1 : i32
          %swap3A_389 = arith.index_cast %swap3A_387 : i32 to index
          %swap3A_390 = arith.index_cast %swap3A_388 : i32 to index
          %swap3A_391 = arith.constant 16 : index
          %swap3A_392 = tpu.vector_load %arg10[%swap3A_389, %swap3A_390, %swap3A_391] {strides = array<i32>} : memref<104x2x128xf32, #tpu.memory_space<vmem>>, vector<16xf32>,
          tpu.vector_store %arg10[%swap3A_389, %swap3A_390, %swap3A_391], %add3A_96 {strides = array<i32>} : memref<104x2x128xf32, #tpu.memory_space<vmem>>, vector<16xf32>,
          %swap3A_393 = arith.constant 0 : i32
          %swap3A_394 = arith.constant 1 : i32
          %swap3A_395 = arith.index_cast %swap3A_393 : i32 to index
          %swap3A_396 = arith.index_cast %swap3A_394 : i32 to index
          %swap3A_397 = arith.constant 32 : index
          %swap3A_398 = tpu.vector_load %arg10[%swap3A_395, %swap3A_396, %swap3A_397] {strides = array<i32>} : memref<104x2x128xf32, #tpu.memory_space<vmem>>, vector<16xf32>,
          tpu.vector_store %arg10[%swap3A_395, %swap3A_396, %swap3A_397], %add3A_96 {strides = array<i32>} : memref<104x2x128xf32, #tpu.memory_space<vmem>>, vector<16xf32>,
          %swap3A_399 = arith.constant 0 : i32
          %swap3A_400 = arith.constant 1 : i32
          %swap3A_401 = arith.index_cast %swap3A_399 : i32 to index
          %swap3A_402 = arith.index_cast %swap3A_400 : i32 to index
          %swap3A_403 = arith.constant 48 : index
          %swap3A_404 = tpu.vector_load %arg10[%swap3A_401, %swap3A_402, %swap3A_403] {strides = array<i32>} : memref<104x2x128xf32, #tpu.memory_space<vmem>>, vector<16xf32>,
          tpu.vector_store %arg10[%swap3A_401, %swap3A_402, %swap3A_403], %add3A_96 {strides = array<i32>} : memref<104x2x128xf32, #tpu.memory_space<vmem>>, vector<16xf32>,
          %swap3A_405 = arith.constant 0 : i32
          %swap3A_406 = arith.constant 1 : i32
          %swap3A_407 = arith.index_cast %swap3A_405 : i32 to index
          %swap3A_408 = arith.index_cast %swap3A_406 : i32 to index
          %swap3A_409 = arith.constant 64 : index
          %swap3A_410 = tpu.vector_load %arg10[%swap3A_407, %swap3A_408, %swap3A_409] {strides = array<i32>} : memref<104x2x128xf32, #tpu.memory_space<vmem>>, vector<16xf32>,
          tpu.vector_store %arg10[%swap3A_407, %swap3A_408, %swap3A_409], %add3A_96 {strides = array<i32>} : memref<104x2x128xf32, #tpu.memory_space<vmem>>, vector<16xf32>,
          %swap3A_411 = arith.constant 0 : i32
          %swap3A_412 = arith.constant 1 : i32
          %swap3A_413 = arith.index_cast %swap3A_411 : i32 to index
          %swap3A_414 = arith.index_cast %swap3A_412 : i32 to index
          %swap3A_415 = arith.constant 80 : index
          %swap3A_416 = tpu.vector_load %arg10[%swap3A_413, %swap3A_414, %swap3A_415] {strides = array<i32>} : memref<104x2x128xf32, #tpu.memory_space<vmem>>, vector<16xf32>,
          tpu.vector_store %arg10[%swap3A_413, %swap3A_414, %swap3A_415], %add3A_96 {strides = array<i32>} : memref<104x2x128xf32, #tpu.memory_space<vmem>>, vector<16xf32>,
          %swap3A_417 = arith.constant 0 : i32
          %swap3A_418 = arith.constant 1 : i32
          %swap3A_419 = arith.index_cast %swap3A_417 : i32 to index
          %swap3A_420 = arith.index_cast %swap3A_418 : i32 to index
          %swap3A_421 = arith.constant 96 : index
          %swap3A_422 = tpu.vector_load %arg10[%swap3A_419, %swap3A_420, %swap3A_421] {strides = array<i32>} : memref<104x2x128xf32, #tpu.memory_space<vmem>>, vector<16xf32>,
          tpu.vector_store %arg10[%swap3A_419, %swap3A_420, %swap3A_421], %add3A_96 {strides = array<i32>} : memref<104x2x128xf32, #tpu.memory_space<vmem>>, vector<16xf32>,
          %swap3A_423 = arith.constant 0 : i32
          %swap3A_424 = arith.constant 1 : i32
          %swap3A_425 = arith.index_cast %swap3A_423 : i32 to index
          %swap3A_426 = arith.index_cast %swap3A_424 : i32 to index
          %swap3A_427 = arith.constant 112 : index
          %swap3A_428 = tpu.vector_load %arg10[%swap3A_425, %swap3A_426, %swap3A_427] {strides = array<i32>} : memref<104x2x128xf32, #tpu.memory_space<vmem>>, vector<16xf32>,
          tpu.vector_store %arg10[%swap3A_425, %swap3A_426, %swap3A_427], %add3A_96 {strides = array<i32>} : memref<104x2x128xf32, #tpu.memory_space<vmem>>, vector<16xf32>,
        } else {
        }
        %dma_start3A = arith.constant 0 : i32
        %dma_start3A_321 = arith.constant 0 : i32
        %dma_start3A_322 = tpu.memref_slice %arg6[%max3A_261, %select_n3A_30, %dma_start3A, %select_n3A_46, %dma_start3A_321] : memref<4098x2x2x8x128xf32, #tpu.memory_space<hbm>> -> memref<104x1x2x1x128xf32, #tpu.memory_space<hbm>>
        %dma_start3A_323 = tpu.memref_squeeze %dma_start3A_322 : memref<104x1x2x1x128xf32, #tpu.memory_space<hbm>> -> memref<104x2x128xf32, #tpu.memory_space<hbm>>
        %dma_start3A_324 = arith.constant 0 : i32
        %dma_start3A_325 = arith.constant 0 : i32
        %dma_start3A_326 = tpu.memref_slice %arg6[%max3A_261, %select_n3A_30, %dma_start3A_324, %select_n3A_46, %dma_start3A_325] : memref<4098x2x2x8x128xf32, #tpu.memory_space<hbm>> -> memref<104x1x2x1x128xf32, #tpu.memory_space<hbm>>
        %dma_start3A_327 = tpu.memref_squeeze %dma_start3A_326 : memref<104x1x2x1x128xf32, #tpu.memory_space<hbm>> -> memref<104x2x128xf32, #tpu.memory_space<hbm>>
        tpu.enqueue_dma source(%arg10 : memref<104x2x128xf32, #tpu.memory_space<vmem>>) target(%dma_start3A_327 : memref<104x2x128xf32, #tpu.memory_space<hbm>>) target_semaphore(%arg18 : memref<!tpu.dma_semaphore, #tpu.memory_space<semaphore_mem>>)
        %add3A_328 = arith.constant 2 : i32
        %add3A_329 = arith.addi %add3A_254, %add3A_328 : i32
        %lt3A_330 = arith.cmpi slt, %add3A_329, %select_n3A_164 : i32
        %convert_element_type3A_331 = arith.extui %lt3A_330 : i1 to i32
        %cond3A_332 = arith.constant 0 : i32
        %cond3A_333 = arith.cmpi ne, %convert_element_type3A_331, %cond3A_332 : i32
        scf.if %cond3A_333 {
          %add3A_334 = arith.constant 2 : i32
          %add3A_335 = arith.addi %add3A_254, %add3A_334 : i32
          %mul3A_336 = arith.constant 104 : i32
          %mul3A_337 = arith.muli %add3A_335, %mul3A_336 : i32
          %add3A_338 = arith.addi %mul3A_9, %mul3A_337 : i32
          %sub3A_339 = arith.constant 104 : i32
          %sub3A_340 = arith.subi %sub3A_133, %sub3A_339 : i32
          %min3A_341 = arith.minsi %add3A_338, %sub3A_340 : i32
          %max3A_342 = arith.maxsi %min3A_341, %mul3A_9 : i32
          %add3A_343 = arith.addi %reduce_sum3A_53, %max3A_342 : i32
          %sub3A_344 = arith.constant 1 : i32
          %sub3A_345 = arith.subi %add3A_343, %sub3A_344 : i32
          %jit3A_346 = arith.constant 0 : i32
          %jit3A_347 = arith.constant 32664 : i32
          %max3A_348 = arith.maxsi %jit3A_346, %sub3A_345 : i32
          %min3A_349 = arith.minsi %jit3A_347, %max3A_348 : i32
          %dma_start3A_350 = arith.constant 0 : i32
          %dma_start3A_351 = arith.constant 0 : i32
          %dma_start3A_352 = tpu.memref_slice %arg2[%dma_start3A_350, %min3A_349, %dma_start3A_351] : memref<4x32768x64xf32, #tpu.memory_space<hbm>> -> memref<4x104x64xf32, #tpu.memory_space<hbm>>
          %dma_start3A_353 = arith.constant 0 : i32
          %dma_start3A_354 = arith.constant 0 : i32
          %dma_start3A_355 = tpu.memref_slice %arg2[%dma_start3A_353, %min3A_349, %dma_start3A_354] : memref<4x32768x64xf32, #tpu.memory_space<hbm>> -> memref<4x104x64xf32, #tpu.memory_space<hbm>>
          tpu.enqueue_dma source(%dma_start3A_355 : memref<4x104x64xf32, #tpu.memory_space<hbm>>) target(%arg8 : memref<4x104x64xf32, #tpu.memory_space<vmem>>) target_semaphore(%arg16 : memref<!tpu.dma_semaphore, #tpu.memory_space<semaphore_mem>>)
        } else {
        }
      } else {
      }
    }
    %while3A_220 = arith.constant 0 : i32
    %while3A_221 = arith.constant 0 : i32
    %while3A_222 = arith.subi %select_n3A_130, %while3A_221 : i32
    %while3A_223 = arith.addi %while3A_221, %while3A_222 : i32
    %while3A_224 = arith.constant 1 : i32
    %while3A_225 = arith.divsi %while3A_222, %while3A_224 : i32
    %while3A_226 = arith.muli %while3A_225, %while3A_224 : i32
    %while3A_227 = arith.addi %while3A_221, %while3A_226 : i32
    %while3A_228 = arith.constant 1 : i32
    scf.for %while3A_240 = %while3A_221 to %while3A_227 step %while3A_228  : i32 {
      %dma_wait3A = arith.constant 0 : i32
      %dma_wait3A_241 = arith.constant 0 : i32
      %dma_wait3A_242 = tpu.memref_slice %arg6[%mul3A_9, %select_n3A_30, %dma_wait3A, %select_n3A_46, %dma_wait3A_241] : memref<4098x2x2x8x128xf32, #tpu.memory_space<hbm>> -> memref<64x1x2x1x128xf32, #tpu.memory_space<hbm>>
      %dma_wait3A_243 = tpu.memref_squeeze %dma_wait3A_242 : memref<64x1x2x1x128xf32, #tpu.memory_space<hbm>> -> memref<64x2x128xf32, #tpu.memory_space<hbm>>
      %dma_wait3A_244 = arith.constant 0 : i32
      %dma_wait3A_245 = arith.constant 0 : i32
      %dma_wait3A_246 = tpu.memref_slice %arg6[%mul3A_9, %select_n3A_30, %dma_wait3A_244, %select_n3A_46, %dma_wait3A_245] : memref<4098x2x2x8x128xf32, #tpu.memory_space<hbm>> -> memref<64x1x2x1x128xf32, #tpu.memory_space<hbm>>
      %dma_wait3A_247 = tpu.memref_squeeze %dma_wait3A_246 : memref<64x1x2x1x128xf32, #tpu.memory_space<hbm>> -> memref<64x2x128xf32, #tpu.memory_space<hbm>>
      tpu.wait_dma2 semaphore(%arg19 : memref<!tpu.dma_semaphore, #tpu.memory_space<semaphore_mem>>) src(%arg11 : memref<64x2x128xf32, #tpu.memory_space<vmem>>) dst(%dma_wait3A_247 : memref<64x2x128xf32, #tpu.memory_space<hbm>>)
    }
    %while3A_229 = arith.constant 1 : i32
    scf.for %while3A_240 = %while3A_227 to %while3A_223 step %while3A_229  : i32 {
      %dma_wait3A = arith.constant 0 : i32
      %dma_wait3A_241 = arith.constant 0 : i32
      %dma_wait3A_242 = tpu.memref_slice %arg6[%mul3A_9, %select_n3A_30, %dma_wait3A, %select_n3A_46, %dma_wait3A_241] : memref<4098x2x2x8x128xf32, #tpu.memory_space<hbm>> -> memref<64x1x2x1x128xf32, #tpu.memory_space<hbm>>
      %dma_wait3A_243 = tpu.memref_squeeze %dma_wait3A_242 : memref<64x1x2x1x128xf32, #tpu.memory_space<hbm>> -> memref<64x2x128xf32, #tpu.memory_space<hbm>>
      %dma_wait3A_244 = arith.constant 0 : i32
      %dma_wait3A_245 = arith.constant 0 : i32
      %dma_wait3A_246 = tpu.memref_slice %arg6[%mul3A_9, %select_n3A_30, %dma_wait3A_244, %select_n3A_46, %dma_wait3A_245] : memref<4098x2x2x8x128xf32, #tpu.memory_space<hbm>> -> memref<64x1x2x1x128xf32, #tpu.memory_space<hbm>>
      %dma_wait3A_247 = tpu.memref_squeeze %dma_wait3A_246 : memref<64x1x2x1x128xf32, #tpu.memory_space<hbm>> -> memref<64x2x128xf32, #tpu.memory_space<hbm>>
      tpu.wait_dma2 semaphore(%arg19 : memref<!tpu.dma_semaphore, #tpu.memory_space<semaphore_mem>>) src(%arg11 : memref<64x2x128xf32, #tpu.memory_space<vmem>>) dst(%dma_wait3A_247 : memref<64x2x128xf32, #tpu.memory_space<hbm>>)
    }
    %ge3A_230 = arith.constant 1 : i32
    %ge3A_231 = arith.cmpi sge, %select_n3A_164, %ge3A_230 : i32
    %convert_element_type3A_232 = arith.extui %ge3A_231 : i1 to i32
    %cond3A_233 = arith.constant 0 : i32
    %cond3A_234 = arith.cmpi ne, %convert_element_type3A_232, %cond3A_233 : i32
    scf.if %cond3A_234 {
      %sub3A_240 = arith.constant 1 : i32
      %sub3A_241 = arith.subi %select_n3A_164, %sub3A_240 : i32
      %mul3A_242 = arith.constant 104 : i32
      %mul3A_243 = arith.muli %sub3A_241, %mul3A_242 : i32
      %add3A_244 = arith.addi %mul3A_9, %mul3A_243 : i32
      %sub3A_245 = arith.constant 104 : i32
      %sub3A_246 = arith.subi %sub3A_133, %sub3A_245 : i32
      %min3A_247 = arith.minsi %add3A_244, %sub3A_246 : i32
      %max3A_248 = arith.maxsi %min3A_247, %mul3A_9 : i32
      %sub3A_249 = arith.constant 1 : i32
      %sub3A_250 = arith.subi %select_n3A_164, %sub3A_249 : i32
      %jit3A_251 = arith.constant 2 : i32
      %eq3A_252 = arith.constant 0 : i32
      %eq3A_253 = arith.cmpi eq, %jit3A_251, %eq3A_252 : i32
      %jit3A_254 = arith.constant 1 : i32
      %select_n3A_255 = arith.select %eq3A_253, %jit3A_254, %jit3A_251 : i32
      %rem3A_256 = arith.remsi %sub3A_250, %select_n3A_255 : i32
      %ne3A_257 = arith.constant 0 : i32
      %ne3A_258 = arith.cmpi ne, %rem3A_256, %ne3A_257 : i32
      %lt3A_259 = arith.constant 0 : i32
      %lt3A_260 = arith.cmpi slt, %rem3A_256, %lt3A_259 : i32
      %lt3A_261 = arith.constant 0 : i32
      %lt3A_262 = arith.cmpi slt, %select_n3A_255, %lt3A_261 : i32
      %ne3A_263 = arith.xori %lt3A_260, %lt3A_262 : i1
      %and3A_264 = arith.andi %ne3A_263, %ne3A_258 : i1
      %add3A_265 = arith.addi %rem3A_256, %select_n3A_255 : i32
      %select_n3A_266 = arith.select %and3A_264, %add3A_265, %rem3A_256 : i32
      %eq3A_267 = arith.constant 0 : i32
      %eq3A_268 = arith.cmpi eq, %select_n3A_266, %eq3A_267 : i32
      %convert_element_type3A_269 = arith.extui %eq3A_268 : i1 to i32
      %cond3A_270 = arith.constant 0 : i32
      %cond3A_271 = arith.cmpi ne, %convert_element_type3A_269, %cond3A_270 : i32
      scf.if %cond3A_271 {
        %dma_wait3A = arith.constant 0 : i32
        %dma_wait3A_295 = arith.constant 0 : i32
        %dma_wait3A_296 = tpu.memref_slice %arg6[%max3A_248, %select_n3A_30, %dma_wait3A, %select_n3A_46, %dma_wait3A_295] : memref<4098x2x2x8x128xf32, #tpu.memory_space<hbm>> -> memref<104x1x2x1x128xf32, #tpu.memory_space<hbm>>
        %dma_wait3A_297 = tpu.memref_squeeze %dma_wait3A_296 : memref<104x1x2x1x128xf32, #tpu.memory_space<hbm>> -> memref<104x2x128xf32, #tpu.memory_space<hbm>>
        %dma_wait3A_298 = arith.constant 0 : i32
        %dma_wait3A_299 = arith.constant 0 : i32
        %dma_wait3A_300 = tpu.memref_slice %arg6[%max3A_248, %select_n3A_30, %dma_wait3A_298, %select_n3A_46, %dma_wait3A_299] : memref<4098x2x2x8x128xf32, #tpu.memory_space<hbm>> -> memref<104x1x2x1x128xf32, #tpu.memory_space<hbm>>
        %dma_wait3A_301 = tpu.memref_squeeze %dma_wait3A_300 : memref<104x1x2x1x128xf32, #tpu.memory_space<hbm>> -> memref<104x2x128xf32, #tpu.memory_space<hbm>>
        tpu.wait_dma2 semaphore(%arg17 : memref<!tpu.dma_semaphore, #tpu.memory_space<semaphore_mem>>) src(%arg9 : memref<104x2x128xf32, #tpu.memory_space<vmem>>) dst(%dma_wait3A_301 : memref<104x2x128xf32, #tpu.memory_space<hbm>>)
      } else {
      }
      %sub3A_272 = arith.constant 1 : i32
      %sub3A_273 = arith.subi %select_n3A_164, %sub3A_272 : i32
      %jit3A_274 = arith.constant 2 : i32
      %eq3A_275 = arith.constant 0 : i32
      %eq3A_276 = arith.cmpi eq, %jit3A_274, %eq3A_275 : i32
      %jit3A_277 = arith.constant 1 : i32
      %select_n3A_278 = arith.select %eq3A_276, %jit3A_277, %jit3A_274 : i32
      %rem3A_279 = arith.remsi %sub3A_273, %select_n3A_278 : i32
      %ne3A_280 = arith.constant 0 : i32
      %ne3A_281 = arith.cmpi ne, %rem3A_279, %ne3A_280 : i32
      %lt3A_282 = arith.constant 0 : i32
      %lt3A_283 = arith.cmpi slt, %rem3A_279, %lt3A_282 : i32
      %lt3A_284 = arith.constant 0 : i32
      %lt3A_285 = arith.cmpi slt, %select_n3A_278, %lt3A_284 : i32
      %ne3A_286 = arith.xori %lt3A_283, %lt3A_285 : i1
      %and3A_287 = arith.andi %ne3A_286, %ne3A_281 : i1
      %add3A_288 = arith.addi %rem3A_279, %select_n3A_278 : i32
      %select_n3A_289 = arith.select %and3A_287, %add3A_288, %rem3A_279 : i32
      %eq3A_290 = arith.constant 1 : i32
      %eq3A_291 = arith.cmpi eq, %select_n3A_289, %eq3A_290 : i32
      %convert_element_type3A_292 = arith.extui %eq3A_291 : i1 to i32
      %cond3A_293 = arith.constant 0 : i32
      %cond3A_294 = arith.cmpi ne, %convert_element_type3A_292, %cond3A_293 : i32
      scf.if %cond3A_294 {
        %dma_wait3A = arith.constant 0 : i32
        %dma_wait3A_295 = arith.constant 0 : i32
        %dma_wait3A_296 = tpu.memref_slice %arg6[%max3A_248, %select_n3A_30, %dma_wait3A, %select_n3A_46, %dma_wait3A_295] : memref<4098x2x2x8x128xf32, #tpu.memory_space<hbm>> -> memref<104x1x2x1x128xf32, #tpu.memory_space<hbm>>
        %dma_wait3A_297 = tpu.memref_squeeze %dma_wait3A_296 : memref<104x1x2x1x128xf32, #tpu.memory_space<hbm>> -> memref<104x2x128xf32, #tpu.memory_space<hbm>>
        %dma_wait3A_298 = arith.constant 0 : i32
        %dma_wait3A_299 = arith.constant 0 : i32
        %dma_wait3A_300 = tpu.memref_slice %arg6[%max3A_248, %select_n3A_30, %dma_wait3A_298, %select_n3A_46, %dma_wait3A_299] : memref<4098x2x2x8x128xf32, #tpu.memory_space<hbm>> -> memref<104x1x2x1x128xf32, #tpu.memory_space<hbm>>
        %dma_wait3A_301 = tpu.memref_squeeze %dma_wait3A_300 : memref<104x1x2x1x128xf32, #tpu.memory_space<hbm>> -> memref<104x2x128xf32, #tpu.memory_space<hbm>>
        tpu.wait_dma2 semaphore(%arg18 : memref<!tpu.dma_semaphore, #tpu.memory_space<semaphore_mem>>) src(%arg10 : memref<104x2x128xf32, #tpu.memory_space<vmem>>) dst(%dma_wait3A_301 : memref<104x2x128xf32, #tpu.memory_space<hbm>>)
      } else {
      }
    } else {
    }
    %ge3A_235 = arith.constant 2 : i32
    %ge3A_236 = arith.cmpi sge, %select_n3A_164, %ge3A_235 : i32
    %convert_element_type3A_237 = arith.extui %ge3A_236 : i1 to i32
    %cond3A_238 = arith.constant 0 : i32
    %cond3A_239 = arith.cmpi ne, %convert_element_type3A_237, %cond3A_238 : i32
    scf.if %cond3A_239 {
      %sub3A_240 = arith.constant 2 : i32
      %sub3A_241 = arith.subi %select_n3A_164, %sub3A_240 : i32
      %mul3A_242 = arith.constant 104 : i32
      %mul3A_243 = arith.muli %sub3A_241, %mul3A_242 : i32
      %add3A_244 = arith.addi %mul3A_9, %mul3A_243 : i32
      %sub3A_245 = arith.constant 104 : i32
      %sub3A_246 = arith.subi %sub3A_133, %sub3A_245 : i32
      %min3A_247 = arith.minsi %add3A_244, %sub3A_246 : i32
      %max3A_248 = arith.maxsi %min3A_247, %mul3A_9 : i32
      %sub3A_249 = arith.constant 2 : i32
      %sub3A_250 = arith.subi %select_n3A_164, %sub3A_249 : i32
      %jit3A_251 = arith.constant 2 : i32
      %eq3A_252 = arith.constant 0 : i32
      %eq3A_253 = arith.cmpi eq, %jit3A_251, %eq3A_252 : i32
      %jit3A_254 = arith.constant 1 : i32
      %select_n3A_255 = arith.select %eq3A_253, %jit3A_254, %jit3A_251 : i32
      %rem3A_256 = arith.remsi %sub3A_250, %select_n3A_255 : i32
      %ne3A_257 = arith.constant 0 : i32
      %ne3A_258 = arith.cmpi ne, %rem3A_256, %ne3A_257 : i32
      %lt3A_259 = arith.constant 0 : i32
      %lt3A_260 = arith.cmpi slt, %rem3A_256, %lt3A_259 : i32
      %lt3A_261 = arith.constant 0 : i32
      %lt3A_262 = arith.cmpi slt, %select_n3A_255, %lt3A_261 : i32
      %ne3A_263 = arith.xori %lt3A_260, %lt3A_262 : i1
      %and3A_264 = arith.andi %ne3A_263, %ne3A_258 : i1
      %add3A_265 = arith.addi %rem3A_256, %select_n3A_255 : i32
      %select_n3A_266 = arith.select %and3A_264, %add3A_265, %rem3A_256 : i32
      %eq3A_267 = arith.constant 0 : i32
      %eq3A_268 = arith.cmpi eq, %select_n3A_266, %eq3A_267 : i32
      %convert_element_type3A_269 = arith.extui %eq3A_268 : i1 to i32
      %cond3A_270 = arith.constant 0 : i32
      %cond3A_271 = arith.cmpi ne, %convert_element_type3A_269, %cond3A_270 : i32
      scf.if %cond3A_271 {
        %dma_wait3A = arith.constant 0 : i32
        %dma_wait3A_295 = arith.constant 0 : i32
        %dma_wait3A_296 = tpu.memref_slice %arg6[%max3A_248, %select_n3A_30, %dma_wait3A, %select_n3A_46, %dma_wait3A_295] : memref<4098x2x2x8x128xf32, #tpu.memory_space<hbm>> -> memref<104x1x2x1x128xf32, #tpu.memory_space<hbm>>
        %dma_wait3A_297 = tpu.memref_squeeze %dma_wait3A_296 : memref<104x1x2x1x128xf32, #tpu.memory_space<hbm>> -> memref<104x2x128xf32, #tpu.memory_space<hbm>>
        %dma_wait3A_298 = arith.constant 0 : i32
        %dma_wait3A_299 = arith.constant 0 : i32
        %dma_wait3A_300 = tpu.memref_slice %arg6[%max3A_248, %select_n3A_30, %dma_wait3A_298, %select_n3A_46, %dma_wait3A_299] : memref<4098x2x2x8x128xf32, #tpu.memory_space<hbm>> -> memref<104x1x2x1x128xf32, #tpu.memory_space<hbm>>
        %dma_wait3A_301 = tpu.memref_squeeze %dma_wait3A_300 : memref<104x1x2x1x128xf32, #tpu.memory_space<hbm>> -> memref<104x2x128xf32, #tpu.memory_space<hbm>>
        tpu.wait_dma2 semaphore(%arg17 : memref<!tpu.dma_semaphore, #tpu.memory_space<semaphore_mem>>) src(%arg9 : memref<104x2x128xf32, #tpu.memory_space<vmem>>) dst(%dma_wait3A_301 : memref<104x2x128xf32, #tpu.memory_space<hbm>>)
      } else {
      }
      %sub3A_272 = arith.constant 2 : i32
      %sub3A_273 = arith.subi %select_n3A_164, %sub3A_272 : i32
      %jit3A_274 = arith.constant 2 : i32
      %eq3A_275 = arith.constant 0 : i32
      %eq3A_276 = arith.cmpi eq, %jit3A_274, %eq3A_275 : i32
      %jit3A_277 = arith.constant 1 : i32
      %select_n3A_278 = arith.select %eq3A_276, %jit3A_277, %jit3A_274 : i32
      %rem3A_279 = arith.remsi %sub3A_273, %select_n3A_278 : i32
      %ne3A_280 = arith.constant 0 : i32
      %ne3A_281 = arith.cmpi ne, %rem3A_279, %ne3A_280 : i32
      %lt3A_282 = arith.constant 0 : i32
      %lt3A_283 = arith.cmpi slt, %rem3A_279, %lt3A_282 : i32
      %lt3A_284 = arith.constant 0 : i32
      %lt3A_285 = arith.cmpi slt, %select_n3A_278, %lt3A_284 : i32
      %ne3A_286 = arith.xori %lt3A_283, %lt3A_285 : i1
      %and3A_287 = arith.andi %ne3A_286, %ne3A_281 : i1
      %add3A_288 = arith.addi %rem3A_279, %select_n3A_278 : i32
      %select_n3A_289 = arith.select %and3A_287, %add3A_288, %rem3A_279 : i32
      %eq3A_290 = arith.constant 1 : i32
      %eq3A_291 = arith.cmpi eq, %select_n3A_289, %eq3A_290 : i32
      %convert_element_type3A_292 = arith.extui %eq3A_291 : i1 to i32
      %cond3A_293 = arith.constant 0 : i32
      %cond3A_294 = arith.cmpi ne, %convert_element_type3A_292, %cond3A_293 : i32
      scf.if %cond3A_294 {
        %dma_wait3A = arith.constant 0 : i32
        %dma_wait3A_295 = arith.constant 0 : i32
        %dma_wait3A_296 = tpu.memref_slice %arg6[%max3A_248, %select_n3A_30, %dma_wait3A, %select_n3A_46, %dma_wait3A_295] : memref<4098x2x2x8x128xf32, #tpu.memory_space<hbm>> -> memref<104x1x2x1x128xf32, #tpu.memory_space<hbm>>
        %dma_wait3A_297 = tpu.memref_squeeze %dma_wait3A_296 : memref<104x1x2x1x128xf32, #tpu.memory_space<hbm>> -> memref<104x2x128xf32, #tpu.memory_space<hbm>>
        %dma_wait3A_298 = arith.constant 0 : i32
        %dma_wait3A_299 = arith.constant 0 : i32
        %dma_wait3A_300 = tpu.memref_slice %arg6[%max3A_248, %select_n3A_30, %dma_wait3A_298, %select_n3A_46, %dma_wait3A_299] : memref<4098x2x2x8x128xf32, #tpu.memory_space<hbm>> -> memref<104x1x2x1x128xf32, #tpu.memory_space<hbm>>
        %dma_wait3A_301 = tpu.memref_squeeze %dma_wait3A_300 : memref<104x1x2x1x128xf32, #tpu.memory_space<hbm>> -> memref<104x2x128xf32, #tpu.memory_space<hbm>>
        tpu.wait_dma2 semaphore(%arg18 : memref<!tpu.dma_semaphore, #tpu.memory_space<semaphore_mem>>) src(%arg10 : memref<104x2x128xf32, #tpu.memory_space<vmem>>) dst(%dma_wait3A_301 : memref<104x2x128xf32, #tpu.memory_space<hbm>>)
      } else {
      }
    } else {
    }
    return
  }
}

</mosaic_0001>

<sc_bundles>
// kernel: kernel.3.cloned.1.call-start
scs
__scs_entry_jumppad:
0x0: {  	(pc) =	sbr.rel $0x88, $3  }
0x1: {  	(tag) =	ssettag $0x0;
	lr =	simm.s32 $0x1  }
0x2: {  	[smem:$0x3F9E] =	sst lr;
	_ =	strace $0xD0000000  }
0x3: {  	_ = 	snop  }
0x4: {  	_ = 	snop  }
0x5: {  	_ = 	snop  }
0x6: {  	_ = 	snop  }
0x7: {  	_ = 	snop  }
__scs_overlays_trampoline_lowered:
0x8: {  	[smem:$0x3FAD] =	sst s0  }
0x9: {  	[smem:$0x3FAE] =	sst s1  }
0xa: {  	[smem:$0x3FAF] =	sst s2  }
0xb: {  	[smem:$0x3FB0] =	sst s3  }
0xc: {  	[smem:$0x3FB1] =	sst s4  }
0xd: {  	[smem:$0x3FB2] =	sst s5  }
0xe: {  	[smem:$0x3FB3] =	sst s6  }
0xf: {  	[smem:$0x3FB4] =	sst s7  }
0x10: {  	[smem:$0x3FB5] =	sst s8  }
0x11: {  	[smem:$0x3FB6] =	sst s9;
	s0 =	simm.s32 @!p0 $0x0  }
0x12: {  	s1 =	sld [smem:$0x3F9C];
	s0 =	simm.s32 @p0 $0x1  }
0x13: {  	[smem:$0x3FB7] =	sst s0;
	s0 =	simm.s32 @!p1 $0x0  }
0x14: {  	s2 =	sld [smem:$0x3F9B];
	s0 =	simm.s32 @p1 $0x1  }
0x15: {  	[smem:$0x3FB8] =	sst s0;
	s0 =	simm.s32 @!p2 $0x0  }
0x16: {  	s3 =	sld [smem:$0x3FDB];
	s0 =	simm.s32 @p2 $0x1  }
0x17: {  	s4 =	simm.s32 $0x1BF5;
	[smem:$0x3FBA] =	sst s0  }
0x18: {  	s0 =	sld [smem:$0x3F9D];
	_ =	swait.ge [sflag:s4], $0x0  }
0x19: {  	s7 =	sld [smem:$0x3F9E]  }
0x1a: {  	s8 =	sadd.s32 $0xFFFFE003, lr  }
0x1b: {  	s9 =	sadd.s32 $0xFFFFFEF7, lr;
	s5 =	simm.s32 $0xFFFFFFFF;
	p2 =	slt.u32 s8, $0xFFFFF086  }
0x1c: {  	p1 =	slt.u32 s9, $0xF7A;
	s5 =	simm.s32 @!p2 $0x0  }
0x1d: {  	s5 =	simm.s32 @p1 $0x1;
	p0 =	seq.s32 s7, s2  }
0x1e: {  	s7 =	smul.u32 @!p0 $0xF7A, s2;
	p2 =	seq.s32 @!p0 s5, $0x0  }
0x1f: {  	s9 =	smul.u32 $0xF7A, s1;
	s8 =	simm.s32 @!p0 $0x1BF5;
	p2 =	por !p2, p0  }
0x20: {  	[sflag:s8] =	ssyncset.s32 @!p0 $0xFFFFF086;
	s6 =	sadd.s32 @!p0 s3, s7;
	s7 =	simm.s32 @!p0 $0x108  }
0x21: {  	s3 =	sadd.s32 s3, s9;
	s6 =	sadd.s32 @!p0 $0x88, s6;
	s7 =	simm.s32 @p2 $0x1082  }
0x22: {  	[simem:s7], [sflag:s8] =	dma.local @!p0 [hbm:s6], $0xF7A  }
0x23: {  	s9 =	sor.u32 $0xD0000000, s2;
	s6 =	simm.s32 $0x108;
	_ =	swait.ge @!p0 [sflag:s8], $0x0  }
0x24: {  	s3 =	sadd.s32 $0x88, s3;
	s6 =	simm.s32 @!p1 $0x1082;
	[sflag:s4] =	ssyncset.s32 $0xFFFFF086  }
0x25: {  	[simem:s6], [sflag:s4] =	dma.local [hbm:s3], $0xF7A  }
0x26: {  	[smem:$0x3F9E] =	sst s1;
	(tag) =	ssettag s2;
	_ =	strace s9  }
0x27: {  	s1 =	sld [smem:$0x3FAE]  }
0x28: {  	s2 =	sld [smem:$0x3FAF]  }
0x29: {  	s4 =	sld [smem:$0x3FB1]  }
0x2a: {  	p0 =	seq.s32 s5, $0x0;
	s5 =	sld [smem:$0x3FB2]  }
0x2b: {  	s6 =	sld [smem:$0x3FB3]  }
0x2c: {  	s7 =	sld [smem:$0x3FB4]  }
0x2d: {  	s3 =	simm.s32 $0x108;
	s8 =	sld [smem:$0x3FB5]  }
0x2e: {  	s3 =	simm.s32 @!p0 $0x1082;
	s9 =	sld [smem:$0x3FB6]  }
0x2f: {  	lr =	sadd.s32 s0, s3;
	s0 =	sld [smem:$0x3FAD]  }
0x30: {  	s3 =	sld [smem:$0x3FB0]  }
0x31: {  	[smem:$0x3FB9] =	sst s10  }
0x32: {  	s10 =	sld [smem:$0x3FB7];
	_ =	sdelay $0x3  }
0x33: {  	p0 =	seq.s32 s10, $0x1;
	s10 =	sld [smem:$0x3FB9];
	_ =	sdelay $0x3  }
0x34: {  	[smem:$0x3FB9] =	sst s10  }
0x35: {  	s10 =	sld [smem:$0x3FB8];
	_ =	sdelay $0x3  }
0x36: {  	p1 =	seq.s32 s10, $0x1;
	s10 =	sld [smem:$0x3FB9];
	_ =	sdelay $0x3  }
0x37: {  	[smem:$0x3FB9] =	sst s10  }
0x38: {  	s10 =	sld [smem:$0x3FBA]  }
0x39: {  	_ = 	snop;
	(pc) =	sbr.ind lr, $3  }
0x3a: {  	_ = 	snop  }
0x3b: {  	_ = 	snop  }
0x3c: {  	p2 =	seq.s32 s10, $0x1;
	s10 =	sld [smem:$0x3FB9]  }
0x3d: {  	_ =	shalt  }
0x3e: {  	_ =	shalt  }
0x3f: {  	_ =	shalt  }
0x40: {  	_ =	shalt  }
0x41: {  	_ =	shalt  }
0x42: {  	_ =	shalt  }
0x43: {  	_ =	shalt  }
0x44: {  	_ =	shalt  }
0x45: {  	_ =	shalt  }
0x46: {  	_ =	shalt  }
0x47: {  	_ =	shalt  }
0x48: {  	_ =	shalt  }
0x49: {  	_ =	shalt  }
0x4a: {  	_ =	shalt  }
0x4b: {  	_ =	shalt  }
0x4c: {  	_ =	shalt  }
0x4d: {  	_ =	shalt  }
0x4e: {  	_ =	shalt  }
0x4f: {  	_ =	shalt  }
0x50: {  	_ =	shalt  }
0x51: {  	_ =	shalt  }
0x52: {  	_ =	shalt  }
0x53: {  	_ =	shalt  }
0x54: {  	_ =	shalt  }
0x55: {  	_ =	shalt  }
0x56: {  	_ =	shalt  }
0x57: {  	_ =	shalt  }
0x58: {  	_ =	shalt  }
0x59: {  	_ =	shalt  }
0x5a: {  	_ =	shalt  }
0x5b: {  	_ =	shalt  }
0x5c: {  	_ =	shalt  }
0x5d: {  	_ =	shalt  }
0x5e: {  	_ =	shalt  }
0x5f: {  	_ =	shalt  }
0x60: {  	_ =	shalt  }
0x61: {  	_ =	shalt  }
0x62: {  	_ =	shalt  }
0x63: {  	_ =	shalt  }
0x64: {  	_ =	shalt  }
0x65: {  	_ =	shalt  }
0x66: {  	_ =	shalt  }
0x67: {  	_ =	shalt  }
0x68: {  	_ =	shalt  }
0x69: {  	_ =	shalt  }
0x6a: {  	_ =	shalt  }
0x6b: {  	_ =	shalt  }
0x6c: {  	_ =	shalt  }
0x6d: {  	_ =	shalt  }
0x6e: {  	_ =	shalt  }
0x6f: {  	_ =	shalt  }
0x70: {  	_ =	shalt  }
0x71: {  	_ =	shalt  }
0x72: {  	_ =	shalt  }
0x73: {  	_ =	shalt  }
0x74: {  	_ =	shalt  }
0x75: {  	_ =	shalt  }
0x76: {  	_ =	shalt  }
0x77: {  	_ =	shalt  }
0x78: {  	_ =	shalt  }
0x79: {  	_ =	shalt  }
0x7a: {  	_ =	shalt  }
0x7b: {  	_ =	shalt  }
0x7c: {  	_ =	shalt  }
0x7d: {  	_ =	shalt  }
0x7e: {  	_ =	shalt  }
0x7f: {  	_ =	shalt  }
0x80: {  	_ =	shalt  }
0x81: {  	_ =	shalt  }
0x82: {  	_ =	shalt  }
0x83: {  	_ =	shalt  }
0x84: {  	_ =	shalt  }
0x85: {  	_ =	shalt  }
0x86: {  	_ =	shalt  }
0x87: {  	_ =	shalt  }
.Lfunc_end0:
.L_simem_size_0:
called_computation_lowered:
.L_overlay_start_0:
0x88: {  	s2 =	sld [smem:$0x3FD9]  }
0x89: {  	s3 =	sld [smem:$0x3FFE];
	_ =	sdelay $0x1  }
0x8a: {  	s1 =	srdreg.scid  }
0x8b: {  	s0 =	sand.u32 $0x1, s1  }
0x8c: {  	s17 =	sshll.u32 s0, $0xA;
	s2 =	sadd.s32 s3, s2  }
0x8d: {  	s2 =	sadd.s32 s2, s17  }
0x8e: {  	[smem:$0x3FC5] =	sst s2  }
0x8f: {  	_ = 	snop  }
0x90: {  	s2 =	sld [smem:$0x3FD0];
	(tm) =	ssettm $0x1  }
0x91: {  	s18 =	sld [smem:$0x3FFB];
	_ =	sdelay $0x3  }
0x92: {  	_ =	strace s18  }
0x93: {  	s3 =	sld [smem:$0x3FFC];
	_ =	sdelay $0x3  }
0x94: {  	_ =	strace s3  }
0x95: {  	s3 =	sld [smem:$0x3FFD];
	_ =	sdelay $0x3  }
0x96: {  	_ =	strace s3  }
0x97: {  	_ =	strace $0x8FFFFFFF  }
0x98: {  	s19 =	sld [smem:$0x3FDB];
	_ =	sdelay $0x1  }
0x99: {  	s4 =	simm.s32 $_scs_section_size  }
0x9a: {  	s5 =	simm.s32 $_size__tile_overlayer_lowered;
	s6 =	simm.s32 $_tile_overlayer_lowered  }
0x9b: {  	s22 =	simm.s32 $0x1BFF;
	s21 =	sshll.u32 s6, $0x1;
	s3 =	sadd.s32 s4, s19  }
0x9c: {  	s7 =	simm.s32 $0x0;
	s20 =	sshll.u32 s5, $0x1;
	s5 =	sadd.s32 s21, s3  }
0x9d: {  	[timem:s7], [sflag:s22] =	dma.local [hbm:s5], s20  }
0x9e: {  	_ =	swait.ge [sflag:s22], s20  }
0x9f: {  	s4 =	ssub.s32 $0x0, s20;
	[sflag:s22] =	ssyncset.done $0x0  }
0xa0: {  	[sflag:s22] =	ssyncadd.s32 s4;
	_ =	sdelay $0x1  }
0xa1: {  	s23 =	simm.s32 $0x1B8B  }
0xa2: {  	_ =	swait.ge [sflag:s23], $0x1  }
0xa3: {  	[sflag:s23] =	ssyncset.done $0x0  }
0xa4: {  	s25 =	simm.s32 $0x1B8E;
	s24 =	sld [smem:$0x3FFE];
	[sflag:s23] =	ssyncadd.s32 $0xFFFFFFFF  }
0xa5: {  	s26 =	simm.s32 $execute0_lowered;
	[smem:$0x3FD2] =	sst s25  }
0xa6: {  	s5 =	sshll.u32 s26, $0x1;
	_ =	strace $0x80000046;
	[dreg:$0x1] =	wrdreg $0xFFFFFFFF  }
0xa7: {  	s28 =	simm.s32 $_size_execute0_lowered;
	s3 =	sadd.s32 s3, s5;
	[dreg:$0x0] =	wrdreg $0x0  }
0xa8: {  	s5 =	sshll.u32 s28, $0x1;
	[dreg:$0x2] =	wrdreg s3  }
0xa9: {  	[dreg:$0x3] =	wrdreg s5  }
0xaa: {  	[dreg:$0x4] =	wrdreg $0xC0  }
0xab: {  	_ =	task [dreg:s7], $0x5FFFF  }
0xac: {  	[dreg:$0x1] =	wrdreg $0xFFFFFFFF  }
0xad: {  	[dreg:$0x0] =	wrdreg $0x60  }
0xae: {  	[dreg:$0x2] =	wrdreg s24  }
0xaf: {  	[dreg:$0x3] =	wrdreg s2  }
0xb0: {  	[dreg:$0x4] =	wrdreg $0x9  }
0xb1: {  	_ =	task.clear_ibuf [dreg:s7], $0x5FFFF;
	_ =	strace $0x90000046  }
0xb2: {  	s29 =	simm.s32 $0x9;
	_ =	strace $0x80000048  }
0xb3: {  	_ =	swait.ge [sflag:s29], $0x1  }
0xb4: {  	[sflag:s29] =	ssyncadd.s32 $0xFFFFFFFF  }
0xb5: {  	_ =	strace $0x90000048  }
0xb6: {  	_ =	sfence  }
0xb7: {  	s30 =	sld [smem:$0x0];
	_ =	sdelay $0x2  }
0xb8: {  	s31 =	sshll.u32 s1, $0xD;
	s1 =	sshrl.u32 s1, $0x2  }
0xb9: {  	s3 =	sand.u32 $0x4000, s31;
	s1 =	sadd.s32 s1, s30  }
0xba: {  	s0 =	sor.u32 s3, s0;
	s1 =	sshll.u32 s1, $0x11  }
0xbb: {  	s0 =	sor.u32 s1, s0  }
0xbc: {  	s0 =	sadd.s32 $0x8F2B, s0  }
0xbd: {  	[sflag:s0] =	ssyncadd.remote.s32 $0x1  }
0xbe: {  	_ =	sfence.sel $0xFFFF  }
0xbf: {  	[dreg:$0x0] =	wrdreg $0xFFFFFFFF;
	(pc) =	sbr.abs _section_cstart, $3  }
0xc0: {  	[dreg:$0x1] =	wrdreg $0xFFFFFFFF  }
0xc1: {  	_ =	task.clear_ibuf [dreg:s7], $0x2FFFF;
	_ =	strace $0x9FFFFFFF  }
0xc2: {  	(tm) =	ssettm $0x7FFFFFFF  }
0xc3: {  	_ =	shalt  }
tec
execute0_lowered:
.L_overlay_start_1:
0x0: {  	(tag) =	ssettag $0x1  }
0x1: {  	s2 =	rddreg [dreg:$0x0]  }
0x2: {  	s30 =	rddreg [dreg:$0x1];
	s0 =	simm.s32 $0x0;
	s21 =	srdreg.scid  }
0x3: {  	s3 =	stileid.u32;
	s18 =	simm.s32 $0x801;
	[smem:$0x7FF] =	sst s0  }
0x4: {  	s26 =	sadd.s32 $0x600, s2;
	s1 =	sadd.s32 s21, s3;
	s4 =	sadd.s32 $0x400, s2  }
0x5: {  	s0 =	sand.u32 $0x1, s21;
	s22 =	sadd.s32 $0x200, s2;
	s29 =	sshll.u32 s3, $0x8  }
0x6: {  	s31 =	sshll.u32 s3, $0x7;
	_ =	strace $0x80000047;
	[dreg:$0x4] =	wrdreg s4  }
0x7: {  	s1 =	sand.u32 $0x1, s1;
	s0 =	ssub.s32 $0x2, s0;
	[dreg:$0x5] =	wrdreg s22  }
0x8: {  	s2 =	sand.u32 $0x380, s31;
	p0 =	seq.s32 s1, $0x1;
	s1 =	sand.u32 $0x800, s29  }
0x9: {  	[dreg:$0x3] =	wrdreg s26;
	s18 =	simm.s32 @!p0 $0x0;
	s13 =	sor.u32 s2, s1  }
0xa: {  	s23 =	sshrl.u32 s0, $0x1;
	s25 =	sadd.s32 $0xFFFFFFFF, s18;
	[dreg:$0xa] =	wrdreg s13  }
.Ltmp0:
0xb: {  	s28 =	sor.u32 $0x68, s18;
	[dreg:$0x7] =	wrdreg s25;
	(pc) =	sbr.rel .LBB2_1-.Ltmp0, $4  }
0xc: {  	s0 =	ssub.s32 s0, s23;
	s24 =	sadd.s32 $0x801, s18;
	[dreg:$0x8] =	wrdreg s28  }
0xd: {  	s20 =	simm.s32 $0x80;
	s0 =	smax.u32 s0, $0x1;
	[dreg:$0x6] =	wrdreg s24  }
0xe: {  	v1 =	vlaneseq.u32;
	v0 =	vmov s3;
	s21 =	simm.s32 $0x400;
	s5 =	sshll.u32 s24, $0xC;
	[dreg:$0xb] =	wrdreg s0  }
0xf: {  	vm0 =	veq.s32 v0, v1;
	v0 =	vimm.f32 $0.0e+00;
	s22 =	simm.s32 $0x5;
	s2 =	simm.s32 $0x0;
	[dreg:$0x9] =	wrdreg s5  }
.LBB2_18:
0x10: {  	[sflag:s22] =	ssyncadd.s32 $0xFFFFC000  }
.LBB2_19:
0x11: {  	s0 =	sand.u32 @!p0 $0x1, s29  }
0x12: {  	p2 =	seq.s32 @!p0 s0, $0x1  }
0x13: {  	s0 =	simm.s32 @!p0 $0x3;
	p2 =	por !p2, p0  }
0x14: {  	s1 =	sand.u32 @p1 $0x1, s29;
	s0 =	simm.s32 @p2 $0x4  }
0x15: {  	p2 =	seq.s32 @p1 s1, $0x1;
	_ =	swait.ge @!p0 [sflag:s0], $0x6800  }
0x16: {  	s1 =	simm.s32 @p1 $0x4;
	p2 =	por !p2, !p1;
	[sflag:s0] =	ssyncset.done @!p0 $0x0  }
0x17: {  	s1 =	simm.s32 @p2 $0x3;
	[sflag:s0] =	ssyncadd.s32 @!p0 $0xFFFF9800  }
0x18: {  	_ =	swait.ge @p1 [sflag:s1], $0x6800  }
0x19: {  	s2 =	sadd.s32 $0x1, s2;
	s31 =	rddreg [dreg:$0xb]  }
0x1a: {  	p0 =	sne.s32 s2, s31  }
.Ltmp1:
0x1b: {  	_ = 	snop;
	(pc) =	sbr.rel @!p0 .LBB2_20-.Ltmp1, $3  }
0x1c: {  	_ =	sdelay $0x1  }
0x1d: {  	[sflag:s1] =	ssyncset.done @p1 $0x0  }
0x1e: {  	[sflag:s1] =	ssyncadd.s32 @p1 $0xFFFF9800  }
.LBB2_1:
0x1f: {  	[dreg:$0xc] =	wrdreg s2;
	s1 =	simm.s32 $0x0  }
0x20: {  	s0 =	rddreg [dreg:$0x4];
	s17 =	simm.s32 $0x1E000;
	s19 =	simm.s32 $0x6  }
0x21: {  	[tilespmem:s17], [sflag:$0x6] =	stream.linear.gather [hbm4b:s0+s1], $0x100, $0x38;
	[tilespmem:$0x1E120] =	vst v63  }
0x22: {  	_ =	swait.ge [sflag:s19], $0x100  }
0x23: {  	[sflag:s19] =	ssyncset.done $0x0  }
0x24: {  	s3 =	simm.s32 $0x1E100;
	s23 =	rddreg [dreg:$0x5];
	[sflag:s19] =	ssyncadd.s32 $0xFFFFFF00  }
0x25: {  	[tilespmem:s3], [sflag:$0x6] =	stream.linear.gather [hbm4b:s23+s1], $0x10, $0x38;
	[tilespmem:$0x1E120] =	vst v63  }
0x26: {  	_ =	swait.ge [sflag:s19], $0x10  }
0x27: {  	[sflag:s19] =	ssyncset.done $0x0  }
0x28: {  	[sflag:s19] =	ssyncadd.s32 $0xFFFFFFF0  }
0x29: {  	s25 =	simm.s32 $0x1E110;
	s24 =	rddreg [dreg:$0x0]  }
0x2a: {  	[tilespmem:s25], [sflag:$0x6] =	stream.linear.gather [hbm4b:s24+s1], $0x10, $0x38;
	[tilespmem:$0x1E120] =	vst v63  }
0x2b: {  	_ =	swait.ge [sflag:s19], $0x10  }
0x2c: {  	[sflag:s19] =	ssyncset.done $0x0  }
0x2d: {  	[sflag:s19] =	ssyncadd.s32 $0xFFFFFFF0  }
0x2e: {  	v1 =	vld [tilespmem:$0x1E100]  }
0x2f: {  	v2 =	vld [tilespmem:$0x1E110];
	_ =	sdelay $0x3  }
0x30: {  	v1 =	vnsel vm0, $0x0, v1  }
0x31: {  	(xrf0) =	vadd.scan.msk.s32 $0xffff, v1;
	v1 =	vnsel vm0, $0x0, v2  }
0x32: {  	(xrf0) =	vadd.scan.msk.s32 $0xffff, v1;
	_ =	sdelay $0x4  }
0x33: {  	v1, _, _ =	vpop (xrf0)  }
0x34: {  	(v2sf) =	vpush v1, $0xF;
	v1, _, _ =	vpop (xrf0)  }
0x35: {  	(v2sf) =	vpush v1, $0xF;
	_ =	sdelay $0xd  }
0x36: {  	s8 =	spop (v2sf)  }
0x37: {  	s1 =	spop (v2sf)  }
0x38: {  	s16 =	sadd.s32 $0x2, s1  }
0x39: {  	p0 =	sgt.s32 s18, s16;
	s0 =	smov.u32 s16  }
0x3a: {  	s28 =	rddreg [dreg:$0x6];
	s0 =	smov.u32 @p0 s18  }
0x3b: {  	s31 =	smax.u32 s28, s0  }
0x3c: {  	s0 =	ssub.s32 s31, s0  }
0x3d: {  	s2 =	sand.u32 $0x3F, s0  }
0x3e: {  	p6 =	sge.s32 s16, s28;
	p1 =	sne.s32 s2, $0x0  }
0x3f: {  	v3 =	vld [tilespmem:$0x1E020];
	p0 =	por !p6, !p1  }
0x40: {  	v4 =	vld [tilespmem:$0x1E030];
	s2 =	simm.s32 $0x1;
	p0 =	por !p0, !p0  }
0x41: {  	v5 =	vld [tilespmem:$0x1E040];
	s0 =	sshrl.u32 s0, $0x6;
	s2 =	simm.s32 @!p0 $0x0  }
0x42: {  	v6 =	vld [tilespmem:$0x1E050];
	s9 =	ssub.s32 s0, s2  }
0x43: {  	v7 =	vld [tilespmem:$0x1E060];
	s0 =	sshll.u32 s9, $0x6  }
0x44: {  	v8 =	vld [tilespmem:$0x1E070];
	s0 =	ssub.s32 s28, s0  }
0x45: {  	v9 =	vld [tilespmem:$0x1E080];
	s2 =	ssub.s32 s0, s18  }
0x46: {  	s3 =	rddreg [dreg:$0x7];
	v10 =	vld [tilespmem:$0x1E090];
	p0 =	slt.s32 s2, $0x1  }
0x47: {  	v11 =	vld [tilespmem:$0x1E0A0];
	s3 =	sadd.s32 @!p0 s3, s8  }
0x48: {  	v12 =	vld [tilespmem:$0x1E0B0];
	p1 =	sgt.s32 @!p0 s3, $0x0  }
0x49: {  	v13 =	vld [tilespmem:$0x1E0C0];
	p1 =	por !p1, p0  }
0x4a: {  	v14 =	vld [tilespmem:$0x1E0D0];
	s3 =	simm.s32 @p1 $0x0  }
0x4b: {  	v15 =	vld [tilespmem:$0x1E0E0];
	s4 =	simm.s32 @!p0 $0x1A00;
	s3 =	smin.u32 @!p0 s3, $0x7F98  }
0x4c: {  	v16 =	vld [tilespmem:$0x1E0F0];
	s6 =	simm.s32 @!p0 $0x200000;
	p1 =	slt.u32 @!p0 s2, $0x69;
	s3 =	sshll.u32 @!p0 s3, $0x3  }
0x4d: {  	v2 =	vld [tilespmem:$0x1E010];
	s7 =	simm.s32 @!p0 $0x0;
	p2 =	por p1, p0;
	s3 =	sadd.s32 @!p0 s26, s3  }
0x4e: {  	v1 =	vld [tilespmem:$0x1E000];
	[tilespmem:s7], [sflag:$0x1] =	stream.strided.gather @!p0 [hbm4b:s3+s4], $0x6800, s6, s4, $0x38  }
0x4f: {  	s3 =	sadd.s32 @!p2 $0xFFFFFF98, s0;
	s4 =	rddreg [dreg:$0x8]  }
0x50: {  	p3 =	slt.s32 @!p2 s4, s3  }
0x51: {  	p3 =	por @!p0 !p3, p1  }
0x52: {  	p3 =	por !p3, p0  }
0x53: {  	s3 =	smov.u32 @p3 s4  }
0x54: {  	p3 =	sgt.s32 @!p2 s3, s18  }
0x55: {  	p3 =	por @!p0 !p3, p1  }
0x56: {  	s4 =	smov.u32 s18;
	p3 =	por !p3, p0  }
0x57: {  	s4 =	smov.u32 @p3 s3  }
0x58: {  	s3 =	sadd.s32 @!p2 s4, s8  }
0x59: {  	s3 =	sadd.s32 @!p2 $0xFFFFFFFF, s3  }
0x5a: {  	p4 =	sgt.s32 s2, $0x0;
	p3 =	sgt.s32 @!p2 s3, $0x0  }
0x5b: {  	s2 =	simm.s32 @!p4 $0x0;
	p3 =	por @!p0 !p3, p1  }
0x5c: {  	s2 =	sadd.s32 $0x67, s2;
	p3 =	por !p3, p0  }
0x5d: {  	s2 =	smulhi.u32 $0x4EC4EC4F, s2;
	s3 =	simm.s32 @!p3 $0x0  }
0x5e: {  	[dreg:$0xd] =	wrdreg s8;
	s6 =	simm.s32 @!p2 $0x200000;
	s3 =	smin.u32 @!p2 s3, $0x7F98  }
0x5f: {  	s7 =	simm.s32 @!p2 $0x6800;
	s29 =	sshrl.u32 s2, $0x5;
	s3 =	sshll.u32 @!p2 s3, $0x3  }
0x60: {  	s2 =	simm.s32 $0x1A200;
	s4 =	simm.s32 @!p2 $0x1A00;
	s3 =	sadd.s32 @!p2 s26, s3  }
0x61: {  	[tilespmem:s7], [sflag:$0x2] =	stream.strided.gather @!p2 [hbm4b:s3+s4], $0x6800, s6, s4, $0x38;
	[tilespmem:$0x1E120] =	vst v63  }
0x62: {  	[tilespmem:s2+$0xFFFFFE00] =	vst v0  }
0x63: {  	[tilespmem:s2+$0x1F0] =	vst v0  }
0x64: {  	[tilespmem:s2+$0x1E0] =	vst v0  }
0x65: {  	[tilespmem:s2+$0x1D0] =	vst v0  }
0x66: {  	[tilespmem:s2+$0x1C0] =	vst v0  }
0x67: {  	[tilespmem:s2+$0x1B0] =	vst v0  }
0x68: {  	[tilespmem:s2+$0x1A0] =	vst v0  }
0x69: {  	[tilespmem:s2+$0x190] =	vst v0  }
0x6a: {  	[tilespmem:s2+$0x180] =	vst v0  }
0x6b: {  	[tilespmem:s2+$0x170] =	vst v0  }
0x6c: {  	[tilespmem:s2+$0x160] =	vst v0  }
0x6d: {  	[tilespmem:s2+$0x150] =	vst v0  }
0x6e: {  	[tilespmem:s2+$0x140] =	vst v0  }
0x6f: {  	[tilespmem:s2+$0x130] =	vst v0  }
0x70: {  	[tilespmem:s2+$0x120] =	vst v0  }
0x71: {  	[tilespmem:s2+$0x110] =	vst v0  }
0x72: {  	[tilespmem:s2+$0x100] =	vst v0  }
0x73: {  	[tilespmem:s2+$0xF0] =	vst v0  }
0x74: {  	[tilespmem:s2+$0xE0] =	vst v0  }
0x75: {  	[tilespmem:s2+$0xD0] =	vst v0  }
0x76: {  	[tilespmem:s2+$0xC0] =	vst v0  }
0x77: {  	[tilespmem:s2+$0xB0] =	vst v0  }
0x78: {  	[tilespmem:s2+$0xA0] =	vst v0  }
0x79: {  	[tilespmem:s2+$0x90] =	vst v0  }
0x7a: {  	[tilespmem:s2+$0x80] =	vst v0  }
0x7b: {  	[tilespmem:s2+$0x70] =	vst v0  }
0x7c: {  	[tilespmem:s2+$0x60] =	vst v0  }
0x7d: {  	[tilespmem:s2+$0x50] =	vst v0  }
0x7e: {  	[tilespmem:s2+$0x40] =	vst v0  }
0x7f: {  	[tilespmem:s2+$0x30] =	vst v0  }
0x80: {  	[tilespmem:s2+$0x20] =	vst v0  }
0x81: {  	[tilespmem:s2+$0x10] =	vst v0  }
0x82: {  	[tilespmem:s2+$0x0] =	vst v0  }
0x83: {  	[tilespmem:s2+$0xFFFFFFF0] =	vst v0  }
0x84: {  	[tilespmem:s2+$0xFFFFFFE0] =	vst v0  }
0x85: {  	[tilespmem:s2+$0xFFFFFFD0] =	vst v0  }
0x86: {  	[tilespmem:s2+$0xFFFFFFC0] =	vst v0  }
0x87: {  	[tilespmem:s2+$0xFFFFFFB0] =	vst v0  }
0x88: {  	[tilespmem:s2+$0xFFFFFFA0] =	vst v0  }
0x89: {  	[tilespmem:s2+$0xFFFFFF90] =	vst v0  }
0x8a: {  	[tilespmem:s2+$0xFFFFFF80] =	vst v0  }
0x8b: {  	[tilespmem:s2+$0xFFFFFF70] =	vst v0  }
0x8c: {  	[tilespmem:s2+$0xFFFFFF60] =	vst v0  }
0x8d: {  	[tilespmem:s2+$0xFFFFFF50] =	vst v0  }
0x8e: {  	[tilespmem:s2+$0xFFFFFF40] =	vst v0  }
0x8f: {  	[tilespmem:s2+$0xFFFFFF30] =	vst v0  }
0x90: {  	[tilespmem:s2+$0xFFFFFF20] =	vst v0  }
0x91: {  	[tilespmem:s2+$0xFFFFFF10] =	vst v0  }
0x92: {  	[tilespmem:s2+$0xFFFFFF00] =	vst v0  }
0x93: {  	[tilespmem:s2+$0xFFFFFEF0] =	vst v0  }
0x94: {  	[tilespmem:s2+$0xFFFFFEE0] =	vst v0  }
0x95: {  	[tilespmem:s2+$0xFFFFFED0] =	vst v0  }
0x96: {  	[tilespmem:s2+$0xFFFFFEC0] =	vst v0  }
0x97: {  	[tilespmem:s2+$0xFFFFFEB0] =	vst v0  }
0x98: {  	[tilespmem:s2+$0xFFFFFEA0] =	vst v0  }
0x99: {  	[tilespmem:s2+$0xFFFFFE90] =	vst v0  }
0x9a: {  	[tilespmem:s2+$0xFFFFFE80] =	vst v0  }
0x9b: {  	[tilespmem:s2+$0xFFFFFE70] =	vst v0  }
0x9c: {  	[tilespmem:s2+$0xFFFFFE60] =	vst v0  }
0x9d: {  	[tilespmem:s2+$0xFFFFFE50] =	vst v0  }
0x9e: {  	p1 =	por !p1, p0;
	p3 =	por @!p0 $0x0, $0x0;
	p2 =	por @!p2 $0x1, $0x1;
	[tilespmem:s2+$0xFFFFFE40] =	vst v0  }
0x9f: {  	p2 =	por @!p1 p3, p3;
	p1 =	por $0x0, $0x0;
	[tilespmem:s2+$0xFFFFFE30] =	vst v0  }
0xa0: {  	s3 =	simm.s32 $0x0;
	[tilespmem:s2+$0xFFFFFE20] =	vst v0;
	p1 =	por @!p0 p2, p2  }
.LBB2_2:
0xa1: {  	s3 =	sadd.s32 $0x4, s3;
	[tilespmem:s2+$0xFFFFFE10] =	vst v0;
	s2 =	sadd.s32 $0x400, s2  }
0xa2: {  	[tilespmem:s2+$0xFFFFFE00] =	vst v0;
	p2 =	slt.u32 s3, $0x3C  }
0xa3: {  	[tilespmem:s2+$0x1F0] =	vst v0  }
0xa4: {  	[tilespmem:s2+$0x1E0] =	vst v0  }
0xa5: {  	[tilespmem:s2+$0x1D0] =	vst v0  }
0xa6: {  	[tilespmem:s2+$0x1C0] =	vst v0  }
0xa7: {  	[tilespmem:s2+$0x1B0] =	vst v0  }
0xa8: {  	[tilespmem:s2+$0x1A0] =	vst v0  }
0xa9: {  	[tilespmem:s2+$0x190] =	vst v0  }
0xaa: {  	[tilespmem:s2+$0x180] =	vst v0  }
0xab: {  	[tilespmem:s2+$0x170] =	vst v0  }
0xac: {  	[tilespmem:s2+$0x160] =	vst v0  }
0xad: {  	[tilespmem:s2+$0x150] =	vst v0  }
0xae: {  	[tilespmem:s2+$0x140] =	vst v0  }
0xaf: {  	[tilespmem:s2+$0x130] =	vst v0  }
0xb0: {  	[tilespmem:s2+$0x120] =	vst v0  }
0xb1: {  	[tilespmem:s2+$0x110] =	vst v0  }
0xb2: {  	[tilespmem:s2+$0x100] =	vst v0  }
0xb3: {  	[tilespmem:s2+$0xF0] =	vst v0  }
0xb4: {  	[tilespmem:s2+$0xE0] =	vst v0  }
0xb5: {  	[tilespmem:s2+$0xD0] =	vst v0  }
0xb6: {  	[tilespmem:s2+$0xC0] =	vst v0  }
0xb7: {  	[tilespmem:s2+$0xB0] =	vst v0  }
0xb8: {  	[tilespmem:s2+$0xA0] =	vst v0  }
0xb9: {  	[tilespmem:s2+$0x90] =	vst v0  }
0xba: {  	[tilespmem:s2+$0x80] =	vst v0  }
0xbb: {  	[tilespmem:s2+$0x70] =	vst v0  }
0xbc: {  	[tilespmem:s2+$0x60] =	vst v0  }
0xbd: {  	[tilespmem:s2+$0x50] =	vst v0  }
0xbe: {  	[tilespmem:s2+$0x40] =	vst v0  }
0xbf: {  	[tilespmem:s2+$0x30] =	vst v0  }
0xc0: {  	[tilespmem:s2+$0x20] =	vst v0  }
0xc1: {  	[tilespmem:s2+$0x10] =	vst v0  }
0xc2: {  	[tilespmem:s2+$0x0] =	vst v0  }
0xc3: {  	[tilespmem:s2+$0xFFFFFFF0] =	vst v0  }
0xc4: {  	[tilespmem:s2+$0xFFFFFFE0] =	vst v0  }
0xc5: {  	[tilespmem:s2+$0xFFFFFFD0] =	vst v0  }
0xc6: {  	[tilespmem:s2+$0xFFFFFFC0] =	vst v0  }
0xc7: {  	[tilespmem:s2+$0xFFFFFFB0] =	vst v0  }
0xc8: {  	[tilespmem:s2+$0xFFFFFFA0] =	vst v0  }
0xc9: {  	[tilespmem:s2+$0xFFFFFF90] =	vst v0  }
0xca: {  	[tilespmem:s2+$0xFFFFFF80] =	vst v0  }
0xcb: {  	[tilespmem:s2+$0xFFFFFF70] =	vst v0  }
0xcc: {  	[tilespmem:s2+$0xFFFFFF60] =	vst v0  }
0xcd: {  	[tilespmem:s2+$0xFFFFFF50] =	vst v0  }
0xce: {  	[tilespmem:s2+$0xFFFFFF40] =	vst v0  }
0xcf: {  	[tilespmem:s2+$0xFFFFFF30] =	vst v0  }
0xd0: {  	[tilespmem:s2+$0xFFFFFF20] =	vst v0  }
0xd1: {  	[tilespmem:s2+$0xFFFFFF10] =	vst v0  }
0xd2: {  	[tilespmem:s2+$0xFFFFFF00] =	vst v0  }
0xd3: {  	[tilespmem:s2+$0xFFFFFEF0] =	vst v0  }
0xd4: {  	[tilespmem:s2+$0xFFFFFEE0] =	vst v0  }
0xd5: {  	[tilespmem:s2+$0xFFFFFED0] =	vst v0  }
0xd6: {  	[tilespmem:s2+$0xFFFFFEC0] =	vst v0  }
0xd7: {  	[tilespmem:s2+$0xFFFFFEB0] =	vst v0  }
0xd8: {  	[tilespmem:s2+$0xFFFFFEA0] =	vst v0  }
0xd9: {  	[tilespmem:s2+$0xFFFFFE90] =	vst v0  }
0xda: {  	[tilespmem:s2+$0xFFFFFE80] =	vst v0  }
0xdb: {  	[tilespmem:s2+$0xFFFFFE70] =	vst v0  }
.Ltmp2:
0xdc: {  	[tilespmem:s2+$0xFFFFFE60] =	vst v0;
	(pc) =	sbr.rel @p2 .LBB2_2-.Ltmp2, $4  }
0xdd: {  	[tilespmem:s2+$0xFFFFFE50] =	vst v0  }
0xde: {  	[tilespmem:s2+$0xFFFFFE40] =	vst v0  }
0xdf: {  	[tilespmem:s2+$0xFFFFFE30] =	vst v0  }
0xe0: {  	[tilespmem:s2+$0xFFFFFE20] =	vst v0  }
0xe1: {  	p2 =	sgt.s32 s9, $0x0  }
.Ltmp3:
0xe2: {  	_ = 	snop;
	(pc) =	sbr.rel @!p2 .LBB2_4-.Ltmp3, $2  }
0xe3: {  	_ =	sdelay $0x2  }
0xe4: {  	[tilespmem:s2+$0xFFFFFE10] =	vst v0;
	s2 =	simm.s32 $0x0  }
.LBB2_12:
0xe5: {  	s2 =	sadd.s32 $0x1, s2  }
0xe6: {  	s3 =	sshll.u32 s2, $0x12  }
0xe7: {  	s3 =	ssub.s32 s5, s3  }
0xe8: {  	s3 =	sor.u32 s13, s3  }
0xe9: {  	s3 =	sshrl.u32 s3, $0x3  }
0xea: {  	s4 =	simm.s32 $0x1A000;
	s3 =	sadd.s32 s30, s3  }
0xeb: {  	s6 =	simm.s32 $0x200;
	s7 =	simm.s32 $0x1A100;
	s8 =	sadd.s32 $0x0, s3  }
.LBB2_13:
0xec: {  	[hbm4b:s8+s20] =	stream.strided.scatter [tilespmem:s4], [sflag:$0x5], $0x100, s21, s20, $0x38;
	[tilespmem:$0x1E120] =	vst v63  }
0xed: {  	s8 =	smov.u32 s6;
	s4 =	smov.u32 s7;
	p2 =	seq.s32 s6, $0x7E00  }
.Ltmp4:
0xee: {  	s6 =	sadd.s32 $0x200, s6;
	(pc) =	sbr.rel @!p2 .LBB2_13-.Ltmp4, $2  }
0xef: {  	_ =	sdelay $0x2  }
0xf0: {  	s7 =	sadd.s32 $0x100, s7;
	s8 =	sadd.s32 s8, s3  }
0xf1: {  	[hbm4b:s8+s20] =	stream.strided.scatter [tilespmem:s4], [sflag:$0x5], $0x100, s21, s20, $0x38;
	[tilespmem:$0x1E120] =	vst v63  }
0xf2: {  	p2 =	seq.s32 s2, s9  }
.Ltmp5:
0xf3: {  	_ = 	snop;
	(pc) =	sbr.rel @!p2 .LBB2_12-.Ltmp5, $1  }
0xf4: {  	_ =	sdelay $0x3  }
.LBB2_4:
0xf5: {  	s2 =	sadd.s32 $0x1, s29  }
0xf6: {  	s17 =	sshrl.u32 s2, $0x1  }
0xf7: {  	p2 =	seq.s32 s17, $0x0  }
.Ltmp6:
0xf8: {  	_ = 	snop;
	(pc) =	sbr.rel @p2 .LBB2_15-.Ltmp6, $2  }
0xf9: {  	_ =	sdelay $0x2  }
0xfa: {  	[dreg:$0xf] =	wrdreg s9  }
.Ltmp7:
0xfb: {  	(pc) =	sbr.rel .LBB2_6-.Ltmp7, $4  }
0xfc: {  	s31 =	rddreg [dreg:$0xd]  }
0xfd: {  	s8 =	sadd.s32 $0xFFFFFF98, s0;
	s11 =	rddreg [dreg:$0x8]  }
0xfe: {  	s3 =	sadd.s32 $0x1, s1;
	s15 =	simm.s32 $0x0;
	[dreg:$0xe] =	wrdreg s16  }
0xff: {  	s6 =	smov.u32 s18;
	[dreg:$0x10] =	wrdreg s17;
	s0 =	sadd.s32 $0xFFFFFFFF, s31  }
.LBB2_52:
0x100: {  	s15 =	sadd.s32 $0x1, s15  }
0x101: {  	p2 =	seq.s32 s15, s17  }
.Ltmp8:
0x102: {  	_ = 	snop;
	(pc) =	sbr.rel @p2 .LBB2_15-.Ltmp8, $2  }
0x103: {  	_ =	sdelay $0x2  }
0x104: {  	s6 =	sadd.s32 $0xD0, s6;
	s11 =	sadd.s32 $0xD0, s11  }
.LBB2_6:
0x105: {  	s1 =	sshll.u32 s15, $0x1  }
0x106: {  	p2 =	sge.s32 s1, s29  }
.Ltmp9:
0x107: {  	_ = 	snop;
	(pc) =	sbr.rel @p2 .LBB2_34-.Ltmp9, $1  }
0x108: {  	_ =	sdelay $0x3  }
0x109: {  	s2 =	smul.u32 $0xD0, s15;
	_ =	sdelay $0x1  }
0x10a: {  	s2 =	sadd.s32 s18, s2  }
0x10b: {  	s4 =	smov.u32 s8;
	p2 =	slt.s32 s2, s8  }
0x10c: {  	s4 =	smov.u32 @p2 s2  }
0x10d: {  	s7 =	smov.u32 s18;
	p2 =	sgt.s32 s4, s18  }
0x10e: {  	s7 =	smov.u32 @p2 s4  }
0x10f: {  	p3 =	slt.s32 s6, s8;
	s28 =	sadd.s32 s7, s0  }
0x110: {  	s31 =	smov.u32 s8;
	p2 =	sgt.s32 s28, $0x0;
	s4 =	smov.u32 s28  }
0x111: {  	s31 =	smov.u32 @p3 s6;
	s4 =	simm.s32 @!p2 $0x0  }
0x112: {  	s5 =	simm.s32 $0x1;
	p2 =	sgt.s32 s18, s31;
	s4 =	smin.u32 s4, $0x7F98  }
0x113: {  	_ =	swait.ge [sflag:s5], $0x6800;
	s31 =	smov.u32 @p2 s18;
	p2 =	sne.s32 s28, s4  }
.Ltmp10:
0x114: {  	p3 =	seq.s32 s15, $0x0;
	[sflag:s5] =	ssyncset.done $0x0;
	(pc) =	sbr.rel @p2 .LBB2_8-.Ltmp10, $4  }
0x115: {  	s9 =	simm.s32 @!p3 $0x3;
	[sflag:s5] =	ssyncadd.s32 $0xFFFF9800  }
0x116: {  	_ =	swait.ge @!p3 [sflag:s9], $0x6800  }
0x117: {  	[sflag:s9] =	ssyncset.done @!p3 $0x0  }
0x118: {  	s10 =	simm.s32 $0xD200;
	s2 =	simm.s32 $0x4EF0;
	[sflag:s9] =	ssyncadd.s32 @!p3 $0xFFFF9800  }
0x119: {  	v17 =	vld [tilespmem:s2+$0xFFFFB1D0];
	_ =	sdelay $0x3  }
0x11a: {  	v18 =	vld [tilespmem:s2+$0xFFFFB110]  }
0x11b: {  	v19 =	vld [tilespmem:s2+$0xFFFFB150];
	v17 =	vmul.f32 v17, v1  }
0x11c: {  	v20 =	vld [tilespmem:s2+$0xFFFFB190]  }
0x11d: {  	[tilespmem:s10+$0x100] =	vst v17  }
0x11e: {  	v17 =	vld [tilespmem:s2+$0xFFFFB1E0]  }
0x11f: {  	v18 =	vmul.f32 v18, v1  }
0x120: {  	v19 =	vmul.f32 v19, v1  }
0x121: {  	v20 =	vmul.f32 v20, v1;
	[tilespmem:s10+$0xFFFFFE00] =	vst v18  }
0x122: {  	[tilespmem:s10+$0xFFFFFF00] =	vst v19;
	v18 =	vld [tilespmem:s2+$0xFFFFB120]  }
0x123: {  	[tilespmem:s10+$0x0] =	vst v20;
	v19 =	vld [tilespmem:s2+$0xFFFFB160];
	v17 =	vmul.f32 v17, v2  }
0x124: {  	v20 =	vld [tilespmem:s2+$0xFFFFB1A0]  }
0x125: {  	[tilespmem:s10+$0x110] =	vst v17  }
0x126: {  	v17 =	vld [tilespmem:s2+$0xFFFFB1F0]  }
0x127: {  	v18 =	vmul.f32 v18, v2  }
0x128: {  	v19 =	vmul.f32 v19, v2  }
0x129: {  	v20 =	vmul.f32 v20, v2;
	[tilespmem:s10+$0xFFFFFE10] =	vst v18  }
0x12a: {  	[tilespmem:s10+$0xFFFFFF10] =	vst v19;
	v18 =	vld [tilespmem:s2+$0xFFFFB130]  }
0x12b: {  	[tilespmem:s10+$0x10] =	vst v20;
	v19 =	vld [tilespmem:s2+$0xFFFFB170];
	v17 =	vmul.f32 v17, v3  }
0x12c: {  	v20 =	vld [tilespmem:s2+$0xFFFFB1B0]  }
0x12d: {  	[tilespmem:s10+$0x120] =	vst v17  }
0x12e: {  	v17 =	vld [tilespmem:s2+$0xFFFFB200]  }
0x12f: {  	v18 =	vmul.f32 v18, v3  }
0x130: {  	v19 =	vmul.f32 v19, v3  }
0x131: {  	v20 =	vmul.f32 v20, v3;
	[tilespmem:s10+$0xFFFFFE20] =	vst v18  }
0x132: {  	[tilespmem:s10+$0xFFFFFF20] =	vst v19;
	v18 =	vld [tilespmem:s2+$0xFFFFB140]  }
0x133: {  	[tilespmem:s10+$0x20] =	vst v20;
	v19 =	vld [tilespmem:s2+$0xFFFFB180];
	v17 =	vmul.f32 v17, v4  }
0x134: {  	v20 =	vld [tilespmem:s2+$0xFFFFB1C0]  }
0x135: {  	[tilespmem:s10+$0x130] =	vst v17  }
0x136: {  	v17 =	vld [tilespmem:s2+$0xFFFFCBD0]  }
0x137: {  	v18 =	vmul.f32 v18, v4  }
0x138: {  	v19 =	vmul.f32 v19, v4  }
0x139: {  	v20 =	vmul.f32 v20, v4;
	[tilespmem:s10+$0xFFFFFE30] =	vst v18  }
0x13a: {  	[tilespmem:s10+$0xFFFFFF30] =	vst v19;
	v18 =	vld [tilespmem:s2+$0xFFFFCB10]  }
0x13b: {  	[tilespmem:s10+$0x30] =	vst v20;
	v19 =	vld [tilespmem:s2+$0xFFFFCB50];
	v17 =	vmul.f32 v17, v5  }
0x13c: {  	v20 =	vld [tilespmem:s2+$0xFFFFCB90]  }
0x13d: {  	[tilespmem:s10+$0x140] =	vst v17  }
0x13e: {  	v17 =	vld [tilespmem:s2+$0xFFFFCBE0]  }
0x13f: {  	v18 =	vmul.f32 v18, v5  }
0x140: {  	v19 =	vmul.f32 v19, v5  }
0x141: {  	v20 =	vmul.f32 v20, v5;
	[tilespmem:s10+$0xFFFFFE40] =	vst v18  }
0x142: {  	[tilespmem:s10+$0xFFFFFF40] =	vst v19;
	v18 =	vld [tilespmem:s2+$0xFFFFCB20]  }
0x143: {  	[tilespmem:s10+$0x40] =	vst v20;
	v19 =	vld [tilespmem:s2+$0xFFFFCB60];
	v17 =	vmul.f32 v17, v6  }
0x144: {  	v20 =	vld [tilespmem:s2+$0xFFFFCBA0]  }
0x145: {  	[tilespmem:s10+$0x150] =	vst v17  }
0x146: {  	v17 =	vld [tilespmem:s2+$0xFFFFCBF0]  }
0x147: {  	v18 =	vmul.f32 v18, v6  }
0x148: {  	v19 =	vmul.f32 v19, v6  }
0x149: {  	v20 =	vmul.f32 v20, v6;
	[tilespmem:s10+$0xFFFFFE50] =	vst v18  }
0x14a: {  	[tilespmem:s10+$0xFFFFFF50] =	vst v19;
	v18 =	vld [tilespmem:s2+$0xFFFFCB30]  }
0x14b: {  	[tilespmem:s10+$0x50] =	vst v20;
	v19 =	vld [tilespmem:s2+$0xFFFFCB70];
	v17 =	vmul.f32 v17, v7  }
0x14c: {  	v20 =	vld [tilespmem:s2+$0xFFFFCBB0]  }
0x14d: {  	[tilespmem:s10+$0x160] =	vst v17  }
0x14e: {  	v17 =	vld [tilespmem:s2+$0xFFFFCC00]  }
0x14f: {  	v18 =	vmul.f32 v18, v7  }
0x150: {  	v19 =	vmul.f32 v19, v7  }
0x151: {  	v20 =	vmul.f32 v20, v7;
	[tilespmem:s10+$0xFFFFFE60] =	vst v18  }
0x152: {  	[tilespmem:s10+$0xFFFFFF60] =	vst v19;
	v18 =	vld [tilespmem:s2+$0xFFFFCB40]  }
0x153: {  	[tilespmem:s10+$0x60] =	vst v20;
	v19 =	vld [tilespmem:s2+$0xFFFFCB80];
	v17 =	vmul.f32 v17, v8  }
0x154: {  	s4 =	simm.s32 $0x4FF0;
	v20 =	vld [tilespmem:s2+$0xFFFFCBC0]  }
0x155: {  	[tilespmem:s10+$0x170] =	vst v17;
	v17 =	vld [tilespmem:s4+$0xFFFFB1D0]  }
0x156: {  	v21 =	vld [tilespmem:s2+$0xFFFFE5D0]  }
0x157: {  	v22 =	vld [tilespmem:s4+$0xFFFFB150];
	v18 =	vmul.f32 v18, v8  }
0x158: {  	v23 =	vld [tilespmem:s4+$0xFFFFB190];
	v19 =	vmul.f32 v19, v8  }
0x159: {  	v20 =	vmul.f32 v20, v8;
	[tilespmem:s10+$0xFFFFFE70] =	vst v18;
	v18 =	vld [tilespmem:s4+$0xFFFFB110]  }
0x15a: {  	[tilespmem:s10+$0xFFFFFF70] =	vst v19;
	v19 =	vld [tilespmem:s2+$0xFFFFE510];
	v17 =	vmul.f32 v17, v1  }
0x15b: {  	s9 =	simm.s32 $0xD600;
	[tilespmem:s10+$0x70] =	vst v20;
	v20 =	vld [tilespmem:s2+$0xFFFFE550];
	v21 =	vmul.f32 v21, v9  }
0x15c: {  	v22 =	vmul.f32 v22, v1;
	[tilespmem:s9+$0x100] =	vst v17;
	v17 =	vld [tilespmem:s2+$0xFFFFE590]  }
0x15d: {  	v23 =	vmul.f32 v23, v1;
	v24 =	vld [tilespmem:s4+$0xFFFFB1E0];
	[tilespmem:s10+$0x180] =	vst v21  }
0x15e: {  	[tilespmem:s9+$0xFFFFFF00] =	vst v22;
	v18 =	vmul.f32 v18, v1;
	v21 =	vld [tilespmem:s2+$0xFFFFE5E0]  }
0x15f: {  	[tilespmem:s9+$0x0] =	vst v23;
	v22 =	vld [tilespmem:s4+$0xFFFFB160];
	v19 =	vmul.f32 v19, v9  }
0x160: {  	v20 =	vmul.f32 v20, v9;
	[tilespmem:s9+$0xFFFFFE00] =	vst v18;
	v18 =	vld [tilespmem:s4+$0xFFFFB1A0]  }
0x161: {  	v23 =	vld [tilespmem:s4+$0xFFFFB120];
	[tilespmem:s10+$0xFFFFFE80] =	vst v19;
	v17 =	vmul.f32 v17, v9  }
0x162: {  	[tilespmem:s10+$0xFFFFFF80] =	vst v20;
	v56 =	vld [tilespmem:s2+$0xFFFFE520];
	v19 =	vmul.f32 v24, v2  }
0x163: {  	v20 =	vld [tilespmem:s2+$0xFFFFE560];
	[tilespmem:s10+$0x80] =	vst v17;
	v17 =	vmul.f32 v21, v10  }
0x164: {  	v21 =	vmul.f32 v22, v2;
	[tilespmem:s9+$0x110] =	vst v19;
	v19 =	vld [tilespmem:s2+$0xFFFFE5A0]  }
0x165: {  	v18 =	vmul.f32 v18, v2;
	v22 =	vld [tilespmem:s4+$0xFFFFB1F0];
	[tilespmem:s10+$0x190] =	vst v17  }
0x166: {  	v17 =	vmul.f32 v23, v2;
	[tilespmem:s9+$0xFFFFFF10] =	vst v21;
	v21 =	vld [tilespmem:s2+$0xFFFFE5F0]  }
0x167: {  	[tilespmem:s9+$0x10] =	vst v18;
	v18 =	vmul.f32 v56, v10;
	v23 =	vld [tilespmem:s4+$0xFFFFB170]  }
0x168: {  	v20 =	vmul.f32 v20, v10;
	[tilespmem:s9+$0xFFFFFE10] =	vst v17;
	v17 =	vld [tilespmem:s4+$0xFFFFB1B0]  }
0x169: {  	[tilespmem:s10+$0xFFFFFE90] =	vst v18;
	v57 =	vld [tilespmem:s4+$0xFFFFB130];
	v18 =	vmul.f32 v19, v10  }
0x16a: {  	[tilespmem:s10+$0xFFFFFF90] =	vst v20;
	v19 =	vmul.f32 v22, v3;
	v22 =	vld [tilespmem:s2+$0xFFFFE530]  }
0x16b: {  	v20 =	vld [tilespmem:s2+$0xFFFFE570];
	[tilespmem:s10+$0x90] =	vst v18;
	v18 =	vmul.f32 v21, v11  }
0x16c: {  	v21 =	vmul.f32 v23, v3;
	[tilespmem:s9+$0x120] =	vst v19;
	v19 =	vld [tilespmem:s2+$0xFFFFE5B0]  }
0x16d: {  	v17 =	vmul.f32 v17, v3;
	v23 =	vld [tilespmem:s4+$0xFFFFB200];
	[tilespmem:s10+$0x1A0] =	vst v18  }
0x16e: {  	v18 =	vmul.f32 v57, v3;
	[tilespmem:s9+$0xFFFFFF20] =	vst v21;
	v21 =	vld [tilespmem:s2+$0xFFFFE600]  }
0x16f: {  	v58 =	vld [tilespmem:s4+$0xFFFFB180];
	[tilespmem:s9+$0x20] =	vst v17;
	v17 =	vmul.f32 v22, v11  }
0x170: {  	v20 =	vmul.f32 v20, v11;
	[tilespmem:s9+$0xFFFFFE20] =	vst v18;
	v18 =	vld [tilespmem:s4+$0xFFFFB1C0]  }
0x171: {  	v22 =	vld [tilespmem:s4+$0xFFFFB140];
	[tilespmem:s10+$0xFFFFFEA0] =	vst v17;
	v17 =	vmul.f32 v19, v11  }
0x172: {  	[tilespmem:s10+$0xFFFFFFA0] =	vst v20;
	v19 =	vmul.f32 v23, v4;
	v23 =	vld [tilespmem:s2+$0xFFFFE540]  }
0x173: {  	v20 =	vld [tilespmem:s2+$0xFFFFE580];
	[tilespmem:s10+$0xA0] =	vst v17;
	v17 =	vmul.f32 v21, v12  }
0x174: {  	v21 =	vmul.f32 v58, v4;
	[tilespmem:s9+$0x130] =	vst v19;
	v19 =	vld [tilespmem:s2+$0xFFFFE5C0]  }
0x175: {  	v18 =	vmul.f32 v18, v4;
	v59 =	vld [tilespmem:s4+$0xFFFFCBD0];
	[tilespmem:s10+$0x1B0] =	vst v17  }
0x176: {  	v17 =	vmul.f32 v22, v4;
	[tilespmem:s9+$0xFFFFFF30] =	vst v21;
	v21 =	vld [tilespmem:s2+$0xFFFFFFD0]  }
0x177: {  	v22 =	vld [tilespmem:s4+$0xFFFFCB50];
	[tilespmem:s9+$0x30] =	vst v18;
	v18 =	vmul.f32 v23, v12  }
0x178: {  	v20 =	vmul.f32 v20, v12;
	[tilespmem:s9+$0xFFFFFE30] =	vst v17;
	v17 =	vld [tilespmem:s4+$0xFFFFCB90]  }
0x179: {  	v23 =	vld [tilespmem:s4+$0xFFFFCB10];
	[tilespmem:s10+$0xFFFFFEB0] =	vst v18;
	v18 =	vmul.f32 v19, v12  }
0x17a: {  	[tilespmem:s10+$0xFFFFFFB0] =	vst v20;
	v19 =	vmul.f32 v59, v5;
	v60 =	vld [tilespmem:s2+$0xFFFFFF10]  }
0x17b: {  	v20 =	vld [tilespmem:s2+$0xFFFFFF50];
	[tilespmem:s10+$0xB0] =	vst v18;
	v18 =	vmul.f32 v21, v13  }
0x17c: {  	v21 =	vmul.f32 v22, v5;
	[tilespmem:s9+$0x140] =	vst v19;
	v19 =	vld [tilespmem:s2+$0xFFFFFF90]  }
0x17d: {  	v17 =	vmul.f32 v17, v5;
	v22 =	vld [tilespmem:s4+$0xFFFFCBE0];
	[tilespmem:s10+$0x1C0] =	vst v18  }
0x17e: {  	v18 =	vmul.f32 v23, v5;
	[tilespmem:s9+$0xFFFFFF40] =	vst v21;
	v21 =	vld [tilespmem:s2+$0xFFFFFFE0]  }
0x17f: {  	v23 =	vld [tilespmem:s4+$0xFFFFCB60];
	[tilespmem:s9+$0x40] =	vst v17;
	v17 =	vmul.f32 v60, v13  }
0x180: {  	v20 =	vmul.f32 v20, v13;
	[tilespmem:s9+$0xFFFFFE40] =	vst v18;
	v18 =	vld [tilespmem:s4+$0xFFFFCBA0]  }
0x181: {  	v61 =	vld [tilespmem:s4+$0xFFFFCB20];
	[tilespmem:s10+$0xFFFFFEC0] =	vst v17;
	v17 =	vmul.f32 v19, v13  }
0x182: {  	[tilespmem:s10+$0xFFFFFFC0] =	vst v20;
	v19 =	vmul.f32 v22, v6;
	v22 =	vld [tilespmem:s2+$0xFFFFFF20]  }
0x183: {  	v20 =	vld [tilespmem:s2+$0xFFFFFF60];
	[tilespmem:s10+$0xC0] =	vst v17;
	v17 =	vmul.f32 v21, v14  }
0x184: {  	v21 =	vmul.f32 v23, v6;
	[tilespmem:s9+$0x150] =	vst v19;
	v19 =	vld [tilespmem:s2+$0xFFFFFFA0]  }
0x185: {  	v18 =	vmul.f32 v18, v6;
	v23 =	vld [tilespmem:s4+$0xFFFFCBF0];
	[tilespmem:s10+$0x1D0] =	vst v17  }
0x186: {  	v17 =	vmul.f32 v61, v6;
	[tilespmem:s9+$0xFFFFFF50] =	vst v21;
	v21 =	vld [tilespmem:s2+$0xFFFFFFF0]  }
0x187: {  	v62 =	vld [tilespmem:s4+$0xFFFFCB70];
	[tilespmem:s9+$0x50] =	vst v18;
	v18 =	vmul.f32 v22, v14  }
0x188: {  	v20 =	vmul.f32 v20, v14;
	[tilespmem:s9+$0xFFFFFE50] =	vst v17;
	v17 =	vld [tilespmem:s4+$0xFFFFCBB0]  }
0x189: {  	v22 =	vld [tilespmem:s4+$0xFFFFCB30];
	[tilespmem:s10+$0xFFFFFED0] =	vst v18;
	v18 =	vmul.f32 v19, v14  }
0x18a: {  	[tilespmem:s10+$0xFFFFFFD0] =	vst v20;
	v19 =	vmul.f32 v23, v7;
	v23 =	vld [tilespmem:s2+$0xFFFFFF30]  }
0x18b: {  	v20 =	vld [tilespmem:s2+$0xFFFFFF70];
	[tilespmem:s10+$0xD0] =	vst v18;
	v18 =	vmul.f32 v21, v15  }
0x18c: {  	v21 =	vmul.f32 v62, v7;
	[tilespmem:s9+$0x160] =	vst v19;
	v19 =	vld [tilespmem:s2+$0xFFFFFFB0]  }
0x18d: {  	v17 =	vmul.f32 v17, v7;
	v63 =	vld [tilespmem:s4+$0xFFFFCC00];
	[tilespmem:s10+$0x1E0] =	vst v18  }
0x18e: {  	v18 =	vmul.f32 v22, v7;
	[tilespmem:s9+$0xFFFFFF60] =	vst v21;
	v25 =	vld [tilespmem:s2+$0x0]  }
0x18f: {  	v26 =	vld [tilespmem:s4+$0xFFFFCB80];
	[tilespmem:s9+$0x60] =	vst v17;
	v17 =	vmul.f32 v23, v15  }
0x190: {  	v20 =	vmul.f32 v20, v15;
	[tilespmem:s9+$0xFFFFFE60] =	vst v18;
	v21 =	vld [tilespmem:s4+$0xFFFFCBC0]  }
0x191: {  	v22 =	vld [tilespmem:s4+$0xFFFFCB40];
	[tilespmem:s10+$0xFFFFFEE0] =	vst v17;
	v19 =	vmul.f32 v19, v15  }
0x192: {  	[tilespmem:s10+$0xFFFFFFE0] =	vst v20;
	v24 =	vmul.f32 v63, v8;
	v18 =	vld [tilespmem:s2+$0xFFFFFF40]  }
0x193: {  	v17 =	vld [tilespmem:s2+$0xFFFFFF80];
	[tilespmem:s10+$0xE0] =	vst v19;
	v20 =	vmul.f32 v25, v16  }
0x194: {  	s12 =	simm.s32 $0x4;
	s14 =	simm.s32 $0x50F0;
	v23 =	vmul.f32 v26, v8;
	[tilespmem:s9+$0x170] =	vst v24;
	v19 =	vld [tilespmem:s2+$0xFFFFFFC0]  }
.LBB2_22:
0x195: {  	v24 =	vld [tilespmem:s14+$0xFFFFB1D0];
	v21 =	vmul.f32 v21, v8;
	[tilespmem:s10+$0x1F0] =	vst v20  }
0x196: {  	s12 =	sadd.s32 $0x4, s12;
	v20 =	vmul.f32 v22, v8;
	[tilespmem:s9+$0xFFFFFF70] =	vst v23;
	v22 =	vld [tilespmem:s4+$0xFFFFE5D0]  }
0x197: {  	p2 =	slt.u32 s12, $0x64;
	v23 =	vld [tilespmem:s14+$0xFFFFB150];
	[tilespmem:s9+$0x70] =	vst v21;
	v18 =	vmul.f32 v18, v16  }
0x198: {  	v21 =	vld [tilespmem:s14+$0xFFFFB190];
	[tilespmem:s9+$0xFFFFFE70] =	vst v20;
	v17 =	vmul.f32 v17, v16  }
0x199: {  	v20 =	vld [tilespmem:s14+$0xFFFFB110];
	[tilespmem:s10+$0xFFFFFEF0] =	vst v18;
	v18 =	vmul.f32 v19, v16  }
0x19a: {  	v19 =	vmul.f32 v24, v1;
	v24 =	vld [tilespmem:s4+$0xFFFFE510];
	[tilespmem:s10+$0xFFFFFFF0] =	vst v17  }
0x19b: {  	v17 =	vld [tilespmem:s4+$0xFFFFE550];
	v22 =	vmul.f32 v22, v9;
	[tilespmem:s10+$0xF0] =	vst v18;
	s10 =	smov.u32 s9;
	s9 =	sadd.s32 $0x400, s9  }
0x19c: {  	v18 =	vmul.f32 v23, v1;
	[tilespmem:s9+$0x100] =	vst v19;
	v19 =	vld [tilespmem:s4+$0xFFFFE590]  }
0x19d: {  	v21 =	vmul.f32 v21, v1;
	v23 =	vld [tilespmem:s14+$0xFFFFB1E0];
	[tilespmem:s10+$0x180] =	vst v22  }
0x19e: {  	v20 =	vmul.f32 v20, v1;
	[tilespmem:s9+$0xFFFFFF00] =	vst v18;
	v18 =	vld [tilespmem:s4+$0xFFFFE5E0]  }
0x19f: {  	v22 =	vld [tilespmem:s14+$0xFFFFB160];
	[tilespmem:s9+$0x0] =	vst v21;
	v21 =	vmul.f32 v24, v9  }
0x1a0: {  	[tilespmem:s9+$0xFFFFFE00] =	vst v20;
	v20 =	vld [tilespmem:s14+$0xFFFFB1A0];
	v17 =	vmul.f32 v17, v9  }
0x1a1: {  	v24 =	vld [tilespmem:s14+$0xFFFFB120];
	[tilespmem:s10+$0xFFFFFE80] =	vst v21;
	v19 =	vmul.f32 v19, v9  }
0x1a2: {  	v21 =	vmul.f32 v23, v2;
	v23 =	vld [tilespmem:s4+$0xFFFFE520];
	[tilespmem:s10+$0xFFFFFF80] =	vst v17  }
0x1a3: {  	v17 =	vld [tilespmem:s4+$0xFFFFE560];
	[tilespmem:s10+$0x80] =	vst v19;
	v18 =	vmul.f32 v18, v10  }
0x1a4: {  	v19 =	vmul.f32 v22, v2;
	[tilespmem:s9+$0x110] =	vst v21;
	v21 =	vld [tilespmem:s4+$0xFFFFE5A0]  }
0x1a5: {  	v20 =	vmul.f32 v20, v2;
	v22 =	vld [tilespmem:s14+$0xFFFFB1F0];
	[tilespmem:s10+$0x190] =	vst v18  }
0x1a6: {  	v18 =	vmul.f32 v24, v2;
	[tilespmem:s9+$0xFFFFFF10] =	vst v19;
	v19 =	vld [tilespmem:s4+$0xFFFFE5F0]  }
0x1a7: {  	v24 =	vld [tilespmem:s14+$0xFFFFB170];
	[tilespmem:s9+$0x10] =	vst v20;
	v20 =	vmul.f32 v23, v10  }
0x1a8: {  	[tilespmem:s9+$0xFFFFFE10] =	vst v18;
	v18 =	vld [tilespmem:s14+$0xFFFFB1B0];
	v17 =	vmul.f32 v17, v10  }
0x1a9: {  	v23 =	vld [tilespmem:s14+$0xFFFFB130];
	[tilespmem:s10+$0xFFFFFE90] =	vst v20;
	v20 =	vmul.f32 v21, v10  }
0x1aa: {  	v21 =	vmul.f32 v22, v3;
	v22 =	vld [tilespmem:s4+$0xFFFFE530];
	[tilespmem:s10+$0xFFFFFF90] =	vst v17  }
0x1ab: {  	v17 =	vld [tilespmem:s4+$0xFFFFE570];
	[tilespmem:s10+$0x90] =	vst v20;
	v19 =	vmul.f32 v19, v11  }
0x1ac: {  	v20 =	vmul.f32 v24, v3;
	[tilespmem:s9+$0x120] =	vst v21;
	v21 =	vld [tilespmem:s4+$0xFFFFE5B0]  }
0x1ad: {  	v18 =	vmul.f32 v18, v3;
	v24 =	vld [tilespmem:s14+$0xFFFFB200];
	[tilespmem:s10+$0x1A0] =	vst v19  }
0x1ae: {  	v19 =	vmul.f32 v23, v3;
	[tilespmem:s9+$0xFFFFFF20] =	vst v20;
	v20 =	vld [tilespmem:s4+$0xFFFFE600]  }
0x1af: {  	v23 =	vld [tilespmem:s14+$0xFFFFB180];
	[tilespmem:s9+$0x20] =	vst v18;
	v18 =	vmul.f32 v22, v11  }
0x1b0: {  	[tilespmem:s9+$0xFFFFFE20] =	vst v19;
	v19 =	vld [tilespmem:s14+$0xFFFFB1C0];
	v17 =	vmul.f32 v17, v11  }
0x1b1: {  	v22 =	vld [tilespmem:s14+$0xFFFFB140];
	[tilespmem:s10+$0xFFFFFEA0] =	vst v18;
	v18 =	vmul.f32 v21, v11  }
0x1b2: {  	v21 =	vmul.f32 v24, v4;
	v24 =	vld [tilespmem:s4+$0xFFFFE540];
	[tilespmem:s10+$0xFFFFFFA0] =	vst v17  }
0x1b3: {  	v17 =	vld [tilespmem:s4+$0xFFFFE580];
	[tilespmem:s10+$0xA0] =	vst v18;
	v18 =	vmul.f32 v20, v12  }
0x1b4: {  	v20 =	vmul.f32 v23, v4;
	[tilespmem:s9+$0x130] =	vst v21;
	v21 =	vld [tilespmem:s4+$0xFFFFE5C0]  }
0x1b5: {  	v19 =	vmul.f32 v19, v4;
	v23 =	vld [tilespmem:s14+$0xFFFFCBD0];
	[tilespmem:s10+$0x1B0] =	vst v18  }
0x1b6: {  	v18 =	vmul.f32 v22, v4;
	[tilespmem:s9+$0xFFFFFF30] =	vst v20;
	v20 =	vld [tilespmem:s4+$0xFFFFFFD0]  }
0x1b7: {  	v22 =	vld [tilespmem:s14+$0xFFFFCB50];
	[tilespmem:s9+$0x30] =	vst v19;
	v19 =	vmul.f32 v24, v12  }
0x1b8: {  	[tilespmem:s9+$0xFFFFFE30] =	vst v18;
	v18 =	vld [tilespmem:s14+$0xFFFFCB90];
	v17 =	vmul.f32 v17, v12  }
0x1b9: {  	v24 =	vld [tilespmem:s14+$0xFFFFCB10];
	[tilespmem:s10+$0xFFFFFEB0] =	vst v19;
	v19 =	vmul.f32 v21, v12  }
0x1ba: {  	v21 =	vmul.f32 v23, v5;
	v23 =	vld [tilespmem:s4+$0xFFFFFF10];
	[tilespmem:s10+$0xFFFFFFB0] =	vst v17  }
0x1bb: {  	v17 =	vld [tilespmem:s4+$0xFFFFFF50];
	[tilespmem:s10+$0xB0] =	vst v19;
	v19 =	vmul.f32 v20, v13  }
0x1bc: {  	v20 =	vmul.f32 v22, v5;
	[tilespmem:s9+$0x140] =	vst v21;
	v21 =	vld [tilespmem:s4+$0xFFFFFF90]  }
0x1bd: {  	v18 =	vmul.f32 v18, v5;
	v22 =	vld [tilespmem:s14+$0xFFFFCBE0];
	[tilespmem:s10+$0x1C0] =	vst v19  }
0x1be: {  	v19 =	vmul.f32 v24, v5;
	[tilespmem:s9+$0xFFFFFF40] =	vst v20;
	v20 =	vld [tilespmem:s4+$0xFFFFFFE0]  }
0x1bf: {  	v24 =	vld [tilespmem:s14+$0xFFFFCB60];
	[tilespmem:s9+$0x40] =	vst v18;
	v18 =	vmul.f32 v23, v13  }
0x1c0: {  	[tilespmem:s9+$0xFFFFFE40] =	vst v19;
	v19 =	vld [tilespmem:s14+$0xFFFFCBA0];
	v17 =	vmul.f32 v17, v13  }
0x1c1: {  	v23 =	vld [tilespmem:s14+$0xFFFFCB20];
	[tilespmem:s10+$0xFFFFFEC0] =	vst v18;
	v18 =	vmul.f32 v21, v13  }
0x1c2: {  	v21 =	vmul.f32 v22, v6;
	v22 =	vld [tilespmem:s4+$0xFFFFFF20];
	[tilespmem:s10+$0xFFFFFFC0] =	vst v17  }
0x1c3: {  	v17 =	vld [tilespmem:s4+$0xFFFFFF60];
	[tilespmem:s10+$0xC0] =	vst v18;
	v18 =	vmul.f32 v20, v14  }
0x1c4: {  	v20 =	vmul.f32 v24, v6;
	[tilespmem:s9+$0x150] =	vst v21;
	v21 =	vld [tilespmem:s4+$0xFFFFFFA0]  }
0x1c5: {  	v19 =	vmul.f32 v19, v6;
	v24 =	vld [tilespmem:s14+$0xFFFFCBF0];
	[tilespmem:s10+$0x1D0] =	vst v18  }
0x1c6: {  	v18 =	vmul.f32 v23, v6;
	[tilespmem:s9+$0xFFFFFF50] =	vst v20;
	v20 =	vld [tilespmem:s4+$0xFFFFFFF0]  }
0x1c7: {  	v23 =	vld [tilespmem:s14+$0xFFFFCB70];
	[tilespmem:s9+$0x50] =	vst v19;
	v19 =	vmul.f32 v22, v14  }
0x1c8: {  	[tilespmem:s9+$0xFFFFFE50] =	vst v18;
	v18 =	vld [tilespmem:s14+$0xFFFFCBB0];
	v17 =	vmul.f32 v17, v14  }
0x1c9: {  	v22 =	vld [tilespmem:s14+$0xFFFFCB30];
	[tilespmem:s10+$0xFFFFFED0] =	vst v19;
	v19 =	vmul.f32 v21, v14  }
0x1ca: {  	v21 =	vmul.f32 v24, v7;
	v24 =	vld [tilespmem:s4+$0xFFFFFF30];
	[tilespmem:s10+$0xFFFFFFD0] =	vst v17  }
0x1cb: {  	v17 =	vld [tilespmem:s4+$0xFFFFFF70];
	[tilespmem:s10+$0xD0] =	vst v19;
	v19 =	vmul.f32 v20, v15  }
0x1cc: {  	v20 =	vmul.f32 v23, v7;
	[tilespmem:s9+$0x160] =	vst v21;
	v23 =	vld [tilespmem:s4+$0xFFFFFFB0]  }
0x1cd: {  	v18 =	vmul.f32 v18, v7;
	v25 =	vld [tilespmem:s14+$0xFFFFCC00];
	[tilespmem:s10+$0x1E0] =	vst v19  }
0x1ce: {  	v19 =	vmul.f32 v22, v7;
	[tilespmem:s9+$0xFFFFFF60] =	vst v20;
	v20 =	vld [tilespmem:s4+$0x0]  }
0x1cf: {  	v26 =	vld [tilespmem:s14+$0xFFFFCB80];
	[tilespmem:s9+$0x60] =	vst v18;
	v18 =	vmul.f32 v24, v15  }
.Ltmp11:
0x1d0: {  	[tilespmem:s9+$0xFFFFFE60] =	vst v19;
	v21 =	vld [tilespmem:s14+$0xFFFFCBC0];
	v17 =	vmul.f32 v17, v15;
	(pc) =	sbr.rel @p2 .LBB2_22-.Ltmp11, $4  }
0x1d1: {  	v22 =	vld [tilespmem:s14+$0xFFFFCB40];
	[tilespmem:s10+$0xFFFFFEE0] =	vst v18;
	v19 =	vmul.f32 v23, v15  }
0x1d2: {  	v24 =	vmul.f32 v25, v8;
	v18 =	vld [tilespmem:s4+$0xFFFFFF40];
	[tilespmem:s10+$0xFFFFFFE0] =	vst v17  }
0x1d3: {  	v17 =	vld [tilespmem:s4+$0xFFFFFF80];
	[tilespmem:s10+$0xE0] =	vst v19;
	v20 =	vmul.f32 v20, v16  }
0x1d4: {  	v23 =	vmul.f32 v26, v8;
	[tilespmem:s9+$0x170] =	vst v24;
	v19 =	vld [tilespmem:s4+$0xFFFFFFC0];
	s4 =	smov.u32 s14;
	s14 =	sadd.s32 $0x100, s14  }
0x1d5: {  	_ = 	snop  }
0x1d6: {  	v22 =	vmul.f32 v22, v8;
	_ =	sdelay $0x1  }
0x1d7: {  	v21 =	vmul.f32 v21, v8;
	v24 =	vld [tilespmem:s4+$0xFFFFE5D0];
	[tilespmem:s9+$0xFFFFFE70] =	vst v22  }
0x1d8: {  	[tilespmem:s9+$0xFFFFFF70] =	vst v23;
	v22 =	vld [tilespmem:s4+$0xFFFFE510]  }
0x1d9: {  	[tilespmem:s9+$0x70] =	vst v21;
	v56 =	vld [tilespmem:s4+$0xFFFFE550]  }
0x1da: {  	v57 =	vld [tilespmem:s4+$0xFFFFE590];
	_ =	sdelay $0x1  }
0x1db: {  	v24 =	vmul.f32 v24, v9  }
0x1dc: {  	v22 =	vmul.f32 v22, v9  }
0x1dd: {  	[tilespmem:s9+$0x180] =	vst v24;
	v21 =	vmul.f32 v56, v9  }
0x1de: {  	v24 =	vld [tilespmem:s4+$0xFFFFE5E0];
	v58 =	vmul.f32 v57, v9;
	[tilespmem:s9+$0xFFFFFE80] =	vst v22  }
0x1df: {  	[tilespmem:s9+$0xFFFFFF80] =	vst v21;
	v59 =	vld [tilespmem:s4+$0xFFFFE520]  }
0x1e0: {  	v21 =	vld [tilespmem:s4+$0xFFFFE560];
	[tilespmem:s9+$0x80] =	vst v58  }
0x1e1: {  	v22 =	vld [tilespmem:s4+$0xFFFFE5A0];
	_ =	sdelay $0x1  }
0x1e2: {  	v24 =	vmul.f32 v24, v10  }
0x1e3: {  	v23 =	vmul.f32 v59, v10  }
0x1e4: {  	[tilespmem:s9+$0x190] =	vst v24;
	v21 =	vmul.f32 v21, v10  }
0x1e5: {  	v24 =	vld [tilespmem:s4+$0xFFFFE5F0];
	v22 =	vmul.f32 v22, v10;
	[tilespmem:s9+$0xFFFFFE90] =	vst v23  }
0x1e6: {  	[tilespmem:s9+$0xFFFFFF90] =	vst v21;
	v23 =	vld [tilespmem:s4+$0xFFFFE530]  }
0x1e7: {  	v21 =	vld [tilespmem:s4+$0xFFFFE570];
	[tilespmem:s9+$0x90] =	vst v22  }
0x1e8: {  	v22 =	vld [tilespmem:s4+$0xFFFFE5B0];
	_ =	sdelay $0x1  }
0x1e9: {  	v24 =	vmul.f32 v24, v11  }
0x1ea: {  	v23 =	vmul.f32 v23, v11  }
0x1eb: {  	[tilespmem:s9+$0x1A0] =	vst v24;
	v21 =	vmul.f32 v21, v11  }
0x1ec: {  	v24 =	vld [tilespmem:s4+$0xFFFFE600];
	v22 =	vmul.f32 v22, v11;
	[tilespmem:s9+$0xFFFFFEA0] =	vst v23  }
0x1ed: {  	[tilespmem:s9+$0xFFFFFFA0] =	vst v21;
	v23 =	vld [tilespmem:s4+$0xFFFFE540]  }
0x1ee: {  	v21 =	vld [tilespmem:s4+$0xFFFFE580];
	[tilespmem:s9+$0xA0] =	vst v22  }
0x1ef: {  	v22 =	vld [tilespmem:s4+$0xFFFFE5C0];
	_ =	sdelay $0x1  }
0x1f0: {  	v24 =	vmul.f32 v24, v12  }
0x1f1: {  	v23 =	vmul.f32 v23, v12  }
0x1f2: {  	[tilespmem:s9+$0x1B0] =	vst v24;
	v21 =	vmul.f32 v21, v12  }
0x1f3: {  	v24 =	vld [tilespmem:s4+$0xFFFFFFD0];
	v22 =	vmul.f32 v22, v12;
	[tilespmem:s9+$0xFFFFFEB0] =	vst v23  }
0x1f4: {  	[tilespmem:s9+$0xFFFFFFB0] =	vst v21;
	v23 =	vld [tilespmem:s4+$0xFFFFFF10]  }
0x1f5: {  	v21 =	vld [tilespmem:s4+$0xFFFFFF50];
	[tilespmem:s9+$0xB0] =	vst v22  }
0x1f6: {  	v22 =	vld [tilespmem:s4+$0xFFFFFF90];
	_ =	sdelay $0x1  }
0x1f7: {  	v24 =	vmul.f32 v24, v13  }
0x1f8: {  	v23 =	vmul.f32 v23, v13  }
0x1f9: {  	[tilespmem:s9+$0x1C0] =	vst v24;
	v21 =	vmul.f32 v21, v13  }
0x1fa: {  	v24 =	vld [tilespmem:s4+$0xFFFFFFE0];
	v22 =	vmul.f32 v22, v13;
	[tilespmem:s9+$0xFFFFFEC0] =	vst v23  }
0x1fb: {  	[tilespmem:s9+$0xFFFFFFC0] =	vst v21;
	v23 =	vld [tilespmem:s4+$0xFFFFFF20]  }
0x1fc: {  	v21 =	vld [tilespmem:s4+$0xFFFFFF60];
	[tilespmem:s9+$0xC0] =	vst v22  }
0x1fd: {  	v22 =	vld [tilespmem:s4+$0xFFFFFFA0];
	_ =	sdelay $0x1  }
0x1fe: {  	v24 =	vmul.f32 v24, v14  }
0x1ff: {  	v23 =	vmul.f32 v23, v14  }
0x200: {  	[tilespmem:s9+$0x1D0] =	vst v24;
	v21 =	vmul.f32 v21, v14  }
0x201: {  	v24 =	vld [tilespmem:s4+$0xFFFFFFF0];
	v22 =	vmul.f32 v22, v14;
	[tilespmem:s9+$0xFFFFFED0] =	vst v23  }
0x202: {  	[tilespmem:s9+$0xFFFFFFD0] =	vst v21;
	v23 =	vld [tilespmem:s4+$0xFFFFFF30]  }
0x203: {  	v21 =	vld [tilespmem:s4+$0xFFFFFF70];
	[tilespmem:s9+$0xD0] =	vst v22  }
0x204: {  	v22 =	vld [tilespmem:s4+$0xFFFFFFB0];
	_ =	sdelay $0x1  }
0x205: {  	v24 =	vmul.f32 v24, v15  }
0x206: {  	v23 =	vmul.f32 v23, v15  }
0x207: {  	[tilespmem:s9+$0x1E0] =	vst v24;
	v21 =	vmul.f32 v21, v15  }
0x208: {  	v60 =	vld [tilespmem:s4+$0x0];
	v22 =	vmul.f32 v22, v15;
	[tilespmem:s9+$0xFFFFFEE0] =	vst v23  }
0x209: {  	[tilespmem:s9+$0xFFFFFFE0] =	vst v21;
	v61 =	vld [tilespmem:s4+$0xFFFFFF40]  }
0x20a: {  	v18 =	vmul.f32 v18, v16;
	[tilespmem:s9+$0xE0] =	vst v22;
	v62 =	vld [tilespmem:s4+$0xFFFFFF80]  }
0x20b: {  	[tilespmem:s10+$0x1F0] =	vst v20;
	v17 =	vmul.f32 v17, v16;
	v63 =	vld [tilespmem:s4+$0xFFFFFFC0]  }
0x20c: {  	[tilespmem:s10+$0xFFFFFEF0] =	vst v18;
	v18 =	vmul.f32 v19, v16  }
0x20d: {  	[tilespmem:s10+$0xFFFFFFF0] =	vst v17;
	v17 =	vmul.f32 v60, v16  }
.Ltmp12:
0x20e: {  	[tilespmem:s10+$0xF0] =	vst v18;
	v18 =	vmul.f32 v61, v16;
	(pc) =	sbr.rel .LBB2_24-.Ltmp12, $4  }
0x20f: {  	[tilespmem:s9+$0x1F0] =	vst v17;
	v17 =	vmul.f32 v62, v16  }
0x210: {  	[tilespmem:s9+$0xFFFFFEF0] =	vst v18;
	v18 =	vmul.f32 v63, v16  }
0x211: {  	[tilespmem:s9+$0xFFFFFFF0] =	vst v17  }
0x212: {  	[tilespmem:s9+$0xF0] =	vst v18  }
.LBB2_8:
0x213: {  	s2 =	sadd.s32 s31, s0  }
0x214: {  	p2 =	sgt.s32 s2, $0x0  }
0x215: {  	s4 =	rddreg [dreg:$0xd];
	s2 =	simm.s32 @!p2 $0x0  }
0x216: {  	s4 =	sadd.s32 s31, s4;
	s2 =	smin.u32 s2, $0x7F98  }
0x217: {  	s9 =	ssub.s32 s4, s2  }
0x218: {  	s2 =	sadd.s32 $0xFFFFFFFC, s9  }
0x219: {  	s4 =	sadd.s32 $0x6, s2  }
0x21a: {  	p2 =	sgt.s32 s4, $0x0  }
0x21b: {  	s4 =	simm.s32 @!p2 $0x0  }
0x21c: {  	s4 =	smin.u32 s4, $0x67  }
0x21d: {  	s14 =	sadd.s32 $0x3, s2;
	s12 =	sshll.u32 s4, $0x6  }
0x21e: {  	p2 =	sgt.s32 s14, $0x0;
	s4 =	sadd.s32 $0x4, s2;
	v17 =	vld [tilespmem:s12+$0x0]  }
0x21f: {  	s14 =	simm.s32 @!p2 $0x0;
	s2 =	sadd.s32 $0x5, s2;
	p3 =	sgt.s32 s4, $0x0  }
0x220: {  	s14 =	smin.u32 s14, $0x67;
	p2 =	sgt.s32 s2, $0x0;
	s4 =	simm.s32 @!p3 $0x0  }
0x221: {  	s17 =	sshll.u32 s14, $0x6;
	s2 =	simm.s32 @!p2 $0x0;
	s4 =	smin.u32 s4, $0x67  }
0x222: {  	v18 =	vld [tilespmem:s17+$0x0];
	s2 =	smin.u32 s2, $0x67;
	s4 =	sshll.u32 s4, $0x6  }
0x223: {  	s14 =	sshll.u32 s2, $0x6;
	v19 =	vld [tilespmem:s4+$0x0];
	v17 =	vmul.f32 v17, v1  }
0x224: {  	v20 =	vld [tilespmem:s14+$0x0]  }
0x225: {  	[tilespmem:s10+$0x100] =	vst v17  }
0x226: {  	v17 =	vld [tilespmem:s12+$0x10]  }
0x227: {  	v18 =	vmul.f32 v18, v1  }
0x228: {  	v19 =	vmul.f32 v19, v1  }
0x229: {  	[tilespmem:s10+$0xFFFFFE00] =	vst v18;
	v18 =	vmul.f32 v20, v1  }
0x22a: {  	v20 =	vld [tilespmem:s17+$0x10];
	[tilespmem:s10+$0xFFFFFF00] =	vst v19  }
0x22b: {  	[tilespmem:s10+$0x0] =	vst v18;
	v19 =	vld [tilespmem:s4+$0x10];
	v17 =	vmul.f32 v17, v2  }
0x22c: {  	v18 =	vld [tilespmem:s14+$0x10]  }
0x22d: {  	[tilespmem:s10+$0x110] =	vst v17  }
0x22e: {  	v17 =	vld [tilespmem:s12+$0x20]  }
0x22f: {  	v20 =	vmul.f32 v20, v2  }
0x230: {  	v19 =	vmul.f32 v19, v2  }
0x231: {  	[tilespmem:s10+$0xFFFFFE10] =	vst v20;
	v18 =	vmul.f32 v18, v2  }
0x232: {  	v20 =	vld [tilespmem:s17+$0x20];
	[tilespmem:s10+$0xFFFFFF10] =	vst v19  }
0x233: {  	[tilespmem:s10+$0x10] =	vst v18;
	v19 =	vld [tilespmem:s4+$0x20];
	v17 =	vmul.f32 v17, v3  }
0x234: {  	v18 =	vld [tilespmem:s14+$0x20]  }
0x235: {  	[tilespmem:s10+$0x120] =	vst v17  }
0x236: {  	v17 =	vld [tilespmem:s12+$0x30]  }
0x237: {  	v20 =	vmul.f32 v20, v3  }
0x238: {  	v19 =	vmul.f32 v19, v3  }
0x239: {  	[tilespmem:s10+$0xFFFFFE20] =	vst v20;
	v18 =	vmul.f32 v18, v3  }
0x23a: {  	v20 =	vld [tilespmem:s17+$0x30];
	[tilespmem:s10+$0xFFFFFF20] =	vst v19  }
0x23b: {  	[tilespmem:s10+$0x20] =	vst v18;
	v19 =	vld [tilespmem:s4+$0x30];
	v17 =	vmul.f32 v17, v4  }
0x23c: {  	v18 =	vld [tilespmem:s14+$0x30]  }
0x23d: {  	[tilespmem:s10+$0x130] =	vst v17  }
0x23e: {  	v17 =	vld [tilespmem:s12+$0x1A00]  }
0x23f: {  	v20 =	vmul.f32 v20, v4  }
0x240: {  	v19 =	vmul.f32 v19, v4  }
0x241: {  	[tilespmem:s10+$0xFFFFFE30] =	vst v20;
	v18 =	vmul.f32 v18, v4  }
0x242: {  	v20 =	vld [tilespmem:s17+$0x1A00];
	[tilespmem:s10+$0xFFFFFF30] =	vst v19  }
0x243: {  	[tilespmem:s10+$0x30] =	vst v18;
	v19 =	vld [tilespmem:s4+$0x1A00];
	v17 =	vmul.f32 v17, v5  }
0x244: {  	v18 =	vld [tilespmem:s14+$0x1A00]  }
0x245: {  	[tilespmem:s10+$0x140] =	vst v17  }
0x246: {  	v17 =	vld [tilespmem:s12+$0x1A10]  }
0x247: {  	v20 =	vmul.f32 v20, v5  }
0x248: {  	v19 =	vmul.f32 v19, v5  }
0x249: {  	[tilespmem:s10+$0xFFFFFE40] =	vst v20;
	v18 =	vmul.f32 v18, v5  }
0x24a: {  	v20 =	vld [tilespmem:s17+$0x1A10];
	[tilespmem:s10+$0xFFFFFF40] =	vst v19  }
0x24b: {  	[tilespmem:s10+$0x40] =	vst v18;
	v19 =	vld [tilespmem:s4+$0x1A10];
	v17 =	vmul.f32 v17, v6  }
0x24c: {  	v18 =	vld [tilespmem:s14+$0x1A10]  }
0x24d: {  	[tilespmem:s10+$0x150] =	vst v17  }
0x24e: {  	v17 =	vld [tilespmem:s12+$0x1A20]  }
0x24f: {  	v20 =	vmul.f32 v20, v6  }
0x250: {  	v19 =	vmul.f32 v19, v6  }
0x251: {  	[tilespmem:s10+$0xFFFFFE50] =	vst v20;
	v18 =	vmul.f32 v18, v6  }
0x252: {  	v20 =	vld [tilespmem:s17+$0x1A20];
	[tilespmem:s10+$0xFFFFFF50] =	vst v19  }
0x253: {  	[tilespmem:s10+$0x50] =	vst v18;
	v19 =	vld [tilespmem:s4+$0x1A20];
	v17 =	vmul.f32 v17, v7  }
0x254: {  	v18 =	vld [tilespmem:s14+$0x1A20]  }
0x255: {  	[tilespmem:s10+$0x160] =	vst v17  }
0x256: {  	v17 =	vld [tilespmem:s12+$0x1A30]  }
0x257: {  	s26 =	smov.u32 s30;
	s30 =	sadd.s32 $0x0, s9;
	v20 =	vmul.f32 v20, v7  }
0x258: {  	s16 =	sadd.s32 $0x6, s30;
	v19 =	vmul.f32 v19, v7  }
0x259: {  	p2 =	sgt.s32 s16, $0x0;
	[tilespmem:s10+$0xFFFFFE60] =	vst v20;
	v18 =	vmul.f32 v18, v7  }
0x25a: {  	s19 =	sadd.s32 $0x3, s30;
	s23 =	sadd.s32 $0x4, s30;
	s16 =	simm.s32 @!p2 $0x0;
	v20 =	vld [tilespmem:s17+$0x1A30];
	[tilespmem:s10+$0xFFFFFF60] =	vst v19  }
0x25b: {  	p3 =	sgt.s32 s23, $0x0;
	p2 =	sgt.s32 s19, $0x0;
	s16 =	smin.u32 s16, $0x67;
	[tilespmem:s10+$0x60] =	vst v18;
	v19 =	vld [tilespmem:s4+$0x1A30];
	v17 =	vmul.f32 v17, v8  }
0x25c: {  	s2 =	sadd.s32 $0x5, s30;
	s19 =	simm.s32 @!p2 $0x0;
	s16 =	sshll.u32 s16, $0x6;
	v18 =	vld [tilespmem:s14+$0x1A30]  }
0x25d: {  	s23 =	simm.s32 @!p3 $0x0;
	p2 =	sgt.s32 s2, $0x0;
	s19 =	smin.u32 s19, $0x67;
	[tilespmem:s10+$0x170] =	vst v17;
	v17 =	vld [tilespmem:s16+$0x0]  }
0x25e: {  	s23 =	smin.u32 s23, $0x67;
	s2 =	simm.s32 @!p2 $0x0;
	s25 =	sshll.u32 s19, $0x6;
	v21 =	vld [tilespmem:s12+$0x3400]  }
0x25f: {  	s19 =	sshll.u32 s23, $0x6;
	s2 =	smin.u32 s2, $0x67;
	v22 =	vld [tilespmem:s25+$0x0];
	v20 =	vmul.f32 v20, v8  }
0x260: {  	v23 =	vld [tilespmem:s19+$0x0];
	s23 =	sshll.u32 s2, $0x6;
	v19 =	vmul.f32 v19, v8  }
0x261: {  	[tilespmem:s10+$0xFFFFFE70] =	vst v20;
	v20 =	vld [tilespmem:s23+$0x0];
	v18 =	vmul.f32 v18, v8  }
0x262: {  	[tilespmem:s10+$0xFFFFFF70] =	vst v19;
	v19 =	vld [tilespmem:s17+$0x3400];
	v17 =	vmul.f32 v17, v1  }
0x263: {  	s24 =	simm.s32 $0xD600;
	[tilespmem:s10+$0x70] =	vst v18;
	v18 =	vld [tilespmem:s4+$0x3400];
	v21 =	vmul.f32 v21, v9  }
0x264: {  	v22 =	vmul.f32 v22, v1;
	[tilespmem:s24+$0x100] =	vst v17;
	v17 =	vld [tilespmem:s14+$0x3400]  }
0x265: {  	v23 =	vmul.f32 v23, v1;
	v24 =	vld [tilespmem:s16+$0x10];
	[tilespmem:s10+$0x180] =	vst v21  }
0x266: {  	[tilespmem:s24+$0xFFFFFE00] =	vst v22;
	v20 =	vmul.f32 v20, v1;
	v21 =	vld [tilespmem:s12+$0x3410]  }
0x267: {  	[tilespmem:s24+$0xFFFFFF00] =	vst v23;
	v22 =	vld [tilespmem:s25+$0x10];
	v19 =	vmul.f32 v19, v9  }
0x268: {  	v23 =	vld [tilespmem:s19+$0x10];
	[tilespmem:s24+$0x0] =	vst v20;
	v18 =	vmul.f32 v18, v9  }
0x269: {  	v20 =	vld [tilespmem:s23+$0x10];
	[tilespmem:s10+$0xFFFFFE80] =	vst v19;
	v17 =	vmul.f32 v17, v9  }
0x26a: {  	v56 =	vld [tilespmem:s17+$0x3410];
	[tilespmem:s10+$0xFFFFFF80] =	vst v18;
	v19 =	vmul.f32 v24, v2  }
0x26b: {  	v18 =	vld [tilespmem:s4+$0x3410];
	[tilespmem:s10+$0x80] =	vst v17;
	v17 =	vmul.f32 v21, v10  }
0x26c: {  	v21 =	vmul.f32 v22, v2;
	[tilespmem:s24+$0x110] =	vst v19;
	v19 =	vld [tilespmem:s14+$0x3410]  }
0x26d: {  	v22 =	vmul.f32 v23, v2;
	v23 =	vld [tilespmem:s16+$0x20];
	[tilespmem:s10+$0x190] =	vst v17  }
0x26e: {  	[tilespmem:s24+$0xFFFFFE10] =	vst v21;
	v17 =	vmul.f32 v20, v2;
	v20 =	vld [tilespmem:s12+$0x3420]  }
0x26f: {  	[tilespmem:s24+$0xFFFFFF10] =	vst v22;
	v21 =	vld [tilespmem:s25+$0x20];
	v22 =	vmul.f32 v56, v10  }
0x270: {  	v57 =	vld [tilespmem:s19+$0x20];
	[tilespmem:s24+$0x10] =	vst v17;
	v17 =	vmul.f32 v18, v10  }
0x271: {  	v18 =	vld [tilespmem:s23+$0x20];
	[tilespmem:s10+$0xFFFFFE90] =	vst v22;
	v19 =	vmul.f32 v19, v10  }
0x272: {  	[tilespmem:s10+$0xFFFFFF90] =	vst v17;
	v22 =	vmul.f32 v23, v3;
	v23 =	vld [tilespmem:s17+$0x3420]  }
0x273: {  	v17 =	vld [tilespmem:s4+$0x3420];
	[tilespmem:s10+$0x90] =	vst v19;
	v19 =	vmul.f32 v20, v11  }
0x274: {  	v20 =	vmul.f32 v21, v3;
	[tilespmem:s24+$0x120] =	vst v22;
	v21 =	vld [tilespmem:s14+$0x3420]  }
0x275: {  	v22 =	vmul.f32 v57, v3;
	v58 =	vld [tilespmem:s16+$0x30];
	[tilespmem:s10+$0x1A0] =	vst v19  }
0x276: {  	[tilespmem:s24+$0xFFFFFE20] =	vst v20;
	v18 =	vmul.f32 v18, v3;
	v19 =	vld [tilespmem:s12+$0x3430]  }
0x277: {  	v20 =	vld [tilespmem:s25+$0x30];
	[tilespmem:s24+$0xFFFFFF20] =	vst v22;
	v22 =	vmul.f32 v23, v11  }
0x278: {  	v23 =	vld [tilespmem:s19+$0x30];
	[tilespmem:s24+$0x20] =	vst v18;
	v17 =	vmul.f32 v17, v11  }
0x279: {  	v18 =	vld [tilespmem:s23+$0x30];
	[tilespmem:s10+$0xFFFFFEA0] =	vst v22;
	v21 =	vmul.f32 v21, v11  }
0x27a: {  	[tilespmem:s10+$0xFFFFFFA0] =	vst v17;
	v22 =	vmul.f32 v58, v4;
	v59 =	vld [tilespmem:s17+$0x3430]  }
0x27b: {  	v17 =	vld [tilespmem:s4+$0x3430];
	[tilespmem:s10+$0xA0] =	vst v21;
	v19 =	vmul.f32 v19, v12  }
0x27c: {  	v20 =	vmul.f32 v20, v4;
	[tilespmem:s24+$0x130] =	vst v22;
	v21 =	vld [tilespmem:s14+$0x3430]  }
0x27d: {  	v22 =	vmul.f32 v23, v4;
	v23 =	vld [tilespmem:s16+$0x1A00];
	[tilespmem:s10+$0x1B0] =	vst v19  }
0x27e: {  	[tilespmem:s24+$0xFFFFFE30] =	vst v20;
	v18 =	vmul.f32 v18, v4;
	v19 =	vld [tilespmem:s12+$0x4E00]  }
0x27f: {  	v20 =	vld [tilespmem:s25+$0x1A00];
	[tilespmem:s24+$0xFFFFFF30] =	vst v22;
	v22 =	vmul.f32 v59, v12  }
0x280: {  	v60 =	vld [tilespmem:s19+$0x1A00];
	[tilespmem:s24+$0x30] =	vst v18;
	v17 =	vmul.f32 v17, v12  }
0x281: {  	v18 =	vld [tilespmem:s23+$0x1A00];
	[tilespmem:s10+$0xFFFFFEB0] =	vst v22;
	v21 =	vmul.f32 v21, v12  }
0x282: {  	[tilespmem:s10+$0xFFFFFFB0] =	vst v17;
	v22 =	vmul.f32 v23, v5;
	v23 =	vld [tilespmem:s17+$0x4E00]  }
0x283: {  	v17 =	vld [tilespmem:s4+$0x4E00];
	[tilespmem:s10+$0xB0] =	vst v21;
	v19 =	vmul.f32 v19, v13  }
0x284: {  	v20 =	vmul.f32 v20, v5;
	[tilespmem:s24+$0x140] =	vst v22;
	v21 =	vld [tilespmem:s14+$0x4E00]  }
0x285: {  	v22 =	vmul.f32 v60, v5;
	v61 =	vld [tilespmem:s16+$0x1A10];
	[tilespmem:s10+$0x1C0] =	vst v19  }
0x286: {  	[tilespmem:s24+$0xFFFFFE40] =	vst v20;
	v18 =	vmul.f32 v18, v5;
	v19 =	vld [tilespmem:s12+$0x4E10]  }
0x287: {  	v20 =	vld [tilespmem:s25+$0x1A10];
	[tilespmem:s24+$0xFFFFFF40] =	vst v22;
	v22 =	vmul.f32 v23, v13  }
0x288: {  	v23 =	vld [tilespmem:s19+$0x1A10];
	[tilespmem:s24+$0x40] =	vst v18;
	v17 =	vmul.f32 v17, v13  }
0x289: {  	v18 =	vld [tilespmem:s23+$0x1A10];
	[tilespmem:s10+$0xFFFFFEC0] =	vst v22;
	v21 =	vmul.f32 v21, v13  }
0x28a: {  	[tilespmem:s10+$0xFFFFFFC0] =	vst v17;
	v22 =	vmul.f32 v61, v6;
	v62 =	vld [tilespmem:s17+$0x4E10]  }
0x28b: {  	v17 =	vld [tilespmem:s4+$0x4E10];
	[tilespmem:s10+$0xC0] =	vst v21;
	v19 =	vmul.f32 v19, v14  }
0x28c: {  	v20 =	vmul.f32 v20, v6;
	[tilespmem:s24+$0x150] =	vst v22;
	v21 =	vld [tilespmem:s14+$0x4E10]  }
0x28d: {  	v22 =	vmul.f32 v23, v6;
	v23 =	vld [tilespmem:s16+$0x1A20];
	[tilespmem:s10+$0x1D0] =	vst v19  }
0x28e: {  	[tilespmem:s24+$0xFFFFFE50] =	vst v20;
	v18 =	vmul.f32 v18, v6;
	v19 =	vld [tilespmem:s12+$0x4E20]  }
0x28f: {  	v25 =	vld [tilespmem:s25+$0x1A20];
	[tilespmem:s24+$0xFFFFFF50] =	vst v22;
	v20 =	vmul.f32 v62, v14  }
0x290: {  	v22 =	vld [tilespmem:s19+$0x1A20];
	[tilespmem:s24+$0x50] =	vst v18;
	v17 =	vmul.f32 v17, v14  }
0x291: {  	v63 =	vld [tilespmem:s23+$0x1A20];
	[tilespmem:s10+$0xFFFFFED0] =	vst v20;
	v21 =	vmul.f32 v21, v14  }
0x292: {  	[tilespmem:s10+$0xFFFFFFD0] =	vst v17;
	v23 =	vmul.f32 v23, v7;
	v20 =	vld [tilespmem:s17+$0x4E20]  }
0x293: {  	v18 =	vld [tilespmem:s4+$0x4E20];
	[tilespmem:s10+$0xD0] =	vst v21;
	v17 =	vmul.f32 v19, v15  }
0x294: {  	v25 =	vmul.f32 v25, v7;
	[tilespmem:s24+$0x160] =	vst v23;
	v19 =	vld [tilespmem:s14+$0x4E20]  }
0x295: {  	v23 =	vmul.f32 v22, v7;
	v21 =	vld [tilespmem:s16+$0x1A30];
	[tilespmem:s10+$0x1E0] =	vst v17  }
0x296: {  	s2 =	simm.s32 $0x4;
	[tilespmem:s24+$0xFFFFFE60] =	vst v25;
	v22 =	vmul.f32 v63, v7;
	v17 =	vld [tilespmem:s12+$0x4E30]  }
.LBB2_9:
0x297: {  	s12 =	sadd.s32 s2, s9;
	v24 =	vld [tilespmem:s25+$0x1A30];
	[tilespmem:s24+$0xFFFFFF60] =	vst v23;
	v20 =	vmul.f32 v20, v15  }
0x298: {  	s2 =	sadd.s32 $0x4, s2;
	s5 =	sadd.s32 $0x3, s12;
	s30 =	sadd.s32 $0x6, s12;
	v23 =	vld [tilespmem:s19+$0x1A30];
	[tilespmem:s24+$0x60] =	vst v22;
	v18 =	vmul.f32 v18, v15  }
0x299: {  	s28 =	sadd.s32 $0x4, s12;
	p2 =	slt.u32 s2, $0x64;
	p3 =	sgt.s32 s30, $0x0;
	v22 =	vld [tilespmem:s23+$0x1A30];
	[tilespmem:s10+$0xFFFFFEE0] =	vst v20;
	v19 =	vmul.f32 v19, v15  }
0x29a: {  	s13 =	sadd.s32 $0x5, s12;
	p4 =	sgt.s32 s5, $0x0;
	s30 =	simm.s32 @!p3 $0x0;
	v20 =	vmul.f32 v21, v8;
	v21 =	vld [tilespmem:s17+$0x4E30];
	[tilespmem:s10+$0xFFFFFFE0] =	vst v18  }
0x29b: {  	p5 =	sgt.s32 s28, $0x0;
	p3 =	sgt.s32 s13, $0x0;
	s12 =	smin.u32 s30, $0x67;
	v18 =	vld [tilespmem:s4+$0x4E30];
	[tilespmem:s10+$0xE0] =	vst v19;
	v17 =	vmul.f32 v17, v16  }
0x29c: {  	s5 =	simm.s32 @!p4 $0x0;
	s28 =	simm.s32 @!p5 $0x0;
	s12 =	sshll.u32 s12, $0x6;
	v19 =	vmul.f32 v24, v8;
	[tilespmem:s24+$0x170] =	vst v20;
	v20 =	vld [tilespmem:s14+$0x4E30]  }
0x29d: {  	s4 =	smin.u32 s5, $0x67;
	s5 =	smin.u32 s28, $0x67;
	s13 =	simm.s32 @!p3 $0x0;
	v24 =	vld [tilespmem:s12+$0x0];
	v23 =	vmul.f32 v23, v8;
	[tilespmem:s10+$0x1F0] =	vst v17  }
0x29e: {  	s4 =	sshll.u32 s4, $0x6;
	s5 =	sshll.u32 s5, $0x6;
	s13 =	smin.u32 s13, $0x67;
	[tilespmem:s24+$0xFFFFFE70] =	vst v19;
	v17 =	vmul.f32 v22, v8;
	v19 =	vld [tilespmem:s16+$0x3400]  }
0x29f: {  	s17 =	smov.u32 s25;
	s13 =	sshll.u32 s13, $0x6;
	s25 =	smov.u32 s4;
	v22 =	vld [tilespmem:s4+$0x0];
	[tilespmem:s24+$0xFFFFFF70] =	vst v23;
	v21 =	vmul.f32 v21, v16  }
0x2a0: {  	s14 =	smov.u32 s23;
	s4 =	smov.u32 s19;
	s19 =	smov.u32 s5;
	v23 =	vld [tilespmem:s5+$0x0];
	[tilespmem:s24+$0x70] =	vst v17;
	v17 =	vmul.f32 v18, v16  }
0x2a1: {  	s23 =	smov.u32 s13;
	v18 =	vld [tilespmem:s13+$0x0];
	[tilespmem:s10+$0xFFFFFEF0] =	vst v21;
	v20 =	vmul.f32 v20, v16  }
0x2a2: {  	v21 =	vmul.f32 v24, v1;
	v24 =	vld [tilespmem:s17+$0x3400];
	[tilespmem:s10+$0xFFFFFFF0] =	vst v17  }
0x2a3: {  	v17 =	vld [tilespmem:s4+$0x3400];
	v19 =	vmul.f32 v19, v9;
	[tilespmem:s10+$0xF0] =	vst v20;
	s10 =	smov.u32 s24;
	s24 =	sadd.s32 $0x400, s24  }
0x2a4: {  	v20 =	vmul.f32 v22, v1;
	[tilespmem:s24+$0x100] =	vst v21;
	v21 =	vld [tilespmem:s14+$0x3400]  }
0x2a5: {  	v22 =	vmul.f32 v23, v1;
	v23 =	vld [tilespmem:s12+$0x10];
	[tilespmem:s10+$0x180] =	vst v19  }
0x2a6: {  	[tilespmem:s24+$0xFFFFFE00] =	vst v20;
	v18 =	vmul.f32 v18, v1;
	v19 =	vld [tilespmem:s16+$0x3410]  }
0x2a7: {  	v20 =	vld [tilespmem:s25+$0x10];
	[tilespmem:s24+$0xFFFFFF00] =	vst v22;
	v22 =	vmul.f32 v24, v9  }
0x2a8: {  	v24 =	vld [tilespmem:s19+$0x10];
	[tilespmem:s24+$0x0] =	vst v18;
	v17 =	vmul.f32 v17, v9  }
0x2a9: {  	v18 =	vld [tilespmem:s23+$0x10];
	[tilespmem:s10+$0xFFFFFE80] =	vst v22;
	v21 =	vmul.f32 v21, v9  }
0x2aa: {  	v22 =	vmul.f32 v23, v2;
	v23 =	vld [tilespmem:s17+$0x3410];
	[tilespmem:s10+$0xFFFFFF80] =	vst v17  }
0x2ab: {  	v17 =	vld [tilespmem:s4+$0x3410];
	[tilespmem:s10+$0x80] =	vst v21;
	v19 =	vmul.f32 v19, v10  }
0x2ac: {  	v20 =	vmul.f32 v20, v2;
	[tilespmem:s24+$0x110] =	vst v22;
	v21 =	vld [tilespmem:s14+$0x3410]  }
0x2ad: {  	v22 =	vmul.f32 v24, v2;
	v24 =	vld [tilespmem:s12+$0x20];
	[tilespmem:s10+$0x190] =	vst v19  }
0x2ae: {  	[tilespmem:s24+$0xFFFFFE10] =	vst v20;
	v18 =	vmul.f32 v18, v2;
	v19 =	vld [tilespmem:s16+$0x3420]  }
0x2af: {  	v20 =	vld [tilespmem:s25+$0x20];
	[tilespmem:s24+$0xFFFFFF10] =	vst v22;
	v22 =	vmul.f32 v23, v10  }
0x2b0: {  	v23 =	vld [tilespmem:s19+$0x20];
	[tilespmem:s24+$0x10] =	vst v18;
	v17 =	vmul.f32 v17, v10  }
0x2b1: {  	v18 =	vld [tilespmem:s23+$0x20];
	[tilespmem:s10+$0xFFFFFE90] =	vst v22;
	v21 =	vmul.f32 v21, v10  }
0x2b2: {  	v22 =	vmul.f32 v24, v3;
	v24 =	vld [tilespmem:s17+$0x3420];
	[tilespmem:s10+$0xFFFFFF90] =	vst v17  }
0x2b3: {  	v17 =	vld [tilespmem:s4+$0x3420];
	[tilespmem:s10+$0x90] =	vst v21;
	v19 =	vmul.f32 v19, v11  }
0x2b4: {  	v20 =	vmul.f32 v20, v3;
	[tilespmem:s24+$0x120] =	vst v22;
	v21 =	vld [tilespmem:s14+$0x3420]  }
0x2b5: {  	v22 =	vmul.f32 v23, v3;
	v23 =	vld [tilespmem:s12+$0x30];
	[tilespmem:s10+$0x1A0] =	vst v19  }
0x2b6: {  	[tilespmem:s24+$0xFFFFFE20] =	vst v20;
	v18 =	vmul.f32 v18, v3;
	v19 =	vld [tilespmem:s16+$0x3430]  }
0x2b7: {  	v20 =	vld [tilespmem:s25+$0x30];
	[tilespmem:s24+$0xFFFFFF20] =	vst v22;
	v22 =	vmul.f32 v24, v11  }
0x2b8: {  	v24 =	vld [tilespmem:s19+$0x30];
	[tilespmem:s24+$0x20] =	vst v18;
	v17 =	vmul.f32 v17, v11  }
0x2b9: {  	v18 =	vld [tilespmem:s23+$0x30];
	[tilespmem:s10+$0xFFFFFEA0] =	vst v22;
	v21 =	vmul.f32 v21, v11  }
0x2ba: {  	v22 =	vmul.f32 v23, v4;
	v23 =	vld [tilespmem:s17+$0x3430];
	[tilespmem:s10+$0xFFFFFFA0] =	vst v17  }
0x2bb: {  	v17 =	vld [tilespmem:s4+$0x3430];
	[tilespmem:s10+$0xA0] =	vst v21;
	v19 =	vmul.f32 v19, v12  }
0x2bc: {  	v20 =	vmul.f32 v20, v4;
	[tilespmem:s24+$0x130] =	vst v22;
	v21 =	vld [tilespmem:s14+$0x3430]  }
0x2bd: {  	v22 =	vmul.f32 v24, v4;
	v24 =	vld [tilespmem:s12+$0x1A00];
	[tilespmem:s10+$0x1B0] =	vst v19  }
0x2be: {  	[tilespmem:s24+$0xFFFFFE30] =	vst v20;
	v18 =	vmul.f32 v18, v4;
	v19 =	vld [tilespmem:s16+$0x4E00]  }
0x2bf: {  	v20 =	vld [tilespmem:s25+$0x1A00];
	[tilespmem:s24+$0xFFFFFF30] =	vst v22;
	v22 =	vmul.f32 v23, v12  }
0x2c0: {  	v23 =	vld [tilespmem:s19+$0x1A00];
	[tilespmem:s24+$0x30] =	vst v18;
	v17 =	vmul.f32 v17, v12  }
0x2c1: {  	v18 =	vld [tilespmem:s23+$0x1A00];
	[tilespmem:s10+$0xFFFFFEB0] =	vst v22;
	v21 =	vmul.f32 v21, v12  }
0x2c2: {  	v22 =	vmul.f32 v24, v5;
	v24 =	vld [tilespmem:s17+$0x4E00];
	[tilespmem:s10+$0xFFFFFFB0] =	vst v17  }
0x2c3: {  	v17 =	vld [tilespmem:s4+$0x4E00];
	[tilespmem:s10+$0xB0] =	vst v21;
	v19 =	vmul.f32 v19, v13  }
0x2c4: {  	v20 =	vmul.f32 v20, v5;
	[tilespmem:s24+$0x140] =	vst v22;
	v21 =	vld [tilespmem:s14+$0x4E00]  }
0x2c5: {  	v22 =	vmul.f32 v23, v5;
	v23 =	vld [tilespmem:s12+$0x1A10];
	[tilespmem:s10+$0x1C0] =	vst v19  }
0x2c6: {  	[tilespmem:s24+$0xFFFFFE40] =	vst v20;
	v18 =	vmul.f32 v18, v5;
	v19 =	vld [tilespmem:s16+$0x4E10]  }
0x2c7: {  	v20 =	vld [tilespmem:s25+$0x1A10];
	[tilespmem:s24+$0xFFFFFF40] =	vst v22;
	v22 =	vmul.f32 v24, v13  }
0x2c8: {  	v24 =	vld [tilespmem:s19+$0x1A10];
	[tilespmem:s24+$0x40] =	vst v18;
	v17 =	vmul.f32 v17, v13  }
0x2c9: {  	v18 =	vld [tilespmem:s23+$0x1A10];
	[tilespmem:s10+$0xFFFFFEC0] =	vst v22;
	v21 =	vmul.f32 v21, v13  }
0x2ca: {  	v22 =	vmul.f32 v23, v6;
	v23 =	vld [tilespmem:s17+$0x4E10];
	[tilespmem:s10+$0xFFFFFFC0] =	vst v17  }
0x2cb: {  	v17 =	vld [tilespmem:s4+$0x4E10];
	[tilespmem:s10+$0xC0] =	vst v21;
	v19 =	vmul.f32 v19, v14  }
0x2cc: {  	v20 =	vmul.f32 v20, v6;
	[tilespmem:s24+$0x150] =	vst v22;
	v21 =	vld [tilespmem:s14+$0x4E10]  }
0x2cd: {  	v22 =	vmul.f32 v24, v6;
	v24 =	vld [tilespmem:s12+$0x1A20];
	[tilespmem:s10+$0x1D0] =	vst v19  }
0x2ce: {  	[tilespmem:s24+$0xFFFFFE50] =	vst v20;
	v18 =	vmul.f32 v18, v6;
	v19 =	vld [tilespmem:s16+$0x4E20]  }
0x2cf: {  	v25 =	vld [tilespmem:s25+$0x1A20];
	[tilespmem:s24+$0xFFFFFF50] =	vst v22;
	v20 =	vmul.f32 v23, v14  }
0x2d0: {  	v22 =	vld [tilespmem:s19+$0x1A20];
	[tilespmem:s24+$0x50] =	vst v18;
	v17 =	vmul.f32 v17, v14  }
0x2d1: {  	v26 =	vld [tilespmem:s23+$0x1A20];
	[tilespmem:s10+$0xFFFFFED0] =	vst v20;
	v21 =	vmul.f32 v21, v14  }
.Ltmp13:
0x2d2: {  	v23 =	vmul.f32 v24, v7;
	v20 =	vld [tilespmem:s17+$0x4E20];
	[tilespmem:s10+$0xFFFFFFD0] =	vst v17;
	(pc) =	sbr.rel @p2 .LBB2_9-.Ltmp13, $4  }
0x2d3: {  	v18 =	vld [tilespmem:s4+$0x4E20];
	[tilespmem:s10+$0xD0] =	vst v21;
	v17 =	vmul.f32 v19, v15  }
0x2d4: {  	v24 =	vmul.f32 v25, v7;
	[tilespmem:s24+$0x160] =	vst v23;
	v19 =	vld [tilespmem:s14+$0x4E20]  }
0x2d5: {  	v23 =	vmul.f32 v22, v7;
	v21 =	vld [tilespmem:s12+$0x1A30];
	[tilespmem:s10+$0x1E0] =	vst v17  }
0x2d6: {  	[tilespmem:s24+$0xFFFFFE60] =	vst v24;
	v22 =	vmul.f32 v26, v7;
	v17 =	vld [tilespmem:s16+$0x4E30];
	s16 =	smov.u32 s12  }
0x2d7: {  	v24 =	vld [tilespmem:s25+$0x1A30];
	[tilespmem:s24+$0xFFFFFF60] =	vst v23  }
0x2d8: {  	v23 =	vld [tilespmem:s19+$0x1A30];
	[tilespmem:s24+$0x60] =	vst v22  }
0x2d9: {  	v22 =	vld [tilespmem:s23+$0x1A30];
	_ =	sdelay $0x1  }
0x2da: {  	v21 =	vmul.f32 v21, v8  }
0x2db: {  	v24 =	vmul.f32 v24, v8  }
0x2dc: {  	[tilespmem:s24+$0x170] =	vst v21;
	v52 =	vmul.f32 v23, v8  }
0x2dd: {  	v53 =	vld [tilespmem:s16+$0x3400];
	[tilespmem:s24+$0xFFFFFE70] =	vst v24;
	v22 =	vmul.f32 v22, v8  }
0x2de: {  	[tilespmem:s24+$0xFFFFFF70] =	vst v52;
	v54 =	vld [tilespmem:s25+$0x3400]  }
0x2df: {  	[tilespmem:s24+$0x70] =	vst v22;
	v55 =	vld [tilespmem:s19+$0x3400]  }
0x2e0: {  	v56 =	vld [tilespmem:s23+$0x3400];
	_ =	sdelay $0x1  }
0x2e1: {  	v23 =	vmul.f32 v53, v9  }
0x2e2: {  	v21 =	vmul.f32 v54, v9  }
0x2e3: {  	[tilespmem:s24+$0x180] =	vst v23;
	v22 =	vmul.f32 v55, v9  }
0x2e4: {  	v23 =	vld [tilespmem:s16+$0x3410];
	[tilespmem:s24+$0xFFFFFE80] =	vst v21;
	v57 =	vmul.f32 v56, v9  }
0x2e5: {  	v58 =	vld [tilespmem:s25+$0x3410];
	[tilespmem:s24+$0xFFFFFF80] =	vst v22  }
0x2e6: {  	v22 =	vld [tilespmem:s19+$0x3410];
	[tilespmem:s24+$0x80] =	vst v57  }
0x2e7: {  	v21 =	vld [tilespmem:s23+$0x3410];
	_ =	sdelay $0x1  }
0x2e8: {  	v23 =	vmul.f32 v23, v10  }
0x2e9: {  	v24 =	vmul.f32 v58, v10  }
0x2ea: {  	[tilespmem:s24+$0x190] =	vst v23;
	v22 =	vmul.f32 v22, v10  }
0x2eb: {  	v23 =	vld [tilespmem:s16+$0x3420];
	[tilespmem:s24+$0xFFFFFE90] =	vst v24;
	v21 =	vmul.f32 v21, v10  }
0x2ec: {  	v24 =	vld [tilespmem:s25+$0x3420];
	[tilespmem:s24+$0xFFFFFF90] =	vst v22  }
0x2ed: {  	v22 =	vld [tilespmem:s19+$0x3420];
	[tilespmem:s24+$0x90] =	vst v21  }
0x2ee: {  	v21 =	vld [tilespmem:s23+$0x3420];
	_ =	sdelay $0x1  }
0x2ef: {  	v23 =	vmul.f32 v23, v11  }
0x2f0: {  	v24 =	vmul.f32 v24, v11  }
0x2f1: {  	[tilespmem:s24+$0x1A0] =	vst v23;
	v22 =	vmul.f32 v22, v11  }
0x2f2: {  	v23 =	vld [tilespmem:s16+$0x3430];
	[tilespmem:s24+$0xFFFFFEA0] =	vst v24;
	v21 =	vmul.f32 v21, v11  }
0x2f3: {  	v24 =	vld [tilespmem:s25+$0x3430];
	[tilespmem:s24+$0xFFFFFFA0] =	vst v22  }
0x2f4: {  	v22 =	vld [tilespmem:s19+$0x3430];
	[tilespmem:s24+$0xA0] =	vst v21  }
0x2f5: {  	v21 =	vld [tilespmem:s23+$0x3430];
	_ =	sdelay $0x1  }
0x2f6: {  	v23 =	vmul.f32 v23, v12  }
0x2f7: {  	v24 =	vmul.f32 v24, v12  }
0x2f8: {  	[tilespmem:s24+$0x1B0] =	vst v23;
	v22 =	vmul.f32 v22, v12  }
0x2f9: {  	v23 =	vld [tilespmem:s16+$0x4E00];
	[tilespmem:s24+$0xFFFFFEB0] =	vst v24;
	v21 =	vmul.f32 v21, v12  }
0x2fa: {  	v24 =	vld [tilespmem:s25+$0x4E00];
	[tilespmem:s24+$0xFFFFFFB0] =	vst v22  }
0x2fb: {  	v22 =	vld [tilespmem:s19+$0x4E00];
	[tilespmem:s24+$0xB0] =	vst v21  }
0x2fc: {  	v21 =	vld [tilespmem:s23+$0x4E00];
	_ =	sdelay $0x1  }
0x2fd: {  	v23 =	vmul.f32 v23, v13  }
0x2fe: {  	v24 =	vmul.f32 v24, v13  }
0x2ff: {  	[tilespmem:s24+$0x1C0] =	vst v23;
	v22 =	vmul.f32 v22, v13  }
0x300: {  	v23 =	vld [tilespmem:s16+$0x4E10];
	[tilespmem:s24+$0xFFFFFEC0] =	vst v24;
	v21 =	vmul.f32 v21, v13  }
0x301: {  	v24 =	vld [tilespmem:s25+$0x4E10];
	[tilespmem:s24+$0xFFFFFFC0] =	vst v22  }
0x302: {  	v22 =	vld [tilespmem:s19+$0x4E10];
	[tilespmem:s24+$0xC0] =	vst v21  }
0x303: {  	v21 =	vld [tilespmem:s23+$0x4E10];
	_ =	sdelay $0x1  }
0x304: {  	v23 =	vmul.f32 v23, v14  }
0x305: {  	v24 =	vmul.f32 v24, v14  }
0x306: {  	[tilespmem:s24+$0x1D0] =	vst v23;
	v22 =	vmul.f32 v22, v14  }
0x307: {  	v23 =	vld [tilespmem:s16+$0x4E20];
	[tilespmem:s24+$0xFFFFFED0] =	vst v24;
	v21 =	vmul.f32 v21, v14  }
0x308: {  	v24 =	vld [tilespmem:s25+$0x4E20];
	[tilespmem:s24+$0xFFFFFFD0] =	vst v22  }
0x309: {  	v20 =	vmul.f32 v20, v15;
	v22 =	vld [tilespmem:s19+$0x4E20];
	[tilespmem:s24+$0xD0] =	vst v21  }
0x30a: {  	v18 =	vmul.f32 v18, v15;
	v21 =	vld [tilespmem:s23+$0x4E20]  }
0x30b: {  	[tilespmem:s10+$0xFFFFFEE0] =	vst v20;
	v19 =	vmul.f32 v19, v15  }
0x30c: {  	v20 =	vld [tilespmem:s17+$0x4E30];
	[tilespmem:s10+$0xFFFFFFE0] =	vst v18;
	v18 =	vmul.f32 v23, v15  }
0x30d: {  	v59 =	vld [tilespmem:s4+$0x4E30];
	[tilespmem:s10+$0xE0] =	vst v19;
	v19 =	vmul.f32 v24, v15  }
0x30e: {  	v60 =	vld [tilespmem:s14+$0x4E30];
	[tilespmem:s24+$0x1E0] =	vst v18;
	v18 =	vmul.f32 v22, v15  }
0x30f: {  	v61 =	vld [tilespmem:s16+$0x4E30];
	[tilespmem:s24+$0xFFFFFEE0] =	vst v19;
	v19 =	vmul.f32 v21, v15  }
0x310: {  	v17 =	vmul.f32 v17, v16;
	v62 =	vld [tilespmem:s25+$0x4E30];
	[tilespmem:s24+$0xFFFFFFE0] =	vst v18  }
0x311: {  	v18 =	vmul.f32 v20, v16;
	v63 =	vld [tilespmem:s19+$0x4E30];
	[tilespmem:s24+$0xE0] =	vst v19  }
0x312: {  	[tilespmem:s10+$0x1F0] =	vst v17;
	v17 =	vmul.f32 v59, v16;
	v19 =	vld [tilespmem:s23+$0x4E30]  }
0x313: {  	[tilespmem:s10+$0xFFFFFEF0] =	vst v18;
	v18 =	vmul.f32 v60, v16  }
0x314: {  	[tilespmem:s10+$0xFFFFFFF0] =	vst v17;
	v17 =	vmul.f32 v61, v16  }
0x315: {  	[tilespmem:s10+$0xF0] =	vst v18;
	v18 =	vmul.f32 v62, v16  }
0x316: {  	[tilespmem:s24+$0x1F0] =	vst v17;
	v17 =	vmul.f32 v63, v16  }
0x317: {  	[tilespmem:s24+$0xFFFFFEF0] =	vst v18;
	v18 =	vmul.f32 v19, v16  }
0x318: {  	[tilespmem:s24+$0xFFFFFFF0] =	vst v17  }
0x319: {  	[tilespmem:s24+$0xF0] =	vst v18  }
0x31a: {  	s30 =	smov.u32 s26;
	s26 =	rddreg [dreg:$0x3]  }
0x31b: {  	s13 =	rddreg [dreg:$0xa]  }
0x31c: {  	s16 =	rddreg [dreg:$0xe]  }
0x31d: {  	s17 =	rddreg [dreg:$0x10]  }
.LBB2_24:
0x31e: {  	s2 =	ssub.s32 s16, s7  }
0x31f: {  	p2 =	sgt.s32 s2, $0x0  }
0x320: {  	s2 =	simm.s32 @!p2 $0x0  }
0x321: {  	s4 =	smax.u32 s2, $0x68  }
0x322: {  	s5 =	ssub.s32 s16, s31;
	s2 =	ssub.s32 s4, s2  }
0x323: {  	p2 =	sgt.s32 s5, $0x0;
	s4 =	sand.u32 $0x7E, s2  }
0x324: {  	s5 =	simm.s32 @!p2 $0x0;
	p2 =	seq.s32 s4, $0x0  }
.Ltmp14:
0x325: {  	_ = 	snop;
	(pc) =	sbr.rel @p2 .LBB2_28-.Ltmp14, $2  }
0x326: {  	_ =	sdelay $0x2  }
0x327: {  	s9 =	smin.u32 s5, $0x68  }
0x328: {  	s5 =	sshll.u32 s9, $0x8  }
0x329: {  	s10 =	sadd.s32 $0xD100, s5  }
0x32a: {  	[tilespmem:s10+$0xFFFFFF00] =	vst v0  }
0x32b: {  	[tilespmem:s10+$0xF0] =	vst v0  }
0x32c: {  	[tilespmem:s10+$0xE0] =	vst v0  }
0x32d: {  	[tilespmem:s10+$0xD0] =	vst v0  }
0x32e: {  	[tilespmem:s10+$0xC0] =	vst v0  }
0x32f: {  	[tilespmem:s10+$0xB0] =	vst v0  }
0x330: {  	[tilespmem:s10+$0xA0] =	vst v0  }
0x331: {  	[tilespmem:s10+$0x90] =	vst v0  }
0x332: {  	[tilespmem:s10+$0x80] =	vst v0  }
0x333: {  	[tilespmem:s10+$0x70] =	vst v0  }
0x334: {  	[tilespmem:s10+$0x60] =	vst v0  }
0x335: {  	[tilespmem:s10+$0x50] =	vst v0  }
0x336: {  	[tilespmem:s10+$0x40] =	vst v0  }
0x337: {  	[tilespmem:s10+$0x30] =	vst v0  }
0x338: {  	[tilespmem:s10+$0x20] =	vst v0  }
0x339: {  	[tilespmem:s10+$0x10] =	vst v0  }
0x33a: {  	[tilespmem:s10+$0x0] =	vst v0  }
0x33b: {  	[tilespmem:s10+$0xFFFFFFF0] =	vst v0  }
0x33c: {  	[tilespmem:s10+$0xFFFFFFE0] =	vst v0  }
0x33d: {  	[tilespmem:s10+$0xFFFFFFD0] =	vst v0  }
0x33e: {  	[tilespmem:s10+$0xFFFFFFC0] =	vst v0  }
0x33f: {  	[tilespmem:s10+$0xFFFFFFB0] =	vst v0  }
0x340: {  	[tilespmem:s10+$0xFFFFFFA0] =	vst v0  }
0x341: {  	[tilespmem:s10+$0xFFFFFF90] =	vst v0  }
0x342: {  	[tilespmem:s10+$0xFFFFFF80] =	vst v0  }
0x343: {  	p2 =	sgt.u32 s4, $0x2;
	[tilespmem:s10+$0xFFFFFF70] =	vst v0  }
.Ltmp15:
0x344: {  	[tilespmem:s10+$0xFFFFFF60] =	vst v0;
	(pc) =	sbr.rel @!p2 .LBB2_27-.Ltmp15, $4  }
0x345: {  	[tilespmem:s10+$0xFFFFFF50] =	vst v0  }
0x346: {  	[tilespmem:s10+$0xFFFFFF40] =	vst v0  }
0x347: {  	[tilespmem:s10+$0xFFFFFF30] =	vst v0  }
0x348: {  	s12 =	simm.s32 $0x2;
	[tilespmem:s10+$0xFFFFFF20] =	vst v0  }
.LBB2_26:
0x349: {  	s12 =	sadd.s32 $0x2, s12;
	[tilespmem:s10+$0xFFFFFF10] =	vst v0;
	s10 =	sadd.s32 $0x200, s10  }
0x34a: {  	[tilespmem:s10+$0xFFFFFF00] =	vst v0;
	p2 =	slt.u32 s12, s4  }
0x34b: {  	[tilespmem:s10+$0xF0] =	vst v0  }
0x34c: {  	[tilespmem:s10+$0xE0] =	vst v0  }
0x34d: {  	[tilespmem:s10+$0xD0] =	vst v0  }
0x34e: {  	[tilespmem:s10+$0xC0] =	vst v0  }
0x34f: {  	[tilespmem:s10+$0xB0] =	vst v0  }
0x350: {  	[tilespmem:s10+$0xA0] =	vst v0  }
0x351: {  	[tilespmem:s10+$0x90] =	vst v0  }
0x352: {  	[tilespmem:s10+$0x80] =	vst v0  }
0x353: {  	[tilespmem:s10+$0x70] =	vst v0  }
0x354: {  	[tilespmem:s10+$0x60] =	vst v0  }
0x355: {  	[tilespmem:s10+$0x50] =	vst v0  }
0x356: {  	[tilespmem:s10+$0x40] =	vst v0  }
0x357: {  	[tilespmem:s10+$0x30] =	vst v0  }
0x358: {  	[tilespmem:s10+$0x20] =	vst v0  }
0x359: {  	[tilespmem:s10+$0x10] =	vst v0  }
0x35a: {  	[tilespmem:s10+$0x0] =	vst v0  }
0x35b: {  	[tilespmem:s10+$0xFFFFFFF0] =	vst v0  }
0x35c: {  	[tilespmem:s10+$0xFFFFFFE0] =	vst v0  }
0x35d: {  	[tilespmem:s10+$0xFFFFFFD0] =	vst v0  }
0x35e: {  	[tilespmem:s10+$0xFFFFFFC0] =	vst v0  }
0x35f: {  	[tilespmem:s10+$0xFFFFFFB0] =	vst v0  }
0x360: {  	[tilespmem:s10+$0xFFFFFFA0] =	vst v0  }
0x361: {  	[tilespmem:s10+$0xFFFFFF90] =	vst v0  }
0x362: {  	[tilespmem:s10+$0xFFFFFF80] =	vst v0  }
0x363: {  	[tilespmem:s10+$0xFFFFFF70] =	vst v0  }
.Ltmp16:
0x364: {  	[tilespmem:s10+$0xFFFFFF60] =	vst v0;
	(pc) =	sbr.rel @p2 .LBB2_26-.Ltmp16, $4  }
0x365: {  	[tilespmem:s10+$0xFFFFFF50] =	vst v0  }
0x366: {  	[tilespmem:s10+$0xFFFFFF40] =	vst v0  }
0x367: {  	[tilespmem:s10+$0xFFFFFF30] =	vst v0  }
0x368: {  	[tilespmem:s10+$0xFFFFFF20] =	vst v0  }
.LBB2_27:
0x369: {  	[tilespmem:s10+$0xFFFFFF10] =	vst v0  }
.LBB2_28:
0x36a: {  	p2 =	seq.s32 s4, s2  }
.Ltmp17:
0x36b: {  	_ = 	snop;
	(pc) =	sbr.rel @p2 .LBB2_31-.Ltmp17, $1  }
0x36c: {  	_ =	sdelay $0x3  }
0x36d: {  	s5 =	ssub.s32 $0x68, s9  }
0x36e: {  	s5 =	sshll.u32 s5, $0xA  }
0x36f: {  	s31 =	sshll.u32 s9, $0xA;
	s5 =	sand.u32 $0xFFFFF800, s5  }
0x370: {  	s5 =	sadd.s32 s31, s5  }
0x371: {  	s5 =	sshra.s32 s5, $0x2  }
0x372: {  	s9 =	sadd.s32 $0xD080, s5  }
.LBB2_30:
0x373: {  	[tilespmem:s9+$0xFFFFFF80] =	vst v0  }
0x374: {  	[tilespmem:s9+$0xFFFFFF90] =	vst v0  }
0x375: {  	[tilespmem:s9+$0xFFFFFFA0] =	vst v0  }
0x376: {  	[tilespmem:s9+$0xFFFFFFB0] =	vst v0  }
0x377: {  	[tilespmem:s9+$0xFFFFFFC0] =	vst v0  }
0x378: {  	[tilespmem:s9+$0xFFFFFFD0] =	vst v0  }
0x379: {  	[tilespmem:s9+$0xFFFFFFE0] =	vst v0  }
0x37a: {  	[tilespmem:s9+$0xFFFFFFF0] =	vst v0  }
0x37b: {  	[tilespmem:s9+$0x0] =	vst v0  }
0x37c: {  	[tilespmem:s9+$0x10] =	vst v0;
	s4 =	sadd.s32 $0x1, s4  }
0x37d: {  	[tilespmem:s9+$0x20] =	vst v0;
	p2 =	slt.u32 s4, s2  }
.Ltmp18:
0x37e: {  	[tilespmem:s9+$0x30] =	vst v0;
	(pc) =	sbr.rel @p2 .LBB2_30-.Ltmp18, $4  }
0x37f: {  	[tilespmem:s9+$0x40] =	vst v0  }
0x380: {  	[tilespmem:s9+$0x50] =	vst v0  }
0x381: {  	[tilespmem:s9+$0x60] =	vst v0  }
0x382: {  	[tilespmem:s9+$0x70] =	vst v0;
	s9 =	sadd.s32 $0x100, s9  }
.LBB2_31:
0x383: {  	p2 =	slt.s32 s3, s7;
	s2 =	sadd.s32 $0x68, s7  }
0x384: {  	p3 =	sge.s32 @!p2 s3, s2  }
0x385: {  	p3 =	por p3, p2  }
0x386: {  	s2 =	ssub.s32 @!p3 s3, s7  }
0x387: {  	s2 =	sshll.u32 @!p3 s2, $0xA  }
0x388: {  	v17 =	vimm.f32 @!p3 $2.000000000e+00;
	s2 =	sshra.s32 @!p3 s2, $0x2  }
0x389: {  	[tilespmem:s2+$0xD000] =	vst @!p3 v17  }
0x38a: {  	[tilespmem:s2+$0xD010] =	vst @!p3 v17  }
0x38b: {  	[tilespmem:s2+$0xD020] =	vst @!p3 v17  }
0x38c: {  	[tilespmem:s2+$0xD030] =	vst @!p3 v17  }
0x38d: {  	[tilespmem:s2+$0xD040] =	vst @!p3 v17  }
0x38e: {  	[tilespmem:s2+$0xD050] =	vst @!p3 v17  }
0x38f: {  	[tilespmem:s2+$0xD060] =	vst @!p3 v17  }
0x390: {  	[tilespmem:s2+$0xD070] =	vst @!p3 v17  }
0x391: {  	[tilespmem:s2+$0xD080] =	vst @!p3 v17  }
0x392: {  	[tilespmem:s2+$0xD090] =	vst @!p3 v17  }
0x393: {  	[tilespmem:s2+$0xD0A0] =	vst @!p3 v17  }
0x394: {  	[tilespmem:s2+$0xD0B0] =	vst @!p3 v17  }
0x395: {  	[tilespmem:s2+$0xD0C0] =	vst @!p3 v17  }
0x396: {  	[tilespmem:s2+$0xD0D0] =	vst @!p3 v17  }
0x397: {  	p2 =	sne.s32 s7, $0x0;
	[tilespmem:s2+$0xD0E0] =	vst @!p3 v17  }
0x398: {  	[tilespmem:s2+$0xD0F0] =	vst @!p3 v17;
	v17 =	vimm.f32 @!p2 $1.000000000e+00  }
0x399: {  	[tilespmem:$0xD000] =	vst @!p2 v17  }
0x39a: {  	[tilespmem:$0xD010] =	vst @!p2 v17  }
0x39b: {  	[tilespmem:$0xD020] =	vst @!p2 v17  }
0x39c: {  	[tilespmem:$0xD030] =	vst @!p2 v17  }
0x39d: {  	[tilespmem:$0xD040] =	vst @!p2 v17  }
0x39e: {  	[tilespmem:$0xD050] =	vst @!p2 v17  }
0x39f: {  	[tilespmem:$0xD060] =	vst @!p2 v17  }
0x3a0: {  	[tilespmem:$0xD070] =	vst @!p2 v17  }
0x3a1: {  	[tilespmem:$0xD080] =	vst @!p2 v17  }
0x3a2: {  	[tilespmem:$0xD090] =	vst @!p2 v17  }
0x3a3: {  	[tilespmem:$0xD0A0] =	vst @!p2 v17  }
0x3a4: {  	s31 =	sshll.u32 s7, $0xC;
	[tilespmem:$0xD0B0] =	vst @!p2 v17  }
0x3a5: {  	s2 =	sor.u32 s13, s31;
	[tilespmem:$0xD0C0] =	vst @!p2 v17  }
0x3a6: {  	[tilespmem:$0xD0D0] =	vst @!p2 v17;
	s2 =	sshrl.u32 s2, $0x3  }
0x3a7: {  	s9 =	simm.s32 $0xD100;
	[tilespmem:$0xD0E0] =	vst @!p2 v17;
	s4 =	sadd.s32 s30, s2  }
0x3a8: {  	s7 =	simm.s32 $0x200;
	[tilespmem:$0xD0F0] =	vst @!p2 v17;
	s2 =	simm.s32 $0xD000;
	s10 =	sadd.s32 $0x0, s4  }
.LBB2_32:
0x3a9: {  	[hbm4b:s10+s20] =	stream.strided.scatter [tilespmem:s2], [sflag:$0x3], $0x100, s21, s20, $0x38;
	[tilespmem:$0x1E120] =	vst v63  }
0x3aa: {  	s5 =	smov.u32 s7;
	s2 =	smov.u32 s9;
	p2 =	sne.s32 s7, $0xCE00  }
.Ltmp19:
0x3ab: {  	s7 =	sadd.s32 $0x200, s7;
	(pc) =	sbr.rel @p2 .LBB2_32-.Ltmp19, $2  }
0x3ac: {  	_ =	sdelay $0x2  }
0x3ad: {  	s9 =	sadd.s32 $0x100, s9;
	s10 =	sadd.s32 s5, s4  }
0x3ae: {  	s4 =	sadd.s32 $0x2, s1  }
0x3af: {  	p2 =	sge.s32 s4, s29  }
0x3b0: {  	s4 =	smul.u32 @!p2 $0x68, s4  }
0x3b1: {  	[hbm4b:s10+s20] =	stream.strided.scatter [tilespmem:s2], [sflag:$0x3], $0x100, s21, s20, $0x38;
	[tilespmem:$0x1E120] =	vst v63  }
0x3b2: {  	s2 =	sadd.s32 @!p2 s18, s4  }
0x3b3: {  	p3 =	slt.s32 @!p2 s2, s8  }
0x3b4: {  	p3 =	por !p3, p2  }
0x3b5: {  	s2 =	smov.u32 @p3 s8  }
0x3b6: {  	p3 =	sgt.s32 @!p2 s2, s18  }
0x3b7: {  	p3 =	por !p3, p2  }
0x3b8: {  	s2 =	smov.u32 @p3 s18  }
0x3b9: {  	s2 =	sadd.s32 @!p2 s2, s0  }
0x3ba: {  	p3 =	sgt.s32 @!p2 s2, $0x0  }
0x3bb: {  	p3 =	por !p3, p2  }
0x3bc: {  	s2 =	simm.s32 @p3 $0x0  }
0x3bd: {  	s2 =	smin.u32 @!p2 s2, $0x7F98  }
0x3be: {  	s5 =	simm.s32 @!p2 $0x200000;
	s2 =	sshll.u32 @!p2 s2, $0x3  }
0x3bf: {  	s7 =	simm.s32 @!p2 $0x0;
	s4 =	simm.s32 @!p2 $0x1A00;
	s2 =	sadd.s32 @!p2 s26, s2  }
0x3c0: {  	[tilespmem:s7], [sflag:$0x1] =	stream.strided.gather @!p2 [hbm4b:s2+s4], $0x6800, s5, s4, $0x38;
	[tilespmem:$0x1E120] =	vst v63  }
.LBB2_34:
0x3c1: {  	s2 =	sor.u32 $0x1, s1  }
0x3c2: {  	p2 =	sge.s32 s2, s29  }
.Ltmp20:
0x3c3: {  	_ = 	snop;
	(pc) =	sbr.rel @p2 .LBB2_52-.Ltmp20, $1  }
0x3c4: {  	_ =	sdelay $0x3  }
0x3c5: {  	s2 =	smul.u32 $0x68, s2;
	_ =	sdelay $0x1  }
0x3c6: {  	s2 =	sadd.s32 s18, s2  }
0x3c7: {  	s4 =	smov.u32 s8;
	p2 =	slt.s32 s2, s8  }
0x3c8: {  	s4 =	smov.u32 @p2 s2  }
0x3c9: {  	s7 =	smov.u32 s18;
	p2 =	sgt.s32 s4, s18  }
0x3ca: {  	s7 =	smov.u32 @p2 s4  }
0x3cb: {  	p3 =	slt.s32 s11, s8;
	s28 =	sadd.s32 s7, s0  }
0x3cc: {  	s31 =	smov.u32 s8;
	p2 =	sgt.s32 s28, $0x0;
	s4 =	smov.u32 s28  }
0x3cd: {  	s31 =	smov.u32 @p3 s11;
	s4 =	simm.s32 @!p2 $0x0  }
0x3ce: {  	s5 =	simm.s32 $0x2;
	p2 =	sgt.s32 s18, s31;
	s4 =	smin.u32 s4, $0x7F98  }
0x3cf: {  	_ =	swait.ge [sflag:s5], $0x6800;
	s31 =	smov.u32 @p2 s18;
	p2 =	sne.s32 s28, s4  }
.Ltmp21:
0x3d0: {  	p3 =	seq.s32 s15, $0x0;
	[sflag:s5] =	ssyncset.done $0x0;
	(pc) =	sbr.rel @p2 .LBB2_36-.Ltmp21, $4  }
0x3d1: {  	[sflag:s5] =	ssyncadd.s32 $0xFFFF9800;
	s5 =	simm.s32 @!p3 $0x4  }
0x3d2: {  	_ =	swait.ge @!p3 [sflag:s5], $0x6800  }
0x3d3: {  	[sflag:s5] =	ssyncset.done @!p3 $0x0  }
0x3d4: {  	s10 =	simm.s32 $0x13A00;
	s2 =	simm.s32 $0xB6F0;
	[sflag:s5] =	ssyncadd.s32 @!p3 $0xFFFF9800  }
0x3d5: {  	v17 =	vld [tilespmem:s2+$0xFFFFB1D0];
	_ =	sdelay $0x3  }
0x3d6: {  	v18 =	vld [tilespmem:s2+$0xFFFFB110]  }
0x3d7: {  	v19 =	vld [tilespmem:s2+$0xFFFFB150];
	v17 =	vmul.f32 v17, v1  }
0x3d8: {  	v20 =	vld [tilespmem:s2+$0xFFFFB190]  }
0x3d9: {  	[tilespmem:s10+$0x100] =	vst v17  }
0x3da: {  	v17 =	vld [tilespmem:s2+$0xFFFFB1E0]  }
0x3db: {  	v18 =	vmul.f32 v18, v1  }
0x3dc: {  	v19 =	vmul.f32 v19, v1  }
0x3dd: {  	v20 =	vmul.f32 v20, v1;
	[tilespmem:s10+$0xFFFFFE00] =	vst v18  }
0x3de: {  	[tilespmem:s10+$0xFFFFFF00] =	vst v19;
	v18 =	vld [tilespmem:s2+$0xFFFFB120]  }
0x3df: {  	[tilespmem:s10+$0x0] =	vst v20;
	v19 =	vld [tilespmem:s2+$0xFFFFB160];
	v17 =	vmul.f32 v17, v2  }
0x3e0: {  	v20 =	vld [tilespmem:s2+$0xFFFFB1A0]  }
0x3e1: {  	[tilespmem:s10+$0x110] =	vst v17  }
0x3e2: {  	v17 =	vld [tilespmem:s2+$0xFFFFB1F0]  }
0x3e3: {  	v18 =	vmul.f32 v18, v2  }
0x3e4: {  	v19 =	vmul.f32 v19, v2  }
0x3e5: {  	v20 =	vmul.f32 v20, v2;
	[tilespmem:s10+$0xFFFFFE10] =	vst v18  }
0x3e6: {  	[tilespmem:s10+$0xFFFFFF10] =	vst v19;
	v18 =	vld [tilespmem:s2+$0xFFFFB130]  }
0x3e7: {  	[tilespmem:s10+$0x10] =	vst v20;
	v19 =	vld [tilespmem:s2+$0xFFFFB170];
	v17 =	vmul.f32 v17, v3  }
0x3e8: {  	v20 =	vld [tilespmem:s2+$0xFFFFB1B0]  }
0x3e9: {  	[tilespmem:s10+$0x120] =	vst v17  }
0x3ea: {  	v17 =	vld [tilespmem:s2+$0xFFFFB200]  }
0x3eb: {  	v18 =	vmul.f32 v18, v3  }
0x3ec: {  	v19 =	vmul.f32 v19, v3  }
0x3ed: {  	v20 =	vmul.f32 v20, v3;
	[tilespmem:s10+$0xFFFFFE20] =	vst v18  }
0x3ee: {  	[tilespmem:s10+$0xFFFFFF20] =	vst v19;
	v18 =	vld [tilespmem:s2+$0xFFFFB140]  }
0x3ef: {  	[tilespmem:s10+$0x20] =	vst v20;
	v19 =	vld [tilespmem:s2+$0xFFFFB180];
	v17 =	vmul.f32 v17, v4  }
0x3f0: {  	v20 =	vld [tilespmem:s2+$0xFFFFB1C0]  }
0x3f1: {  	[tilespmem:s10+$0x130] =	vst v17  }
0x3f2: {  	v17 =	vld [tilespmem:s2+$0xFFFFCBD0]  }
0x3f3: {  	v18 =	vmul.f32 v18, v4  }
0x3f4: {  	v19 =	vmul.f32 v19, v4  }
0x3f5: {  	v20 =	vmul.f32 v20, v4;
	[tilespmem:s10+$0xFFFFFE30] =	vst v18  }
0x3f6: {  	[tilespmem:s10+$0xFFFFFF30] =	vst v19;
	v18 =	vld [tilespmem:s2+$0xFFFFCB10]  }
0x3f7: {  	[tilespmem:s10+$0x30] =	vst v20;
	v19 =	vld [tilespmem:s2+$0xFFFFCB50];
	v17 =	vmul.f32 v17, v5  }
0x3f8: {  	v20 =	vld [tilespmem:s2+$0xFFFFCB90]  }
0x3f9: {  	[tilespmem:s10+$0x140] =	vst v17  }
0x3fa: {  	v17 =	vld [tilespmem:s2+$0xFFFFCBE0]  }
0x3fb: {  	v18 =	vmul.f32 v18, v5  }
0x3fc: {  	v19 =	vmul.f32 v19, v5  }
0x3fd: {  	v20 =	vmul.f32 v20, v5;
	[tilespmem:s10+$0xFFFFFE40] =	vst v18  }
0x3fe: {  	[tilespmem:s10+$0xFFFFFF40] =	vst v19;
	v18 =	vld [tilespmem:s2+$0xFFFFCB20]  }
0x3ff: {  	[tilespmem:s10+$0x40] =	vst v20;
	v19 =	vld [tilespmem:s2+$0xFFFFCB60];
	v17 =	vmul.f32 v17, v6  }
0x400: {  	v20 =	vld [tilespmem:s2+$0xFFFFCBA0]  }
0x401: {  	[tilespmem:s10+$0x150] =	vst v17  }
0x402: {  	v17 =	vld [tilespmem:s2+$0xFFFFCBF0]  }
0x403: {  	v18 =	vmul.f32 v18, v6  }
0x404: {  	v19 =	vmul.f32 v19, v6  }
0x405: {  	v20 =	vmul.f32 v20, v6;
	[tilespmem:s10+$0xFFFFFE50] =	vst v18  }
0x406: {  	[tilespmem:s10+$0xFFFFFF50] =	vst v19;
	v18 =	vld [tilespmem:s2+$0xFFFFCB30]  }
0x407: {  	[tilespmem:s10+$0x50] =	vst v20;
	v19 =	vld [tilespmem:s2+$0xFFFFCB70];
	v17 =	vmul.f32 v17, v7  }
0x408: {  	v20 =	vld [tilespmem:s2+$0xFFFFCBB0]  }
0x409: {  	[tilespmem:s10+$0x160] =	vst v17  }
0x40a: {  	v17 =	vld [tilespmem:s2+$0xFFFFCC00]  }
0x40b: {  	v18 =	vmul.f32 v18, v7  }
0x40c: {  	v19 =	vmul.f32 v19, v7  }
0x40d: {  	v20 =	vmul.f32 v20, v7;
	[tilespmem:s10+$0xFFFFFE60] =	vst v18  }
0x40e: {  	[tilespmem:s10+$0xFFFFFF60] =	vst v19;
	v18 =	vld [tilespmem:s2+$0xFFFFCB40]  }
0x40f: {  	[tilespmem:s10+$0x60] =	vst v20;
	v19 =	vld [tilespmem:s2+$0xFFFFCB80];
	v17 =	vmul.f32 v17, v8  }
0x410: {  	s4 =	simm.s32 $0xB7F0;
	v20 =	vld [tilespmem:s2+$0xFFFFCBC0]  }
0x411: {  	[tilespmem:s10+$0x170] =	vst v17;
	v17 =	vld [tilespmem:s4+$0xFFFFB1D0]  }
0x412: {  	v21 =	vld [tilespmem:s2+$0xFFFFE5D0]  }
0x413: {  	v22 =	vld [tilespmem:s4+$0xFFFFB150];
	v18 =	vmul.f32 v18, v8  }
0x414: {  	v23 =	vld [tilespmem:s4+$0xFFFFB190];
	v19 =	vmul.f32 v19, v8  }
0x415: {  	v20 =	vmul.f32 v20, v8;
	[tilespmem:s10+$0xFFFFFE70] =	vst v18;
	v18 =	vld [tilespmem:s4+$0xFFFFB110]  }
0x416: {  	[tilespmem:s10+$0xFFFFFF70] =	vst v19;
	v19 =	vld [tilespmem:s2+$0xFFFFE510];
	v17 =	vmul.f32 v17, v1  }
0x417: {  	s9 =	simm.s32 $0x13E00;
	[tilespmem:s10+$0x70] =	vst v20;
	v20 =	vld [tilespmem:s2+$0xFFFFE550];
	v21 =	vmul.f32 v21, v9  }
0x418: {  	v22 =	vmul.f32 v22, v1;
	[tilespmem:s9+$0x100] =	vst v17;
	v17 =	vld [tilespmem:s2+$0xFFFFE590]  }
0x419: {  	v23 =	vmul.f32 v23, v1;
	v24 =	vld [tilespmem:s4+$0xFFFFB1E0];
	[tilespmem:s10+$0x180] =	vst v21  }
0x41a: {  	[tilespmem:s9+$0xFFFFFF00] =	vst v22;
	v18 =	vmul.f32 v18, v1;
	v21 =	vld [tilespmem:s2+$0xFFFFE5E0]  }
0x41b: {  	[tilespmem:s9+$0x0] =	vst v23;
	v22 =	vld [tilespmem:s4+$0xFFFFB160];
	v19 =	vmul.f32 v19, v9  }
0x41c: {  	v20 =	vmul.f32 v20, v9;
	[tilespmem:s9+$0xFFFFFE00] =	vst v18;
	v18 =	vld [tilespmem:s4+$0xFFFFB1A0]  }
0x41d: {  	v23 =	vld [tilespmem:s4+$0xFFFFB120];
	[tilespmem:s10+$0xFFFFFE80] =	vst v19;
	v17 =	vmul.f32 v17, v9  }
0x41e: {  	[tilespmem:s10+$0xFFFFFF80] =	vst v20;
	v56 =	vld [tilespmem:s2+$0xFFFFE520];
	v19 =	vmul.f32 v24, v2  }
0x41f: {  	v20 =	vld [tilespmem:s2+$0xFFFFE560];
	[tilespmem:s10+$0x80] =	vst v17;
	v17 =	vmul.f32 v21, v10  }
0x420: {  	v21 =	vmul.f32 v22, v2;
	[tilespmem:s9+$0x110] =	vst v19;
	v19 =	vld [tilespmem:s2+$0xFFFFE5A0]  }
0x421: {  	v18 =	vmul.f32 v18, v2;
	v22 =	vld [tilespmem:s4+$0xFFFFB1F0];
	[tilespmem:s10+$0x190] =	vst v17  }
0x422: {  	v17 =	vmul.f32 v23, v2;
	[tilespmem:s9+$0xFFFFFF10] =	vst v21;
	v21 =	vld [tilespmem:s2+$0xFFFFE5F0]  }
0x423: {  	[tilespmem:s9+$0x10] =	vst v18;
	v18 =	vmul.f32 v56, v10;
	v23 =	vld [tilespmem:s4+$0xFFFFB170]  }
0x424: {  	v20 =	vmul.f32 v20, v10;
	[tilespmem:s9+$0xFFFFFE10] =	vst v17;
	v17 =	vld [tilespmem:s4+$0xFFFFB1B0]  }
0x425: {  	[tilespmem:s10+$0xFFFFFE90] =	vst v18;
	v57 =	vld [tilespmem:s4+$0xFFFFB130];
	v18 =	vmul.f32 v19, v10  }
0x426: {  	[tilespmem:s10+$0xFFFFFF90] =	vst v20;
	v19 =	vmul.f32 v22, v3;
	v22 =	vld [tilespmem:s2+$0xFFFFE530]  }
0x427: {  	v20 =	vld [tilespmem:s2+$0xFFFFE570];
	[tilespmem:s10+$0x90] =	vst v18;
	v18 =	vmul.f32 v21, v11  }
0x428: {  	v21 =	vmul.f32 v23, v3;
	[tilespmem:s9+$0x120] =	vst v19;
	v19 =	vld [tilespmem:s2+$0xFFFFE5B0]  }
0x429: {  	v17 =	vmul.f32 v17, v3;
	v23 =	vld [tilespmem:s4+$0xFFFFB200];
	[tilespmem:s10+$0x1A0] =	vst v18  }
0x42a: {  	v18 =	vmul.f32 v57, v3;
	[tilespmem:s9+$0xFFFFFF20] =	vst v21;
	v21 =	vld [tilespmem:s2+$0xFFFFE600]  }
0x42b: {  	v58 =	vld [tilespmem:s4+$0xFFFFB180];
	[tilespmem:s9+$0x20] =	vst v17;
	v17 =	vmul.f32 v22, v11  }
0x42c: {  	v20 =	vmul.f32 v20, v11;
	[tilespmem:s9+$0xFFFFFE20] =	vst v18;
	v18 =	vld [tilespmem:s4+$0xFFFFB1C0]  }
0x42d: {  	v22 =	vld [tilespmem:s4+$0xFFFFB140];
	[tilespmem:s10+$0xFFFFFEA0] =	vst v17;
	v17 =	vmul.f32 v19, v11  }
0x42e: {  	[tilespmem:s10+$0xFFFFFFA0] =	vst v20;
	v19 =	vmul.f32 v23, v4;
	v23 =	vld [tilespmem:s2+$0xFFFFE540]  }
0x42f: {  	v20 =	vld [tilespmem:s2+$0xFFFFE580];
	[tilespmem:s10+$0xA0] =	vst v17;
	v17 =	vmul.f32 v21, v12  }
0x430: {  	v21 =	vmul.f32 v58, v4;
	[tilespmem:s9+$0x130] =	vst v19;
	v19 =	vld [tilespmem:s2+$0xFFFFE5C0]  }
0x431: {  	v18 =	vmul.f32 v18, v4;
	v59 =	vld [tilespmem:s4+$0xFFFFCBD0];
	[tilespmem:s10+$0x1B0] =	vst v17  }
0x432: {  	v17 =	vmul.f32 v22, v4;
	[tilespmem:s9+$0xFFFFFF30] =	vst v21;
	v21 =	vld [tilespmem:s2+$0xFFFFFFD0]  }
0x433: {  	v22 =	vld [tilespmem:s4+$0xFFFFCB50];
	[tilespmem:s9+$0x30] =	vst v18;
	v18 =	vmul.f32 v23, v12  }
0x434: {  	v20 =	vmul.f32 v20, v12;
	[tilespmem:s9+$0xFFFFFE30] =	vst v17;
	v17 =	vld [tilespmem:s4+$0xFFFFCB90]  }
0x435: {  	v23 =	vld [tilespmem:s4+$0xFFFFCB10];
	[tilespmem:s10+$0xFFFFFEB0] =	vst v18;
	v18 =	vmul.f32 v19, v12  }
0x436: {  	[tilespmem:s10+$0xFFFFFFB0] =	vst v20;
	v19 =	vmul.f32 v59, v5;
	v60 =	vld [tilespmem:s2+$0xFFFFFF10]  }
0x437: {  	v20 =	vld [tilespmem:s2+$0xFFFFFF50];
	[tilespmem:s10+$0xB0] =	vst v18;
	v18 =	vmul.f32 v21, v13  }
0x438: {  	v21 =	vmul.f32 v22, v5;
	[tilespmem:s9+$0x140] =	vst v19;
	v19 =	vld [tilespmem:s2+$0xFFFFFF90]  }
0x439: {  	v17 =	vmul.f32 v17, v5;
	v22 =	vld [tilespmem:s4+$0xFFFFCBE0];
	[tilespmem:s10+$0x1C0] =	vst v18  }
0x43a: {  	v18 =	vmul.f32 v23, v5;
	[tilespmem:s9+$0xFFFFFF40] =	vst v21;
	v21 =	vld [tilespmem:s2+$0xFFFFFFE0]  }
0x43b: {  	v23 =	vld [tilespmem:s4+$0xFFFFCB60];
	[tilespmem:s9+$0x40] =	vst v17;
	v17 =	vmul.f32 v60, v13  }
0x43c: {  	v20 =	vmul.f32 v20, v13;
	[tilespmem:s9+$0xFFFFFE40] =	vst v18;
	v18 =	vld [tilespmem:s4+$0xFFFFCBA0]  }
0x43d: {  	v61 =	vld [tilespmem:s4+$0xFFFFCB20];
	[tilespmem:s10+$0xFFFFFEC0] =	vst v17;
	v17 =	vmul.f32 v19, v13  }
0x43e: {  	[tilespmem:s10+$0xFFFFFFC0] =	vst v20;
	v19 =	vmul.f32 v22, v6;
	v22 =	vld [tilespmem:s2+$0xFFFFFF20]  }
0x43f: {  	v20 =	vld [tilespmem:s2+$0xFFFFFF60];
	[tilespmem:s10+$0xC0] =	vst v17;
	v17 =	vmul.f32 v21, v14  }
0x440: {  	v21 =	vmul.f32 v23, v6;
	[tilespmem:s9+$0x150] =	vst v19;
	v19 =	vld [tilespmem:s2+$0xFFFFFFA0]  }
0x441: {  	v18 =	vmul.f32 v18, v6;
	v23 =	vld [tilespmem:s4+$0xFFFFCBF0];
	[tilespmem:s10+$0x1D0] =	vst v17  }
0x442: {  	v17 =	vmul.f32 v61, v6;
	[tilespmem:s9+$0xFFFFFF50] =	vst v21;
	v21 =	vld [tilespmem:s2+$0xFFFFFFF0]  }
0x443: {  	v62 =	vld [tilespmem:s4+$0xFFFFCB70];
	[tilespmem:s9+$0x50] =	vst v18;
	v18 =	vmul.f32 v22, v14  }
0x444: {  	v20 =	vmul.f32 v20, v14;
	[tilespmem:s9+$0xFFFFFE50] =	vst v17;
	v17 =	vld [tilespmem:s4+$0xFFFFCBB0]  }
0x445: {  	v22 =	vld [tilespmem:s4+$0xFFFFCB30];
	[tilespmem:s10+$0xFFFFFED0] =	vst v18;
	v18 =	vmul.f32 v19, v14  }
0x446: {  	[tilespmem:s10+$0xFFFFFFD0] =	vst v20;
	v19 =	vmul.f32 v23, v7;
	v23 =	vld [tilespmem:s2+$0xFFFFFF30]  }
0x447: {  	v20 =	vld [tilespmem:s2+$0xFFFFFF70];
	[tilespmem:s10+$0xD0] =	vst v18;
	v18 =	vmul.f32 v21, v15  }
0x448: {  	v21 =	vmul.f32 v62, v7;
	[tilespmem:s9+$0x160] =	vst v19;
	v19 =	vld [tilespmem:s2+$0xFFFFFFB0]  }
0x449: {  	v17 =	vmul.f32 v17, v7;
	v63 =	vld [tilespmem:s4+$0xFFFFCC00];
	[tilespmem:s10+$0x1E0] =	vst v18  }
0x44a: {  	v18 =	vmul.f32 v22, v7;
	[tilespmem:s9+$0xFFFFFF60] =	vst v21;
	v25 =	vld [tilespmem:s2+$0x0]  }
0x44b: {  	v26 =	vld [tilespmem:s4+$0xFFFFCB80];
	[tilespmem:s9+$0x60] =	vst v17;
	v17 =	vmul.f32 v23, v15  }
0x44c: {  	v20 =	vmul.f32 v20, v15;
	[tilespmem:s9+$0xFFFFFE60] =	vst v18;
	v21 =	vld [tilespmem:s4+$0xFFFFCBC0]  }
0x44d: {  	v22 =	vld [tilespmem:s4+$0xFFFFCB40];
	[tilespmem:s10+$0xFFFFFEE0] =	vst v17;
	v19 =	vmul.f32 v19, v15  }
0x44e: {  	[tilespmem:s10+$0xFFFFFFE0] =	vst v20;
	v24 =	vmul.f32 v63, v8;
	v18 =	vld [tilespmem:s2+$0xFFFFFF40]  }
0x44f: {  	v17 =	vld [tilespmem:s2+$0xFFFFFF80];
	[tilespmem:s10+$0xE0] =	vst v19;
	v20 =	vmul.f32 v25, v16  }
0x450: {  	s12 =	simm.s32 $0x4;
	s14 =	simm.s32 $0xB8F0;
	v23 =	vmul.f32 v26, v8;
	[tilespmem:s9+$0x170] =	vst v24;
	v19 =	vld [tilespmem:s2+$0xFFFFFFC0]  }
.LBB2_40:
0x451: {  	v24 =	vld [tilespmem:s14+$0xFFFFB1D0];
	v21 =	vmul.f32 v21, v8;
	[tilespmem:s10+$0x1F0] =	vst v20  }
0x452: {  	s12 =	sadd.s32 $0x4, s12;
	v20 =	vmul.f32 v22, v8;
	[tilespmem:s9+$0xFFFFFF70] =	vst v23;
	v22 =	vld [tilespmem:s4+$0xFFFFE5D0]  }
0x453: {  	p2 =	slt.u32 s12, $0x64;
	v23 =	vld [tilespmem:s14+$0xFFFFB150];
	[tilespmem:s9+$0x70] =	vst v21;
	v18 =	vmul.f32 v18, v16  }
0x454: {  	v21 =	vld [tilespmem:s14+$0xFFFFB190];
	[tilespmem:s9+$0xFFFFFE70] =	vst v20;
	v17 =	vmul.f32 v17, v16  }
0x455: {  	v20 =	vld [tilespmem:s14+$0xFFFFB110];
	[tilespmem:s10+$0xFFFFFEF0] =	vst v18;
	v18 =	vmul.f32 v19, v16  }
0x456: {  	v19 =	vmul.f32 v24, v1;
	v24 =	vld [tilespmem:s4+$0xFFFFE510];
	[tilespmem:s10+$0xFFFFFFF0] =	vst v17  }
0x457: {  	v17 =	vld [tilespmem:s4+$0xFFFFE550];
	v22 =	vmul.f32 v22, v9;
	[tilespmem:s10+$0xF0] =	vst v18;
	s10 =	smov.u32 s9;
	s9 =	sadd.s32 $0x400, s9  }
0x458: {  	v18 =	vmul.f32 v23, v1;
	[tilespmem:s9+$0x100] =	vst v19;
	v19 =	vld [tilespmem:s4+$0xFFFFE590]  }
0x459: {  	v21 =	vmul.f32 v21, v1;
	v23 =	vld [tilespmem:s14+$0xFFFFB1E0];
	[tilespmem:s10+$0x180] =	vst v22  }
0x45a: {  	v20 =	vmul.f32 v20, v1;
	[tilespmem:s9+$0xFFFFFF00] =	vst v18;
	v18 =	vld [tilespmem:s4+$0xFFFFE5E0]  }
0x45b: {  	v22 =	vld [tilespmem:s14+$0xFFFFB160];
	[tilespmem:s9+$0x0] =	vst v21;
	v21 =	vmul.f32 v24, v9  }
0x45c: {  	[tilespmem:s9+$0xFFFFFE00] =	vst v20;
	v20 =	vld [tilespmem:s14+$0xFFFFB1A0];
	v17 =	vmul.f32 v17, v9  }
0x45d: {  	v24 =	vld [tilespmem:s14+$0xFFFFB120];
	[tilespmem:s10+$0xFFFFFE80] =	vst v21;
	v19 =	vmul.f32 v19, v9  }
0x45e: {  	v21 =	vmul.f32 v23, v2;
	v23 =	vld [tilespmem:s4+$0xFFFFE520];
	[tilespmem:s10+$0xFFFFFF80] =	vst v17  }
0x45f: {  	v17 =	vld [tilespmem:s4+$0xFFFFE560];
	[tilespmem:s10+$0x80] =	vst v19;
	v18 =	vmul.f32 v18, v10  }
0x460: {  	v19 =	vmul.f32 v22, v2;
	[tilespmem:s9+$0x110] =	vst v21;
	v21 =	vld [tilespmem:s4+$0xFFFFE5A0]  }
0x461: {  	v20 =	vmul.f32 v20, v2;
	v22 =	vld [tilespmem:s14+$0xFFFFB1F0];
	[tilespmem:s10+$0x190] =	vst v18  }
0x462: {  	v18 =	vmul.f32 v24, v2;
	[tilespmem:s9+$0xFFFFFF10] =	vst v19;
	v19 =	vld [tilespmem:s4+$0xFFFFE5F0]  }
0x463: {  	v24 =	vld [tilespmem:s14+$0xFFFFB170];
	[tilespmem:s9+$0x10] =	vst v20;
	v20 =	vmul.f32 v23, v10  }
0x464: {  	[tilespmem:s9+$0xFFFFFE10] =	vst v18;
	v18 =	vld [tilespmem:s14+$0xFFFFB1B0];
	v17 =	vmul.f32 v17, v10  }
0x465: {  	v23 =	vld [tilespmem:s14+$0xFFFFB130];
	[tilespmem:s10+$0xFFFFFE90] =	vst v20;
	v20 =	vmul.f32 v21, v10  }
0x466: {  	v21 =	vmul.f32 v22, v3;
	v22 =	vld [tilespmem:s4+$0xFFFFE530];
	[tilespmem:s10+$0xFFFFFF90] =	vst v17  }
0x467: {  	v17 =	vld [tilespmem:s4+$0xFFFFE570];
	[tilespmem:s10+$0x90] =	vst v20;
	v19 =	vmul.f32 v19, v11  }
0x468: {  	v20 =	vmul.f32 v24, v3;
	[tilespmem:s9+$0x120] =	vst v21;
	v21 =	vld [tilespmem:s4+$0xFFFFE5B0]  }
0x469: {  	v18 =	vmul.f32 v18, v3;
	v24 =	vld [tilespmem:s14+$0xFFFFB200];
	[tilespmem:s10+$0x1A0] =	vst v19  }
0x46a: {  	v19 =	vmul.f32 v23, v3;
	[tilespmem:s9+$0xFFFFFF20] =	vst v20;
	v20 =	vld [tilespmem:s4+$0xFFFFE600]  }
0x46b: {  	v23 =	vld [tilespmem:s14+$0xFFFFB180];
	[tilespmem:s9+$0x20] =	vst v18;
	v18 =	vmul.f32 v22, v11  }
0x46c: {  	[tilespmem:s9+$0xFFFFFE20] =	vst v19;
	v19 =	vld [tilespmem:s14+$0xFFFFB1C0];
	v17 =	vmul.f32 v17, v11  }
0x46d: {  	v22 =	vld [tilespmem:s14+$0xFFFFB140];
	[tilespmem:s10+$0xFFFFFEA0] =	vst v18;
	v18 =	vmul.f32 v21, v11  }
0x46e: {  	v21 =	vmul.f32 v24, v4;
	v24 =	vld [tilespmem:s4+$0xFFFFE540];
	[tilespmem:s10+$0xFFFFFFA0] =	vst v17  }
0x46f: {  	v17 =	vld [tilespmem:s4+$0xFFFFE580];
	[tilespmem:s10+$0xA0] =	vst v18;
	v18 =	vmul.f32 v20, v12  }
0x470: {  	v20 =	vmul.f32 v23, v4;
	[tilespmem:s9+$0x130] =	vst v21;
	v21 =	vld [tilespmem:s4+$0xFFFFE5C0]  }
0x471: {  	v19 =	vmul.f32 v19, v4;
	v23 =	vld [tilespmem:s14+$0xFFFFCBD0];
	[tilespmem:s10+$0x1B0] =	vst v18  }
0x472: {  	v18 =	vmul.f32 v22, v4;
	[tilespmem:s9+$0xFFFFFF30] =	vst v20;
	v20 =	vld [tilespmem:s4+$0xFFFFFFD0]  }
0x473: {  	v22 =	vld [tilespmem:s14+$0xFFFFCB50];
	[tilespmem:s9+$0x30] =	vst v19;
	v19 =	vmul.f32 v24, v12  }
0x474: {  	[tilespmem:s9+$0xFFFFFE30] =	vst v18;
	v18 =	vld [tilespmem:s14+$0xFFFFCB90];
	v17 =	vmul.f32 v17, v12  }
0x475: {  	v24 =	vld [tilespmem:s14+$0xFFFFCB10];
	[tilespmem:s10+$0xFFFFFEB0] =	vst v19;
	v19 =	vmul.f32 v21, v12  }
0x476: {  	v21 =	vmul.f32 v23, v5;
	v23 =	vld [tilespmem:s4+$0xFFFFFF10];
	[tilespmem:s10+$0xFFFFFFB0] =	vst v17  }
0x477: {  	v17 =	vld [tilespmem:s4+$0xFFFFFF50];
	[tilespmem:s10+$0xB0] =	vst v19;
	v19 =	vmul.f32 v20, v13  }
0x478: {  	v20 =	vmul.f32 v22, v5;
	[tilespmem:s9+$0x140] =	vst v21;
	v21 =	vld [tilespmem:s4+$0xFFFFFF90]  }
0x479: {  	v18 =	vmul.f32 v18, v5;
	v22 =	vld [tilespmem:s14+$0xFFFFCBE0];
	[tilespmem:s10+$0x1C0] =	vst v19  }
0x47a: {  	v19 =	vmul.f32 v24, v5;
	[tilespmem:s9+$0xFFFFFF40] =	vst v20;
	v20 =	vld [tilespmem:s4+$0xFFFFFFE0]  }
0x47b: {  	v24 =	vld [tilespmem:s14+$0xFFFFCB60];
	[tilespmem:s9+$0x40] =	vst v18;
	v18 =	vmul.f32 v23, v13  }
0x47c: {  	[tilespmem:s9+$0xFFFFFE40] =	vst v19;
	v19 =	vld [tilespmem:s14+$0xFFFFCBA0];
	v17 =	vmul.f32 v17, v13  }
0x47d: {  	v23 =	vld [tilespmem:s14+$0xFFFFCB20];
	[tilespmem:s10+$0xFFFFFEC0] =	vst v18;
	v18 =	vmul.f32 v21, v13  }
0x47e: {  	v21 =	vmul.f32 v22, v6;
	v22 =	vld [tilespmem:s4+$0xFFFFFF20];
	[tilespmem:s10+$0xFFFFFFC0] =	vst v17  }
0x47f: {  	v17 =	vld [tilespmem:s4+$0xFFFFFF60];
	[tilespmem:s10+$0xC0] =	vst v18;
	v18 =	vmul.f32 v20, v14  }
0x480: {  	v20 =	vmul.f32 v24, v6;
	[tilespmem:s9+$0x150] =	vst v21;
	v21 =	vld [tilespmem:s4+$0xFFFFFFA0]  }
0x481: {  	v19 =	vmul.f32 v19, v6;
	v24 =	vld [tilespmem:s14+$0xFFFFCBF0];
	[tilespmem:s10+$0x1D0] =	vst v18  }
0x482: {  	v18 =	vmul.f32 v23, v6;
	[tilespmem:s9+$0xFFFFFF50] =	vst v20;
	v20 =	vld [tilespmem:s4+$0xFFFFFFF0]  }
0x483: {  	v23 =	vld [tilespmem:s14+$0xFFFFCB70];
	[tilespmem:s9+$0x50] =	vst v19;
	v19 =	vmul.f32 v22, v14  }
0x484: {  	[tilespmem:s9+$0xFFFFFE50] =	vst v18;
	v18 =	vld [tilespmem:s14+$0xFFFFCBB0];
	v17 =	vmul.f32 v17, v14  }
0x485: {  	v22 =	vld [tilespmem:s14+$0xFFFFCB30];
	[tilespmem:s10+$0xFFFFFED0] =	vst v19;
	v19 =	vmul.f32 v21, v14  }
0x486: {  	v21 =	vmul.f32 v24, v7;
	v24 =	vld [tilespmem:s4+$0xFFFFFF30];
	[tilespmem:s10+$0xFFFFFFD0] =	vst v17  }
0x487: {  	v17 =	vld [tilespmem:s4+$0xFFFFFF70];
	[tilespmem:s10+$0xD0] =	vst v19;
	v19 =	vmul.f32 v20, v15  }
0x488: {  	v20 =	vmul.f32 v23, v7;
	[tilespmem:s9+$0x160] =	vst v21;
	v23 =	vld [tilespmem:s4+$0xFFFFFFB0]  }
0x489: {  	v18 =	vmul.f32 v18, v7;
	v25 =	vld [tilespmem:s14+$0xFFFFCC00];
	[tilespmem:s10+$0x1E0] =	vst v19  }
0x48a: {  	v19 =	vmul.f32 v22, v7;
	[tilespmem:s9+$0xFFFFFF60] =	vst v20;
	v20 =	vld [tilespmem:s4+$0x0]  }
0x48b: {  	v26 =	vld [tilespmem:s14+$0xFFFFCB80];
	[tilespmem:s9+$0x60] =	vst v18;
	v18 =	vmul.f32 v24, v15  }
.Ltmp22:
0x48c: {  	[tilespmem:s9+$0xFFFFFE60] =	vst v19;
	v21 =	vld [tilespmem:s14+$0xFFFFCBC0];
	v17 =	vmul.f32 v17, v15;
	(pc) =	sbr.rel @p2 .LBB2_40-.Ltmp22, $4  }
0x48d: {  	v22 =	vld [tilespmem:s14+$0xFFFFCB40];
	[tilespmem:s10+$0xFFFFFEE0] =	vst v18;
	v19 =	vmul.f32 v23, v15  }
0x48e: {  	v24 =	vmul.f32 v25, v8;
	v18 =	vld [tilespmem:s4+$0xFFFFFF40];
	[tilespmem:s10+$0xFFFFFFE0] =	vst v17  }
0x48f: {  	v17 =	vld [tilespmem:s4+$0xFFFFFF80];
	[tilespmem:s10+$0xE0] =	vst v19;
	v20 =	vmul.f32 v20, v16  }
0x490: {  	v23 =	vmul.f32 v26, v8;
	[tilespmem:s9+$0x170] =	vst v24;
	v19 =	vld [tilespmem:s4+$0xFFFFFFC0];
	s4 =	smov.u32 s14;
	s14 =	sadd.s32 $0x100, s14  }
0x491: {  	_ = 	snop  }
0x492: {  	v22 =	vmul.f32 v22, v8;
	_ =	sdelay $0x1  }
0x493: {  	v21 =	vmul.f32 v21, v8;
	v24 =	vld [tilespmem:s4+$0xFFFFE5D0];
	[tilespmem:s9+$0xFFFFFE70] =	vst v22  }
0x494: {  	[tilespmem:s9+$0xFFFFFF70] =	vst v23;
	v22 =	vld [tilespmem:s4+$0xFFFFE510]  }
0x495: {  	[tilespmem:s9+$0x70] =	vst v21;
	v56 =	vld [tilespmem:s4+$0xFFFFE550]  }
0x496: {  	v57 =	vld [tilespmem:s4+$0xFFFFE590];
	_ =	sdelay $0x1  }
0x497: {  	v24 =	vmul.f32 v24, v9  }
0x498: {  	v22 =	vmul.f32 v22, v9  }
0x499: {  	[tilespmem:s9+$0x180] =	vst v24;
	v21 =	vmul.f32 v56, v9  }
0x49a: {  	v24 =	vld [tilespmem:s4+$0xFFFFE5E0];
	v58 =	vmul.f32 v57, v9;
	[tilespmem:s9+$0xFFFFFE80] =	vst v22  }
0x49b: {  	[tilespmem:s9+$0xFFFFFF80] =	vst v21;
	v59 =	vld [tilespmem:s4+$0xFFFFE520]  }
0x49c: {  	v21 =	vld [tilespmem:s4+$0xFFFFE560];
	[tilespmem:s9+$0x80] =	vst v58  }
0x49d: {  	v22 =	vld [tilespmem:s4+$0xFFFFE5A0];
	_ =	sdelay $0x1  }
0x49e: {  	v24 =	vmul.f32 v24, v10  }
0x49f: {  	v23 =	vmul.f32 v59, v10  }
0x4a0: {  	[tilespmem:s9+$0x190] =	vst v24;
	v21 =	vmul.f32 v21, v10  }
0x4a1: {  	v24 =	vld [tilespmem:s4+$0xFFFFE5F0];
	v22 =	vmul.f32 v22, v10;
	[tilespmem:s9+$0xFFFFFE90] =	vst v23  }
0x4a2: {  	[tilespmem:s9+$0xFFFFFF90] =	vst v21;
	v23 =	vld [tilespmem:s4+$0xFFFFE530]  }
0x4a3: {  	v21 =	vld [tilespmem:s4+$0xFFFFE570];
	[tilespmem:s9+$0x90] =	vst v22  }
0x4a4: {  	v22 =	vld [tilespmem:s4+$0xFFFFE5B0];
	_ =	sdelay $0x1  }
0x4a5: {  	v24 =	vmul.f32 v24, v11  }
0x4a6: {  	v23 =	vmul.f32 v23, v11  }
0x4a7: {  	[tilespmem:s9+$0x1A0] =	vst v24;
	v21 =	vmul.f32 v21, v11  }
0x4a8: {  	v24 =	vld [tilespmem:s4+$0xFFFFE600];
	v22 =	vmul.f32 v22, v11;
	[tilespmem:s9+$0xFFFFFEA0] =	vst v23  }
0x4a9: {  	[tilespmem:s9+$0xFFFFFFA0] =	vst v21;
	v23 =	vld [tilespmem:s4+$0xFFFFE540]  }
0x4aa: {  	v21 =	vld [tilespmem:s4+$0xFFFFE580];
	[tilespmem:s9+$0xA0] =	vst v22  }
0x4ab: {  	v22 =	vld [tilespmem:s4+$0xFFFFE5C0];
	_ =	sdelay $0x1  }
0x4ac: {  	v24 =	vmul.f32 v24, v12  }
0x4ad: {  	v23 =	vmul.f32 v23, v12  }
0x4ae: {  	[tilespmem:s9+$0x1B0] =	vst v24;
	v21 =	vmul.f32 v21, v12  }
0x4af: {  	v24 =	vld [tilespmem:s4+$0xFFFFFFD0];
	v22 =	vmul.f32 v22, v12;
	[tilespmem:s9+$0xFFFFFEB0] =	vst v23  }
0x4b0: {  	[tilespmem:s9+$0xFFFFFFB0] =	vst v21;
	v23 =	vld [tilespmem:s4+$0xFFFFFF10]  }
0x4b1: {  	v21 =	vld [tilespmem:s4+$0xFFFFFF50];
	[tilespmem:s9+$0xB0] =	vst v22  }
0x4b2: {  	v22 =	vld [tilespmem:s4+$0xFFFFFF90];
	_ =	sdelay $0x1  }
0x4b3: {  	v24 =	vmul.f32 v24, v13  }
0x4b4: {  	v23 =	vmul.f32 v23, v13  }
0x4b5: {  	[tilespmem:s9+$0x1C0] =	vst v24;
	v21 =	vmul.f32 v21, v13  }
0x4b6: {  	v24 =	vld [tilespmem:s4+$0xFFFFFFE0];
	v22 =	vmul.f32 v22, v13;
	[tilespmem:s9+$0xFFFFFEC0] =	vst v23  }
0x4b7: {  	[tilespmem:s9+$0xFFFFFFC0] =	vst v21;
	v23 =	vld [tilespmem:s4+$0xFFFFFF20]  }
0x4b8: {  	v21 =	vld [tilespmem:s4+$0xFFFFFF60];
	[tilespmem:s9+$0xC0] =	vst v22  }
0x4b9: {  	v22 =	vld [tilespmem:s4+$0xFFFFFFA0];
	_ =	sdelay $0x1  }
0x4ba: {  	v24 =	vmul.f32 v24, v14  }
0x4bb: {  	v23 =	vmul.f32 v23, v14  }
0x4bc: {  	[tilespmem:s9+$0x1D0] =	vst v24;
	v21 =	vmul.f32 v21, v14  }
0x4bd: {  	v24 =	vld [tilespmem:s4+$0xFFFFFFF0];
	v22 =	vmul.f32 v22, v14;
	[tilespmem:s9+$0xFFFFFED0] =	vst v23  }
0x4be: {  	[tilespmem:s9+$0xFFFFFFD0] =	vst v21;
	v23 =	vld [tilespmem:s4+$0xFFFFFF30]  }
0x4bf: {  	v21 =	vld [tilespmem:s4+$0xFFFFFF70];
	[tilespmem:s9+$0xD0] =	vst v22  }
0x4c0: {  	v22 =	vld [tilespmem:s4+$0xFFFFFFB0];
	_ =	sdelay $0x1  }
0x4c1: {  	v24 =	vmul.f32 v24, v15  }
0x4c2: {  	v23 =	vmul.f32 v23, v15  }
0x4c3: {  	[tilespmem:s9+$0x1E0] =	vst v24;
	v21 =	vmul.f32 v21, v15  }
0x4c4: {  	v60 =	vld [tilespmem:s4+$0x0];
	v22 =	vmul.f32 v22, v15;
	[tilespmem:s9+$0xFFFFFEE0] =	vst v23  }
0x4c5: {  	[tilespmem:s9+$0xFFFFFFE0] =	vst v21;
	v61 =	vld [tilespmem:s4+$0xFFFFFF40]  }
0x4c6: {  	v18 =	vmul.f32 v18, v16;
	[tilespmem:s9+$0xE0] =	vst v22;
	v62 =	vld [tilespmem:s4+$0xFFFFFF80]  }
0x4c7: {  	[tilespmem:s10+$0x1F0] =	vst v20;
	v17 =	vmul.f32 v17, v16;
	v63 =	vld [tilespmem:s4+$0xFFFFFFC0]  }
0x4c8: {  	[tilespmem:s10+$0xFFFFFEF0] =	vst v18;
	v18 =	vmul.f32 v19, v16  }
0x4c9: {  	[tilespmem:s10+$0xFFFFFFF0] =	vst v17;
	v17 =	vmul.f32 v60, v16  }
.Ltmp23:
0x4ca: {  	[tilespmem:s10+$0xF0] =	vst v18;
	v18 =	vmul.f32 v61, v16;
	(pc) =	sbr.rel .LBB2_42-.Ltmp23, $4  }
0x4cb: {  	[tilespmem:s9+$0x1F0] =	vst v17;
	v17 =	vmul.f32 v62, v16  }
0x4cc: {  	[tilespmem:s9+$0xFFFFFEF0] =	vst v18;
	v18 =	vmul.f32 v63, v16  }
0x4cd: {  	[tilespmem:s9+$0xFFFFFFF0] =	vst v17  }
0x4ce: {  	[tilespmem:s9+$0xF0] =	vst v18  }
.LBB2_36:
0x4cf: {  	s2 =	sadd.s32 s31, s0  }
0x4d0: {  	p2 =	sgt.s32 s2, $0x0  }
0x4d1: {  	s4 =	rddreg [dreg:$0xd];
	s2 =	simm.s32 @!p2 $0x0  }
0x4d2: {  	s4 =	sadd.s32 s31, s4;
	s2 =	smin.u32 s2, $0x7F98  }
0x4d3: {  	s9 =	ssub.s32 s4, s2  }
0x4d4: {  	s2 =	sadd.s32 $0xFFFFFFFC, s9  }
0x4d5: {  	s4 =	sadd.s32 $0x6, s2  }
0x4d6: {  	p2 =	sgt.s32 s4, $0x0  }
0x4d7: {  	s4 =	simm.s32 @!p2 $0x0  }
0x4d8: {  	s4 =	smin.u32 s4, $0x67  }
0x4d9: {  	s5 =	sadd.s32 $0x3, s2;
	s12 =	sshll.u32 s4, $0x6  }
0x4da: {  	p2 =	sgt.s32 s5, $0x0;
	s4 =	sadd.s32 $0x4, s2;
	v17 =	vld [tilespmem:s12+$0x6800]  }
0x4db: {  	s5 =	simm.s32 @!p2 $0x0;
	s2 =	sadd.s32 $0x5, s2;
	p3 =	sgt.s32 s4, $0x0  }
0x4dc: {  	s5 =	smin.u32 s5, $0x67;
	p2 =	sgt.s32 s2, $0x0;
	s4 =	simm.s32 @!p3 $0x0  }
0x4dd: {  	s17 =	sshll.u32 s5, $0x6;
	s2 =	simm.s32 @!p2 $0x0;
	s4 =	smin.u32 s4, $0x67  }
0x4de: {  	v18 =	vld [tilespmem:s17+$0x6800];
	s2 =	smin.u32 s2, $0x67;
	s4 =	sshll.u32 s4, $0x6  }
0x4df: {  	s14 =	sshll.u32 s2, $0x6;
	v19 =	vld [tilespmem:s4+$0x6800];
	v17 =	vmul.f32 v17, v1  }
0x4e0: {  	v20 =	vld [tilespmem:s14+$0x6800]  }
0x4e1: {  	[tilespmem:s10+$0x100] =	vst v17  }
0x4e2: {  	v17 =	vld [tilespmem:s12+$0x6810]  }
0x4e3: {  	v18 =	vmul.f32 v18, v1  }
0x4e4: {  	v19 =	vmul.f32 v19, v1  }
0x4e5: {  	[tilespmem:s10+$0xFFFFFE00] =	vst v18;
	v18 =	vmul.f32 v20, v1  }
0x4e6: {  	v20 =	vld [tilespmem:s17+$0x6810];
	[tilespmem:s10+$0xFFFFFF00] =	vst v19  }
0x4e7: {  	[tilespmem:s10+$0x0] =	vst v18;
	v19 =	vld [tilespmem:s4+$0x6810];
	v17 =	vmul.f32 v17, v2  }
0x4e8: {  	v18 =	vld [tilespmem:s14+$0x6810]  }
0x4e9: {  	[tilespmem:s10+$0x110] =	vst v17  }
0x4ea: {  	v17 =	vld [tilespmem:s12+$0x6820]  }
0x4eb: {  	v20 =	vmul.f32 v20, v2  }
0x4ec: {  	v19 =	vmul.f32 v19, v2  }
0x4ed: {  	[tilespmem:s10+$0xFFFFFE10] =	vst v20;
	v18 =	vmul.f32 v18, v2  }
0x4ee: {  	v20 =	vld [tilespmem:s17+$0x6820];
	[tilespmem:s10+$0xFFFFFF10] =	vst v19  }
0x4ef: {  	[tilespmem:s10+$0x10] =	vst v18;
	v19 =	vld [tilespmem:s4+$0x6820];
	v17 =	vmul.f32 v17, v3  }
0x4f0: {  	v18 =	vld [tilespmem:s14+$0x6820]  }
0x4f1: {  	[tilespmem:s10+$0x120] =	vst v17  }
0x4f2: {  	v17 =	vld [tilespmem:s12+$0x6830]  }
0x4f3: {  	v20 =	vmul.f32 v20, v3  }
0x4f4: {  	v19 =	vmul.f32 v19, v3  }
0x4f5: {  	[tilespmem:s10+$0xFFFFFE20] =	vst v20;
	v18 =	vmul.f32 v18, v3  }
0x4f6: {  	v20 =	vld [tilespmem:s17+$0x6830];
	[tilespmem:s10+$0xFFFFFF20] =	vst v19  }
0x4f7: {  	[tilespmem:s10+$0x20] =	vst v18;
	v19 =	vld [tilespmem:s4+$0x6830];
	v17 =	vmul.f32 v17, v4  }
0x4f8: {  	v18 =	vld [tilespmem:s14+$0x6830]  }
0x4f9: {  	[tilespmem:s10+$0x130] =	vst v17  }
0x4fa: {  	v17 =	vld [tilespmem:s12+$0x8200]  }
0x4fb: {  	v20 =	vmul.f32 v20, v4  }
0x4fc: {  	v19 =	vmul.f32 v19, v4  }
0x4fd: {  	[tilespmem:s10+$0xFFFFFE30] =	vst v20;
	v18 =	vmul.f32 v18, v4  }
0x4fe: {  	v20 =	vld [tilespmem:s17+$0x8200];
	[tilespmem:s10+$0xFFFFFF30] =	vst v19  }
0x4ff: {  	[tilespmem:s10+$0x30] =	vst v18;
	v19 =	vld [tilespmem:s4+$0x8200];
	v17 =	vmul.f32 v17, v5  }
0x500: {  	v18 =	vld [tilespmem:s14+$0x8200]  }
0x501: {  	[tilespmem:s10+$0x140] =	vst v17  }
0x502: {  	v17 =	vld [tilespmem:s12+$0x8210]  }
0x503: {  	v20 =	vmul.f32 v20, v5  }
0x504: {  	v19 =	vmul.f32 v19, v5  }
0x505: {  	[tilespmem:s10+$0xFFFFFE40] =	vst v20;
	v18 =	vmul.f32 v18, v5  }
0x506: {  	v20 =	vld [tilespmem:s17+$0x8210];
	[tilespmem:s10+$0xFFFFFF40] =	vst v19  }
0x507: {  	[tilespmem:s10+$0x40] =	vst v18;
	v19 =	vld [tilespmem:s4+$0x8210];
	v17 =	vmul.f32 v17, v6  }
0x508: {  	v18 =	vld [tilespmem:s14+$0x8210]  }
0x509: {  	[tilespmem:s10+$0x150] =	vst v17  }
0x50a: {  	v17 =	vld [tilespmem:s12+$0x8220]  }
0x50b: {  	v20 =	vmul.f32 v20, v6  }
0x50c: {  	v19 =	vmul.f32 v19, v6  }
0x50d: {  	[tilespmem:s10+$0xFFFFFE50] =	vst v20;
	v18 =	vmul.f32 v18, v6  }
0x50e: {  	v20 =	vld [tilespmem:s17+$0x8220];
	[tilespmem:s10+$0xFFFFFF50] =	vst v19  }
0x50f: {  	[tilespmem:s10+$0x50] =	vst v18;
	v19 =	vld [tilespmem:s4+$0x8220];
	v17 =	vmul.f32 v17, v7  }
0x510: {  	v18 =	vld [tilespmem:s14+$0x8220]  }
0x511: {  	[tilespmem:s10+$0x160] =	vst v17  }
0x512: {  	v17 =	vld [tilespmem:s12+$0x8230]  }
0x513: {  	s24 =	sadd.s32 $0x0, s9;
	v20 =	vmul.f32 v20, v7  }
0x514: {  	s5 =	sadd.s32 $0x6, s24;
	v19 =	vmul.f32 v19, v7  }
0x515: {  	p2 =	sgt.s32 s5, $0x0;
	[tilespmem:s10+$0xFFFFFE60] =	vst v20;
	v18 =	vmul.f32 v18, v7  }
0x516: {  	s13 =	sadd.s32 $0x3, s24;
	s19 =	sadd.s32 $0x4, s24;
	s5 =	simm.s32 @!p2 $0x0;
	v20 =	vld [tilespmem:s17+$0x8230];
	[tilespmem:s10+$0xFFFFFF60] =	vst v19  }
0x517: {  	p3 =	sgt.s32 s19, $0x0;
	p2 =	sgt.s32 s13, $0x0;
	s5 =	smin.u32 s5, $0x67;
	[tilespmem:s10+$0x60] =	vst v18;
	v19 =	vld [tilespmem:s4+$0x8230];
	v17 =	vmul.f32 v17, v8  }
0x518: {  	s2 =	sadd.s32 $0x5, s24;
	s13 =	simm.s32 @!p2 $0x0;
	s16 =	sshll.u32 s5, $0x6;
	v18 =	vld [tilespmem:s14+$0x8230]  }
0x519: {  	s19 =	simm.s32 @!p3 $0x0;
	p2 =	sgt.s32 s2, $0x0;
	s25 =	smin.u32 s13, $0x67;
	[tilespmem:s10+$0x170] =	vst v17;
	v17 =	vld [tilespmem:s16+$0x6800]  }
0x51a: {  	s28 =	smin.u32 s19, $0x67;
	s2 =	simm.s32 @!p2 $0x0;
	s19 =	sshll.u32 s25, $0x6;
	v21 =	vld [tilespmem:s12+$0x9C00]  }
0x51b: {  	s25 =	sshll.u32 s28, $0x6;
	s2 =	smin.u32 s2, $0x67;
	v22 =	vld [tilespmem:s19+$0x6800];
	v20 =	vmul.f32 v20, v8  }
0x51c: {  	v23 =	vld [tilespmem:s25+$0x6800];
	s23 =	sshll.u32 s2, $0x6;
	v19 =	vmul.f32 v19, v8  }
0x51d: {  	[tilespmem:s10+$0xFFFFFE70] =	vst v20;
	v20 =	vld [tilespmem:s23+$0x6800];
	v18 =	vmul.f32 v18, v8  }
0x51e: {  	[tilespmem:s10+$0xFFFFFF70] =	vst v19;
	v19 =	vld [tilespmem:s17+$0x9C00];
	v17 =	vmul.f32 v17, v1  }
0x51f: {  	s24 =	simm.s32 $0x13E00;
	[tilespmem:s10+$0x70] =	vst v18;
	v18 =	vld [tilespmem:s4+$0x9C00];
	v21 =	vmul.f32 v21, v9  }
0x520: {  	v22 =	vmul.f32 v22, v1;
	[tilespmem:s24+$0x100] =	vst v17;
	v17 =	vld [tilespmem:s14+$0x9C00]  }
0x521: {  	v23 =	vmul.f32 v23, v1;
	v24 =	vld [tilespmem:s16+$0x6810];
	[tilespmem:s10+$0x180] =	vst v21  }
0x522: {  	[tilespmem:s24+$0xFFFFFE00] =	vst v22;
	v20 =	vmul.f32 v20, v1;
	v21 =	vld [tilespmem:s12+$0x9C10]  }
0x523: {  	[tilespmem:s24+$0xFFFFFF00] =	vst v23;
	v22 =	vld [tilespmem:s19+$0x6810];
	v19 =	vmul.f32 v19, v9  }
0x524: {  	v23 =	vld [tilespmem:s25+$0x6810];
	[tilespmem:s24+$0x0] =	vst v20;
	v18 =	vmul.f32 v18, v9  }
0x525: {  	v20 =	vld [tilespmem:s23+$0x6810];
	[tilespmem:s10+$0xFFFFFE80] =	vst v19;
	v17 =	vmul.f32 v17, v9  }
0x526: {  	v56 =	vld [tilespmem:s17+$0x9C10];
	[tilespmem:s10+$0xFFFFFF80] =	vst v18;
	v19 =	vmul.f32 v24, v2  }
0x527: {  	v18 =	vld [tilespmem:s4+$0x9C10];
	[tilespmem:s10+$0x80] =	vst v17;
	v17 =	vmul.f32 v21, v10  }
0x528: {  	v21 =	vmul.f32 v22, v2;
	[tilespmem:s24+$0x110] =	vst v19;
	v19 =	vld [tilespmem:s14+$0x9C10]  }
0x529: {  	v22 =	vmul.f32 v23, v2;
	v23 =	vld [tilespmem:s16+$0x6820];
	[tilespmem:s10+$0x190] =	vst v17  }
0x52a: {  	[tilespmem:s24+$0xFFFFFE10] =	vst v21;
	v17 =	vmul.f32 v20, v2;
	v20 =	vld [tilespmem:s12+$0x9C20]  }
0x52b: {  	[tilespmem:s24+$0xFFFFFF10] =	vst v22;
	v21 =	vld [tilespmem:s19+$0x6820];
	v22 =	vmul.f32 v56, v10  }
0x52c: {  	v57 =	vld [tilespmem:s25+$0x6820];
	[tilespmem:s24+$0x10] =	vst v17;
	v17 =	vmul.f32 v18, v10  }
0x52d: {  	v18 =	vld [tilespmem:s23+$0x6820];
	[tilespmem:s10+$0xFFFFFE90] =	vst v22;
	v19 =	vmul.f32 v19, v10  }
0x52e: {  	[tilespmem:s10+$0xFFFFFF90] =	vst v17;
	v22 =	vmul.f32 v23, v3;
	v23 =	vld [tilespmem:s17+$0x9C20]  }
0x52f: {  	v17 =	vld [tilespmem:s4+$0x9C20];
	[tilespmem:s10+$0x90] =	vst v19;
	v19 =	vmul.f32 v20, v11  }
0x530: {  	v20 =	vmul.f32 v21, v3;
	[tilespmem:s24+$0x120] =	vst v22;
	v21 =	vld [tilespmem:s14+$0x9C20]  }
0x531: {  	v22 =	vmul.f32 v57, v3;
	v58 =	vld [tilespmem:s16+$0x6830];
	[tilespmem:s10+$0x1A0] =	vst v19  }
0x532: {  	[tilespmem:s24+$0xFFFFFE20] =	vst v20;
	v18 =	vmul.f32 v18, v3;
	v19 =	vld [tilespmem:s12+$0x9C30]  }
0x533: {  	v20 =	vld [tilespmem:s19+$0x6830];
	[tilespmem:s24+$0xFFFFFF20] =	vst v22;
	v22 =	vmul.f32 v23, v11  }
0x534: {  	v23 =	vld [tilespmem:s25+$0x6830];
	[tilespmem:s24+$0x20] =	vst v18;
	v17 =	vmul.f32 v17, v11  }
0x535: {  	v18 =	vld [tilespmem:s23+$0x6830];
	[tilespmem:s10+$0xFFFFFEA0] =	vst v22;
	v21 =	vmul.f32 v21, v11  }
0x536: {  	[tilespmem:s10+$0xFFFFFFA0] =	vst v17;
	v22 =	vmul.f32 v58, v4;
	v59 =	vld [tilespmem:s17+$0x9C30]  }
0x537: {  	v17 =	vld [tilespmem:s4+$0x9C30];
	[tilespmem:s10+$0xA0] =	vst v21;
	v19 =	vmul.f32 v19, v12  }
0x538: {  	v20 =	vmul.f32 v20, v4;
	[tilespmem:s24+$0x130] =	vst v22;
	v21 =	vld [tilespmem:s14+$0x9C30]  }
0x539: {  	v22 =	vmul.f32 v23, v4;
	v23 =	vld [tilespmem:s16+$0x8200];
	[tilespmem:s10+$0x1B0] =	vst v19  }
0x53a: {  	[tilespmem:s24+$0xFFFFFE30] =	vst v20;
	v18 =	vmul.f32 v18, v4;
	v19 =	vld [tilespmem:s12+$0xB600]  }
0x53b: {  	v20 =	vld [tilespmem:s19+$0x8200];
	[tilespmem:s24+$0xFFFFFF30] =	vst v22;
	v22 =	vmul.f32 v59, v12  }
0x53c: {  	v60 =	vld [tilespmem:s25+$0x8200];
	[tilespmem:s24+$0x30] =	vst v18;
	v17 =	vmul.f32 v17, v12  }
0x53d: {  	v18 =	vld [tilespmem:s23+$0x8200];
	[tilespmem:s10+$0xFFFFFEB0] =	vst v22;
	v21 =	vmul.f32 v21, v12  }
0x53e: {  	[tilespmem:s10+$0xFFFFFFB0] =	vst v17;
	v22 =	vmul.f32 v23, v5;
	v23 =	vld [tilespmem:s17+$0xB600]  }
0x53f: {  	v17 =	vld [tilespmem:s4+$0xB600];
	[tilespmem:s10+$0xB0] =	vst v21;
	v19 =	vmul.f32 v19, v13  }
0x540: {  	v20 =	vmul.f32 v20, v5;
	[tilespmem:s24+$0x140] =	vst v22;
	v21 =	vld [tilespmem:s14+$0xB600]  }
0x541: {  	v22 =	vmul.f32 v60, v5;
	v61 =	vld [tilespmem:s16+$0x8210];
	[tilespmem:s10+$0x1C0] =	vst v19  }
0x542: {  	[tilespmem:s24+$0xFFFFFE40] =	vst v20;
	v18 =	vmul.f32 v18, v5;
	v19 =	vld [tilespmem:s12+$0xB610]  }
0x543: {  	v20 =	vld [tilespmem:s19+$0x8210];
	[tilespmem:s24+$0xFFFFFF40] =	vst v22;
	v22 =	vmul.f32 v23, v13  }
0x544: {  	v23 =	vld [tilespmem:s25+$0x8210];
	[tilespmem:s24+$0x40] =	vst v18;
	v17 =	vmul.f32 v17, v13  }
0x545: {  	v18 =	vld [tilespmem:s23+$0x8210];
	[tilespmem:s10+$0xFFFFFEC0] =	vst v22;
	v21 =	vmul.f32 v21, v13  }
0x546: {  	[tilespmem:s10+$0xFFFFFFC0] =	vst v17;
	v22 =	vmul.f32 v61, v6;
	v62 =	vld [tilespmem:s17+$0xB610]  }
0x547: {  	v17 =	vld [tilespmem:s4+$0xB610];
	[tilespmem:s10+$0xC0] =	vst v21;
	v19 =	vmul.f32 v19, v14  }
0x548: {  	v20 =	vmul.f32 v20, v6;
	[tilespmem:s24+$0x150] =	vst v22;
	v21 =	vld [tilespmem:s14+$0xB610]  }
0x549: {  	v22 =	vmul.f32 v23, v6;
	v23 =	vld [tilespmem:s16+$0x8220];
	[tilespmem:s10+$0x1D0] =	vst v19  }
0x54a: {  	[tilespmem:s24+$0xFFFFFE50] =	vst v20;
	v18 =	vmul.f32 v18, v6;
	v19 =	vld [tilespmem:s12+$0xB620]  }
0x54b: {  	v25 =	vld [tilespmem:s19+$0x8220];
	[tilespmem:s24+$0xFFFFFF50] =	vst v22;
	v20 =	vmul.f32 v62, v14  }
0x54c: {  	v22 =	vld [tilespmem:s25+$0x8220];
	[tilespmem:s24+$0x50] =	vst v18;
	v17 =	vmul.f32 v17, v14  }
0x54d: {  	v63 =	vld [tilespmem:s23+$0x8220];
	[tilespmem:s10+$0xFFFFFED0] =	vst v20;
	v21 =	vmul.f32 v21, v14  }
0x54e: {  	[tilespmem:s10+$0xFFFFFFD0] =	vst v17;
	v23 =	vmul.f32 v23, v7;
	v20 =	vld [tilespmem:s17+$0xB620]  }
0x54f: {  	v18 =	vld [tilespmem:s4+$0xB620];
	[tilespmem:s10+$0xD0] =	vst v21;
	v17 =	vmul.f32 v19, v15  }
0x550: {  	v25 =	vmul.f32 v25, v7;
	[tilespmem:s24+$0x160] =	vst v23;
	v19 =	vld [tilespmem:s14+$0xB620]  }
0x551: {  	v23 =	vmul.f32 v22, v7;
	v21 =	vld [tilespmem:s16+$0x8230];
	[tilespmem:s10+$0x1E0] =	vst v17  }
0x552: {  	s2 =	simm.s32 $0x4;
	[tilespmem:s24+$0xFFFFFE60] =	vst v25;
	v22 =	vmul.f32 v63, v7;
	v17 =	vld [tilespmem:s12+$0xB630]  }
.LBB2_37:
0x553: {  	s5 =	sadd.s32 s2, s9;
	v24 =	vld [tilespmem:s19+$0x8230];
	[tilespmem:s24+$0xFFFFFF60] =	vst v23;
	v20 =	vmul.f32 v20, v15  }
0x554: {  	s2 =	sadd.s32 $0x4, s2;
	s13 =	sadd.s32 $0x3, s5;
	s12 =	sadd.s32 $0x6, s5;
	v23 =	vld [tilespmem:s25+$0x8230];
	[tilespmem:s24+$0x60] =	vst v22;
	v18 =	vmul.f32 v18, v15  }
0x555: {  	s28 =	sadd.s32 $0x4, s5;
	p2 =	slt.u32 s2, $0x64;
	p3 =	sgt.s32 s12, $0x0;
	v22 =	vld [tilespmem:s23+$0x8230];
	[tilespmem:s10+$0xFFFFFEE0] =	vst v20;
	v19 =	vmul.f32 v19, v15  }
0x556: {  	s5 =	sadd.s32 $0x5, s5;
	p4 =	sgt.s32 s13, $0x0;
	s12 =	simm.s32 @!p3 $0x0;
	v20 =	vmul.f32 v21, v8;
	v21 =	vld [tilespmem:s17+$0xB630];
	[tilespmem:s10+$0xFFFFFFE0] =	vst v18  }
0x557: {  	p5 =	sgt.s32 s28, $0x0;
	p3 =	sgt.s32 s5, $0x0;
	s12 =	smin.u32 s12, $0x67;
	v18 =	vld [tilespmem:s4+$0xB630];
	[tilespmem:s10+$0xE0] =	vst v19;
	v17 =	vmul.f32 v17, v16  }
0x558: {  	s13 =	simm.s32 @!p4 $0x0;
	s28 =	simm.s32 @!p5 $0x0;
	s12 =	sshll.u32 s12, $0x6;
	v19 =	vmul.f32 v24, v8;
	[tilespmem:s24+$0x170] =	vst v20;
	v20 =	vld [tilespmem:s14+$0xB630]  }
0x559: {  	s4 =	smin.u32 s13, $0x67;
	s13 =	smin.u32 s28, $0x67;
	s5 =	simm.s32 @!p3 $0x0;
	v24 =	vld [tilespmem:s12+$0x6800];
	v23 =	vmul.f32 v23, v8;
	[tilespmem:s10+$0x1F0] =	vst v17  }
0x55a: {  	s4 =	sshll.u32 s4, $0x6;
	s13 =	sshll.u32 s13, $0x6;
	s5 =	smin.u32 s5, $0x67;
	[tilespmem:s24+$0xFFFFFE70] =	vst v19;
	v17 =	vmul.f32 v22, v8;
	v19 =	vld [tilespmem:s16+$0x9C00]  }
0x55b: {  	s17 =	smov.u32 s19;
	s5 =	sshll.u32 s5, $0x6;
	s19 =	smov.u32 s4;
	v22 =	vld [tilespmem:s4+$0x6800];
	[tilespmem:s24+$0xFFFFFF70] =	vst v23;
	v21 =	vmul.f32 v21, v16  }
0x55c: {  	s14 =	smov.u32 s23;
	s4 =	smov.u32 s25;
	s25 =	smov.u32 s13;
	v23 =	vld [tilespmem:s13+$0x6800];
	[tilespmem:s24+$0x70] =	vst v17;
	v17 =	vmul.f32 v18, v16  }
0x55d: {  	s23 =	smov.u32 s5;
	v18 =	vld [tilespmem:s5+$0x6800];
	[tilespmem:s10+$0xFFFFFEF0] =	vst v21;
	v20 =	vmul.f32 v20, v16  }
0x55e: {  	v21 =	vmul.f32 v24, v1;
	v24 =	vld [tilespmem:s17+$0x9C00];
	[tilespmem:s10+$0xFFFFFFF0] =	vst v17  }
0x55f: {  	v17 =	vld [tilespmem:s4+$0x9C00];
	v19 =	vmul.f32 v19, v9;
	[tilespmem:s10+$0xF0] =	vst v20;
	s10 =	smov.u32 s24;
	s24 =	sadd.s32 $0x400, s24  }
0x560: {  	v20 =	vmul.f32 v22, v1;
	[tilespmem:s24+$0x100] =	vst v21;
	v21 =	vld [tilespmem:s14+$0x9C00]  }
0x561: {  	v22 =	vmul.f32 v23, v1;
	v23 =	vld [tilespmem:s12+$0x6810];
	[tilespmem:s10+$0x180] =	vst v19  }
0x562: {  	[tilespmem:s24+$0xFFFFFE00] =	vst v20;
	v18 =	vmul.f32 v18, v1;
	v19 =	vld [tilespmem:s16+$0x9C10]  }
0x563: {  	v20 =	vld [tilespmem:s19+$0x6810];
	[tilespmem:s24+$0xFFFFFF00] =	vst v22;
	v22 =	vmul.f32 v24, v9  }
0x564: {  	v24 =	vld [tilespmem:s25+$0x6810];
	[tilespmem:s24+$0x0] =	vst v18;
	v17 =	vmul.f32 v17, v9  }
0x565: {  	v18 =	vld [tilespmem:s23+$0x6810];
	[tilespmem:s10+$0xFFFFFE80] =	vst v22;
	v21 =	vmul.f32 v21, v9  }
0x566: {  	v22 =	vmul.f32 v23, v2;
	v23 =	vld [tilespmem:s17+$0x9C10];
	[tilespmem:s10+$0xFFFFFF80] =	vst v17  }
0x567: {  	v17 =	vld [tilespmem:s4+$0x9C10];
	[tilespmem:s10+$0x80] =	vst v21;
	v19 =	vmul.f32 v19, v10  }
0x568: {  	v20 =	vmul.f32 v20, v2;
	[tilespmem:s24+$0x110] =	vst v22;
	v21 =	vld [tilespmem:s14+$0x9C10]  }
0x569: {  	v22 =	vmul.f32 v24, v2;
	v24 =	vld [tilespmem:s12+$0x6820];
	[tilespmem:s10+$0x190] =	vst v19  }
0x56a: {  	[tilespmem:s24+$0xFFFFFE10] =	vst v20;
	v18 =	vmul.f32 v18, v2;
	v19 =	vld [tilespmem:s16+$0x9C20]  }
0x56b: {  	v20 =	vld [tilespmem:s19+$0x6820];
	[tilespmem:s24+$0xFFFFFF10] =	vst v22;
	v22 =	vmul.f32 v23, v10  }
0x56c: {  	v23 =	vld [tilespmem:s25+$0x6820];
	[tilespmem:s24+$0x10] =	vst v18;
	v17 =	vmul.f32 v17, v10  }
0x56d: {  	v18 =	vld [tilespmem:s23+$0x6820];
	[tilespmem:s10+$0xFFFFFE90] =	vst v22;
	v21 =	vmul.f32 v21, v10  }
0x56e: {  	v22 =	vmul.f32 v24, v3;
	v24 =	vld [tilespmem:s17+$0x9C20];
	[tilespmem:s10+$0xFFFFFF90] =	vst v17  }
0x56f: {  	v17 =	vld [tilespmem:s4+$0x9C20];
	[tilespmem:s10+$0x90] =	vst v21;
	v19 =	vmul.f32 v19, v11  }
0x570: {  	v20 =	vmul.f32 v20, v3;
	[tilespmem:s24+$0x120] =	vst v22;
	v21 =	vld [tilespmem:s14+$0x9C20]  }
0x571: {  	v22 =	vmul.f32 v23, v3;
	v23 =	vld [tilespmem:s12+$0x6830];
	[tilespmem:s10+$0x1A0] =	vst v19  }
0x572: {  	[tilespmem:s24+$0xFFFFFE20] =	vst v20;
	v18 =	vmul.f32 v18, v3;
	v19 =	vld [tilespmem:s16+$0x9C30]  }
0x573: {  	v20 =	vld [tilespmem:s19+$0x6830];
	[tilespmem:s24+$0xFFFFFF20] =	vst v22;
	v22 =	vmul.f32 v24, v11  }
0x574: {  	v24 =	vld [tilespmem:s25+$0x6830];
	[tilespmem:s24+$0x20] =	vst v18;
	v17 =	vmul.f32 v17, v11  }
0x575: {  	v18 =	vld [tilespmem:s23+$0x6830];
	[tilespmem:s10+$0xFFFFFEA0] =	vst v22;
	v21 =	vmul.f32 v21, v11  }
0x576: {  	v22 =	vmul.f32 v23, v4;
	v23 =	vld [tilespmem:s17+$0x9C30];
	[tilespmem:s10+$0xFFFFFFA0] =	vst v17  }
0x577: {  	v17 =	vld [tilespmem:s4+$0x9C30];
	[tilespmem:s10+$0xA0] =	vst v21;
	v19 =	vmul.f32 v19, v12  }
0x578: {  	v20 =	vmul.f32 v20, v4;
	[tilespmem:s24+$0x130] =	vst v22;
	v21 =	vld [tilespmem:s14+$0x9C30]  }
0x579: {  	v22 =	vmul.f32 v24, v4;
	v24 =	vld [tilespmem:s12+$0x8200];
	[tilespmem:s10+$0x1B0] =	vst v19  }
0x57a: {  	[tilespmem:s24+$0xFFFFFE30] =	vst v20;
	v18 =	vmul.f32 v18, v4;
	v19 =	vld [tilespmem:s16+$0xB600]  }
0x57b: {  	v20 =	vld [tilespmem:s19+$0x8200];
	[tilespmem:s24+$0xFFFFFF30] =	vst v22;
	v22 =	vmul.f32 v23, v12  }
0x57c: {  	v23 =	vld [tilespmem:s25+$0x8200];
	[tilespmem:s24+$0x30] =	vst v18;
	v17 =	vmul.f32 v17, v12  }
0x57d: {  	v18 =	vld [tilespmem:s23+$0x8200];
	[tilespmem:s10+$0xFFFFFEB0] =	vst v22;
	v21 =	vmul.f32 v21, v12  }
0x57e: {  	v22 =	vmul.f32 v24, v5;
	v24 =	vld [tilespmem:s17+$0xB600];
	[tilespmem:s10+$0xFFFFFFB0] =	vst v17  }
0x57f: {  	v17 =	vld [tilespmem:s4+$0xB600];
	[tilespmem:s10+$0xB0] =	vst v21;
	v19 =	vmul.f32 v19, v13  }
0x580: {  	v20 =	vmul.f32 v20, v5;
	[tilespmem:s24+$0x140] =	vst v22;
	v21 =	vld [tilespmem:s14+$0xB600]  }
0x581: {  	v22 =	vmul.f32 v23, v5;
	v23 =	vld [tilespmem:s12+$0x8210];
	[tilespmem:s10+$0x1C0] =	vst v19  }
0x582: {  	[tilespmem:s24+$0xFFFFFE40] =	vst v20;
	v18 =	vmul.f32 v18, v5;
	v19 =	vld [tilespmem:s16+$0xB610]  }
0x583: {  	v20 =	vld [tilespmem:s19+$0x8210];
	[tilespmem:s24+$0xFFFFFF40] =	vst v22;
	v22 =	vmul.f32 v24, v13  }
0x584: {  	v24 =	vld [tilespmem:s25+$0x8210];
	[tilespmem:s24+$0x40] =	vst v18;
	v17 =	vmul.f32 v17, v13  }
0x585: {  	v18 =	vld [tilespmem:s23+$0x8210];
	[tilespmem:s10+$0xFFFFFEC0] =	vst v22;
	v21 =	vmul.f32 v21, v13  }
0x586: {  	v22 =	vmul.f32 v23, v6;
	v23 =	vld [tilespmem:s17+$0xB610];
	[tilespmem:s10+$0xFFFFFFC0] =	vst v17  }
0x587: {  	v17 =	vld [tilespmem:s4+$0xB610];
	[tilespmem:s10+$0xC0] =	vst v21;
	v19 =	vmul.f32 v19, v14  }
0x588: {  	v20 =	vmul.f32 v20, v6;
	[tilespmem:s24+$0x150] =	vst v22;
	v21 =	vld [tilespmem:s14+$0xB610]  }
0x589: {  	v22 =	vmul.f32 v24, v6;
	v24 =	vld [tilespmem:s12+$0x8220];
	[tilespmem:s10+$0x1D0] =	vst v19  }
0x58a: {  	[tilespmem:s24+$0xFFFFFE50] =	vst v20;
	v18 =	vmul.f32 v18, v6;
	v19 =	vld [tilespmem:s16+$0xB620]  }
0x58b: {  	v25 =	vld [tilespmem:s19+$0x8220];
	[tilespmem:s24+$0xFFFFFF50] =	vst v22;
	v20 =	vmul.f32 v23, v14  }
0x58c: {  	v22 =	vld [tilespmem:s25+$0x8220];
	[tilespmem:s24+$0x50] =	vst v18;
	v17 =	vmul.f32 v17, v14  }
0x58d: {  	v26 =	vld [tilespmem:s23+$0x8220];
	[tilespmem:s10+$0xFFFFFED0] =	vst v20;
	v21 =	vmul.f32 v21, v14  }
.Ltmp24:
0x58e: {  	v23 =	vmul.f32 v24, v7;
	v20 =	vld [tilespmem:s17+$0xB620];
	[tilespmem:s10+$0xFFFFFFD0] =	vst v17;
	(pc) =	sbr.rel @p2 .LBB2_37-.Ltmp24, $4  }
0x58f: {  	v18 =	vld [tilespmem:s4+$0xB620];
	[tilespmem:s10+$0xD0] =	vst v21;
	v17 =	vmul.f32 v19, v15  }
0x590: {  	v24 =	vmul.f32 v25, v7;
	[tilespmem:s24+$0x160] =	vst v23;
	v19 =	vld [tilespmem:s14+$0xB620]  }
0x591: {  	v23 =	vmul.f32 v22, v7;
	v21 =	vld [tilespmem:s12+$0x8230];
	[tilespmem:s10+$0x1E0] =	vst v17  }
0x592: {  	[tilespmem:s24+$0xFFFFFE60] =	vst v24;
	v22 =	vmul.f32 v26, v7;
	v17 =	vld [tilespmem:s16+$0xB630];
	s16 =	smov.u32 s12  }
0x593: {  	v24 =	vld [tilespmem:s19+$0x8230];
	[tilespmem:s24+$0xFFFFFF60] =	vst v23  }
0x594: {  	v23 =	vld [tilespmem:s25+$0x8230];
	[tilespmem:s24+$0x60] =	vst v22  }
0x595: {  	v22 =	vld [tilespmem:s23+$0x8230];
	_ =	sdelay $0x1  }
0x596: {  	v21 =	vmul.f32 v21, v8  }
0x597: {  	v24 =	vmul.f32 v24, v8  }
0x598: {  	[tilespmem:s24+$0x170] =	vst v21;
	v52 =	vmul.f32 v23, v8  }
0x599: {  	v53 =	vld [tilespmem:s16+$0x9C00];
	[tilespmem:s24+$0xFFFFFE70] =	vst v24;
	v22 =	vmul.f32 v22, v8  }
0x59a: {  	[tilespmem:s24+$0xFFFFFF70] =	vst v52;
	v54 =	vld [tilespmem:s19+$0x9C00]  }
0x59b: {  	[tilespmem:s24+$0x70] =	vst v22;
	v55 =	vld [tilespmem:s25+$0x9C00]  }
0x59c: {  	v56 =	vld [tilespmem:s23+$0x9C00];
	_ =	sdelay $0x1  }
0x59d: {  	v23 =	vmul.f32 v53, v9  }
0x59e: {  	v21 =	vmul.f32 v54, v9  }
0x59f: {  	[tilespmem:s24+$0x180] =	vst v23;
	v22 =	vmul.f32 v55, v9  }
0x5a0: {  	v23 =	vld [tilespmem:s16+$0x9C10];
	[tilespmem:s24+$0xFFFFFE80] =	vst v21;
	v57 =	vmul.f32 v56, v9  }
0x5a1: {  	v58 =	vld [tilespmem:s19+$0x9C10];
	[tilespmem:s24+$0xFFFFFF80] =	vst v22  }
0x5a2: {  	v22 =	vld [tilespmem:s25+$0x9C10];
	[tilespmem:s24+$0x80] =	vst v57  }
0x5a3: {  	v21 =	vld [tilespmem:s23+$0x9C10];
	_ =	sdelay $0x1  }
0x5a4: {  	v23 =	vmul.f32 v23, v10  }
0x5a5: {  	v24 =	vmul.f32 v58, v10  }
0x5a6: {  	[tilespmem:s24+$0x190] =	vst v23;
	v22 =	vmul.f32 v22, v10  }
0x5a7: {  	v23 =	vld [tilespmem:s16+$0x9C20];
	[tilespmem:s24+$0xFFFFFE90] =	vst v24;
	v21 =	vmul.f32 v21, v10  }
0x5a8: {  	v24 =	vld [tilespmem:s19+$0x9C20];
	[tilespmem:s24+$0xFFFFFF90] =	vst v22  }
0x5a9: {  	v22 =	vld [tilespmem:s25+$0x9C20];
	[tilespmem:s24+$0x90] =	vst v21  }
0x5aa: {  	v21 =	vld [tilespmem:s23+$0x9C20];
	_ =	sdelay $0x1  }
0x5ab: {  	v23 =	vmul.f32 v23, v11  }
0x5ac: {  	v24 =	vmul.f32 v24, v11  }
0x5ad: {  	[tilespmem:s24+$0x1A0] =	vst v23;
	v22 =	vmul.f32 v22, v11  }
0x5ae: {  	v23 =	vld [tilespmem:s16+$0x9C30];
	[tilespmem:s24+$0xFFFFFEA0] =	vst v24;
	v21 =	vmul.f32 v21, v11  }
0x5af: {  	v24 =	vld [tilespmem:s19+$0x9C30];
	[tilespmem:s24+$0xFFFFFFA0] =	vst v22  }
0x5b0: {  	v22 =	vld [tilespmem:s25+$0x9C30];
	[tilespmem:s24+$0xA0] =	vst v21  }
0x5b1: {  	v21 =	vld [tilespmem:s23+$0x9C30];
	_ =	sdelay $0x1  }
0x5b2: {  	v23 =	vmul.f32 v23, v12  }
0x5b3: {  	v24 =	vmul.f32 v24, v12  }
0x5b4: {  	[tilespmem:s24+$0x1B0] =	vst v23;
	v22 =	vmul.f32 v22, v12  }
0x5b5: {  	v23 =	vld [tilespmem:s16+$0xB600];
	[tilespmem:s24+$0xFFFFFEB0] =	vst v24;
	v21 =	vmul.f32 v21, v12  }
0x5b6: {  	v24 =	vld [tilespmem:s19+$0xB600];
	[tilespmem:s24+$0xFFFFFFB0] =	vst v22  }
0x5b7: {  	v22 =	vld [tilespmem:s25+$0xB600];
	[tilespmem:s24+$0xB0] =	vst v21  }
0x5b8: {  	v21 =	vld [tilespmem:s23+$0xB600];
	_ =	sdelay $0x1  }
0x5b9: {  	v23 =	vmul.f32 v23, v13  }
0x5ba: {  	v24 =	vmul.f32 v24, v13  }
0x5bb: {  	[tilespmem:s24+$0x1C0] =	vst v23;
	v22 =	vmul.f32 v22, v13  }
0x5bc: {  	v23 =	vld [tilespmem:s16+$0xB610];
	[tilespmem:s24+$0xFFFFFEC0] =	vst v24;
	v21 =	vmul.f32 v21, v13  }
0x5bd: {  	v24 =	vld [tilespmem:s19+$0xB610];
	[tilespmem:s24+$0xFFFFFFC0] =	vst v22  }
0x5be: {  	v22 =	vld [tilespmem:s25+$0xB610];
	[tilespmem:s24+$0xC0] =	vst v21  }
0x5bf: {  	v21 =	vld [tilespmem:s23+$0xB610];
	_ =	sdelay $0x1  }
0x5c0: {  	v23 =	vmul.f32 v23, v14  }
0x5c1: {  	v24 =	vmul.f32 v24, v14  }
0x5c2: {  	[tilespmem:s24+$0x1D0] =	vst v23;
	v22 =	vmul.f32 v22, v14  }
0x5c3: {  	v23 =	vld [tilespmem:s16+$0xB620];
	[tilespmem:s24+$0xFFFFFED0] =	vst v24;
	v21 =	vmul.f32 v21, v14  }
0x5c4: {  	v24 =	vld [tilespmem:s19+$0xB620];
	[tilespmem:s24+$0xFFFFFFD0] =	vst v22  }
0x5c5: {  	v20 =	vmul.f32 v20, v15;
	v22 =	vld [tilespmem:s25+$0xB620];
	[tilespmem:s24+$0xD0] =	vst v21  }
0x5c6: {  	v18 =	vmul.f32 v18, v15;
	v21 =	vld [tilespmem:s23+$0xB620]  }
0x5c7: {  	[tilespmem:s10+$0xFFFFFEE0] =	vst v20;
	v19 =	vmul.f32 v19, v15  }
0x5c8: {  	v20 =	vld [tilespmem:s17+$0xB630];
	[tilespmem:s10+$0xFFFFFFE0] =	vst v18;
	v18 =	vmul.f32 v23, v15  }
0x5c9: {  	v59 =	vld [tilespmem:s4+$0xB630];
	[tilespmem:s10+$0xE0] =	vst v19;
	v19 =	vmul.f32 v24, v15  }
0x5ca: {  	v60 =	vld [tilespmem:s14+$0xB630];
	[tilespmem:s24+$0x1E0] =	vst v18;
	v18 =	vmul.f32 v22, v15  }
0x5cb: {  	v61 =	vld [tilespmem:s16+$0xB630];
	[tilespmem:s24+$0xFFFFFEE0] =	vst v19;
	v19 =	vmul.f32 v21, v15  }
0x5cc: {  	v17 =	vmul.f32 v17, v16;
	v62 =	vld [tilespmem:s19+$0xB630];
	[tilespmem:s24+$0xFFFFFFE0] =	vst v18  }
0x5cd: {  	v18 =	vmul.f32 v20, v16;
	v63 =	vld [tilespmem:s25+$0xB630];
	[tilespmem:s24+$0xE0] =	vst v19  }
0x5ce: {  	[tilespmem:s10+$0x1F0] =	vst v17;
	v17 =	vmul.f32 v59, v16;
	v19 =	vld [tilespmem:s23+$0xB630]  }
0x5cf: {  	[tilespmem:s10+$0xFFFFFEF0] =	vst v18;
	v18 =	vmul.f32 v60, v16  }
0x5d0: {  	[tilespmem:s10+$0xFFFFFFF0] =	vst v17;
	v17 =	vmul.f32 v61, v16  }
0x5d1: {  	[tilespmem:s10+$0xF0] =	vst v18;
	v18 =	vmul.f32 v62, v16  }
0x5d2: {  	[tilespmem:s24+$0x1F0] =	vst v17;
	v17 =	vmul.f32 v63, v16  }
0x5d3: {  	[tilespmem:s24+$0xFFFFFEF0] =	vst v18;
	v18 =	vmul.f32 v19, v16  }
0x5d4: {  	[tilespmem:s24+$0xFFFFFFF0] =	vst v17  }
0x5d5: {  	[tilespmem:s24+$0xF0] =	vst v18  }
0x5d6: {  	s13 =	rddreg [dreg:$0xa]  }
0x5d7: {  	s16 =	rddreg [dreg:$0xe]  }
0x5d8: {  	s17 =	rddreg [dreg:$0x10]  }
.LBB2_42:
0x5d9: {  	s2 =	ssub.s32 s16, s7  }
0x5da: {  	p2 =	sgt.s32 s2, $0x0  }
0x5db: {  	s2 =	simm.s32 @!p2 $0x0  }
0x5dc: {  	s4 =	smax.u32 s2, $0x68  }
0x5dd: {  	s5 =	ssub.s32 s16, s31;
	s2 =	ssub.s32 s4, s2  }
0x5de: {  	p2 =	sgt.s32 s5, $0x0;
	s4 =	sand.u32 $0x7E, s2  }
0x5df: {  	s5 =	simm.s32 @!p2 $0x0;
	p2 =	seq.s32 s4, $0x0  }
.Ltmp25:
0x5e0: {  	_ = 	snop;
	(pc) =	sbr.rel @p2 .LBB2_46-.Ltmp25, $2  }
0x5e1: {  	_ =	sdelay $0x2  }
0x5e2: {  	s9 =	smin.u32 s5, $0x68  }
0x5e3: {  	s5 =	sshll.u32 s9, $0x8  }
0x5e4: {  	s10 =	sadd.s32 $0x13900, s5  }
0x5e5: {  	[tilespmem:s10+$0xFFFFFF00] =	vst v0  }
0x5e6: {  	[tilespmem:s10+$0xF0] =	vst v0  }
0x5e7: {  	[tilespmem:s10+$0xE0] =	vst v0  }
0x5e8: {  	[tilespmem:s10+$0xD0] =	vst v0  }
0x5e9: {  	[tilespmem:s10+$0xC0] =	vst v0  }
0x5ea: {  	[tilespmem:s10+$0xB0] =	vst v0  }
0x5eb: {  	[tilespmem:s10+$0xA0] =	vst v0  }
0x5ec: {  	[tilespmem:s10+$0x90] =	vst v0  }
0x5ed: {  	[tilespmem:s10+$0x80] =	vst v0  }
0x5ee: {  	[tilespmem:s10+$0x70] =	vst v0  }
0x5ef: {  	[tilespmem:s10+$0x60] =	vst v0  }
0x5f0: {  	[tilespmem:s10+$0x50] =	vst v0  }
0x5f1: {  	[tilespmem:s10+$0x40] =	vst v0  }
0x5f2: {  	[tilespmem:s10+$0x30] =	vst v0  }
0x5f3: {  	[tilespmem:s10+$0x20] =	vst v0  }
0x5f4: {  	[tilespmem:s10+$0x10] =	vst v0  }
0x5f5: {  	[tilespmem:s10+$0x0] =	vst v0  }
0x5f6: {  	[tilespmem:s10+$0xFFFFFFF0] =	vst v0  }
0x5f7: {  	[tilespmem:s10+$0xFFFFFFE0] =	vst v0  }
0x5f8: {  	[tilespmem:s10+$0xFFFFFFD0] =	vst v0  }
0x5f9: {  	[tilespmem:s10+$0xFFFFFFC0] =	vst v0  }
0x5fa: {  	[tilespmem:s10+$0xFFFFFFB0] =	vst v0  }
0x5fb: {  	[tilespmem:s10+$0xFFFFFFA0] =	vst v0  }
0x5fc: {  	[tilespmem:s10+$0xFFFFFF90] =	vst v0  }
0x5fd: {  	[tilespmem:s10+$0xFFFFFF80] =	vst v0  }
0x5fe: {  	p2 =	sgt.u32 s4, $0x2;
	[tilespmem:s10+$0xFFFFFF70] =	vst v0  }
.Ltmp26:
0x5ff: {  	[tilespmem:s10+$0xFFFFFF60] =	vst v0;
	(pc) =	sbr.rel @!p2 .LBB2_45-.Ltmp26, $4  }
0x600: {  	[tilespmem:s10+$0xFFFFFF50] =	vst v0  }
0x601: {  	[tilespmem:s10+$0xFFFFFF40] =	vst v0  }
0x602: {  	[tilespmem:s10+$0xFFFFFF30] =	vst v0  }
0x603: {  	s12 =	simm.s32 $0x2;
	[tilespmem:s10+$0xFFFFFF20] =	vst v0  }
.LBB2_44:
0x604: {  	s12 =	sadd.s32 $0x2, s12;
	[tilespmem:s10+$0xFFFFFF10] =	vst v0;
	s10 =	sadd.s32 $0x200, s10  }
0x605: {  	[tilespmem:s10+$0xFFFFFF00] =	vst v0;
	p2 =	slt.u32 s12, s4  }
0x606: {  	[tilespmem:s10+$0xF0] =	vst v0  }
0x607: {  	[tilespmem:s10+$0xE0] =	vst v0  }
0x608: {  	[tilespmem:s10+$0xD0] =	vst v0  }
0x609: {  	[tilespmem:s10+$0xC0] =	vst v0  }
0x60a: {  	[tilespmem:s10+$0xB0] =	vst v0  }
0x60b: {  	[tilespmem:s10+$0xA0] =	vst v0  }
0x60c: {  	[tilespmem:s10+$0x90] =	vst v0  }
0x60d: {  	[tilespmem:s10+$0x80] =	vst v0  }
0x60e: {  	[tilespmem:s10+$0x70] =	vst v0  }
0x60f: {  	[tilespmem:s10+$0x60] =	vst v0  }
0x610: {  	[tilespmem:s10+$0x50] =	vst v0  }
0x611: {  	[tilespmem:s10+$0x40] =	vst v0  }
0x612: {  	[tilespmem:s10+$0x30] =	vst v0  }
0x613: {  	[tilespmem:s10+$0x20] =	vst v0  }
0x614: {  	[tilespmem:s10+$0x10] =	vst v0  }
0x615: {  	[tilespmem:s10+$0x0] =	vst v0  }
0x616: {  	[tilespmem:s10+$0xFFFFFFF0] =	vst v0  }
0x617: {  	[tilespmem:s10+$0xFFFFFFE0] =	vst v0  }
0x618: {  	[tilespmem:s10+$0xFFFFFFD0] =	vst v0  }
0x619: {  	[tilespmem:s10+$0xFFFFFFC0] =	vst v0  }
0x61a: {  	[tilespmem:s10+$0xFFFFFFB0] =	vst v0  }
0x61b: {  	[tilespmem:s10+$0xFFFFFFA0] =	vst v0  }
0x61c: {  	[tilespmem:s10+$0xFFFFFF90] =	vst v0  }
0x61d: {  	[tilespmem:s10+$0xFFFFFF80] =	vst v0  }
0x61e: {  	[tilespmem:s10+$0xFFFFFF70] =	vst v0  }
.Ltmp27:
0x61f: {  	[tilespmem:s10+$0xFFFFFF60] =	vst v0;
	(pc) =	sbr.rel @p2 .LBB2_44-.Ltmp27, $4  }
0x620: {  	[tilespmem:s10+$0xFFFFFF50] =	vst v0  }
0x621: {  	[tilespmem:s10+$0xFFFFFF40] =	vst v0  }
0x622: {  	[tilespmem:s10+$0xFFFFFF30] =	vst v0  }
0x623: {  	[tilespmem:s10+$0xFFFFFF20] =	vst v0  }
.LBB2_45:
0x624: {  	[tilespmem:s10+$0xFFFFFF10] =	vst v0  }
.LBB2_46:
0x625: {  	p2 =	seq.s32 s4, s2  }
.Ltmp28:
0x626: {  	_ = 	snop;
	(pc) =	sbr.rel @p2 .LBB2_49-.Ltmp28, $1  }
0x627: {  	_ =	sdelay $0x3  }
0x628: {  	s5 =	ssub.s32 $0x68, s9  }
0x629: {  	s5 =	sshll.u32 s5, $0xA  }
0x62a: {  	s31 =	sshll.u32 s9, $0xA;
	s5 =	sand.u32 $0xFFFFF800, s5  }
0x62b: {  	s5 =	sadd.s32 s31, s5  }
0x62c: {  	s5 =	sshra.s32 s5, $0x2  }
0x62d: {  	s9 =	sadd.s32 $0x13880, s5  }
.LBB2_48:
0x62e: {  	[tilespmem:s9+$0xFFFFFF80] =	vst v0  }
0x62f: {  	[tilespmem:s9+$0xFFFFFF90] =	vst v0  }
0x630: {  	[tilespmem:s9+$0xFFFFFFA0] =	vst v0  }
0x631: {  	[tilespmem:s9+$0xFFFFFFB0] =	vst v0  }
0x632: {  	[tilespmem:s9+$0xFFFFFFC0] =	vst v0  }
0x633: {  	[tilespmem:s9+$0xFFFFFFD0] =	vst v0  }
0x634: {  	[tilespmem:s9+$0xFFFFFFE0] =	vst v0  }
0x635: {  	[tilespmem:s9+$0xFFFFFFF0] =	vst v0  }
0x636: {  	[tilespmem:s9+$0x0] =	vst v0  }
0x637: {  	[tilespmem:s9+$0x10] =	vst v0;
	s4 =	sadd.s32 $0x1, s4  }
0x638: {  	[tilespmem:s9+$0x20] =	vst v0;
	p2 =	slt.u32 s4, s2  }
.Ltmp29:
0x639: {  	[tilespmem:s9+$0x30] =	vst v0;
	(pc) =	sbr.rel @p2 .LBB2_48-.Ltmp29, $4  }
0x63a: {  	[tilespmem:s9+$0x40] =	vst v0  }
0x63b: {  	[tilespmem:s9+$0x50] =	vst v0  }
0x63c: {  	[tilespmem:s9+$0x60] =	vst v0  }
0x63d: {  	[tilespmem:s9+$0x70] =	vst v0;
	s9 =	sadd.s32 $0x100, s9  }
.LBB2_49:
0x63e: {  	p2 =	slt.s32 s3, s7;
	s2 =	sadd.s32 $0x68, s7  }
0x63f: {  	p3 =	sge.s32 @!p2 s3, s2  }
0x640: {  	p3 =	por p3, p2  }
0x641: {  	s2 =	ssub.s32 @!p3 s3, s7  }
0x642: {  	s2 =	sshll.u32 @!p3 s2, $0xA  }
0x643: {  	v17 =	vimm.f32 @!p3 $2.000000000e+00;
	s2 =	sshra.s32 @!p3 s2, $0x2  }
0x644: {  	[tilespmem:s2+$0x13800] =	vst @!p3 v17  }
0x645: {  	[tilespmem:s2+$0x13810] =	vst @!p3 v17  }
0x646: {  	[tilespmem:s2+$0x13820] =	vst @!p3 v17  }
0x647: {  	[tilespmem:s2+$0x13830] =	vst @!p3 v17  }
0x648: {  	[tilespmem:s2+$0x13840] =	vst @!p3 v17  }
0x649: {  	[tilespmem:s2+$0x13850] =	vst @!p3 v17  }
0x64a: {  	[tilespmem:s2+$0x13860] =	vst @!p3 v17  }
0x64b: {  	[tilespmem:s2+$0x13870] =	vst @!p3 v17  }
0x64c: {  	[tilespmem:s2+$0x13880] =	vst @!p3 v17  }
0x64d: {  	[tilespmem:s2+$0x13890] =	vst @!p3 v17  }
0x64e: {  	[tilespmem:s2+$0x138A0] =	vst @!p3 v17  }
0x64f: {  	[tilespmem:s2+$0x138B0] =	vst @!p3 v17  }
0x650: {  	[tilespmem:s2+$0x138C0] =	vst @!p3 v17  }
0x651: {  	[tilespmem:s2+$0x138D0] =	vst @!p3 v17  }
0x652: {  	p2 =	sne.s32 s7, $0x0;
	[tilespmem:s2+$0x138E0] =	vst @!p3 v17  }
0x653: {  	[tilespmem:s2+$0x138F0] =	vst @!p3 v17;
	v17 =	vimm.f32 @!p2 $1.000000000e+00  }
0x654: {  	[tilespmem:$0x13800] =	vst @!p2 v17  }
0x655: {  	[tilespmem:$0x13810] =	vst @!p2 v17  }
0x656: {  	[tilespmem:$0x13820] =	vst @!p2 v17  }
0x657: {  	[tilespmem:$0x13830] =	vst @!p2 v17  }
0x658: {  	[tilespmem:$0x13840] =	vst @!p2 v17  }
0x659: {  	[tilespmem:$0x13850] =	vst @!p2 v17  }
0x65a: {  	[tilespmem:$0x13860] =	vst @!p2 v17  }
0x65b: {  	[tilespmem:$0x13870] =	vst @!p2 v17  }
0x65c: {  	[tilespmem:$0x13880] =	vst @!p2 v17  }
0x65d: {  	[tilespmem:$0x13890] =	vst @!p2 v17  }
0x65e: {  	[tilespmem:$0x138A0] =	vst @!p2 v17  }
0x65f: {  	s31 =	sshll.u32 s7, $0xC;
	[tilespmem:$0x138B0] =	vst @!p2 v17  }
0x660: {  	s2 =	sor.u32 s13, s31;
	[tilespmem:$0x138C0] =	vst @!p2 v17  }
0x661: {  	[tilespmem:$0x138D0] =	vst @!p2 v17;
	s2 =	sshrl.u32 s2, $0x3  }
0x662: {  	s9 =	simm.s32 $0x13900;
	[tilespmem:$0x138E0] =	vst @!p2 v17;
	s4 =	sadd.s32 s30, s2  }
0x663: {  	s7 =	simm.s32 $0x200;
	[tilespmem:$0x138F0] =	vst @!p2 v17;
	s2 =	simm.s32 $0x13800;
	s10 =	sadd.s32 $0x0, s4  }
.LBB2_50:
0x664: {  	[hbm4b:s10+s20] =	stream.strided.scatter [tilespmem:s2], [sflag:$0x4], $0x100, s21, s20, $0x38;
	[tilespmem:$0x1E120] =	vst v63  }
0x665: {  	s5 =	smov.u32 s7;
	s2 =	smov.u32 s9;
	p2 =	sne.s32 s7, $0xCE00  }
.Ltmp30:
0x666: {  	s7 =	sadd.s32 $0x200, s7;
	(pc) =	sbr.rel @p2 .LBB2_50-.Ltmp30, $2  }
0x667: {  	_ =	sdelay $0x2  }
0x668: {  	s9 =	sadd.s32 $0x100, s9;
	s10 =	sadd.s32 s5, s4  }
0x669: {  	s1 =	sadd.s32 $0x3, s1  }
0x66a: {  	p2 =	sge.s32 s1, s29  }
0x66b: {  	s1 =	smul.u32 @!p2 $0x68, s1  }
0x66c: {  	[hbm4b:s10+s20] =	stream.strided.scatter [tilespmem:s2], [sflag:$0x4], $0x100, s21, s20, $0x38;
	[tilespmem:$0x1E120] =	vst v63  }
0x66d: {  	s1 =	sadd.s32 @!p2 s18, s1  }
0x66e: {  	p3 =	slt.s32 @!p2 s1, s8  }
0x66f: {  	p3 =	por !p3, p2  }
0x670: {  	s1 =	smov.u32 @p3 s8  }
0x671: {  	p3 =	sgt.s32 @!p2 s1, s18  }
0x672: {  	p3 =	por !p3, p2  }
0x673: {  	s1 =	smov.u32 @p3 s18  }
0x674: {  	s1 =	sadd.s32 @!p2 s1, s0  }
0x675: {  	p3 =	sgt.s32 @!p2 s1, $0x0  }
0x676: {  	p3 =	por !p3, p2  }
.Ltmp31:
0x677: {  	s1 =	simm.s32 @p3 $0x0;
	(pc) =	sbr.rel .LBB2_52-.Ltmp31, $4  }
0x678: {  	s1 =	smin.u32 @!p2 s1, $0x7F98  }
0x679: {  	s2 =	simm.s32 @!p2 $0x1A00;
	s1 =	sshll.u32 @!p2 s1, $0x3  }
0x67a: {  	s4 =	simm.s32 @!p2 $0x200000;
	s5 =	simm.s32 @!p2 $0x6800;
	s1 =	sadd.s32 @!p2 s26, s1  }
0x67b: {  	[tilespmem:s5], [sflag:$0x2] =	stream.strided.gather @!p2 [hbm4b:s1+s2], $0x6800, s4, s2, $0x38;
	[tilespmem:$0x1E120] =	vst v63  }
.LBB2_15:
0x67c: {  	s0 =	rddreg [dreg:$0xf]  }
0x67d: {  	p2 =	slt.s32 s0, $0x1  }
.Ltmp32:
0x67e: {  	_ = 	snop;
	(pc) =	sbr.rel @p2 .LBB2_19-.Ltmp32, $3  }
0x67f: {  	_ =	sdelay $0x1  }
0x680: {  	s5 =	rddreg [dreg:$0x9]  }
0x681: {  	s2 =	rddreg [dreg:$0xc]  }
0x682: {  	s0 =	ssub.s32 $0x0, s0  }
0x683: {  	s0 =	sadd.s32 $0x1, s0  }
0x684: {  	p2 =	seq.s32 s0, $0x0  }
.Ltmp33:
0x685: {  	_ = 	snop;
	(pc) =	sbr.rel @p2 .LBB2_18-.Ltmp33, $3  }
0x686: {  	_ =	sdelay $0x1  }
0x687: {  	_ =	swait.ge [sflag:s22], $0x4000  }
0x688: {  	[sflag:s22] =	ssyncset.done $0x0  }
.LBB2_17:
0x689: {  	s0 =	sadd.s32 $0x1, s0  }
0x68a: {  	[sflag:s22] =	ssyncadd.s32 $0xFFFFC000;
	p2 =	seq.s32 s0, $0x0  }
.Ltmp34:
0x68b: {  	(pc) =	sbr.rel @!p2 .LBB2_17-.Ltmp34, $3  }
0x68c: {  	_ =	sdelay $0x1  }
0x68d: {  	_ =	swait.ge [sflag:s22], $0x4000  }
0x68e: {  	[sflag:s22] =	ssyncset.done $0x0  }
.Ltmp35:
0x68f: {  	_ = 	snop;
	(pc) =	sbr.rel .LBB2_18-.Ltmp35, $1  }
0x690: {  	_ =	sdelay $0x3  }
.LBB2_20:
0x691: {  	_ =	sfence.sel $0x180000  }
0x692: {  	[bflag:$0x0] =	sbarrier.arrive $0xFFFF  }
0x693: {  	_ =	strace $0x90000047  }
0x694: {  	s0 =	stileid.u32;
	[bflag:$0x2] =	sbarrier.arrive $0xFFFF  }
0x695: {  	p0 =	sne.s32 s0, $0x0;
	s0 =	rddreg [dreg:$0x2]  }
0x696: {  	s0 =	sadd.s32 @!p0 $0x100000, s0  }
0x697: {  	[sflag:s0] =	ssyncadd.tile.s32 @!p0 $0x1;
	_ =	shalt  }
.Lfunc_end2:
_tile_overlayer_lowered:
.L_overlay_start_2:
0x698: {  	(tag) =	ssettag $0x2  }
0x699: {  	s0 =	rddreg [dreg:$0x0];
	s2 =	stileid.u32  }
0x69a: {  	s1 =	rddreg [dreg:$0x1];
	p0 =	sne.s32 s2, $0x0  }
0x69b: {  	s3 =	rddreg [dreg:$0x2];
	[bflag:$0x3] =	sbarrier.arrive $0xFFFF;
	s2 =	simm.s32 @!p0 $0x1C06  }
0x69c: {  	[timem:s3], [sflag:s2] =	dma.local @!p0 [hbm:s0], s1  }
0x69d: {  	s0 =	simm.s32 @!p0 $0x6  }
0x69e: {  	_ =	swait.ge @!p0 [sflag:s0], s1  }
0x69f: {  	s1 =	ssub.s32 @!p0 $0x0, s1;
	[sflag:s0] =	ssyncset.done @!p0 $0x0  }
0x6a0: {  	[sflag:s0] =	ssyncadd.s32 @!p0 s1  }
0x6a1: {  	[bflag:$0x3] =	sbarrier.arrive $0xFFFF  }
0x6a2: {  	_ =	shalt  }

</sc_bundles>
